<compile_context>
chip_gen: v7x
topology: tpu7x:2x2x1
jax: 0.10.2.dev20260603
libtpu: 0.0.44.dev20260713+nightly
codegen_flags: <defaults>
</compile_context>

<pallas_src>
import functools

import jax
import jax.numpy as jnp
from jax import lax
from jax.experimental import pallas as pl
from jax.experimental.pallas import tpu as pltpu
from jax.experimental.pallas import tpu_sc as plsc

N = 10000
D = 128
NPAD = 10240
NC, NS = 2, 16
NT = NC * NS
CHUNK = 64
NBUF = 4
CPT = 160
NPHASE = 4
CPH = CPT // NPHASE
EPT = CPT * CHUNK
EPAD = NT * EPT
ACCN = 10112
ROWS_PT = ACCN // NS
_RSZ = (64,) * 9 + (56,)

_mesh = plsc.VectorSubcoreMesh(
    core_axis_name="c", subcore_axis_name="s", num_cores=NC, num_subcores=NS)



@functools.partial(
    pl.kernel,
    out_type=jax.ShapeDtypeStruct((NT, NPAD), jnp.float32),
    mesh=_mesh,
    scratch_types=[
        pltpu.VMEM((CPT, CHUNK), jnp.int32),
        pltpu.VMEM((NPAD,), jnp.float32),
    ],
    compiler_params=pltpu.CompilerParams(needs_layout_passes=False),
)
def _deg_kernel(dst2, out, dst_v, deg_v):
    c = lax.axis_index("c")
    s = lax.axis_index("s")
    w = c * NS + s

    def zero(i, carry):
        deg_v[pl.ds(i * 16, 16)] = jnp.zeros((16,), jnp.float32)
        return carry
    lax.fori_loop(0, NPAD // 16, zero, 0)

    pltpu.sync_copy(dst2.at[pl.ds(w * CPT, CPT)], dst_v)
    ones = jnp.ones((16,), jnp.float32)

    def body(j, carry):
        for k in range(CHUNK // 16):
            idx = dst_v[j, pl.ds(k * 16, 16)]
            plsc.addupdate_scatter(deg_v, [idx], ones)
        return carry
    lax.fori_loop(0, CPT, body, 0)

    pltpu.sync_copy(deg_v, out.at[w])


@functools.partial(
    pl.kernel,
    out_type=jax.ShapeDtypeStruct((NC, NPAD, D), jnp.float32),
    mesh=_mesh,
    scratch_types=[
        pltpu.VMEM((CPH, CHUNK), jnp.int32),
        pltpu.VMEM((CPH, CHUNK), jnp.int32),
        [pltpu.VMEM((CHUNK, D), jnp.float32)] * NBUF,
        pltpu.VMEM_SHARED((ACCN, D), jnp.float32),
        [pltpu.SemaphoreType.DMA] * NBUF,
    ],
)
def _msg_kernel(ht, src2, dst2, out, src_v, dst_v, bufs, acc, sems):
    c = lax.axis_index("c")
    s = lax.axis_index("s")
    w = c * NS + s
    r0 = s * ROWS_PT

    stage = bufs[0]
    zeros16 = jnp.zeros((16,), jnp.float32)

    def zrow(i, carry):
        for k in range(D // 16):
            stage[i, pl.ds(k * 16, 16)] = zeros16
        return carry
    lax.fori_loop(0, CHUNK, zrow, 0)
    off = 0
    for sz in _RSZ:
        pltpu.sync_copy(stage.at[pl.ds(0, sz)], acc.at[pl.ds(r0 + off, sz)])
        off += sz
    plsc.subcore_barrier()

    for phase in range(NPHASE):
        base = w * CPT + phase * CPH
        pltpu.sync_copy(src2.at[pl.ds(base, CPH)], src_v)
        pltpu.sync_copy(dst2.at[pl.ds(base, CPH)], dst_v)

        for b in range(NBUF):
            pltpu.make_async_copy(ht.at[src_v.at[b]], bufs[b], sems[b]).start()

        def body(jq, carry):
            for b in range(NBUF):
                j = jq * NBUF + b
                buf, sem = bufs[b], sems[b]
                pltpu.make_async_copy(ht.at[src_v.at[j]], buf, sem).wait()
                pltpu.sync_copy(buf, acc.at[dst_v.at[j]], add=True)
                nj = j + NBUF

                @pl.when(nj < CPH)
                def _():
                    pltpu.make_async_copy(ht.at[src_v.at[nj]], buf, sem).start()
            return carry
        lax.fori_loop(0, CPH // NBUF, body, 0)

    plsc.subcore_barrier()
    off = 0
    for sz in _RSZ:
        pltpu.sync_copy(acc.at[pl.ds(r0 + off, sz)], out.at[c, pl.ds(r0 + off, sz)])
        off += sz



_RB = 1024


def _dinv_of(degp_blk):
    return lax.rsqrt(jnp.sum(degp_blk, axis=0) + 1.0)


def _pre_body(degp_ref, x_ref, w_ref, out_ref):
    dinv = _dinv_of(degp_ref[...])
    h = jnp.dot(x_ref[...], w_ref[...], preferred_element_type=jnp.float32,
                precision=lax.Precision.HIGHEST)
    out_ref[...] = h * dinv[:, None]


def _mid_body(degp_ref, p_ref, ht_ref, w_ref, b_ref, out_ref):
    dinv = _dinv_of(degp_ref[...])
    a = (p_ref[0] + p_ref[1] + ht_ref[...]) * dinv[:, None] + b_ref[...]
    g = jnp.maximum(a, 0.0)
    h = jnp.dot(g, w_ref[...], preferred_element_type=jnp.float32,
                precision=lax.Precision.HIGHEST)
    out_ref[...] = h * dinv[:, None]


def _post_body(degp_ref, p_ref, ht_ref, b_ref, out_ref):
    dinv = _dinv_of(degp_ref[...])
    out_ref[...] = ((p_ref[0] + p_ref[1] + ht_ref[...]) * dinv[:, None]
                    + b_ref[...])


_degp_spec = pl.BlockSpec((NT, _RB), lambda i: (0, i))
_row_spec = pl.BlockSpec((_RB, D), lambda i: (i, 0))
_p_spec = pl.BlockSpec((NC, _RB, D), lambda i: (0, i, 0))
_w_spec = pl.BlockSpec((D, D), lambda i: (0, 0))
_b_spec = pl.BlockSpec((1, D), lambda i: (0, 0))
_GRID = (NPAD // _RB,)
_row_out = jax.ShapeDtypeStruct((NPAD, D), jnp.float32)

_pre = pl.pallas_call(
    _pre_body, grid=_GRID,
    in_specs=[_degp_spec, _row_spec, _w_spec],
    out_specs=_row_spec, out_shape=_row_out)

_mid = pl.pallas_call(
    _mid_body, grid=_GRID,
    in_specs=[_degp_spec, _p_spec, _row_spec, _w_spec, _b_spec],
    out_specs=_row_spec, out_shape=_row_out)

_post = pl.pallas_call(
    _post_body, grid=_GRID,
    in_specs=[_degp_spec, _p_spec, _row_spec, _b_spec],
    out_specs=_row_spec, out_shape=jax.ShapeDtypeStruct((N, D), jnp.float32))


def kernel(x, edge_index, edge_attr, W1, b1, W2, b2):
    n, d = x.shape
    src = edge_index[0]
    dst = edge_index[1]
    e = src.shape[0]

    pad = n + jnp.arange(EPAD - e, dtype=src.dtype) % (ACCN - N)
    src2 = jnp.concatenate([src, pad]).reshape(NT * CPT, CHUNK)
    dst2 = jnp.concatenate([dst, pad]).reshape(NT * CPT, CHUNK)
    b1r = b1.reshape(1, d)
    b2r = b2.reshape(1, d)

    degp = _deg_kernel(dst2)
    ht1 = _pre(degp, x, W1)
    p1 = _msg_kernel(ht1, src2, dst2)
    ht2 = _mid(degp, p1, ht1, W2, b1r)
    p2 = _msg_kernel(ht2, src2, dst2)
    return _post(degp, p2, ht2, b2r)

# --- scband reference (transcript-rebuilt; emitter-appended) ---
"""Pipeline reference for scband-encoder-24739011625731 (READ-ONLY COPY).

The authoritative reference and input builder live on the scoring server;
editing this copy changes nothing except your own understanding.
"""

import jax, jax.numpy as jnp
import numpy as np

N = 10000
E = 320000
D = 128
D_EDGE = 4


def gcn_conv(x, src, dst, W, b):
    # Faithful PyG GCNConv: add self loops, symmetric normalization
    n = x.shape[0]
    loop = jnp.arange(n, dtype=src.dtype)
    s = jnp.concatenate([src, loop])
    d = jnp.concatenate([dst, loop])
    deg = jnp.zeros((n,), x.dtype).at[d].add(1.0)
    dinv = jnp.where(deg > 0, 1.0 / jnp.sqrt(deg), 0.0)
    norm = dinv[s] * dinv[d]
    h = x @ W
    msg = h[s] * norm[:, None]
    out = jnp.zeros((n, h.shape[1]), h.dtype).at[d].add(msg)
    return out + b


def setup_inputs(seed: int = 0) -> dict:
    key = jax.random.key(seed)
    ks = jax.random.split(key, 8)
    x = jax.random.normal(ks[0], (N, D), dtype=jnp.float32)
    edge_index = jax.random.randint(ks[1], (2, E), 0, N, dtype=jnp.int32)
    edge_attr = jax.random.normal(ks[2], (E, D_EDGE), dtype=jnp.float32)
    scale = 1.0 / np.sqrt(D)
    W1 = jax.random.normal(ks[3], (D, D), dtype=jnp.float32) * scale
    b1 = jnp.zeros((D,), dtype=jnp.float32)
    W2 = jax.random.normal(ks[4], (D, D), dtype=jnp.float32) * scale
    b2 = jnp.zeros((D,), dtype=jnp.float32)
    return {"x": x, "edge_index": edge_index, "edge_attr": edge_attr,
            "W1": W1, "b1": b1, "W2": W2, "b2": b2}


def reference(x, edge_index, edge_attr, W1, b1, W2, b2):
    # Encoder with encoder='gcn', layers=2, use_norm=False, skip=False, dropout=0.0
    # edge_attr is moved to device but unused by GCNConv (kept for signature fidelity)
    src = edge_index[0]
    dst = edge_index[1]
    h = gcn_conv(x, src, dst, W1, b1)
    h = jax.nn.relu(h)  # norm is identity (use_norm=False); dropout p=0.0 is identity
    h = gcn_conv(h, src, dst, W2, b2)
    return h

if __name__ == "__main__":
    import jax
    _d = setup_inputs()
    print(jax.jit(kernel)(*tuple(_d.values())))

</pallas_src>

<mosaic_0001>
#map = affine_map<(d0, d1) -> (0, 0)>
module attributes {stable_mosaic.version = 14 : i64} {
  func.func @_deg_kernel(%arg0: i32, %arg1: i32, %arg2: memref<5120x64xi32, #tpu.memory_space<hbm>>, %arg3: memref<32x10240xf32, #tpu.memory_space<hbm>>, %arg4: memref<160x64xi32, #tpu.memory_space<vmem>>, %arg5: memref<10240xf32, #tpu.memory_space<vmem>>) attributes {dimension_semantics = [#tpu.dimension_semantics<core_parallel>, #tpu.dimension_semantics<subcore_parallel>], iteration_bounds = array<i64: 2, 16>, scalar_prefetch = 0 : i64, scratch_operands = 2 : i64, tpu.core_type = #tpu.core_type<sc_vector_subcore>, window_params = [{transform_indices = #map}, {transform_indices = #map}]} {
    %mul3A = arith.constant 16 : i32
    %mul3A_0 = arith.muli %arg0, %mul3A : i32
    %add3A = arith.addi %mul3A_0, %arg1 : i32
    %scan3A = arith.constant 0 : i32
    %scan3A_1 = arith.constant 0 : i32
    %scan3A_2 = arith.constant 640 : i32
    %scan3A_3 = arith.addi %scan3A_1, %scan3A_2 : i32
    %scan3A_4 = arith.constant 1 : i32
    scf.for %scan3A_15 = %scan3A_1 to %scan3A_3 step %scan3A_4  : i32 {
      %broadcast_in_dim3A_16 = arith.constant 0.000000e+00 : f32
      %broadcast_in_dim3A_17 = vector.broadcast %broadcast_in_dim3A_16 : f32 to vector<16xf32>
      %mul3A_18 = arith.constant 16 : i32
      %mul3A_19 = arith.muli %scan3A_15, %mul3A_18 : i32
      %swap3A = arith.index_cast %mul3A_19 : i32 to index
      %swap3A_20 = tpu.vector_load %arg5[%swap3A] {strides = array<i32>} : memref<10240xf32, #tpu.memory_space<vmem>>, vector<16xf32>,
      tpu.vector_store %arg5[%swap3A], %broadcast_in_dim3A_17 {strides = array<i32>} : memref<10240xf32, #tpu.memory_space<vmem>>, vector<16xf32>,
    }
    %scan3A_5 = arith.constant 640 : i32
    %mul3A_6 = arith.constant 160 : i32
    %mul3A_7 = arith.muli %add3A, %mul3A_6 : i32
    "tpu.region"() ({
      %run_scoped3A = tpu.sem_alloc : memref<!tpu.dma_semaphore, #tpu.memory_space<semaphore_mem>>
      %dma_start3A = arith.constant 0 : i32
      %dma_start3A_15 = tpu.memref_slice %arg2[%mul3A_7, %dma_start3A] : memref<5120x64xi32, #tpu.memory_space<hbm>> -> memref<160x64xi32, #tpu.memory_space<hbm>>
      %dma_start3A_16 = arith.constant 0 : i32
      %dma_start3A_17 = tpu.memref_slice %arg2[%mul3A_7, %dma_start3A_16] : memref<5120x64xi32, #tpu.memory_space<hbm>> -> memref<160x64xi32, #tpu.memory_space<hbm>>
      tpu.enqueue_dma source(%dma_start3A_17 : memref<160x64xi32, #tpu.memory_space<hbm>>) target(%arg4 : memref<160x64xi32, #tpu.memory_space<vmem>>) target_semaphore(%run_scoped3A : memref<!tpu.dma_semaphore, #tpu.memory_space<semaphore_mem>>)
      %dma_wait3A = arith.constant 0 : i32
      %dma_wait3A_18 = tpu.memref_slice %arg2[%mul3A_7, %dma_wait3A] : memref<5120x64xi32, #tpu.memory_space<hbm>> -> memref<160x64xi32, #tpu.memory_space<hbm>>
      %dma_wait3A_19 = arith.constant 0 : i32
      %dma_wait3A_20 = tpu.memref_slice %arg2[%mul3A_7, %dma_wait3A_19] : memref<5120x64xi32, #tpu.memory_space<hbm>> -> memref<160x64xi32, #tpu.memory_space<hbm>>
      tpu.wait_dma2 semaphore(%run_scoped3A : memref<!tpu.dma_semaphore, #tpu.memory_space<semaphore_mem>>) src(%dma_wait3A_20 : memref<160x64xi32, #tpu.memory_space<hbm>>) dst(%arg4 : memref<160x64xi32, #tpu.memory_space<vmem>>)
      tpu.yield
    }) : () -> ()
    %broadcast_in_dim3A = arith.constant 1.000000e+00 : f32
    %broadcast_in_dim3A_8 = vector.broadcast %broadcast_in_dim3A : f32 to vector<16xf32>
    %scan3A_9 = arith.constant 0 : i32
    %scan3A_10 = arith.constant 0 : i32
    %scan3A_11 = arith.constant 160 : i32
    %scan3A_12 = arith.addi %scan3A_10, %scan3A_11 : i32
    %scan3A_13 = arith.constant 1 : i32
    scf.for %scan3A_15 = %scan3A_10 to %scan3A_12 step %scan3A_13  : i32 {
      %get3A = arith.index_cast %scan3A_15 : i32 to index
      %get3A_16 = arith.constant 0 : index
      %get3A_17 = tpu.vector_load %arg4[%get3A, %get3A_16] {strides = array<i32>} : memref<160x64xi32, #tpu.memory_space<vmem>>, vector<16xi32>,
      tpu.vector_store_idx %arg5[%get3A_17], %broadcast_in_dim3A_8 {add = true} : memref<10240xf32, #tpu.memory_space<vmem>>[vector<16xi32>], vector<16xf32>,
      %get3A_18 = arith.index_cast %scan3A_15 : i32 to index
      %get3A_19 = arith.constant 16 : index
      %get3A_20 = tpu.vector_load %arg4[%get3A_18, %get3A_19] {strides = array<i32>} : memref<160x64xi32, #tpu.memory_space<vmem>>, vector<16xi32>,
      tpu.vector_store_idx %arg5[%get3A_20], %broadcast_in_dim3A_8 {add = true} : memref<10240xf32, #tpu.memory_space<vmem>>[vector<16xi32>], vector<16xf32>,
      %get3A_21 = arith.index_cast %scan3A_15 : i32 to index
      %get3A_22 = arith.constant 32 : index
      %get3A_23 = tpu.vector_load %arg4[%get3A_21, %get3A_22] {strides = array<i32>} : memref<160x64xi32, #tpu.memory_space<vmem>>, vector<16xi32>,
      tpu.vector_store_idx %arg5[%get3A_23], %broadcast_in_dim3A_8 {add = true} : memref<10240xf32, #tpu.memory_space<vmem>>[vector<16xi32>], vector<16xf32>,
      %get3A_24 = arith.index_cast %scan3A_15 : i32 to index
      %get3A_25 = arith.constant 48 : index
      %get3A_26 = tpu.vector_load %arg4[%get3A_24, %get3A_25] {strides = array<i32>} : memref<160x64xi32, #tpu.memory_space<vmem>>, vector<16xi32>,
      tpu.vector_store_idx %arg5[%get3A_26], %broadcast_in_dim3A_8 {add = true} : memref<10240xf32, #tpu.memory_space<vmem>>[vector<16xi32>], vector<16xf32>,
    }
    %scan3A_14 = arith.constant 160 : i32
    "tpu.region"() ({
      %run_scoped3A = tpu.sem_alloc : memref<!tpu.dma_semaphore, #tpu.memory_space<semaphore_mem>>
      %dma_start3A = arith.constant 0 : i32
      %dma_start3A_15 = tpu.memref_slice %arg3[%add3A, %dma_start3A] : memref<32x10240xf32, #tpu.memory_space<hbm>> -> memref<1x10240xf32, #tpu.memory_space<hbm>>
      %dma_start3A_16 = tpu.memref_squeeze %dma_start3A_15 : memref<1x10240xf32, #tpu.memory_space<hbm>> -> memref<10240xf32, #tpu.memory_space<hbm>>
      %dma_start3A_17 = arith.constant 0 : i32
      %dma_start3A_18 = tpu.memref_slice %arg3[%add3A, %dma_start3A_17] : memref<32x10240xf32, #tpu.memory_space<hbm>> -> memref<1x10240xf32, #tpu.memory_space<hbm>>
      %dma_start3A_19 = tpu.memref_squeeze %dma_start3A_18 : memref<1x10240xf32, #tpu.memory_space<hbm>> -> memref<10240xf32, #tpu.memory_space<hbm>>
      tpu.enqueue_dma source(%arg5 : memref<10240xf32, #tpu.memory_space<vmem>>) target(%dma_start3A_19 : memref<10240xf32, #tpu.memory_space<hbm>>) target_semaphore(%run_scoped3A : memref<!tpu.dma_semaphore, #tpu.memory_space<semaphore_mem>>)
      %dma_wait3A = arith.constant 0 : i32
      %dma_wait3A_20 = tpu.memref_slice %arg3[%add3A, %dma_wait3A] : memref<32x10240xf32, #tpu.memory_space<hbm>> -> memref<1x10240xf32, #tpu.memory_space<hbm>>
      %dma_wait3A_21 = tpu.memref_squeeze %dma_wait3A_20 : memref<1x10240xf32, #tpu.memory_space<hbm>> -> memref<10240xf32, #tpu.memory_space<hbm>>
      %dma_wait3A_22 = arith.constant 0 : i32
      %dma_wait3A_23 = tpu.memref_slice %arg3[%add3A, %dma_wait3A_22] : memref<32x10240xf32, #tpu.memory_space<hbm>> -> memref<1x10240xf32, #tpu.memory_space<hbm>>
      %dma_wait3A_24 = tpu.memref_squeeze %dma_wait3A_23 : memref<1x10240xf32, #tpu.memory_space<hbm>> -> memref<10240xf32, #tpu.memory_space<hbm>>
      tpu.wait_dma2 semaphore(%run_scoped3A : memref<!tpu.dma_semaphore, #tpu.memory_space<semaphore_mem>>) src(%arg5 : memref<10240xf32, #tpu.memory_space<vmem>>) dst(%dma_wait3A_24 : memref<10240xf32, #tpu.memory_space<hbm>>)
      tpu.yield
    }) : () -> ()
    return
  }
}

#map = affine_map<(d0, d1) -> (0, 0)>
#map1 = affine_map<(d0, d1) -> (0, 0, 0)>
module attributes {stable_mosaic.version = 14 : i64} {
  func.func @_msg_kernel(%arg0: i32, %arg1: i32, %arg2: memref<10240x128xf32, #tpu.memory_space<hbm>>, %arg3: memref<5120x64xi32, #tpu.memory_space<hbm>>, %arg4: memref<5120x64xi32, #tpu.memory_space<hbm>>, %arg5: memref<2x10240x128xf32, #tpu.memory_space<hbm>>, %arg6: memref<40x64xi32, #tpu.memory_space<vmem>>, %arg7: memref<40x64xi32, #tpu.memory_space<vmem>>, %arg8: memref<64x128xf32, #tpu.memory_space<vmem>>, %arg9: memref<64x128xf32, #tpu.memory_space<vmem>>, %arg10: memref<64x128xf32, #tpu.memory_space<vmem>>, %arg11: memref<64x128xf32, #tpu.memory_space<vmem>>, %arg12: memref<10112x128xf32, #tpu.memory_space<vmem_shared>>, %arg13: memref<!tpu.dma_semaphore, #tpu.memory_space<semaphore_mem>>, %arg14: memref<!tpu.dma_semaphore, #tpu.memory_space<semaphore_mem>>, %arg15: memref<!tpu.dma_semaphore, #tpu.memory_space<semaphore_mem>>, %arg16: memref<!tpu.dma_semaphore, #tpu.memory_space<semaphore_mem>>) attributes {dimension_semantics = [#tpu.dimension_semantics<core_parallel>, #tpu.dimension_semantics<subcore_parallel>], iteration_bounds = array<i64: 2, 16>, scalar_prefetch = 0 : i64, scratch_operands = 11 : i64, tpu.core_type = #tpu.core_type<sc_vector_subcore>, window_params = [{transform_indices = #map}, {transform_indices = #map}, {transform_indices = #map}, {transform_indices = #map1}]} {
    %mul3A = arith.constant 16 : i32
    %mul3A_0 = arith.muli %arg0, %mul3A : i32
    %add3A = arith.addi %mul3A_0, %arg1 : i32
    %mul3A_1 = arith.constant 632 : i32
    %mul3A_2 = arith.muli %arg1, %mul3A_1 : i32
    %broadcast_in_dim3A = arith.constant 0.000000e+00 : f32
    %broadcast_in_dim3A_3 = vector.broadcast %broadcast_in_dim3A : f32 to vector<16xf32>
    %scan3A = arith.constant 0 : i32
    %scan3A_4 = arith.constant 0 : i32
    %scan3A_5 = arith.constant 64 : i32
    %scan3A_6 = arith.addi %scan3A_4, %scan3A_5 : i32
    %scan3A_7 = arith.constant 1 : i32
    scf.for %scan3A_221 = %scan3A_4 to %scan3A_6 step %scan3A_7  : i32 {
      %swap3A = arith.index_cast %scan3A_221 : i32 to index
      %swap3A_222 = arith.constant 0 : index
      %swap3A_223 = tpu.vector_load %arg8[%swap3A, %swap3A_222] {strides = array<i32>} : memref<64x128xf32, #tpu.memory_space<vmem>>, vector<1x16xf32>,
      %swap3A_224 = vector.shape_cast %swap3A_223 : vector<1x16xf32> to vector<16xf32>
      %swap3A_225 = vector.shape_cast %broadcast_in_dim3A_3 : vector<16xf32> to vector<1x16xf32>
      tpu.vector_store %arg8[%swap3A, %swap3A_222], %swap3A_225 {strides = array<i32>} : memref<64x128xf32, #tpu.memory_space<vmem>>, vector<1x16xf32>,
      %swap3A_226 = arith.index_cast %scan3A_221 : i32 to index
      %swap3A_227 = arith.constant 16 : index
      %swap3A_228 = tpu.vector_load %arg8[%swap3A_226, %swap3A_227] {strides = array<i32>} : memref<64x128xf32, #tpu.memory_space<vmem>>, vector<1x16xf32>,
      %swap3A_229 = vector.shape_cast %swap3A_228 : vector<1x16xf32> to vector<16xf32>
      %swap3A_230 = vector.shape_cast %broadcast_in_dim3A_3 : vector<16xf32> to vector<1x16xf32>
      tpu.vector_store %arg8[%swap3A_226, %swap3A_227], %swap3A_230 {strides = array<i32>} : memref<64x128xf32, #tpu.memory_space<vmem>>, vector<1x16xf32>,
      %swap3A_231 = arith.index_cast %scan3A_221 : i32 to index
      %swap3A_232 = arith.constant 32 : index
      %swap3A_233 = tpu.vector_load %arg8[%swap3A_231, %swap3A_232] {strides = array<i32>} : memref<64x128xf32, #tpu.memory_space<vmem>>, vector<1x16xf32>,
      %swap3A_234 = vector.shape_cast %swap3A_233 : vector<1x16xf32> to vector<16xf32>
      %swap3A_235 = vector.shape_cast %broadcast_in_dim3A_3 : vector<16xf32> to vector<1x16xf32>
      tpu.vector_store %arg8[%swap3A_231, %swap3A_232], %swap3A_235 {strides = array<i32>} : memref<64x128xf32, #tpu.memory_space<vmem>>, vector<1x16xf32>,
      %swap3A_236 = arith.index_cast %scan3A_221 : i32 to index
      %swap3A_237 = arith.constant 48 : index
      %swap3A_238 = tpu.vector_load %arg8[%swap3A_236, %swap3A_237] {strides = array<i32>} : memref<64x128xf32, #tpu.memory_space<vmem>>, vector<1x16xf32>,
      %swap3A_239 = vector.shape_cast %swap3A_238 : vector<1x16xf32> to vector<16xf32>
      %swap3A_240 = vector.shape_cast %broadcast_in_dim3A_3 : vector<16xf32> to vector<1x16xf32>
      tpu.vector_store %arg8[%swap3A_236, %swap3A_237], %swap3A_240 {strides = array<i32>} : memref<64x128xf32, #tpu.memory_space<vmem>>, vector<1x16xf32>,
      %swap3A_241 = arith.index_cast %scan3A_221 : i32 to index
      %swap3A_242 = arith.constant 64 : index
      %swap3A_243 = tpu.vector_load %arg8[%swap3A_241, %swap3A_242] {strides = array<i32>} : memref<64x128xf32, #tpu.memory_space<vmem>>, vector<1x16xf32>,
      %swap3A_244 = vector.shape_cast %swap3A_243 : vector<1x16xf32> to vector<16xf32>
      %swap3A_245 = vector.shape_cast %broadcast_in_dim3A_3 : vector<16xf32> to vector<1x16xf32>
      tpu.vector_store %arg8[%swap3A_241, %swap3A_242], %swap3A_245 {strides = array<i32>} : memref<64x128xf32, #tpu.memory_space<vmem>>, vector<1x16xf32>,
      %swap3A_246 = arith.index_cast %scan3A_221 : i32 to index
      %swap3A_247 = arith.constant 80 : index
      %swap3A_248 = tpu.vector_load %arg8[%swap3A_246, %swap3A_247] {strides = array<i32>} : memref<64x128xf32, #tpu.memory_space<vmem>>, vector<1x16xf32>,
      %swap3A_249 = vector.shape_cast %swap3A_248 : vector<1x16xf32> to vector<16xf32>
      %swap3A_250 = vector.shape_cast %broadcast_in_dim3A_3 : vector<16xf32> to vector<1x16xf32>
      tpu.vector_store %arg8[%swap3A_246, %swap3A_247], %swap3A_250 {strides = array<i32>} : memref<64x128xf32, #tpu.memory_space<vmem>>, vector<1x16xf32>,
      %swap3A_251 = arith.index_cast %scan3A_221 : i32 to index
      %swap3A_252 = arith.constant 96 : index
      %swap3A_253 = tpu.vector_load %arg8[%swap3A_251, %swap3A_252] {strides = array<i32>} : memref<64x128xf32, #tpu.memory_space<vmem>>, vector<1x16xf32>,
      %swap3A_254 = vector.shape_cast %swap3A_253 : vector<1x16xf32> to vector<16xf32>
      %swap3A_255 = vector.shape_cast %broadcast_in_dim3A_3 : vector<16xf32> to vector<1x16xf32>
      tpu.vector_store %arg8[%swap3A_251, %swap3A_252], %swap3A_255 {strides = array<i32>} : memref<64x128xf32, #tpu.memory_space<vmem>>, vector<1x16xf32>,
      %swap3A_256 = arith.index_cast %scan3A_221 : i32 to index
      %swap3A_257 = arith.constant 112 : index
      %swap3A_258 = tpu.vector_load %arg8[%swap3A_256, %swap3A_257] {strides = array<i32>} : memref<64x128xf32, #tpu.memory_space<vmem>>, vector<1x16xf32>,
      %swap3A_259 = vector.shape_cast %swap3A_258 : vector<1x16xf32> to vector<16xf32>
      %swap3A_260 = vector.shape_cast %broadcast_in_dim3A_3 : vector<16xf32> to vector<1x16xf32>
      tpu.vector_store %arg8[%swap3A_256, %swap3A_257], %swap3A_260 {strides = array<i32>} : memref<64x128xf32, #tpu.memory_space<vmem>>, vector<1x16xf32>,
    }
    %scan3A_8 = arith.constant 64 : i32
    %add3A_9 = arith.constant 0 : i32
    %add3A_10 = arith.addi %mul3A_2, %add3A_9 : i32
    "tpu.region"() ({
      %run_scoped3A = tpu.sem_alloc : memref<!tpu.dma_semaphore, #tpu.memory_space<semaphore_mem>>
      %dma_start3A_221 = arith.constant 0 : i32
      %dma_start3A_222 = arith.constant 0 : i32
      %dma_start3A_223 = tpu.memref_slice %arg8[%dma_start3A_221, %dma_start3A_222] : memref<64x128xf32, #tpu.memory_space<vmem>> -> memref<64x128xf32, #tpu.memory_space<vmem>>
      %dma_start3A_224 = arith.constant 0 : i32
      %dma_start3A_225 = tpu.memref_slice %arg12[%add3A_10, %dma_start3A_224] : memref<10112x128xf32, #tpu.memory_space<vmem_shared>> -> memref<64x128xf32, #tpu.memory_space<vmem_shared>>
      %dma_start3A_226 = arith.constant 0 : i32
      %dma_start3A_227 = tpu.memref_slice %arg12[%add3A_10, %dma_start3A_226] : memref<10112x128xf32, #tpu.memory_space<vmem_shared>> -> memref<64x128xf32, #tpu.memory_space<vmem_shared>>
      %dma_start3A_228 = arith.constant 0 : i32
      %dma_start3A_229 = arith.constant 0 : i32
      %dma_start3A_230 = tpu.memref_slice %arg8[%dma_start3A_228, %dma_start3A_229] : memref<64x128xf32, #tpu.memory_space<vmem>> -> memref<64x128xf32, #tpu.memory_space<vmem>>
      tpu.enqueue_dma source(%dma_start3A_230 : memref<64x128xf32, #tpu.memory_space<vmem>>) target(%dma_start3A_227 : memref<64x128xf32, #tpu.memory_space<vmem_shared>>) target_semaphore(%run_scoped3A : memref<!tpu.dma_semaphore, #tpu.memory_space<semaphore_mem>>)
      %dma_wait3A = arith.constant 0 : i32
      %dma_wait3A_231 = arith.constant 0 : i32
      %dma_wait3A_232 = tpu.memref_slice %arg8[%dma_wait3A, %dma_wait3A_231] : memref<64x128xf32, #tpu.memory_space<vmem>> -> memref<64x128xf32, #tpu.memory_space<vmem>>
      %dma_wait3A_233 = arith.constant 0 : i32
      %dma_wait3A_234 = tpu.memref_slice %arg12[%add3A_10, %dma_wait3A_233] : memref<10112x128xf32, #tpu.memory_space<vmem_shared>> -> memref<64x128xf32, #tpu.memory_space<vmem_shared>>
      %dma_wait3A_235 = arith.constant 0 : i32
      %dma_wait3A_236 = tpu.memref_slice %arg12[%add3A_10, %dma_wait3A_235] : memref<10112x128xf32, #tpu.memory_space<vmem_shared>> -> memref<64x128xf32, #tpu.memory_space<vmem_shared>>
      %dma_wait3A_237 = arith.constant 0 : i32
      %dma_wait3A_238 = arith.constant 0 : i32
      %dma_wait3A_239 = tpu.memref_slice %arg8[%dma_wait3A_237, %dma_wait3A_238] : memref<64x128xf32, #tpu.memory_space<vmem>> -> memref<64x128xf32, #tpu.memory_space<vmem>>
      tpu.wait_dma2 semaphore(%run_scoped3A : memref<!tpu.dma_semaphore, #tpu.memory_space<semaphore_mem>>) src(%dma_wait3A_239 : memref<64x128xf32, #tpu.memory_space<vmem>>) dst(%dma_wait3A_236 : memref<64x128xf32, #tpu.memory_space<vmem_shared>>)
      tpu.yield
    }) : () -> ()
    %add3A_11 = arith.constant 64 : i32
    %add3A_12 = arith.addi %mul3A_2, %add3A_11 : i32
    "tpu.region"() ({
      %run_scoped3A = tpu.sem_alloc : memref<!tpu.dma_semaphore, #tpu.memory_space<semaphore_mem>>
      %dma_start3A_221 = arith.constant 0 : i32
      %dma_start3A_222 = arith.constant 0 : i32
      %dma_start3A_223 = tpu.memref_slice %arg8[%dma_start3A_221, %dma_start3A_222] : memref<64x128xf32, #tpu.memory_space<vmem>> -> memref<64x128xf32, #tpu.memory_space<vmem>>
      %dma_start3A_224 = arith.constant 0 : i32
      %dma_start3A_225 = tpu.memref_slice %arg12[%add3A_12, %dma_start3A_224] : memref<10112x128xf32, #tpu.memory_space<vmem_shared>> -> memref<64x128xf32, #tpu.memory_space<vmem_shared>>
      %dma_start3A_226 = arith.constant 0 : i32
      %dma_start3A_227 = tpu.memref_slice %arg12[%add3A_12, %dma_start3A_226] : memref<10112x128xf32, #tpu.memory_space<vmem_shared>> -> memref<64x128xf32, #tpu.memory_space<vmem_shared>>
      %dma_start3A_228 = arith.constant 0 : i32
      %dma_start3A_229 = arith.constant 0 : i32
      %dma_start3A_230 = tpu.memref_slice %arg8[%dma_start3A_228, %dma_start3A_229] : memref<64x128xf32, #tpu.memory_space<vmem>> -> memref<64x128xf32, #tpu.memory_space<vmem>>
      tpu.enqueue_dma source(%dma_start3A_230 : memref<64x128xf32, #tpu.memory_space<vmem>>) target(%dma_start3A_227 : memref<64x128xf32, #tpu.memory_space<vmem_shared>>) target_semaphore(%run_scoped3A : memref<!tpu.dma_semaphore, #tpu.memory_space<semaphore_mem>>)
      %dma_wait3A = arith.constant 0 : i32
      %dma_wait3A_231 = arith.constant 0 : i32
      %dma_wait3A_232 = tpu.memref_slice %arg8[%dma_wait3A, %dma_wait3A_231] : memref<64x128xf32, #tpu.memory_space<vmem>> -> memref<64x128xf32, #tpu.memory_space<vmem>>
      %dma_wait3A_233 = arith.constant 0 : i32
      %dma_wait3A_234 = tpu.memref_slice %arg12[%add3A_12, %dma_wait3A_233] : memref<10112x128xf32, #tpu.memory_space<vmem_shared>> -> memref<64x128xf32, #tpu.memory_space<vmem_shared>>
      %dma_wait3A_235 = arith.constant 0 : i32
      %dma_wait3A_236 = tpu.memref_slice %arg12[%add3A_12, %dma_wait3A_235] : memref<10112x128xf32, #tpu.memory_space<vmem_shared>> -> memref<64x128xf32, #tpu.memory_space<vmem_shared>>
      %dma_wait3A_237 = arith.constant 0 : i32
      %dma_wait3A_238 = arith.constant 0 : i32
      %dma_wait3A_239 = tpu.memref_slice %arg8[%dma_wait3A_237, %dma_wait3A_238] : memref<64x128xf32, #tpu.memory_space<vmem>> -> memref<64x128xf32, #tpu.memory_space<vmem>>
      tpu.wait_dma2 semaphore(%run_scoped3A : memref<!tpu.dma_semaphore, #tpu.memory_space<semaphore_mem>>) src(%dma_wait3A_239 : memref<64x128xf32, #tpu.memory_space<vmem>>) dst(%dma_wait3A_236 : memref<64x128xf32, #tpu.memory_space<vmem_shared>>)
      tpu.yield
    }) : () -> ()
    %add3A_13 = arith.constant 128 : i32
    %add3A_14 = arith.addi %mul3A_2, %add3A_13 : i32
    "tpu.region"() ({
      %run_scoped3A = tpu.sem_alloc : memref<!tpu.dma_semaphore, #tpu.memory_space<semaphore_mem>>
      %dma_start3A_221 = arith.constant 0 : i32
      %dma_start3A_222 = arith.constant 0 : i32
      %dma_start3A_223 = tpu.memref_slice %arg8[%dma_start3A_221, %dma_start3A_222] : memref<64x128xf32, #tpu.memory_space<vmem>> -> memref<64x128xf32, #tpu.memory_space<vmem>>
      %dma_start3A_224 = arith.constant 0 : i32
      %dma_start3A_225 = tpu.memref_slice %arg12[%add3A_14, %dma_start3A_224] : memref<10112x128xf32, #tpu.memory_space<vmem_shared>> -> memref<64x128xf32, #tpu.memory_space<vmem_shared>>
      %dma_start3A_226 = arith.constant 0 : i32
      %dma_start3A_227 = tpu.memref_slice %arg12[%add3A_14, %dma_start3A_226] : memref<10112x128xf32, #tpu.memory_space<vmem_shared>> -> memref<64x128xf32, #tpu.memory_space<vmem_shared>>
      %dma_start3A_228 = arith.constant 0 : i32
      %dma_start3A_229 = arith.constant 0 : i32
      %dma_start3A_230 = tpu.memref_slice %arg8[%dma_start3A_228, %dma_start3A_229] : memref<64x128xf32, #tpu.memory_space<vmem>> -> memref<64x128xf32, #tpu.memory_space<vmem>>
      tpu.enqueue_dma source(%dma_start3A_230 : memref<64x128xf32, #tpu.memory_space<vmem>>) target(%dma_start3A_227 : memref<64x128xf32, #tpu.memory_space<vmem_shared>>) target_semaphore(%run_scoped3A : memref<!tpu.dma_semaphore, #tpu.memory_space<semaphore_mem>>)
      %dma_wait3A = arith.constant 0 : i32
      %dma_wait3A_231 = arith.constant 0 : i32
      %dma_wait3A_232 = tpu.memref_slice %arg8[%dma_wait3A, %dma_wait3A_231] : memref<64x128xf32, #tpu.memory_space<vmem>> -> memref<64x128xf32, #tpu.memory_space<vmem>>
      %dma_wait3A_233 = arith.constant 0 : i32
      %dma_wait3A_234 = tpu.memref_slice %arg12[%add3A_14, %dma_wait3A_233] : memref<10112x128xf32, #tpu.memory_space<vmem_shared>> -> memref<64x128xf32, #tpu.memory_space<vmem_shared>>
      %dma_wait3A_235 = arith.constant 0 : i32
      %dma_wait3A_236 = tpu.memref_slice %arg12[%add3A_14, %dma_wait3A_235] : memref<10112x128xf32, #tpu.memory_space<vmem_shared>> -> memref<64x128xf32, #tpu.memory_space<vmem_shared>>
      %dma_wait3A_237 = arith.constant 0 : i32
      %dma_wait3A_238 = arith.constant 0 : i32
      %dma_wait3A_239 = tpu.memref_slice %arg8[%dma_wait3A_237, %dma_wait3A_238] : memref<64x128xf32, #tpu.memory_space<vmem>> -> memref<64x128xf32, #tpu.memory_space<vmem>>
      tpu.wait_dma2 semaphore(%run_scoped3A : memref<!tpu.dma_semaphore, #tpu.memory_space<semaphore_mem>>) src(%dma_wait3A_239 : memref<64x128xf32, #tpu.memory_space<vmem>>) dst(%dma_wait3A_236 : memref<64x128xf32, #tpu.memory_space<vmem_shared>>)
      tpu.yield
    }) : () -> ()
    %add3A_15 = arith.constant 192 : i32
    %add3A_16 = arith.addi %mul3A_2, %add3A_15 : i32
    "tpu.region"() ({
      %run_scoped3A = tpu.sem_alloc : memref<!tpu.dma_semaphore, #tpu.memory_space<semaphore_mem>>
      %dma_start3A_221 = arith.constant 0 : i32
      %dma_start3A_222 = arith.constant 0 : i32
      %dma_start3A_223 = tpu.memref_slice %arg8[%dma_start3A_221, %dma_start3A_222] : memref<64x128xf32, #tpu.memory_space<vmem>> -> memref<64x128xf32, #tpu.memory_space<vmem>>
      %dma_start3A_224 = arith.constant 0 : i32
      %dma_start3A_225 = tpu.memref_slice %arg12[%add3A_16, %dma_start3A_224] : memref<10112x128xf32, #tpu.memory_space<vmem_shared>> -> memref<64x128xf32, #tpu.memory_space<vmem_shared>>
      %dma_start3A_226 = arith.constant 0 : i32
      %dma_start3A_227 = tpu.memref_slice %arg12[%add3A_16, %dma_start3A_226] : memref<10112x128xf32, #tpu.memory_space<vmem_shared>> -> memref<64x128xf32, #tpu.memory_space<vmem_shared>>
      %dma_start3A_228 = arith.constant 0 : i32
      %dma_start3A_229 = arith.constant 0 : i32
      %dma_start3A_230 = tpu.memref_slice %arg8[%dma_start3A_228, %dma_start3A_229] : memref<64x128xf32, #tpu.memory_space<vmem>> -> memref<64x128xf32, #tpu.memory_space<vmem>>
      tpu.enqueue_dma source(%dma_start3A_230 : memref<64x128xf32, #tpu.memory_space<vmem>>) target(%dma_start3A_227 : memref<64x128xf32, #tpu.memory_space<vmem_shared>>) target_semaphore(%run_scoped3A : memref<!tpu.dma_semaphore, #tpu.memory_space<semaphore_mem>>)
      %dma_wait3A = arith.constant 0 : i32
      %dma_wait3A_231 = arith.constant 0 : i32
      %dma_wait3A_232 = tpu.memref_slice %arg8[%dma_wait3A, %dma_wait3A_231] : memref<64x128xf32, #tpu.memory_space<vmem>> -> memref<64x128xf32, #tpu.memory_space<vmem>>
      %dma_wait3A_233 = arith.constant 0 : i32
      %dma_wait3A_234 = tpu.memref_slice %arg12[%add3A_16, %dma_wait3A_233] : memref<10112x128xf32, #tpu.memory_space<vmem_shared>> -> memref<64x128xf32, #tpu.memory_space<vmem_shared>>
      %dma_wait3A_235 = arith.constant 0 : i32
      %dma_wait3A_236 = tpu.memref_slice %arg12[%add3A_16, %dma_wait3A_235] : memref<10112x128xf32, #tpu.memory_space<vmem_shared>> -> memref<64x128xf32, #tpu.memory_space<vmem_shared>>
      %dma_wait3A_237 = arith.constant 0 : i32
      %dma_wait3A_238 = arith.constant 0 : i32
      %dma_wait3A_239 = tpu.memref_slice %arg8[%dma_wait3A_237, %dma_wait3A_238] : memref<64x128xf32, #tpu.memory_space<vmem>> -> memref<64x128xf32, #tpu.memory_space<vmem>>
      tpu.wait_dma2 semaphore(%run_scoped3A : memref<!tpu.dma_semaphore, #tpu.memory_space<semaphore_mem>>) src(%dma_wait3A_239 : memref<64x128xf32, #tpu.memory_space<vmem>>) dst(%dma_wait3A_236 : memref<64x128xf32, #tpu.memory_space<vmem_shared>>)
      tpu.yield
    }) : () -> ()
    %add3A_17 = arith.constant 256 : i32
    %add3A_18 = arith.addi %mul3A_2, %add3A_17 : i32
    "tpu.region"() ({
      %run_scoped3A = tpu.sem_alloc : memref<!tpu.dma_semaphore, #tpu.memory_space<semaphore_mem>>
      %dma_start3A_221 = arith.constant 0 : i32
      %dma_start3A_222 = arith.constant 0 : i32
      %dma_start3A_223 = tpu.memref_slice %arg8[%dma_start3A_221, %dma_start3A_222] : memref<64x128xf32, #tpu.memory_space<vmem>> -> memref<64x128xf32, #tpu.memory_space<vmem>>
      %dma_start3A_224 = arith.constant 0 : i32
      %dma_start3A_225 = tpu.memref_slice %arg12[%add3A_18, %dma_start3A_224] : memref<10112x128xf32, #tpu.memory_space<vmem_shared>> -> memref<64x128xf32, #tpu.memory_space<vmem_shared>>
      %dma_start3A_226 = arith.constant 0 : i32
      %dma_start3A_227 = tpu.memref_slice %arg12[%add3A_18, %dma_start3A_226] : memref<10112x128xf32, #tpu.memory_space<vmem_shared>> -> memref<64x128xf32, #tpu.memory_space<vmem_shared>>
      %dma_start3A_228 = arith.constant 0 : i32
      %dma_start3A_229 = arith.constant 0 : i32
      %dma_start3A_230 = tpu.memref_slice %arg8[%dma_start3A_228, %dma_start3A_229] : memref<64x128xf32, #tpu.memory_space<vmem>> -> memref<64x128xf32, #tpu.memory_space<vmem>>
      tpu.enqueue_dma source(%dma_start3A_230 : memref<64x128xf32, #tpu.memory_space<vmem>>) target(%dma_start3A_227 : memref<64x128xf32, #tpu.memory_space<vmem_shared>>) target_semaphore(%run_scoped3A : memref<!tpu.dma_semaphore, #tpu.memory_space<semaphore_mem>>)
      %dma_wait3A = arith.constant 0 : i32
      %dma_wait3A_231 = arith.constant 0 : i32
      %dma_wait3A_232 = tpu.memref_slice %arg8[%dma_wait3A, %dma_wait3A_231] : memref<64x128xf32, #tpu.memory_space<vmem>> -> memref<64x128xf32, #tpu.memory_space<vmem>>
      %dma_wait3A_233 = arith.constant 0 : i32
      %dma_wait3A_234 = tpu.memref_slice %arg12[%add3A_18, %dma_wait3A_233] : memref<10112x128xf32, #tpu.memory_space<vmem_shared>> -> memref<64x128xf32, #tpu.memory_space<vmem_shared>>
      %dma_wait3A_235 = arith.constant 0 : i32
      %dma_wait3A_236 = tpu.memref_slice %arg12[%add3A_18, %dma_wait3A_235] : memref<10112x128xf32, #tpu.memory_space<vmem_shared>> -> memref<64x128xf32, #tpu.memory_space<vmem_shared>>
      %dma_wait3A_237 = arith.constant 0 : i32
      %dma_wait3A_238 = arith.constant 0 : i32
      %dma_wait3A_239 = tpu.memref_slice %arg8[%dma_wait3A_237, %dma_wait3A_238] : memref<64x128xf32, #tpu.memory_space<vmem>> -> memref<64x128xf32, #tpu.memory_space<vmem>>
      tpu.wait_dma2 semaphore(%run_scoped3A : memref<!tpu.dma_semaphore, #tpu.memory_space<semaphore_mem>>) src(%dma_wait3A_239 : memref<64x128xf32, #tpu.memory_space<vmem>>) dst(%dma_wait3A_236 : memref<64x128xf32, #tpu.memory_space<vmem_shared>>)
      tpu.yield
    }) : () -> ()
    %add3A_19 = arith.constant 320 : i32
    %add3A_20 = arith.addi %mul3A_2, %add3A_19 : i32
    "tpu.region"() ({
      %run_scoped3A = tpu.sem_alloc : memref<!tpu.dma_semaphore, #tpu.memory_space<semaphore_mem>>
      %dma_start3A_221 = arith.constant 0 : i32
      %dma_start3A_222 = arith.constant 0 : i32
      %dma_start3A_223 = tpu.memref_slice %arg8[%dma_start3A_221, %dma_start3A_222] : memref<64x128xf32, #tpu.memory_space<vmem>> -> memref<64x128xf32, #tpu.memory_space<vmem>>
      %dma_start3A_224 = arith.constant 0 : i32
      %dma_start3A_225 = tpu.memref_slice %arg12[%add3A_20, %dma_start3A_224] : memref<10112x128xf32, #tpu.memory_space<vmem_shared>> -> memref<64x128xf32, #tpu.memory_space<vmem_shared>>
      %dma_start3A_226 = arith.constant 0 : i32
      %dma_start3A_227 = tpu.memref_slice %arg12[%add3A_20, %dma_start3A_226] : memref<10112x128xf32, #tpu.memory_space<vmem_shared>> -> memref<64x128xf32, #tpu.memory_space<vmem_shared>>
      %dma_start3A_228 = arith.constant 0 : i32
      %dma_start3A_229 = arith.constant 0 : i32
      %dma_start3A_230 = tpu.memref_slice %arg8[%dma_start3A_228, %dma_start3A_229] : memref<64x128xf32, #tpu.memory_space<vmem>> -> memref<64x128xf32, #tpu.memory_space<vmem>>
      tpu.enqueue_dma source(%dma_start3A_230 : memref<64x128xf32, #tpu.memory_space<vmem>>) target(%dma_start3A_227 : memref<64x128xf32, #tpu.memory_space<vmem_shared>>) target_semaphore(%run_scoped3A : memref<!tpu.dma_semaphore, #tpu.memory_space<semaphore_mem>>)
      %dma_wait3A = arith.constant 0 : i32
      %dma_wait3A_231 = arith.constant 0 : i32
      %dma_wait3A_232 = tpu.memref_slice %arg8[%dma_wait3A, %dma_wait3A_231] : memref<64x128xf32, #tpu.memory_space<vmem>> -> memref<64x128xf32, #tpu.memory_space<vmem>>
      %dma_wait3A_233 = arith.constant 0 : i32
      %dma_wait3A_234 = tpu.memref_slice %arg12[%add3A_20, %dma_wait3A_233] : memref<10112x128xf32, #tpu.memory_space<vmem_shared>> -> memref<64x128xf32, #tpu.memory_space<vmem_shared>>
      %dma_wait3A_235 = arith.constant 0 : i32
      %dma_wait3A_236 = tpu.memref_slice %arg12[%add3A_20, %dma_wait3A_235] : memref<10112x128xf32, #tpu.memory_space<vmem_shared>> -> memref<64x128xf32, #tpu.memory_space<vmem_shared>>
      %dma_wait3A_237 = arith.constant 0 : i32
      %dma_wait3A_238 = arith.constant 0 : i32
      %dma_wait3A_239 = tpu.memref_slice %arg8[%dma_wait3A_237, %dma_wait3A_238] : memref<64x128xf32, #tpu.memory_space<vmem>> -> memref<64x128xf32, #tpu.memory_space<vmem>>
      tpu.wait_dma2 semaphore(%run_scoped3A : memref<!tpu.dma_semaphore, #tpu.memory_space<semaphore_mem>>) src(%dma_wait3A_239 : memref<64x128xf32, #tpu.memory_space<vmem>>) dst(%dma_wait3A_236 : memref<64x128xf32, #tpu.memory_space<vmem_shared>>)
      tpu.yield
    }) : () -> ()
    %add3A_21 = arith.constant 384 : i32
    %add3A_22 = arith.addi %mul3A_2, %add3A_21 : i32
    "tpu.region"() ({
      %run_scoped3A = tpu.sem_alloc : memref<!tpu.dma_semaphore, #tpu.memory_space<semaphore_mem>>
      %dma_start3A_221 = arith.constant 0 : i32
      %dma_start3A_222 = arith.constant 0 : i32
      %dma_start3A_223 = tpu.memref_slice %arg8[%dma_start3A_221, %dma_start3A_222] : memref<64x128xf32, #tpu.memory_space<vmem>> -> memref<64x128xf32, #tpu.memory_space<vmem>>
      %dma_start3A_224 = arith.constant 0 : i32
      %dma_start3A_225 = tpu.memref_slice %arg12[%add3A_22, %dma_start3A_224] : memref<10112x128xf32, #tpu.memory_space<vmem_shared>> -> memref<64x128xf32, #tpu.memory_space<vmem_shared>>
      %dma_start3A_226 = arith.constant 0 : i32
      %dma_start3A_227 = tpu.memref_slice %arg12[%add3A_22, %dma_start3A_226] : memref<10112x128xf32, #tpu.memory_space<vmem_shared>> -> memref<64x128xf32, #tpu.memory_space<vmem_shared>>
      %dma_start3A_228 = arith.constant 0 : i32
      %dma_start3A_229 = arith.constant 0 : i32
      %dma_start3A_230 = tpu.memref_slice %arg8[%dma_start3A_228, %dma_start3A_229] : memref<64x128xf32, #tpu.memory_space<vmem>> -> memref<64x128xf32, #tpu.memory_space<vmem>>
      tpu.enqueue_dma source(%dma_start3A_230 : memref<64x128xf32, #tpu.memory_space<vmem>>) target(%dma_start3A_227 : memref<64x128xf32, #tpu.memory_space<vmem_shared>>) target_semaphore(%run_scoped3A : memref<!tpu.dma_semaphore, #tpu.memory_space<semaphore_mem>>)
      %dma_wait3A = arith.constant 0 : i32
      %dma_wait3A_231 = arith.constant 0 : i32
      %dma_wait3A_232 = tpu.memref_slice %arg8[%dma_wait3A, %dma_wait3A_231] : memref<64x128xf32, #tpu.memory_space<vmem>> -> memref<64x128xf32, #tpu.memory_space<vmem>>
      %dma_wait3A_233 = arith.constant 0 : i32
      %dma_wait3A_234 = tpu.memref_slice %arg12[%add3A_22, %dma_wait3A_233] : memref<10112x128xf32, #tpu.memory_space<vmem_shared>> -> memref<64x128xf32, #tpu.memory_space<vmem_shared>>
      %dma_wait3A_235 = arith.constant 0 : i32
      %dma_wait3A_236 = tpu.memref_slice %arg12[%add3A_22, %dma_wait3A_235] : memref<10112x128xf32, #tpu.memory_space<vmem_shared>> -> memref<64x128xf32, #tpu.memory_space<vmem_shared>>
      %dma_wait3A_237 = arith.constant 0 : i32
      %dma_wait3A_238 = arith.constant 0 : i32
      %dma_wait3A_239 = tpu.memref_slice %arg8[%dma_wait3A_237, %dma_wait3A_238] : memref<64x128xf32, #tpu.memory_space<vmem>> -> memref<64x128xf32, #tpu.memory_space<vmem>>
      tpu.wait_dma2 semaphore(%run_scoped3A : memref<!tpu.dma_semaphore, #tpu.memory_space<semaphore_mem>>) src(%dma_wait3A_239 : memref<64x128xf32, #tpu.memory_space<vmem>>) dst(%dma_wait3A_236 : memref<64x128xf32, #tpu.memory_space<vmem_shared>>)
      tpu.yield
    }) : () -> ()
    %add3A_23 = arith.constant 448 : i32
    %add3A_24 = arith.addi %mul3A_2, %add3A_23 : i32
    "tpu.region"() ({
      %run_scoped3A = tpu.sem_alloc : memref<!tpu.dma_semaphore, #tpu.memory_space<semaphore_mem>>
      %dma_start3A_221 = arith.constant 0 : i32
      %dma_start3A_222 = arith.constant 0 : i32
      %dma_start3A_223 = tpu.memref_slice %arg8[%dma_start3A_221, %dma_start3A_222] : memref<64x128xf32, #tpu.memory_space<vmem>> -> memref<64x128xf32, #tpu.memory_space<vmem>>
      %dma_start3A_224 = arith.constant 0 : i32
      %dma_start3A_225 = tpu.memref_slice %arg12[%add3A_24, %dma_start3A_224] : memref<10112x128xf32, #tpu.memory_space<vmem_shared>> -> memref<64x128xf32, #tpu.memory_space<vmem_shared>>
      %dma_start3A_226 = arith.constant 0 : i32
      %dma_start3A_227 = tpu.memref_slice %arg12[%add3A_24, %dma_start3A_226] : memref<10112x128xf32, #tpu.memory_space<vmem_shared>> -> memref<64x128xf32, #tpu.memory_space<vmem_shared>>
      %dma_start3A_228 = arith.constant 0 : i32
      %dma_start3A_229 = arith.constant 0 : i32
      %dma_start3A_230 = tpu.memref_slice %arg8[%dma_start3A_228, %dma_start3A_229] : memref<64x128xf32, #tpu.memory_space<vmem>> -> memref<64x128xf32, #tpu.memory_space<vmem>>
      tpu.enqueue_dma source(%dma_start3A_230 : memref<64x128xf32, #tpu.memory_space<vmem>>) target(%dma_start3A_227 : memref<64x128xf32, #tpu.memory_space<vmem_shared>>) target_semaphore(%run_scoped3A : memref<!tpu.dma_semaphore, #tpu.memory_space<semaphore_mem>>)
      %dma_wait3A = arith.constant 0 : i32
      %dma_wait3A_231 = arith.constant 0 : i32
      %dma_wait3A_232 = tpu.memref_slice %arg8[%dma_wait3A, %dma_wait3A_231] : memref<64x128xf32, #tpu.memory_space<vmem>> -> memref<64x128xf32, #tpu.memory_space<vmem>>
      %dma_wait3A_233 = arith.constant 0 : i32
      %dma_wait3A_234 = tpu.memref_slice %arg12[%add3A_24, %dma_wait3A_233] : memref<10112x128xf32, #tpu.memory_space<vmem_shared>> -> memref<64x128xf32, #tpu.memory_space<vmem_shared>>
      %dma_wait3A_235 = arith.constant 0 : i32
      %dma_wait3A_236 = tpu.memref_slice %arg12[%add3A_24, %dma_wait3A_235] : memref<10112x128xf32, #tpu.memory_space<vmem_shared>> -> memref<64x128xf32, #tpu.memory_space<vmem_shared>>
      %dma_wait3A_237 = arith.constant 0 : i32
      %dma_wait3A_238 = arith.constant 0 : i32
      %dma_wait3A_239 = tpu.memref_slice %arg8[%dma_wait3A_237, %dma_wait3A_238] : memref<64x128xf32, #tpu.memory_space<vmem>> -> memref<64x128xf32, #tpu.memory_space<vmem>>
      tpu.wait_dma2 semaphore(%run_scoped3A : memref<!tpu.dma_semaphore, #tpu.memory_space<semaphore_mem>>) src(%dma_wait3A_239 : memref<64x128xf32, #tpu.memory_space<vmem>>) dst(%dma_wait3A_236 : memref<64x128xf32, #tpu.memory_space<vmem_shared>>)
      tpu.yield
    }) : () -> ()
    %add3A_25 = arith.constant 512 : i32
    %add3A_26 = arith.addi %mul3A_2, %add3A_25 : i32
    "tpu.region"() ({
      %run_scoped3A = tpu.sem_alloc : memref<!tpu.dma_semaphore, #tpu.memory_space<semaphore_mem>>
      %dma_start3A_221 = arith.constant 0 : i32
      %dma_start3A_222 = arith.constant 0 : i32
      %dma_start3A_223 = tpu.memref_slice %arg8[%dma_start3A_221, %dma_start3A_222] : memref<64x128xf32, #tpu.memory_space<vmem>> -> memref<64x128xf32, #tpu.memory_space<vmem>>
      %dma_start3A_224 = arith.constant 0 : i32
      %dma_start3A_225 = tpu.memref_slice %arg12[%add3A_26, %dma_start3A_224] : memref<10112x128xf32, #tpu.memory_space<vmem_shared>> -> memref<64x128xf32, #tpu.memory_space<vmem_shared>>
      %dma_start3A_226 = arith.constant 0 : i32
      %dma_start3A_227 = tpu.memref_slice %arg12[%add3A_26, %dma_start3A_226] : memref<10112x128xf32, #tpu.memory_space<vmem_shared>> -> memref<64x128xf32, #tpu.memory_space<vmem_shared>>
      %dma_start3A_228 = arith.constant 0 : i32
      %dma_start3A_229 = arith.constant 0 : i32
      %dma_start3A_230 = tpu.memref_slice %arg8[%dma_start3A_228, %dma_start3A_229] : memref<64x128xf32, #tpu.memory_space<vmem>> -> memref<64x128xf32, #tpu.memory_space<vmem>>
      tpu.enqueue_dma source(%dma_start3A_230 : memref<64x128xf32, #tpu.memory_space<vmem>>) target(%dma_start3A_227 : memref<64x128xf32, #tpu.memory_space<vmem_shared>>) target_semaphore(%run_scoped3A : memref<!tpu.dma_semaphore, #tpu.memory_space<semaphore_mem>>)
      %dma_wait3A = arith.constant 0 : i32
      %dma_wait3A_231 = arith.constant 0 : i32
      %dma_wait3A_232 = tpu.memref_slice %arg8[%dma_wait3A, %dma_wait3A_231] : memref<64x128xf32, #tpu.memory_space<vmem>> -> memref<64x128xf32, #tpu.memory_space<vmem>>
      %dma_wait3A_233 = arith.constant 0 : i32
      %dma_wait3A_234 = tpu.memref_slice %arg12[%add3A_26, %dma_wait3A_233] : memref<10112x128xf32, #tpu.memory_space<vmem_shared>> -> memref<64x128xf32, #tpu.memory_space<vmem_shared>>
      %dma_wait3A_235 = arith.constant 0 : i32
      %dma_wait3A_236 = tpu.memref_slice %arg12[%add3A_26, %dma_wait3A_235] : memref<10112x128xf32, #tpu.memory_space<vmem_shared>> -> memref<64x128xf32, #tpu.memory_space<vmem_shared>>
      %dma_wait3A_237 = arith.constant 0 : i32
      %dma_wait3A_238 = arith.constant 0 : i32
      %dma_wait3A_239 = tpu.memref_slice %arg8[%dma_wait3A_237, %dma_wait3A_238] : memref<64x128xf32, #tpu.memory_space<vmem>> -> memref<64x128xf32, #tpu.memory_space<vmem>>
      tpu.wait_dma2 semaphore(%run_scoped3A : memref<!tpu.dma_semaphore, #tpu.memory_space<semaphore_mem>>) src(%dma_wait3A_239 : memref<64x128xf32, #tpu.memory_space<vmem>>) dst(%dma_wait3A_236 : memref<64x128xf32, #tpu.memory_space<vmem_shared>>)
      tpu.yield
    }) : () -> ()
    %add3A_27 = arith.constant 576 : i32
    %add3A_28 = arith.addi %mul3A_2, %add3A_27 : i32
    "tpu.region"() ({
      %run_scoped3A = tpu.sem_alloc : memref<!tpu.dma_semaphore, #tpu.memory_space<semaphore_mem>>
      %dma_start3A_221 = arith.constant 0 : i32
      %dma_start3A_222 = arith.constant 0 : i32
      %dma_start3A_223 = tpu.memref_slice %arg8[%dma_start3A_221, %dma_start3A_222] : memref<64x128xf32, #tpu.memory_space<vmem>> -> memref<56x128xf32, #tpu.memory_space<vmem>>
      %dma_start3A_224 = arith.constant 0 : i32
      %dma_start3A_225 = tpu.memref_slice %arg12[%add3A_28, %dma_start3A_224] : memref<10112x128xf32, #tpu.memory_space<vmem_shared>> -> memref<56x128xf32, #tpu.memory_space<vmem_shared>>
      %dma_start3A_226 = arith.constant 0 : i32
      %dma_start3A_227 = tpu.memref_slice %arg12[%add3A_28, %dma_start3A_226] : memref<10112x128xf32, #tpu.memory_space<vmem_shared>> -> memref<56x128xf32, #tpu.memory_space<vmem_shared>>
      %dma_start3A_228 = arith.constant 0 : i32
      %dma_start3A_229 = arith.constant 0 : i32
      %dma_start3A_230 = tpu.memref_slice %arg8[%dma_start3A_228, %dma_start3A_229] : memref<64x128xf32, #tpu.memory_space<vmem>> -> memref<56x128xf32, #tpu.memory_space<vmem>>
      tpu.enqueue_dma source(%dma_start3A_230 : memref<56x128xf32, #tpu.memory_space<vmem>>) target(%dma_start3A_227 : memref<56x128xf32, #tpu.memory_space<vmem_shared>>) target_semaphore(%run_scoped3A : memref<!tpu.dma_semaphore, #tpu.memory_space<semaphore_mem>>)
      %dma_wait3A = arith.constant 0 : i32
      %dma_wait3A_231 = arith.constant 0 : i32
      %dma_wait3A_232 = tpu.memref_slice %arg8[%dma_wait3A, %dma_wait3A_231] : memref<64x128xf32, #tpu.memory_space<vmem>> -> memref<56x128xf32, #tpu.memory_space<vmem>>
      %dma_wait3A_233 = arith.constant 0 : i32
      %dma_wait3A_234 = tpu.memref_slice %arg12[%add3A_28, %dma_wait3A_233] : memref<10112x128xf32, #tpu.memory_space<vmem_shared>> -> memref<56x128xf32, #tpu.memory_space<vmem_shared>>
      %dma_wait3A_235 = arith.constant 0 : i32
      %dma_wait3A_236 = tpu.memref_slice %arg12[%add3A_28, %dma_wait3A_235] : memref<10112x128xf32, #tpu.memory_space<vmem_shared>> -> memref<56x128xf32, #tpu.memory_space<vmem_shared>>
      %dma_wait3A_237 = arith.constant 0 : i32
      %dma_wait3A_238 = arith.constant 0 : i32
      %dma_wait3A_239 = tpu.memref_slice %arg8[%dma_wait3A_237, %dma_wait3A_238] : memref<64x128xf32, #tpu.memory_space<vmem>> -> memref<56x128xf32, #tpu.memory_space<vmem>>
      tpu.wait_dma2 semaphore(%run_scoped3A : memref<!tpu.dma_semaphore, #tpu.memory_space<semaphore_mem>>) src(%dma_wait3A_239 : memref<56x128xf32, #tpu.memory_space<vmem>>) dst(%dma_wait3A_236 : memref<56x128xf32, #tpu.memory_space<vmem_shared>>)
      tpu.yield
    }) : () -> ()
    %barrier3A = arith.constant 0 : index
    tpu.barrier barrier_id(%barrier3A)
    %mul3A_29 = arith.constant 160 : i32
    %mul3A_30 = arith.muli %add3A, %mul3A_29 : i32
    %add3A_31 = arith.constant 0 : i32
    %add3A_32 = arith.addi %mul3A_30, %add3A_31 : i32
    "tpu.region"() ({
      %run_scoped3A = tpu.sem_alloc : memref<!tpu.dma_semaphore, #tpu.memory_space<semaphore_mem>>
      %dma_start3A_221 = arith.constant 0 : i32
      %dma_start3A_222 = tpu.memref_slice %arg3[%add3A_32, %dma_start3A_221] : memref<5120x64xi32, #tpu.memory_space<hbm>> -> memref<40x64xi32, #tpu.memory_space<hbm>>
      %dma_start3A_223 = arith.constant 0 : i32
      %dma_start3A_224 = tpu.memref_slice %arg3[%add3A_32, %dma_start3A_223] : memref<5120x64xi32, #tpu.memory_space<hbm>> -> memref<40x64xi32, #tpu.memory_space<hbm>>
      tpu.enqueue_dma source(%dma_start3A_224 : memref<40x64xi32, #tpu.memory_space<hbm>>) target(%arg6 : memref<40x64xi32, #tpu.memory_space<vmem>>) target_semaphore(%run_scoped3A : memref<!tpu.dma_semaphore, #tpu.memory_space<semaphore_mem>>)
      %dma_wait3A = arith.constant 0 : i32
      %dma_wait3A_225 = tpu.memref_slice %arg3[%add3A_32, %dma_wait3A] : memref<5120x64xi32, #tpu.memory_space<hbm>> -> memref<40x64xi32, #tpu.memory_space<hbm>>
      %dma_wait3A_226 = arith.constant 0 : i32
      %dma_wait3A_227 = tpu.memref_slice %arg3[%add3A_32, %dma_wait3A_226] : memref<5120x64xi32, #tpu.memory_space<hbm>> -> memref<40x64xi32, #tpu.memory_space<hbm>>
      tpu.wait_dma2 semaphore(%run_scoped3A : memref<!tpu.dma_semaphore, #tpu.memory_space<semaphore_mem>>) src(%dma_wait3A_227 : memref<40x64xi32, #tpu.memory_space<hbm>>) dst(%arg6 : memref<40x64xi32, #tpu.memory_space<vmem>>)
      tpu.yield
    }) : () -> ()
    "tpu.region"() ({
      %run_scoped3A = tpu.sem_alloc : memref<!tpu.dma_semaphore, #tpu.memory_space<semaphore_mem>>
      %dma_start3A_221 = arith.constant 0 : i32
      %dma_start3A_222 = tpu.memref_slice %arg4[%add3A_32, %dma_start3A_221] : memref<5120x64xi32, #tpu.memory_space<hbm>> -> memref<40x64xi32, #tpu.memory_space<hbm>>
      %dma_start3A_223 = arith.constant 0 : i32
      %dma_start3A_224 = tpu.memref_slice %arg4[%add3A_32, %dma_start3A_223] : memref<5120x64xi32, #tpu.memory_space<hbm>> -> memref<40x64xi32, #tpu.memory_space<hbm>>
      tpu.enqueue_dma source(%dma_start3A_224 : memref<40x64xi32, #tpu.memory_space<hbm>>) target(%arg7 : memref<40x64xi32, #tpu.memory_space<vmem>>) target_semaphore(%run_scoped3A : memref<!tpu.dma_semaphore, #tpu.memory_space<semaphore_mem>>)
      %dma_wait3A = arith.constant 0 : i32
      %dma_wait3A_225 = tpu.memref_slice %arg4[%add3A_32, %dma_wait3A] : memref<5120x64xi32, #tpu.memory_space<hbm>> -> memref<40x64xi32, #tpu.memory_space<hbm>>
      %dma_wait3A_226 = arith.constant 0 : i32
      %dma_wait3A_227 = tpu.memref_slice %arg4[%add3A_32, %dma_wait3A_226] : memref<5120x64xi32, #tpu.memory_space<hbm>> -> memref<40x64xi32, #tpu.memory_space<hbm>>
      tpu.wait_dma2 semaphore(%run_scoped3A : memref<!tpu.dma_semaphore, #tpu.memory_space<semaphore_mem>>) src(%dma_wait3A_227 : memref<40x64xi32, #tpu.memory_space<hbm>>) dst(%arg7 : memref<40x64xi32, #tpu.memory_space<vmem>>)
      tpu.yield
    }) : () -> ()
    %dma_start3A = arith.constant 0 : i32
    %dma_start3A_33 = arith.constant 0 : i32
    %dma_start3A_34 = tpu.memref_slice %arg6[%dma_start3A, %dma_start3A_33] : memref<40x64xi32, #tpu.memory_space<vmem>> -> memref<1x64xi32, #tpu.memory_space<vmem>>
    %dma_start3A_35 = tpu.memref_squeeze %dma_start3A_34 : memref<1x64xi32, #tpu.memory_space<vmem>> -> memref<64xi32, #tpu.memory_space<vmem>>
    %dma_start3A_36 = arith.constant 0 : i32
    %dma_start3A_37 = arith.constant 0 : i32
    %dma_start3A_38 = tpu.memref_slice %arg2[%dma_start3A_36, %dma_start3A_37] : memref<10240x128xf32, #tpu.memory_space<hbm>> -> memref<10240x128xf32, #tpu.memory_space<hbm>>
    tpu.enqueue_indirect_dma source(%dma_start3A_38 : memref<10240x128xf32, #tpu.memory_space<hbm>>) target(%arg8 : memref<64x128xf32, #tpu.memory_space<vmem>>) offsets(%dma_start3A_35 : memref<64xi32, #tpu.memory_space<vmem>>) semaphore(%arg13 : memref<!tpu.dma_semaphore, #tpu.memory_space<semaphore_mem>>)
    %dma_start3A_39 = arith.constant 1 : i32
    %dma_start3A_40 = arith.constant 0 : i32
    %dma_start3A_41 = tpu.memref_slice %arg6[%dma_start3A_39, %dma_start3A_40] : memref<40x64xi32, #tpu.memory_space<vmem>> -> memref<1x64xi32, #tpu.memory_space<vmem>>
    %dma_start3A_42 = tpu.memref_squeeze %dma_start3A_41 : memref<1x64xi32, #tpu.memory_space<vmem>> -> memref<64xi32, #tpu.memory_space<vmem>>
    %dma_start3A_43 = arith.constant 0 : i32
    %dma_start3A_44 = arith.constant 0 : i32
    %dma_start3A_45 = tpu.memref_slice %arg2[%dma_start3A_43, %dma_start3A_44] : memref<10240x128xf32, #tpu.memory_space<hbm>> -> memref<10240x128xf32, #tpu.memory_space<hbm>>
    tpu.enqueue_indirect_dma source(%dma_start3A_45 : memref<10240x128xf32, #tpu.memory_space<hbm>>) target(%arg9 : memref<64x128xf32, #tpu.memory_space<vmem>>) offsets(%dma_start3A_42 : memref<64xi32, #tpu.memory_space<vmem>>) semaphore(%arg14 : memref<!tpu.dma_semaphore, #tpu.memory_space<semaphore_mem>>)
    %dma_start3A_46 = arith.constant 2 : i32
    %dma_start3A_47 = arith.constant 0 : i32
    %dma_start3A_48 = tpu.memref_slice %arg6[%dma_start3A_46, %dma_start3A_47] : memref<40x64xi32, #tpu.memory_space<vmem>> -> memref<1x64xi32, #tpu.memory_space<vmem>>
    %dma_start3A_49 = tpu.memref_squeeze %dma_start3A_48 : memref<1x64xi32, #tpu.memory_space<vmem>> -> memref<64xi32, #tpu.memory_space<vmem>>
    %dma_start3A_50 = arith.constant 0 : i32
    %dma_start3A_51 = arith.constant 0 : i32
    %dma_start3A_52 = tpu.memref_slice %arg2[%dma_start3A_50, %dma_start3A_51] : memref<10240x128xf32, #tpu.memory_space<hbm>> -> memref<10240x128xf32, #tpu.memory_space<hbm>>
    tpu.enqueue_indirect_dma source(%dma_start3A_52 : memref<10240x128xf32, #tpu.memory_space<hbm>>) target(%arg10 : memref<64x128xf32, #tpu.memory_space<vmem>>) offsets(%dma_start3A_49 : memref<64xi32, #tpu.memory_space<vmem>>) semaphore(%arg15 : memref<!tpu.dma_semaphore, #tpu.memory_space<semaphore_mem>>)
    %dma_start3A_53 = arith.constant 3 : i32
    %dma_start3A_54 = arith.constant 0 : i32
    %dma_start3A_55 = tpu.memref_slice %arg6[%dma_start3A_53, %dma_start3A_54] : memref<40x64xi32, #tpu.memory_space<vmem>> -> memref<1x64xi32, #tpu.memory_space<vmem>>
    %dma_start3A_56 = tpu.memref_squeeze %dma_start3A_55 : memref<1x64xi32, #tpu.memory_space<vmem>> -> memref<64xi32, #tpu.memory_space<vmem>>
    %dma_start3A_57 = arith.constant 0 : i32
    %dma_start3A_58 = arith.constant 0 : i32
    %dma_start3A_59 = tpu.memref_slice %arg2[%dma_start3A_57, %dma_start3A_58] : memref<10240x128xf32, #tpu.memory_space<hbm>> -> memref<10240x128xf32, #tpu.memory_space<hbm>>
    tpu.enqueue_indirect_dma source(%dma_start3A_59 : memref<10240x128xf32, #tpu.memory_space<hbm>>) target(%arg11 : memref<64x128xf32, #tpu.memory_space<vmem>>) offsets(%dma_start3A_56 : memref<64xi32, #tpu.memory_space<vmem>>) semaphore(%arg16 : memref<!tpu.dma_semaphore, #tpu.memory_space<semaphore_mem>>)
    %scan3A_60 = arith.constant 0 : i32
    %scan3A_61 = arith.constant 0 : i32
    %scan3A_62 = arith.constant 10 : i32
    %scan3A_63 = arith.addi %scan3A_61, %scan3A_62 : i32
    %scan3A_64 = arith.constant 1 : i32
    scf.for %scan3A_221 = %scan3A_61 to %scan3A_63 step %scan3A_64  : i32 {
      %mul3A_222 = arith.constant 4 : i32
      %mul3A_223 = arith.muli %scan3A_221, %mul3A_222 : i32
      %add3A_224 = arith.constant 0 : i32
      %add3A_225 = arith.addi %mul3A_223, %add3A_224 : i32
      %dma_wait3A = arith.constant 0 : i32
      %dma_wait3A_226 = tpu.memref_slice %arg6[%add3A_225, %dma_wait3A] : memref<40x64xi32, #tpu.memory_space<vmem>> -> memref<1x64xi32, #tpu.memory_space<vmem>>
      %dma_wait3A_227 = tpu.memref_squeeze %dma_wait3A_226 : memref<1x64xi32, #tpu.memory_space<vmem>> -> memref<64xi32, #tpu.memory_space<vmem>>
      %dma_wait3A_228 = arith.constant 0 : i32
      %dma_wait3A_229 = arith.constant 0 : i32
      %dma_wait3A_230 = tpu.memref_slice %arg2[%dma_wait3A_228, %dma_wait3A_229] : memref<10240x128xf32, #tpu.memory_space<hbm>> -> memref<10240x128xf32, #tpu.memory_space<hbm>>
      tpu.wait_indirect_dma semaphore(%arg13 : memref<!tpu.dma_semaphore, #tpu.memory_space<semaphore_mem>>) src(%dma_wait3A_230 : memref<10240x128xf32, #tpu.memory_space<hbm>>) dst(%arg8 : memref<64x128xf32, #tpu.memory_space<vmem>>)
      "tpu.region"() ({
        %run_scoped3A = tpu.sem_alloc : memref<!tpu.dma_semaphore, #tpu.memory_space<semaphore_mem>>
        %dma_start3A_286 = arith.constant 0 : i32
        %dma_start3A_287 = tpu.memref_slice %arg7[%add3A_225, %dma_start3A_286] : memref<40x64xi32, #tpu.memory_space<vmem>> -> memref<1x64xi32, #tpu.memory_space<vmem>>
        %dma_start3A_288 = tpu.memref_squeeze %dma_start3A_287 : memref<1x64xi32, #tpu.memory_space<vmem>> -> memref<64xi32, #tpu.memory_space<vmem>>
        %dma_start3A_289 = arith.constant 0 : i32
        %dma_start3A_290 = arith.constant 0 : i32
        %dma_start3A_291 = tpu.memref_slice %arg12[%dma_start3A_289, %dma_start3A_290] : memref<10112x128xf32, #tpu.memory_space<vmem_shared>> -> memref<10112x128xf32, #tpu.memory_space<vmem_shared>>
        tpu.enqueue_indirect_dma source(%arg8 : memref<64x128xf32, #tpu.memory_space<vmem>>) target(%dma_start3A_291 : memref<10112x128xf32, #tpu.memory_space<vmem_shared>>) offsets(%dma_start3A_288 : memref<64xi32, #tpu.memory_space<vmem>>) semaphore(%run_scoped3A : memref<!tpu.dma_semaphore, #tpu.memory_space<semaphore_mem>>) {add = true}
        %dma_wait3A_292 = arith.constant 0 : i32
        %dma_wait3A_293 = tpu.memref_slice %arg7[%add3A_225, %dma_wait3A_292] : memref<40x64xi32, #tpu.memory_space<vmem>> -> memref<1x64xi32, #tpu.memory_space<vmem>>
        %dma_wait3A_294 = tpu.memref_squeeze %dma_wait3A_293 : memref<1x64xi32, #tpu.memory_space<vmem>> -> memref<64xi32, #tpu.memory_space<vmem>>
        %dma_wait3A_295 = arith.constant 0 : i32
        %dma_wait3A_296 = arith.constant 0 : i32
        %dma_wait3A_297 = tpu.memref_slice %arg12[%dma_wait3A_295, %dma_wait3A_296] : memref<10112x128xf32, #tpu.memory_space<vmem_shared>> -> memref<10112x128xf32, #tpu.memory_space<vmem_shared>>
        tpu.wait_indirect_dma semaphore(%run_scoped3A : memref<!tpu.dma_semaphore, #tpu.memory_space<semaphore_mem>>) src(%arg8 : memref<64x128xf32, #tpu.memory_space<vmem>>) dst(%dma_wait3A_297 : memref<10112x128xf32, #tpu.memory_space<vmem_shared>>)
        tpu.yield
      }) : () -> ()
      %add3A_231 = arith.constant 4 : i32
      %add3A_232 = arith.addi %add3A_225, %add3A_231 : i32
      %lt3A = arith.constant 40 : i32
      %lt3A_233 = arith.cmpi slt, %add3A_232, %lt3A : i32
      %convert_element_type3A = arith.extui %lt3A_233 : i1 to i32
      %cond3A = arith.constant 0 : i32
      %cond3A_234 = arith.cmpi ne, %convert_element_type3A, %cond3A : i32
      scf.if %cond3A_234 {
        %dma_start3A_286 = arith.constant 0 : i32
        %dma_start3A_287 = tpu.memref_slice %arg6[%add3A_232, %dma_start3A_286] : memref<40x64xi32, #tpu.memory_space<vmem>> -> memref<1x64xi32, #tpu.memory_space<vmem>>
        %dma_start3A_288 = tpu.memref_squeeze %dma_start3A_287 : memref<1x64xi32, #tpu.memory_space<vmem>> -> memref<64xi32, #tpu.memory_space<vmem>>
        %dma_start3A_289 = arith.constant 0 : i32
        %dma_start3A_290 = arith.constant 0 : i32
        %dma_start3A_291 = tpu.memref_slice %arg2[%dma_start3A_289, %dma_start3A_290] : memref<10240x128xf32, #tpu.memory_space<hbm>> -> memref<10240x128xf32, #tpu.memory_space<hbm>>
        tpu.enqueue_indirect_dma source(%dma_start3A_291 : memref<10240x128xf32, #tpu.memory_space<hbm>>) target(%arg8 : memref<64x128xf32, #tpu.memory_space<vmem>>) offsets(%dma_start3A_288 : memref<64xi32, #tpu.memory_space<vmem>>) semaphore(%arg13 : memref<!tpu.dma_semaphore, #tpu.memory_space<semaphore_mem>>)
      } else {
      }
      %mul3A_235 = arith.constant 4 : i32
      %mul3A_236 = arith.muli %scan3A_221, %mul3A_235 : i32
      %add3A_237 = arith.constant 1 : i32
      %add3A_238 = arith.addi %mul3A_236, %add3A_237 : i32
      %dma_wait3A_239 = arith.constant 0 : i32
      %dma_wait3A_240 = tpu.memref_slice %arg6[%add3A_238, %dma_wait3A_239] : memref<40x64xi32, #tpu.memory_space<vmem>> -> memref<1x64xi32, #tpu.memory_space<vmem>>
      %dma_wait3A_241 = tpu.memref_squeeze %dma_wait3A_240 : memref<1x64xi32, #tpu.memory_space<vmem>> -> memref<64xi32, #tpu.memory_space<vmem>>
      %dma_wait3A_242 = arith.constant 0 : i32
      %dma_wait3A_243 = arith.constant 0 : i32
      %dma_wait3A_244 = tpu.memref_slice %arg2[%dma_wait3A_242, %dma_wait3A_243] : memref<10240x128xf32, #tpu.memory_space<hbm>> -> memref<10240x128xf32, #tpu.memory_space<hbm>>
      tpu.wait_indirect_dma semaphore(%arg14 : memref<!tpu.dma_semaphore, #tpu.memory_space<semaphore_mem>>) src(%dma_wait3A_244 : memref<10240x128xf32, #tpu.memory_space<hbm>>) dst(%arg9 : memref<64x128xf32, #tpu.memory_space<vmem>>)
      "tpu.region"() ({
        %run_scoped3A = tpu.sem_alloc : memref<!tpu.dma_semaphore, #tpu.memory_space<semaphore_mem>>
        %dma_start3A_286 = arith.constant 0 : i32
        %dma_start3A_287 = tpu.memref_slice %arg7[%add3A_238, %dma_start3A_286] : memref<40x64xi32, #tpu.memory_space<vmem>> -> memref<1x64xi32, #tpu.memory_space<vmem>>
        %dma_start3A_288 = tpu.memref_squeeze %dma_start3A_287 : memref<1x64xi32, #tpu.memory_space<vmem>> -> memref<64xi32, #tpu.memory_space<vmem>>
        %dma_start3A_289 = arith.constant 0 : i32
        %dma_start3A_290 = arith.constant 0 : i32
        %dma_start3A_291 = tpu.memref_slice %arg12[%dma_start3A_289, %dma_start3A_290] : memref<10112x128xf32, #tpu.memory_space<vmem_shared>> -> memref<10112x128xf32, #tpu.memory_space<vmem_shared>>
        tpu.enqueue_indirect_dma source(%arg9 : memref<64x128xf32, #tpu.memory_space<vmem>>) target(%dma_start3A_291 : memref<10112x128xf32, #tpu.memory_space<vmem_shared>>) offsets(%dma_start3A_288 : memref<64xi32, #tpu.memory_space<vmem>>) semaphore(%run_scoped3A : memref<!tpu.dma_semaphore, #tpu.memory_space<semaphore_mem>>) {add = true}
        %dma_wait3A_292 = arith.constant 0 : i32
        %dma_wait3A_293 = tpu.memref_slice %arg7[%add3A_238, %dma_wait3A_292] : memref<40x64xi32, #tpu.memory_space<vmem>> -> memref<1x64xi32, #tpu.memory_space<vmem>>
        %dma_wait3A_294 = tpu.memref_squeeze %dma_wait3A_293 : memref<1x64xi32, #tpu.memory_space<vmem>> -> memref<64xi32, #tpu.memory_space<vmem>>
        %dma_wait3A_295 = arith.constant 0 : i32
        %dma_wait3A_296 = arith.constant 0 : i32
        %dma_wait3A_297 = tpu.memref_slice %arg12[%dma_wait3A_295, %dma_wait3A_296] : memref<10112x128xf32, #tpu.memory_space<vmem_shared>> -> memref<10112x128xf32, #tpu.memory_space<vmem_shared>>
        tpu.wait_indirect_dma semaphore(%run_scoped3A : memref<!tpu.dma_semaphore, #tpu.memory_space<semaphore_mem>>) src(%arg9 : memref<64x128xf32, #tpu.memory_space<vmem>>) dst(%dma_wait3A_297 : memref<10112x128xf32, #tpu.memory_space<vmem_shared>>)
        tpu.yield
      }) : () -> ()
      %add3A_245 = arith.constant 4 : i32
      %add3A_246 = arith.addi %add3A_238, %add3A_245 : i32
      %lt3A_247 = arith.constant 40 : i32
      %lt3A_248 = arith.cmpi slt, %add3A_246, %lt3A_247 : i32
      %convert_element_type3A_249 = arith.extui %lt3A_248 : i1 to i32
      %cond3A_250 = arith.constant 0 : i32
      %cond3A_251 = arith.cmpi ne, %convert_element_type3A_249, %cond3A_250 : i32
      scf.if %cond3A_251 {
        %dma_start3A_286 = arith.constant 0 : i32
        %dma_start3A_287 = tpu.memref_slice %arg6[%add3A_246, %dma_start3A_286] : memref<40x64xi32, #tpu.memory_space<vmem>> -> memref<1x64xi32, #tpu.memory_space<vmem>>
        %dma_start3A_288 = tpu.memref_squeeze %dma_start3A_287 : memref<1x64xi32, #tpu.memory_space<vmem>> -> memref<64xi32, #tpu.memory_space<vmem>>
        %dma_start3A_289 = arith.constant 0 : i32
        %dma_start3A_290 = arith.constant 0 : i32
        %dma_start3A_291 = tpu.memref_slice %arg2[%dma_start3A_289, %dma_start3A_290] : memref<10240x128xf32, #tpu.memory_space<hbm>> -> memref<10240x128xf32, #tpu.memory_space<hbm>>
        tpu.enqueue_indirect_dma source(%dma_start3A_291 : memref<10240x128xf32, #tpu.memory_space<hbm>>) target(%arg9 : memref<64x128xf32, #tpu.memory_space<vmem>>) offsets(%dma_start3A_288 : memref<64xi32, #tpu.memory_space<vmem>>) semaphore(%arg14 : memref<!tpu.dma_semaphore, #tpu.memory_space<semaphore_mem>>)
      } else {
      }
      %mul3A_252 = arith.constant 4 : i32
      %mul3A_253 = arith.muli %scan3A_221, %mul3A_252 : i32
      %add3A_254 = arith.constant 2 : i32
      %add3A_255 = arith.addi %mul3A_253, %add3A_254 : i32
      %dma_wait3A_256 = arith.constant 0 : i32
      %dma_wait3A_257 = tpu.memref_slice %arg6[%add3A_255, %dma_wait3A_256] : memref<40x64xi32, #tpu.memory_space<vmem>> -> memref<1x64xi32, #tpu.memory_space<vmem>>
      %dma_wait3A_258 = tpu.memref_squeeze %dma_wait3A_257 : memref<1x64xi32, #tpu.memory_space<vmem>> -> memref<64xi32, #tpu.memory_space<vmem>>
      %dma_wait3A_259 = arith.constant 0 : i32
      %dma_wait3A_260 = arith.constant 0 : i32
      %dma_wait3A_261 = tpu.memref_slice %arg2[%dma_wait3A_259, %dma_wait3A_260] : memref<10240x128xf32, #tpu.memory_space<hbm>> -> memref<10240x128xf32, #tpu.memory_space<hbm>>
      tpu.wait_indirect_dma semaphore(%arg15 : memref<!tpu.dma_semaphore, #tpu.memory_space<semaphore_mem>>) src(%dma_wait3A_261 : memref<10240x128xf32, #tpu.memory_space<hbm>>) dst(%arg10 : memref<64x128xf32, #tpu.memory_space<vmem>>)
      "tpu.region"() ({
        %run_scoped3A = tpu.sem_alloc : memref<!tpu.dma_semaphore, #tpu.memory_space<semaphore_mem>>
        %dma_start3A_286 = arith.constant 0 : i32
        %dma_start3A_287 = tpu.memref_slice %arg7[%add3A_255, %dma_start3A_286] : memref<40x64xi32, #tpu.memory_space<vmem>> -> memref<1x64xi32, #tpu.memory_space<vmem>>
        %dma_start3A_288 = tpu.memref_squeeze %dma_start3A_287 : memref<1x64xi32, #tpu.memory_space<vmem>> -> memref<64xi32, #tpu.memory_space<vmem>>
        %dma_start3A_289 = arith.constant 0 : i32
        %dma_start3A_290 = arith.constant 0 : i32
        %dma_start3A_291 = tpu.memref_slice %arg12[%dma_start3A_289, %dma_start3A_290] : memref<10112x128xf32, #tpu.memory_space<vmem_shared>> -> memref<10112x128xf32, #tpu.memory_space<vmem_shared>>
        tpu.enqueue_indirect_dma source(%arg10 : memref<64x128xf32, #tpu.memory_space<vmem>>) target(%dma_start3A_291 : memref<10112x128xf32, #tpu.memory_space<vmem_shared>>) offsets(%dma_start3A_288 : memref<64xi32, #tpu.memory_space<vmem>>) semaphore(%run_scoped3A : memref<!tpu.dma_semaphore, #tpu.memory_space<semaphore_mem>>) {add = true}
        %dma_wait3A_292 = arith.constant 0 : i32
        %dma_wait3A_293 = tpu.memref_slice %arg7[%add3A_255, %dma_wait3A_292] : memref<40x64xi32, #tpu.memory_space<vmem>> -> memref<1x64xi32, #tpu.memory_space<vmem>>
        %dma_wait3A_294 = tpu.memref_squeeze %dma_wait3A_293 : memref<1x64xi32, #tpu.memory_space<vmem>> -> memref<64xi32, #tpu.memory_space<vmem>>
        %dma_wait3A_295 = arith.constant 0 : i32
        %dma_wait3A_296 = arith.constant 0 : i32
        %dma_wait3A_297 = tpu.memref_slice %arg12[%dma_wait3A_295, %dma_wait3A_296] : memref<10112x128xf32, #tpu.memory_space<vmem_shared>> -> memref<10112x128xf32, #tpu.memory_space<vmem_shared>>
        tpu.wait_indirect_dma semaphore(%run_scoped3A : memref<!tpu.dma_semaphore, #tpu.memory_space<semaphore_mem>>) src(%arg10 : memref<64x128xf32, #tpu.memory_space<vmem>>) dst(%dma_wait3A_297 : memref<10112x128xf32, #tpu.memory_space<vmem_shared>>)
        tpu.yield
      }) : () -> ()
      %add3A_262 = arith.constant 4 : i32
      %add3A_263 = arith.addi %add3A_255, %add3A_262 : i32
      %lt3A_264 = arith.constant 40 : i32
      %lt3A_265 = arith.cmpi slt, %add3A_263, %lt3A_264 : i32
      %convert_element_type3A_266 = arith.extui %lt3A_265 : i1 to i32
      %cond3A_267 = arith.constant 0 : i32
      %cond3A_268 = arith.cmpi ne, %convert_element_type3A_266, %cond3A_267 : i32
      scf.if %cond3A_268 {
        %dma_start3A_286 = arith.constant 0 : i32
        %dma_start3A_287 = tpu.memref_slice %arg6[%add3A_263, %dma_start3A_286] : memref<40x64xi32, #tpu.memory_space<vmem>> -> memref<1x64xi32, #tpu.memory_space<vmem>>
        %dma_start3A_288 = tpu.memref_squeeze %dma_start3A_287 : memref<1x64xi32, #tpu.memory_space<vmem>> -> memref<64xi32, #tpu.memory_space<vmem>>
        %dma_start3A_289 = arith.constant 0 : i32
        %dma_start3A_290 = arith.constant 0 : i32
        %dma_start3A_291 = tpu.memref_slice %arg2[%dma_start3A_289, %dma_start3A_290] : memref<10240x128xf32, #tpu.memory_space<hbm>> -> memref<10240x128xf32, #tpu.memory_space<hbm>>
        tpu.enqueue_indirect_dma source(%dma_start3A_291 : memref<10240x128xf32, #tpu.memory_space<hbm>>) target(%arg10 : memref<64x128xf32, #tpu.memory_space<vmem>>) offsets(%dma_start3A_288 : memref<64xi32, #tpu.memory_space<vmem>>) semaphore(%arg15 : memref<!tpu.dma_semaphore, #tpu.memory_space<semaphore_mem>>)
      } else {
      }
      %mul3A_269 = arith.constant 4 : i32
      %mul3A_270 = arith.muli %scan3A_221, %mul3A_269 : i32
      %add3A_271 = arith.constant 3 : i32
      %add3A_272 = arith.addi %mul3A_270, %add3A_271 : i32
      %dma_wait3A_273 = arith.constant 0 : i32
      %dma_wait3A_274 = tpu.memref_slice %arg6[%add3A_272, %dma_wait3A_273] : memref<40x64xi32, #tpu.memory_space<vmem>> -> memref<1x64xi32, #tpu.memory_space<vmem>>
      %dma_wait3A_275 = tpu.memref_squeeze %dma_wait3A_274 : memref<1x64xi32, #tpu.memory_space<vmem>> -> memref<64xi32, #tpu.memory_space<vmem>>
      %dma_wait3A_276 = arith.constant 0 : i32
      %dma_wait3A_277 = arith.constant 0 : i32
      %dma_wait3A_278 = tpu.memref_slice %arg2[%dma_wait3A_276, %dma_wait3A_277] : memref<10240x128xf32, #tpu.memory_space<hbm>> -> memref<10240x128xf32, #tpu.memory_space<hbm>>
      tpu.wait_indirect_dma semaphore(%arg16 : memref<!tpu.dma_semaphore, #tpu.memory_space<semaphore_mem>>) src(%dma_wait3A_278 : memref<10240x128xf32, #tpu.memory_space<hbm>>) dst(%arg11 : memref<64x128xf32, #tpu.memory_space<vmem>>)
      "tpu.region"() ({
        %run_scoped3A = tpu.sem_alloc : memref<!tpu.dma_semaphore, #tpu.memory_space<semaphore_mem>>
        %dma_start3A_286 = arith.constant 0 : i32
        %dma_start3A_287 = tpu.memref_slice %arg7[%add3A_272, %dma_start3A_286] : memref<40x64xi32, #tpu.memory_space<vmem>> -> memref<1x64xi32, #tpu.memory_space<vmem>>
        %dma_start3A_288 = tpu.memref_squeeze %dma_start3A_287 : memref<1x64xi32, #tpu.memory_space<vmem>> -> memref<64xi32, #tpu.memory_space<vmem>>
        %dma_start3A_289 = arith.constant 0 : i32
        %dma_start3A_290 = arith.constant 0 : i32
        %dma_start3A_291 = tpu.memref_slice %arg12[%dma_start3A_289, %dma_start3A_290] : memref<10112x128xf32, #tpu.memory_space<vmem_shared>> -> memref<10112x128xf32, #tpu.memory_space<vmem_shared>>
        tpu.enqueue_indirect_dma source(%arg11 : memref<64x128xf32, #tpu.memory_space<vmem>>) target(%dma_start3A_291 : memref<10112x128xf32, #tpu.memory_space<vmem_shared>>) offsets(%dma_start3A_288 : memref<64xi32, #tpu.memory_space<vmem>>) semaphore(%run_scoped3A : memref<!tpu.dma_semaphore, #tpu.memory_space<semaphore_mem>>) {add = true}
        %dma_wait3A_292 = arith.constant 0 : i32
        %dma_wait3A_293 = tpu.memref_slice %arg7[%add3A_272, %dma_wait3A_292] : memref<40x64xi32, #tpu.memory_space<vmem>> -> memref<1x64xi32, #tpu.memory_space<vmem>>
        %dma_wait3A_294 = tpu.memref_squeeze %dma_wait3A_293 : memref<1x64xi32, #tpu.memory_space<vmem>> -> memref<64xi32, #tpu.memory_space<vmem>>
        %dma_wait3A_295 = arith.constant 0 : i32
        %dma_wait3A_296 = arith.constant 0 : i32
        %dma_wait3A_297 = tpu.memref_slice %arg12[%dma_wait3A_295, %dma_wait3A_296] : memref<10112x128xf32, #tpu.memory_space<vmem_shared>> -> memref<10112x128xf32, #tpu.memory_space<vmem_shared>>
        tpu.wait_indirect_dma semaphore(%run_scoped3A : memref<!tpu.dma_semaphore, #tpu.memory_space<semaphore_mem>>) src(%arg11 : memref<64x128xf32, #tpu.memory_space<vmem>>) dst(%dma_wait3A_297 : memref<10112x128xf32, #tpu.memory_space<vmem_shared>>)
        tpu.yield
      }) : () -> ()
      %add3A_279 = arith.constant 4 : i32
      %add3A_280 = arith.addi %add3A_272, %add3A_279 : i32
      %lt3A_281 = arith.constant 40 : i32
      %lt3A_282 = arith.cmpi slt, %add3A_280, %lt3A_281 : i32
      %convert_element_type3A_283 = arith.extui %lt3A_282 : i1 to i32
      %cond3A_284 = arith.constant 0 : i32
      %cond3A_285 = arith.cmpi ne, %convert_element_type3A_283, %cond3A_284 : i32
      scf.if %cond3A_285 {
        %dma_start3A_286 = arith.constant 0 : i32
        %dma_start3A_287 = tpu.memref_slice %arg6[%add3A_280, %dma_start3A_286] : memref<40x64xi32, #tpu.memory_space<vmem>> -> memref<1x64xi32, #tpu.memory_space<vmem>>
        %dma_start3A_288 = tpu.memref_squeeze %dma_start3A_287 : memref<1x64xi32, #tpu.memory_space<vmem>> -> memref<64xi32, #tpu.memory_space<vmem>>
        %dma_start3A_289 = arith.constant 0 : i32
        %dma_start3A_290 = arith.constant 0 : i32
        %dma_start3A_291 = tpu.memref_slice %arg2[%dma_start3A_289, %dma_start3A_290] : memref<10240x128xf32, #tpu.memory_space<hbm>> -> memref<10240x128xf32, #tpu.memory_space<hbm>>
        tpu.enqueue_indirect_dma source(%dma_start3A_291 : memref<10240x128xf32, #tpu.memory_space<hbm>>) target(%arg11 : memref<64x128xf32, #tpu.memory_space<vmem>>) offsets(%dma_start3A_288 : memref<64xi32, #tpu.memory_space<vmem>>) semaphore(%arg16 : memref<!tpu.dma_semaphore, #tpu.memory_space<semaphore_mem>>)
      } else {
      }
    }
    %scan3A_65 = arith.constant 10 : i32
    %mul3A_66 = arith.constant 160 : i32
    %mul3A_67 = arith.muli %add3A, %mul3A_66 : i32
    %add3A_68 = arith.constant 40 : i32
    %add3A_69 = arith.addi %mul3A_67, %add3A_68 : i32
    "tpu.region"() ({
      %run_scoped3A = tpu.sem_alloc : memref<!tpu.dma_semaphore, #tpu.memory_space<semaphore_mem>>
      %dma_start3A_221 = arith.constant 0 : i32
      %dma_start3A_222 = tpu.memref_slice %arg3[%add3A_69, %dma_start3A_221] : memref<5120x64xi32, #tpu.memory_space<hbm>> -> memref<40x64xi32, #tpu.memory_space<hbm>>
      %dma_start3A_223 = arith.constant 0 : i32
      %dma_start3A_224 = tpu.memref_slice %arg3[%add3A_69, %dma_start3A_223] : memref<5120x64xi32, #tpu.memory_space<hbm>> -> memref<40x64xi32, #tpu.memory_space<hbm>>
      tpu.enqueue_dma source(%dma_start3A_224 : memref<40x64xi32, #tpu.memory_space<hbm>>) target(%arg6 : memref<40x64xi32, #tpu.memory_space<vmem>>) target_semaphore(%run_scoped3A : memref<!tpu.dma_semaphore, #tpu.memory_space<semaphore_mem>>)
      %dma_wait3A = arith.constant 0 : i32
      %dma_wait3A_225 = tpu.memref_slice %arg3[%add3A_69, %dma_wait3A] : memref<5120x64xi32, #tpu.memory_space<hbm>> -> memref<40x64xi32, #tpu.memory_space<hbm>>
      %dma_wait3A_226 = arith.constant 0 : i32
      %dma_wait3A_227 = tpu.memref_slice %arg3[%add3A_69, %dma_wait3A_226] : memref<5120x64xi32, #tpu.memory_space<hbm>> -> memref<40x64xi32, #tpu.memory_space<hbm>>
      tpu.wait_dma2 semaphore(%run_scoped3A : memref<!tpu.dma_semaphore, #tpu.memory_space<semaphore_mem>>) src(%dma_wait3A_227 : memref<40x64xi32, #tpu.memory_space<hbm>>) dst(%arg6 : memref<40x64xi32, #tpu.memory_space<vmem>>)
      tpu.yield
    }) : () -> ()
    "tpu.region"() ({
      %run_scoped3A = tpu.sem_alloc : memref<!tpu.dma_semaphore, #tpu.memory_space<semaphore_mem>>
      %dma_start3A_221 = arith.constant 0 : i32
      %dma_start3A_222 = tpu.memref_slice %arg4[%add3A_69, %dma_start3A_221] : memref<5120x64xi32, #tpu.memory_space<hbm>> -> memref<40x64xi32, #tpu.memory_space<hbm>>
      %dma_start3A_223 = arith.constant 0 : i32
      %dma_start3A_224 = tpu.memref_slice %arg4[%add3A_69, %dma_start3A_223] : memref<5120x64xi32, #tpu.memory_space<hbm>> -> memref<40x64xi32, #tpu.memory_space<hbm>>
      tpu.enqueue_dma source(%dma_start3A_224 : memref<40x64xi32, #tpu.memory_space<hbm>>) target(%arg7 : memref<40x64xi32, #tpu.memory_space<vmem>>) target_semaphore(%run_scoped3A : memref<!tpu.dma_semaphore, #tpu.memory_space<semaphore_mem>>)
      %dma_wait3A = arith.constant 0 : i32
      %dma_wait3A_225 = tpu.memref_slice %arg4[%add3A_69, %dma_wait3A] : memref<5120x64xi32, #tpu.memory_space<hbm>> -> memref<40x64xi32, #tpu.memory_space<hbm>>
      %dma_wait3A_226 = arith.constant 0 : i32
      %dma_wait3A_227 = tpu.memref_slice %arg4[%add3A_69, %dma_wait3A_226] : memref<5120x64xi32, #tpu.memory_space<hbm>> -> memref<40x64xi32, #tpu.memory_space<hbm>>
      tpu.wait_dma2 semaphore(%run_scoped3A : memref<!tpu.dma_semaphore, #tpu.memory_space<semaphore_mem>>) src(%dma_wait3A_227 : memref<40x64xi32, #tpu.memory_space<hbm>>) dst(%arg7 : memref<40x64xi32, #tpu.memory_space<vmem>>)
      tpu.yield
    }) : () -> ()
    %dma_start3A_70 = arith.constant 0 : i32
    %dma_start3A_71 = arith.constant 0 : i32
    %dma_start3A_72 = tpu.memref_slice %arg6[%dma_start3A_70, %dma_start3A_71] : memref<40x64xi32, #tpu.memory_space<vmem>> -> memref<1x64xi32, #tpu.memory_space<vmem>>
    %dma_start3A_73 = tpu.memref_squeeze %dma_start3A_72 : memref<1x64xi32, #tpu.memory_space<vmem>> -> memref<64xi32, #tpu.memory_space<vmem>>
    %dma_start3A_74 = arith.constant 0 : i32
    %dma_start3A_75 = arith.constant 0 : i32
    %dma_start3A_76 = tpu.memref_slice %arg2[%dma_start3A_74, %dma_start3A_75] : memref<10240x128xf32, #tpu.memory_space<hbm>> -> memref<10240x128xf32, #tpu.memory_space<hbm>>
    tpu.enqueue_indirect_dma source(%dma_start3A_76 : memref<10240x128xf32, #tpu.memory_space<hbm>>) target(%arg8 : memref<64x128xf32, #tpu.memory_space<vmem>>) offsets(%dma_start3A_73 : memref<64xi32, #tpu.memory_space<vmem>>) semaphore(%arg13 : memref<!tpu.dma_semaphore, #tpu.memory_space<semaphore_mem>>)
    %dma_start3A_77 = arith.constant 1 : i32
    %dma_start3A_78 = arith.constant 0 : i32
    %dma_start3A_79 = tpu.memref_slice %arg6[%dma_start3A_77, %dma_start3A_78] : memref<40x64xi32, #tpu.memory_space<vmem>> -> memref<1x64xi32, #tpu.memory_space<vmem>>
    %dma_start3A_80 = tpu.memref_squeeze %dma_start3A_79 : memref<1x64xi32, #tpu.memory_space<vmem>> -> memref<64xi32, #tpu.memory_space<vmem>>
    %dma_start3A_81 = arith.constant 0 : i32
    %dma_start3A_82 = arith.constant 0 : i32
    %dma_start3A_83 = tpu.memref_slice %arg2[%dma_start3A_81, %dma_start3A_82] : memref<10240x128xf32, #tpu.memory_space<hbm>> -> memref<10240x128xf32, #tpu.memory_space<hbm>>
    tpu.enqueue_indirect_dma source(%dma_start3A_83 : memref<10240x128xf32, #tpu.memory_space<hbm>>) target(%arg9 : memref<64x128xf32, #tpu.memory_space<vmem>>) offsets(%dma_start3A_80 : memref<64xi32, #tpu.memory_space<vmem>>) semaphore(%arg14 : memref<!tpu.dma_semaphore, #tpu.memory_space<semaphore_mem>>)
    %dma_start3A_84 = arith.constant 2 : i32
    %dma_start3A_85 = arith.constant 0 : i32
    %dma_start3A_86 = tpu.memref_slice %arg6[%dma_start3A_84, %dma_start3A_85] : memref<40x64xi32, #tpu.memory_space<vmem>> -> memref<1x64xi32, #tpu.memory_space<vmem>>
    %dma_start3A_87 = tpu.memref_squeeze %dma_start3A_86 : memref<1x64xi32, #tpu.memory_space<vmem>> -> memref<64xi32, #tpu.memory_space<vmem>>
    %dma_start3A_88 = arith.constant 0 : i32
    %dma_start3A_89 = arith.constant 0 : i32
    %dma_start3A_90 = tpu.memref_slice %arg2[%dma_start3A_88, %dma_start3A_89] : memref<10240x128xf32, #tpu.memory_space<hbm>> -> memref<10240x128xf32, #tpu.memory_space<hbm>>
    tpu.enqueue_indirect_dma source(%dma_start3A_90 : memref<10240x128xf32, #tpu.memory_space<hbm>>) target(%arg10 : memref<64x128xf32, #tpu.memory_space<vmem>>) offsets(%dma_start3A_87 : memref<64xi32, #tpu.memory_space<vmem>>) semaphore(%arg15 : memref<!tpu.dma_semaphore, #tpu.memory_space<semaphore_mem>>)
    %dma_start3A_91 = arith.constant 3 : i32
    %dma_start3A_92 = arith.constant 0 : i32
    %dma_start3A_93 = tpu.memref_slice %arg6[%dma_start3A_91, %dma_start3A_92] : memref<40x64xi32, #tpu.memory_space<vmem>> -> memref<1x64xi32, #tpu.memory_space<vmem>>
    %dma_start3A_94 = tpu.memref_squeeze %dma_start3A_93 : memref<1x64xi32, #tpu.memory_space<vmem>> -> memref<64xi32, #tpu.memory_space<vmem>>
    %dma_start3A_95 = arith.constant 0 : i32
    %dma_start3A_96 = arith.constant 0 : i32
    %dma_start3A_97 = tpu.memref_slice %arg2[%dma_start3A_95, %dma_start3A_96] : memref<10240x128xf32, #tpu.memory_space<hbm>> -> memref<10240x128xf32, #tpu.memory_space<hbm>>
    tpu.enqueue_indirect_dma source(%dma_start3A_97 : memref<10240x128xf32, #tpu.memory_space<hbm>>) target(%arg11 : memref<64x128xf32, #tpu.memory_space<vmem>>) offsets(%dma_start3A_94 : memref<64xi32, #tpu.memory_space<vmem>>) semaphore(%arg16 : memref<!tpu.dma_semaphore, #tpu.memory_space<semaphore_mem>>)
    %scan3A_98 = arith.constant 0 : i32
    %scan3A_99 = arith.constant 0 : i32
    %scan3A_100 = arith.constant 10 : i32
    %scan3A_101 = arith.addi %scan3A_99, %scan3A_100 : i32
    %scan3A_102 = arith.constant 1 : i32
    scf.for %scan3A_221 = %scan3A_99 to %scan3A_101 step %scan3A_102  : i32 {
      %mul3A_222 = arith.constant 4 : i32
      %mul3A_223 = arith.muli %scan3A_221, %mul3A_222 : i32
      %add3A_224 = arith.constant 0 : i32
      %add3A_225 = arith.addi %mul3A_223, %add3A_224 : i32
      %dma_wait3A = arith.constant 0 : i32
      %dma_wait3A_226 = tpu.memref_slice %arg6[%add3A_225, %dma_wait3A] : memref<40x64xi32, #tpu.memory_space<vmem>> -> memref<1x64xi32, #tpu.memory_space<vmem>>
      %dma_wait3A_227 = tpu.memref_squeeze %dma_wait3A_226 : memref<1x64xi32, #tpu.memory_space<vmem>> -> memref<64xi32, #tpu.memory_space<vmem>>
      %dma_wait3A_228 = arith.constant 0 : i32
      %dma_wait3A_229 = arith.constant 0 : i32
      %dma_wait3A_230 = tpu.memref_slice %arg2[%dma_wait3A_228, %dma_wait3A_229] : memref<10240x128xf32, #tpu.memory_space<hbm>> -> memref<10240x128xf32, #tpu.memory_space<hbm>>
      tpu.wait_indirect_dma semaphore(%arg13 : memref<!tpu.dma_semaphore, #tpu.memory_space<semaphore_mem>>) src(%dma_wait3A_230 : memref<10240x128xf32, #tpu.memory_space<hbm>>) dst(%arg8 : memref<64x128xf32, #tpu.memory_space<vmem>>)
      "tpu.region"() ({
        %run_scoped3A = tpu.sem_alloc : memref<!tpu.dma_semaphore, #tpu.memory_space<semaphore_mem>>
        %dma_start3A_286 = arith.constant 0 : i32
        %dma_start3A_287 = tpu.memref_slice %arg7[%add3A_225, %dma_start3A_286] : memref<40x64xi32, #tpu.memory_space<vmem>> -> memref<1x64xi32, #tpu.memory_space<vmem>>
        %dma_start3A_288 = tpu.memref_squeeze %dma_start3A_287 : memref<1x64xi32, #tpu.memory_space<vmem>> -> memref<64xi32, #tpu.memory_space<vmem>>
        %dma_start3A_289 = arith.constant 0 : i32
        %dma_start3A_290 = arith.constant 0 : i32
        %dma_start3A_291 = tpu.memref_slice %arg12[%dma_start3A_289, %dma_start3A_290] : memref<10112x128xf32, #tpu.memory_space<vmem_shared>> -> memref<10112x128xf32, #tpu.memory_space<vmem_shared>>
        tpu.enqueue_indirect_dma source(%arg8 : memref<64x128xf32, #tpu.memory_space<vmem>>) target(%dma_start3A_291 : memref<10112x128xf32, #tpu.memory_space<vmem_shared>>) offsets(%dma_start3A_288 : memref<64xi32, #tpu.memory_space<vmem>>) semaphore(%run_scoped3A : memref<!tpu.dma_semaphore, #tpu.memory_space<semaphore_mem>>) {add = true}
        %dma_wait3A_292 = arith.constant 0 : i32
        %dma_wait3A_293 = tpu.memref_slice %arg7[%add3A_225, %dma_wait3A_292] : memref<40x64xi32, #tpu.memory_space<vmem>> -> memref<1x64xi32, #tpu.memory_space<vmem>>
        %dma_wait3A_294 = tpu.memref_squeeze %dma_wait3A_293 : memref<1x64xi32, #tpu.memory_space<vmem>> -> memref<64xi32, #tpu.memory_space<vmem>>
        %dma_wait3A_295 = arith.constant 0 : i32
        %dma_wait3A_296 = arith.constant 0 : i32
        %dma_wait3A_297 = tpu.memref_slice %arg12[%dma_wait3A_295, %dma_wait3A_296] : memref<10112x128xf32, #tpu.memory_space<vmem_shared>> -> memref<10112x128xf32, #tpu.memory_space<vmem_shared>>
        tpu.wait_indirect_dma semaphore(%run_scoped3A : memref<!tpu.dma_semaphore, #tpu.memory_space<semaphore_mem>>) src(%arg8 : memref<64x128xf32, #tpu.memory_space<vmem>>) dst(%dma_wait3A_297 : memref<10112x128xf32, #tpu.memory_space<vmem_shared>>)
        tpu.yield
      }) : () -> ()
      %add3A_231 = arith.constant 4 : i32
      %add3A_232 = arith.addi %add3A_225, %add3A_231 : i32
      %lt3A = arith.constant 40 : i32
      %lt3A_233 = arith.cmpi slt, %add3A_232, %lt3A : i32
      %convert_element_type3A = arith.extui %lt3A_233 : i1 to i32
      %cond3A = arith.constant 0 : i32
      %cond3A_234 = arith.cmpi ne, %convert_element_type3A, %cond3A : i32
      scf.if %cond3A_234 {
        %dma_start3A_286 = arith.constant 0 : i32
        %dma_start3A_287 = tpu.memref_slice %arg6[%add3A_232, %dma_start3A_286] : memref<40x64xi32, #tpu.memory_space<vmem>> -> memref<1x64xi32, #tpu.memory_space<vmem>>
        %dma_start3A_288 = tpu.memref_squeeze %dma_start3A_287 : memref<1x64xi32, #tpu.memory_space<vmem>> -> memref<64xi32, #tpu.memory_space<vmem>>
        %dma_start3A_289 = arith.constant 0 : i32
        %dma_start3A_290 = arith.constant 0 : i32
        %dma_start3A_291 = tpu.memref_slice %arg2[%dma_start3A_289, %dma_start3A_290] : memref<10240x128xf32, #tpu.memory_space<hbm>> -> memref<10240x128xf32, #tpu.memory_space<hbm>>
        tpu.enqueue_indirect_dma source(%dma_start3A_291 : memref<10240x128xf32, #tpu.memory_space<hbm>>) target(%arg8 : memref<64x128xf32, #tpu.memory_space<vmem>>) offsets(%dma_start3A_288 : memref<64xi32, #tpu.memory_space<vmem>>) semaphore(%arg13 : memref<!tpu.dma_semaphore, #tpu.memory_space<semaphore_mem>>)
      } else {
      }
      %mul3A_235 = arith.constant 4 : i32
      %mul3A_236 = arith.muli %scan3A_221, %mul3A_235 : i32
      %add3A_237 = arith.constant 1 : i32
      %add3A_238 = arith.addi %mul3A_236, %add3A_237 : i32
      %dma_wait3A_239 = arith.constant 0 : i32
      %dma_wait3A_240 = tpu.memref_slice %arg6[%add3A_238, %dma_wait3A_239] : memref<40x64xi32, #tpu.memory_space<vmem>> -> memref<1x64xi32, #tpu.memory_space<vmem>>
      %dma_wait3A_241 = tpu.memref_squeeze %dma_wait3A_240 : memref<1x64xi32, #tpu.memory_space<vmem>> -> memref<64xi32, #tpu.memory_space<vmem>>
      %dma_wait3A_242 = arith.constant 0 : i32
      %dma_wait3A_243 = arith.constant 0 : i32
      %dma_wait3A_244 = tpu.memref_slice %arg2[%dma_wait3A_242, %dma_wait3A_243] : memref<10240x128xf32, #tpu.memory_space<hbm>> -> memref<10240x128xf32, #tpu.memory_space<hbm>>
      tpu.wait_indirect_dma semaphore(%arg14 : memref<!tpu.dma_semaphore, #tpu.memory_space<semaphore_mem>>) src(%dma_wait3A_244 : memref<10240x128xf32, #tpu.memory_space<hbm>>) dst(%arg9 : memref<64x128xf32, #tpu.memory_space<vmem>>)
      "tpu.region"() ({
        %run_scoped3A = tpu.sem_alloc : memref<!tpu.dma_semaphore, #tpu.memory_space<semaphore_mem>>
        %dma_start3A_286 = arith.constant 0 : i32
        %dma_start3A_287 = tpu.memref_slice %arg7[%add3A_238, %dma_start3A_286] : memref<40x64xi32, #tpu.memory_space<vmem>> -> memref<1x64xi32, #tpu.memory_space<vmem>>
        %dma_start3A_288 = tpu.memref_squeeze %dma_start3A_287 : memref<1x64xi32, #tpu.memory_space<vmem>> -> memref<64xi32, #tpu.memory_space<vmem>>
        %dma_start3A_289 = arith.constant 0 : i32
        %dma_start3A_290 = arith.constant 0 : i32
        %dma_start3A_291 = tpu.memref_slice %arg12[%dma_start3A_289, %dma_start3A_290] : memref<10112x128xf32, #tpu.memory_space<vmem_shared>> -> memref<10112x128xf32, #tpu.memory_space<vmem_shared>>
        tpu.enqueue_indirect_dma source(%arg9 : memref<64x128xf32, #tpu.memory_space<vmem>>) target(%dma_start3A_291 : memref<10112x128xf32, #tpu.memory_space<vmem_shared>>) offsets(%dma_start3A_288 : memref<64xi32, #tpu.memory_space<vmem>>) semaphore(%run_scoped3A : memref<!tpu.dma_semaphore, #tpu.memory_space<semaphore_mem>>) {add = true}
        %dma_wait3A_292 = arith.constant 0 : i32
        %dma_wait3A_293 = tpu.memref_slice %arg7[%add3A_238, %dma_wait3A_292] : memref<40x64xi32, #tpu.memory_space<vmem>> -> memref<1x64xi32, #tpu.memory_space<vmem>>
        %dma_wait3A_294 = tpu.memref_squeeze %dma_wait3A_293 : memref<1x64xi32, #tpu.memory_space<vmem>> -> memref<64xi32, #tpu.memory_space<vmem>>
        %dma_wait3A_295 = arith.constant 0 : i32
        %dma_wait3A_296 = arith.constant 0 : i32
        %dma_wait3A_297 = tpu.memref_slice %arg12[%dma_wait3A_295, %dma_wait3A_296] : memref<10112x128xf32, #tpu.memory_space<vmem_shared>> -> memref<10112x128xf32, #tpu.memory_space<vmem_shared>>
        tpu.wait_indirect_dma semaphore(%run_scoped3A : memref<!tpu.dma_semaphore, #tpu.memory_space<semaphore_mem>>) src(%arg9 : memref<64x128xf32, #tpu.memory_space<vmem>>) dst(%dma_wait3A_297 : memref<10112x128xf32, #tpu.memory_space<vmem_shared>>)
        tpu.yield
      }) : () -> ()
      %add3A_245 = arith.constant 4 : i32
      %add3A_246 = arith.addi %add3A_238, %add3A_245 : i32
      %lt3A_247 = arith.constant 40 : i32
      %lt3A_248 = arith.cmpi slt, %add3A_246, %lt3A_247 : i32
      %convert_element_type3A_249 = arith.extui %lt3A_248 : i1 to i32
      %cond3A_250 = arith.constant 0 : i32
      %cond3A_251 = arith.cmpi ne, %convert_element_type3A_249, %cond3A_250 : i32
      scf.if %cond3A_251 {
        %dma_start3A_286 = arith.constant 0 : i32
        %dma_start3A_287 = tpu.memref_slice %arg6[%add3A_246, %dma_start3A_286] : memref<40x64xi32, #tpu.memory_space<vmem>> -> memref<1x64xi32, #tpu.memory_space<vmem>>
        %dma_start3A_288 = tpu.memref_squeeze %dma_start3A_287 : memref<1x64xi32, #tpu.memory_space<vmem>> -> memref<64xi32, #tpu.memory_space<vmem>>
        %dma_start3A_289 = arith.constant 0 : i32
        %dma_start3A_290 = arith.constant 0 : i32
        %dma_start3A_291 = tpu.memref_slice %arg2[%dma_start3A_289, %dma_start3A_290] : memref<10240x128xf32, #tpu.memory_space<hbm>> -> memref<10240x128xf32, #tpu.memory_space<hbm>>
        tpu.enqueue_indirect_dma source(%dma_start3A_291 : memref<10240x128xf32, #tpu.memory_space<hbm>>) target(%arg9 : memref<64x128xf32, #tpu.memory_space<vmem>>) offsets(%dma_start3A_288 : memref<64xi32, #tpu.memory_space<vmem>>) semaphore(%arg14 : memref<!tpu.dma_semaphore, #tpu.memory_space<semaphore_mem>>)
      } else {
      }
      %mul3A_252 = arith.constant 4 : i32
      %mul3A_253 = arith.muli %scan3A_221, %mul3A_252 : i32
      %add3A_254 = arith.constant 2 : i32
      %add3A_255 = arith.addi %mul3A_253, %add3A_254 : i32
      %dma_wait3A_256 = arith.constant 0 : i32
      %dma_wait3A_257 = tpu.memref_slice %arg6[%add3A_255, %dma_wait3A_256] : memref<40x64xi32, #tpu.memory_space<vmem>> -> memref<1x64xi32, #tpu.memory_space<vmem>>
      %dma_wait3A_258 = tpu.memref_squeeze %dma_wait3A_257 : memref<1x64xi32, #tpu.memory_space<vmem>> -> memref<64xi32, #tpu.memory_space<vmem>>
      %dma_wait3A_259 = arith.constant 0 : i32
      %dma_wait3A_260 = arith.constant 0 : i32
      %dma_wait3A_261 = tpu.memref_slice %arg2[%dma_wait3A_259, %dma_wait3A_260] : memref<10240x128xf32, #tpu.memory_space<hbm>> -> memref<10240x128xf32, #tpu.memory_space<hbm>>
      tpu.wait_indirect_dma semaphore(%arg15 : memref<!tpu.dma_semaphore, #tpu.memory_space<semaphore_mem>>) src(%dma_wait3A_261 : memref<10240x128xf32, #tpu.memory_space<hbm>>) dst(%arg10 : memref<64x128xf32, #tpu.memory_space<vmem>>)
      "tpu.region"() ({
        %run_scoped3A = tpu.sem_alloc : memref<!tpu.dma_semaphore, #tpu.memory_space<semaphore_mem>>
        %dma_start3A_286 = arith.constant 0 : i32
        %dma_start3A_287 = tpu.memref_slice %arg7[%add3A_255, %dma_start3A_286] : memref<40x64xi32, #tpu.memory_space<vmem>> -> memref<1x64xi32, #tpu.memory_space<vmem>>
        %dma_start3A_288 = tpu.memref_squeeze %dma_start3A_287 : memref<1x64xi32, #tpu.memory_space<vmem>> -> memref<64xi32, #tpu.memory_space<vmem>>
        %dma_start3A_289 = arith.constant 0 : i32
        %dma_start3A_290 = arith.constant 0 : i32
        %dma_start3A_291 = tpu.memref_slice %arg12[%dma_start3A_289, %dma_start3A_290] : memref<10112x128xf32, #tpu.memory_space<vmem_shared>> -> memref<10112x128xf32, #tpu.memory_space<vmem_shared>>
        tpu.enqueue_indirect_dma source(%arg10 : memref<64x128xf32, #tpu.memory_space<vmem>>) target(%dma_start3A_291 : memref<10112x128xf32, #tpu.memory_space<vmem_shared>>) offsets(%dma_start3A_288 : memref<64xi32, #tpu.memory_space<vmem>>) semaphore(%run_scoped3A : memref<!tpu.dma_semaphore, #tpu.memory_space<semaphore_mem>>) {add = true}
        %dma_wait3A_292 = arith.constant 0 : i32
        %dma_wait3A_293 = tpu.memref_slice %arg7[%add3A_255, %dma_wait3A_292] : memref<40x64xi32, #tpu.memory_space<vmem>> -> memref<1x64xi32, #tpu.memory_space<vmem>>
        %dma_wait3A_294 = tpu.memref_squeeze %dma_wait3A_293 : memref<1x64xi32, #tpu.memory_space<vmem>> -> memref<64xi32, #tpu.memory_space<vmem>>
        %dma_wait3A_295 = arith.constant 0 : i32
        %dma_wait3A_296 = arith.constant 0 : i32
        %dma_wait3A_297 = tpu.memref_slice %arg12[%dma_wait3A_295, %dma_wait3A_296] : memref<10112x128xf32, #tpu.memory_space<vmem_shared>> -> memref<10112x128xf32, #tpu.memory_space<vmem_shared>>
        tpu.wait_indirect_dma semaphore(%run_scoped3A : memref<!tpu.dma_semaphore, #tpu.memory_space<semaphore_mem>>) src(%arg10 : memref<64x128xf32, #tpu.memory_space<vmem>>) dst(%dma_wait3A_297 : memref<10112x128xf32, #tpu.memory_space<vmem_shared>>)
        tpu.yield
      }) : () -> ()
      %add3A_262 = arith.constant 4 : i32
      %add3A_263 = arith.addi %add3A_255, %add3A_262 : i32
      %lt3A_264 = arith.constant 40 : i32
      %lt3A_265 = arith.cmpi slt, %add3A_263, %lt3A_264 : i32
      %convert_element_type3A_266 = arith.extui %lt3A_265 : i1 to i32
      %cond3A_267 = arith.constant 0 : i32
      %cond3A_268 = arith.cmpi ne, %convert_element_type3A_266, %cond3A_267 : i32
      scf.if %cond3A_268 {
        %dma_start3A_286 = arith.constant 0 : i32
        %dma_start3A_287 = tpu.memref_slice %arg6[%add3A_263, %dma_start3A_286] : memref<40x64xi32, #tpu.memory_space<vmem>> -> memref<1x64xi32, #tpu.memory_space<vmem>>
        %dma_start3A_288 = tpu.memref_squeeze %dma_start3A_287 : memref<1x64xi32, #tpu.memory_space<vmem>> -> memref<64xi32, #tpu.memory_space<vmem>>
        %dma_start3A_289 = arith.constant 0 : i32
        %dma_start3A_290 = arith.constant 0 : i32
        %dma_start3A_291 = tpu.memref_slice %arg2[%dma_start3A_289, %dma_start3A_290] : memref<10240x128xf32, #tpu.memory_space<hbm>> -> memref<10240x128xf32, #tpu.memory_space<hbm>>
        tpu.enqueue_indirect_dma source(%dma_start3A_291 : memref<10240x128xf32, #tpu.memory_space<hbm>>) target(%arg10 : memref<64x128xf32, #tpu.memory_space<vmem>>) offsets(%dma_start3A_288 : memref<64xi32, #tpu.memory_space<vmem>>) semaphore(%arg15 : memref<!tpu.dma_semaphore, #tpu.memory_space<semaphore_mem>>)
      } else {
      }
      %mul3A_269 = arith.constant 4 : i32
      %mul3A_270 = arith.muli %scan3A_221, %mul3A_269 : i32
      %add3A_271 = arith.constant 3 : i32
      %add3A_272 = arith.addi %mul3A_270, %add3A_271 : i32
      %dma_wait3A_273 = arith.constant 0 : i32
      %dma_wait3A_274 = tpu.memref_slice %arg6[%add3A_272, %dma_wait3A_273] : memref<40x64xi32, #tpu.memory_space<vmem>> -> memref<1x64xi32, #tpu.memory_space<vmem>>
      %dma_wait3A_275 = tpu.memref_squeeze %dma_wait3A_274 : memref<1x64xi32, #tpu.memory_space<vmem>> -> memref<64xi32, #tpu.memory_space<vmem>>
      %dma_wait3A_276 = arith.constant 0 : i32
      %dma_wait3A_277 = arith.constant 0 : i32
      %dma_wait3A_278 = tpu.memref_slice %arg2[%dma_wait3A_276, %dma_wait3A_277] : memref<10240x128xf32, #tpu.memory_space<hbm>> -> memref<10240x128xf32, #tpu.memory_space<hbm>>
      tpu.wait_indirect_dma semaphore(%arg16 : memref<!tpu.dma_semaphore, #tpu.memory_space<semaphore_mem>>) src(%dma_wait3A_278 : memref<10240x128xf32, #tpu.memory_space<hbm>>) dst(%arg11 : memref<64x128xf32, #tpu.memory_space<vmem>>)
      "tpu.region"() ({
        %run_scoped3A = tpu.sem_alloc : memref<!tpu.dma_semaphore, #tpu.memory_space<semaphore_mem>>
        %dma_start3A_286 = arith.constant 0 : i32
        %dma_start3A_287 = tpu.memref_slice %arg7[%add3A_272, %dma_start3A_286] : memref<40x64xi32, #tpu.memory_space<vmem>> -> memref<1x64xi32, #tpu.memory_space<vmem>>
        %dma_start3A_288 = tpu.memref_squeeze %dma_start3A_287 : memref<1x64xi32, #tpu.memory_space<vmem>> -> memref<64xi32, #tpu.memory_space<vmem>>
        %dma_start3A_289 = arith.constant 0 : i32
        %dma_start3A_290 = arith.constant 0 : i32
        %dma_start3A_291 = tpu.memref_slice %arg12[%dma_start3A_289, %dma_start3A_290] : memref<10112x128xf32, #tpu.memory_space<vmem_shared>> -> memref<10112x128xf32, #tpu.memory_space<vmem_shared>>
        tpu.enqueue_indirect_dma source(%arg11 : memref<64x128xf32, #tpu.memory_space<vmem>>) target(%dma_start3A_291 : memref<10112x128xf32, #tpu.memory_space<vmem_shared>>) offsets(%dma_start3A_288 : memref<64xi32, #tpu.memory_space<vmem>>) semaphore(%run_scoped3A : memref<!tpu.dma_semaphore, #tpu.memory_space<semaphore_mem>>) {add = true}
        %dma_wait3A_292 = arith.constant 0 : i32
        %dma_wait3A_293 = tpu.memref_slice %arg7[%add3A_272, %dma_wait3A_292] : memref<40x64xi32, #tpu.memory_space<vmem>> -> memref<1x64xi32, #tpu.memory_space<vmem>>
        %dma_wait3A_294 = tpu.memref_squeeze %dma_wait3A_293 : memref<1x64xi32, #tpu.memory_space<vmem>> -> memref<64xi32, #tpu.memory_space<vmem>>
        %dma_wait3A_295 = arith.constant 0 : i32
        %dma_wait3A_296 = arith.constant 0 : i32
        %dma_wait3A_297 = tpu.memref_slice %arg12[%dma_wait3A_295, %dma_wait3A_296] : memref<10112x128xf32, #tpu.memory_space<vmem_shared>> -> memref<10112x128xf32, #tpu.memory_space<vmem_shared>>
        tpu.wait_indirect_dma semaphore(%run_scoped3A : memref<!tpu.dma_semaphore, #tpu.memory_space<semaphore_mem>>) src(%arg11 : memref<64x128xf32, #tpu.memory_space<vmem>>) dst(%dma_wait3A_297 : memref<10112x128xf32, #tpu.memory_space<vmem_shared>>)
        tpu.yield
      }) : () -> ()
      %add3A_279 = arith.constant 4 : i32
      %add3A_280 = arith.addi %add3A_272, %add3A_279 : i32
      %lt3A_281 = arith.constant 40 : i32
      %lt3A_282 = arith.cmpi slt, %add3A_280, %lt3A_281 : i32
      %convert_element_type3A_283 = arith.extui %lt3A_282 : i1 to i32
      %cond3A_284 = arith.constant 0 : i32
      %cond3A_285 = arith.cmpi ne, %convert_element_type3A_283, %cond3A_284 : i32
      scf.if %cond3A_285 {
        %dma_start3A_286 = arith.constant 0 : i32
        %dma_start3A_287 = tpu.memref_slice %arg6[%add3A_280, %dma_start3A_286] : memref<40x64xi32, #tpu.memory_space<vmem>> -> memref<1x64xi32, #tpu.memory_space<vmem>>
        %dma_start3A_288 = tpu.memref_squeeze %dma_start3A_287 : memref<1x64xi32, #tpu.memory_space<vmem>> -> memref<64xi32, #tpu.memory_space<vmem>>
        %dma_start3A_289 = arith.constant 0 : i32
        %dma_start3A_290 = arith.constant 0 : i32
        %dma_start3A_291 = tpu.memref_slice %arg2[%dma_start3A_289, %dma_start3A_290] : memref<10240x128xf32, #tpu.memory_space<hbm>> -> memref<10240x128xf32, #tpu.memory_space<hbm>>
        tpu.enqueue_indirect_dma source(%dma_start3A_291 : memref<10240x128xf32, #tpu.memory_space<hbm>>) target(%arg11 : memref<64x128xf32, #tpu.memory_space<vmem>>) offsets(%dma_start3A_288 : memref<64xi32, #tpu.memory_space<vmem>>) semaphore(%arg16 : memref<!tpu.dma_semaphore, #tpu.memory_space<semaphore_mem>>)
      } else {
      }
    }
    %scan3A_103 = arith.constant 10 : i32
    %mul3A_104 = arith.constant 160 : i32
    %mul3A_105 = arith.muli %add3A, %mul3A_104 : i32
    %add3A_106 = arith.constant 80 : i32
    %add3A_107 = arith.addi %mul3A_105, %add3A_106 : i32
    "tpu.region"() ({
      %run_scoped3A = tpu.sem_alloc : memref<!tpu.dma_semaphore, #tpu.memory_space<semaphore_mem>>
      %dma_start3A_221 = arith.constant 0 : i32
      %dma_start3A_222 = tpu.memref_slice %arg3[%add3A_107, %dma_start3A_221] : memref<5120x64xi32, #tpu.memory_space<hbm>> -> memref<40x64xi32, #tpu.memory_space<hbm>>
      %dma_start3A_223 = arith.constant 0 : i32
      %dma_start3A_224 = tpu.memref_slice %arg3[%add3A_107, %dma_start3A_223] : memref<5120x64xi32, #tpu.memory_space<hbm>> -> memref<40x64xi32, #tpu.memory_space<hbm>>
      tpu.enqueue_dma source(%dma_start3A_224 : memref<40x64xi32, #tpu.memory_space<hbm>>) target(%arg6 : memref<40x64xi32, #tpu.memory_space<vmem>>) target_semaphore(%run_scoped3A : memref<!tpu.dma_semaphore, #tpu.memory_space<semaphore_mem>>)
      %dma_wait3A = arith.constant 0 : i32
      %dma_wait3A_225 = tpu.memref_slice %arg3[%add3A_107, %dma_wait3A] : memref<5120x64xi32, #tpu.memory_space<hbm>> -> memref<40x64xi32, #tpu.memory_space<hbm>>
      %dma_wait3A_226 = arith.constant 0 : i32
      %dma_wait3A_227 = tpu.memref_slice %arg3[%add3A_107, %dma_wait3A_226] : memref<5120x64xi32, #tpu.memory_space<hbm>> -> memref<40x64xi32, #tpu.memory_space<hbm>>
      tpu.wait_dma2 semaphore(%run_scoped3A : memref<!tpu.dma_semaphore, #tpu.memory_space<semaphore_mem>>) src(%dma_wait3A_227 : memref<40x64xi32, #tpu.memory_space<hbm>>) dst(%arg6 : memref<40x64xi32, #tpu.memory_space<vmem>>)
      tpu.yield
    }) : () -> ()
    "tpu.region"() ({
      %run_scoped3A = tpu.sem_alloc : memref<!tpu.dma_semaphore, #tpu.memory_space<semaphore_mem>>
      %dma_start3A_221 = arith.constant 0 : i32
      %dma_start3A_222 = tpu.memref_slice %arg4[%add3A_107, %dma_start3A_221] : memref<5120x64xi32, #tpu.memory_space<hbm>> -> memref<40x64xi32, #tpu.memory_space<hbm>>
      %dma_start3A_223 = arith.constant 0 : i32
      %dma_start3A_224 = tpu.memref_slice %arg4[%add3A_107, %dma_start3A_223] : memref<5120x64xi32, #tpu.memory_space<hbm>> -> memref<40x64xi32, #tpu.memory_space<hbm>>
      tpu.enqueue_dma source(%dma_start3A_224 : memref<40x64xi32, #tpu.memory_space<hbm>>) target(%arg7 : memref<40x64xi32, #tpu.memory_space<vmem>>) target_semaphore(%run_scoped3A : memref<!tpu.dma_semaphore, #tpu.memory_space<semaphore_mem>>)
      %dma_wait3A = arith.constant 0 : i32
      %dma_wait3A_225 = tpu.memref_slice %arg4[%add3A_107, %dma_wait3A] : memref<5120x64xi32, #tpu.memory_space<hbm>> -> memref<40x64xi32, #tpu.memory_space<hbm>>
      %dma_wait3A_226 = arith.constant 0 : i32
      %dma_wait3A_227 = tpu.memref_slice %arg4[%add3A_107, %dma_wait3A_226] : memref<5120x64xi32, #tpu.memory_space<hbm>> -> memref<40x64xi32, #tpu.memory_space<hbm>>
      tpu.wait_dma2 semaphore(%run_scoped3A : memref<!tpu.dma_semaphore, #tpu.memory_space<semaphore_mem>>) src(%dma_wait3A_227 : memref<40x64xi32, #tpu.memory_space<hbm>>) dst(%arg7 : memref<40x64xi32, #tpu.memory_space<vmem>>)
      tpu.yield
    }) : () -> ()
    %dma_start3A_108 = arith.constant 0 : i32
    %dma_start3A_109 = arith.constant 0 : i32
    %dma_start3A_110 = tpu.memref_slice %arg6[%dma_start3A_108, %dma_start3A_109] : memref<40x64xi32, #tpu.memory_space<vmem>> -> memref<1x64xi32, #tpu.memory_space<vmem>>
    %dma_start3A_111 = tpu.memref_squeeze %dma_start3A_110 : memref<1x64xi32, #tpu.memory_space<vmem>> -> memref<64xi32, #tpu.memory_space<vmem>>
    %dma_start3A_112 = arith.constant 0 : i32
    %dma_start3A_113 = arith.constant 0 : i32
    %dma_start3A_114 = tpu.memref_slice %arg2[%dma_start3A_112, %dma_start3A_113] : memref<10240x128xf32, #tpu.memory_space<hbm>> -> memref<10240x128xf32, #tpu.memory_space<hbm>>
    tpu.enqueue_indirect_dma source(%dma_start3A_114 : memref<10240x128xf32, #tpu.memory_space<hbm>>) target(%arg8 : memref<64x128xf32, #tpu.memory_space<vmem>>) offsets(%dma_start3A_111 : memref<64xi32, #tpu.memory_space<vmem>>) semaphore(%arg13 : memref<!tpu.dma_semaphore, #tpu.memory_space<semaphore_mem>>)
    %dma_start3A_115 = arith.constant 1 : i32
    %dma_start3A_116 = arith.constant 0 : i32
    %dma_start3A_117 = tpu.memref_slice %arg6[%dma_start3A_115, %dma_start3A_116] : memref<40x64xi32, #tpu.memory_space<vmem>> -> memref<1x64xi32, #tpu.memory_space<vmem>>
    %dma_start3A_118 = tpu.memref_squeeze %dma_start3A_117 : memref<1x64xi32, #tpu.memory_space<vmem>> -> memref<64xi32, #tpu.memory_space<vmem>>
    %dma_start3A_119 = arith.constant 0 : i32
    %dma_start3A_120 = arith.constant 0 : i32
    %dma_start3A_121 = tpu.memref_slice %arg2[%dma_start3A_119, %dma_start3A_120] : memref<10240x128xf32, #tpu.memory_space<hbm>> -> memref<10240x128xf32, #tpu.memory_space<hbm>>
    tpu.enqueue_indirect_dma source(%dma_start3A_121 : memref<10240x128xf32, #tpu.memory_space<hbm>>) target(%arg9 : memref<64x128xf32, #tpu.memory_space<vmem>>) offsets(%dma_start3A_118 : memref<64xi32, #tpu.memory_space<vmem>>) semaphore(%arg14 : memref<!tpu.dma_semaphore, #tpu.memory_space<semaphore_mem>>)
    %dma_start3A_122 = arith.constant 2 : i32
    %dma_start3A_123 = arith.constant 0 : i32
    %dma_start3A_124 = tpu.memref_slice %arg6[%dma_start3A_122, %dma_start3A_123] : memref<40x64xi32, #tpu.memory_space<vmem>> -> memref<1x64xi32, #tpu.memory_space<vmem>>
    %dma_start3A_125 = tpu.memref_squeeze %dma_start3A_124 : memref<1x64xi32, #tpu.memory_space<vmem>> -> memref<64xi32, #tpu.memory_space<vmem>>
    %dma_start3A_126 = arith.constant 0 : i32
    %dma_start3A_127 = arith.constant 0 : i32
    %dma_start3A_128 = tpu.memref_slice %arg2[%dma_start3A_126, %dma_start3A_127] : memref<10240x128xf32, #tpu.memory_space<hbm>> -> memref<10240x128xf32, #tpu.memory_space<hbm>>
    tpu.enqueue_indirect_dma source(%dma_start3A_128 : memref<10240x128xf32, #tpu.memory_space<hbm>>) target(%arg10 : memref<64x128xf32, #tpu.memory_space<vmem>>) offsets(%dma_start3A_125 : memref<64xi32, #tpu.memory_space<vmem>>) semaphore(%arg15 : memref<!tpu.dma_semaphore, #tpu.memory_space<semaphore_mem>>)
    %dma_start3A_129 = arith.constant 3 : i32
    %dma_start3A_130 = arith.constant 0 : i32
    %dma_start3A_131 = tpu.memref_slice %arg6[%dma_start3A_129, %dma_start3A_130] : memref<40x64xi32, #tpu.memory_space<vmem>> -> memref<1x64xi32, #tpu.memory_space<vmem>>
    %dma_start3A_132 = tpu.memref_squeeze %dma_start3A_131 : memref<1x64xi32, #tpu.memory_space<vmem>> -> memref<64xi32, #tpu.memory_space<vmem>>
    %dma_start3A_133 = arith.constant 0 : i32
    %dma_start3A_134 = arith.constant 0 : i32
    %dma_start3A_135 = tpu.memref_slice %arg2[%dma_start3A_133, %dma_start3A_134] : memref<10240x128xf32, #tpu.memory_space<hbm>> -> memref<10240x128xf32, #tpu.memory_space<hbm>>
    tpu.enqueue_indirect_dma source(%dma_start3A_135 : memref<10240x128xf32, #tpu.memory_space<hbm>>) target(%arg11 : memref<64x128xf32, #tpu.memory_space<vmem>>) offsets(%dma_start3A_132 : memref<64xi32, #tpu.memory_space<vmem>>) semaphore(%arg16 : memref<!tpu.dma_semaphore, #tpu.memory_space<semaphore_mem>>)
    %scan3A_136 = arith.constant 0 : i32
    %scan3A_137 = arith.constant 0 : i32
    %scan3A_138 = arith.constant 10 : i32
    %scan3A_139 = arith.addi %scan3A_137, %scan3A_138 : i32
    %scan3A_140 = arith.constant 1 : i32
    scf.for %scan3A_221 = %scan3A_137 to %scan3A_139 step %scan3A_140  : i32 {
      %mul3A_222 = arith.constant 4 : i32
      %mul3A_223 = arith.muli %scan3A_221, %mul3A_222 : i32
      %add3A_224 = arith.constant 0 : i32
      %add3A_225 = arith.addi %mul3A_223, %add3A_224 : i32
      %dma_wait3A = arith.constant 0 : i32
      %dma_wait3A_226 = tpu.memref_slice %arg6[%add3A_225, %dma_wait3A] : memref<40x64xi32, #tpu.memory_space<vmem>> -> memref<1x64xi32, #tpu.memory_space<vmem>>
      %dma_wait3A_227 = tpu.memref_squeeze %dma_wait3A_226 : memref<1x64xi32, #tpu.memory_space<vmem>> -> memref<64xi32, #tpu.memory_space<vmem>>
      %dma_wait3A_228 = arith.constant 0 : i32
      %dma_wait3A_229 = arith.constant 0 : i32
      %dma_wait3A_230 = tpu.memref_slice %arg2[%dma_wait3A_228, %dma_wait3A_229] : memref<10240x128xf32, #tpu.memory_space<hbm>> -> memref<10240x128xf32, #tpu.memory_space<hbm>>
      tpu.wait_indirect_dma semaphore(%arg13 : memref<!tpu.dma_semaphore, #tpu.memory_space<semaphore_mem>>) src(%dma_wait3A_230 : memref<10240x128xf32, #tpu.memory_space<hbm>>) dst(%arg8 : memref<64x128xf32, #tpu.memory_space<vmem>>)
      "tpu.region"() ({
        %run_scoped3A = tpu.sem_alloc : memref<!tpu.dma_semaphore, #tpu.memory_space<semaphore_mem>>
        %dma_start3A_286 = arith.constant 0 : i32
        %dma_start3A_287 = tpu.memref_slice %arg7[%add3A_225, %dma_start3A_286] : memref<40x64xi32, #tpu.memory_space<vmem>> -> memref<1x64xi32, #tpu.memory_space<vmem>>
        %dma_start3A_288 = tpu.memref_squeeze %dma_start3A_287 : memref<1x64xi32, #tpu.memory_space<vmem>> -> memref<64xi32, #tpu.memory_space<vmem>>
        %dma_start3A_289 = arith.constant 0 : i32
        %dma_start3A_290 = arith.constant 0 : i32
        %dma_start3A_291 = tpu.memref_slice %arg12[%dma_start3A_289, %dma_start3A_290] : memref<10112x128xf32, #tpu.memory_space<vmem_shared>> -> memref<10112x128xf32, #tpu.memory_space<vmem_shared>>
        tpu.enqueue_indirect_dma source(%arg8 : memref<64x128xf32, #tpu.memory_space<vmem>>) target(%dma_start3A_291 : memref<10112x128xf32, #tpu.memory_space<vmem_shared>>) offsets(%dma_start3A_288 : memref<64xi32, #tpu.memory_space<vmem>>) semaphore(%run_scoped3A : memref<!tpu.dma_semaphore, #tpu.memory_space<semaphore_mem>>) {add = true}
        %dma_wait3A_292 = arith.constant 0 : i32
        %dma_wait3A_293 = tpu.memref_slice %arg7[%add3A_225, %dma_wait3A_292] : memref<40x64xi32, #tpu.memory_space<vmem>> -> memref<1x64xi32, #tpu.memory_space<vmem>>
        %dma_wait3A_294 = tpu.memref_squeeze %dma_wait3A_293 : memref<1x64xi32, #tpu.memory_space<vmem>> -> memref<64xi32, #tpu.memory_space<vmem>>
        %dma_wait3A_295 = arith.constant 0 : i32
        %dma_wait3A_296 = arith.constant 0 : i32
        %dma_wait3A_297 = tpu.memref_slice %arg12[%dma_wait3A_295, %dma_wait3A_296] : memref<10112x128xf32, #tpu.memory_space<vmem_shared>> -> memref<10112x128xf32, #tpu.memory_space<vmem_shared>>
        tpu.wait_indirect_dma semaphore(%run_scoped3A : memref<!tpu.dma_semaphore, #tpu.memory_space<semaphore_mem>>) src(%arg8 : memref<64x128xf32, #tpu.memory_space<vmem>>) dst(%dma_wait3A_297 : memref<10112x128xf32, #tpu.memory_space<vmem_shared>>)
        tpu.yield
      }) : () -> ()
      %add3A_231 = arith.constant 4 : i32
      %add3A_232 = arith.addi %add3A_225, %add3A_231 : i32
      %lt3A = arith.constant 40 : i32
      %lt3A_233 = arith.cmpi slt, %add3A_232, %lt3A : i32
      %convert_element_type3A = arith.extui %lt3A_233 : i1 to i32
      %cond3A = arith.constant 0 : i32
      %cond3A_234 = arith.cmpi ne, %convert_element_type3A, %cond3A : i32
      scf.if %cond3A_234 {
        %dma_start3A_286 = arith.constant 0 : i32
        %dma_start3A_287 = tpu.memref_slice %arg6[%add3A_232, %dma_start3A_286] : memref<40x64xi32, #tpu.memory_space<vmem>> -> memref<1x64xi32, #tpu.memory_space<vmem>>
        %dma_start3A_288 = tpu.memref_squeeze %dma_start3A_287 : memref<1x64xi32, #tpu.memory_space<vmem>> -> memref<64xi32, #tpu.memory_space<vmem>>
        %dma_start3A_289 = arith.constant 0 : i32
        %dma_start3A_290 = arith.constant 0 : i32
        %dma_start3A_291 = tpu.memref_slice %arg2[%dma_start3A_289, %dma_start3A_290] : memref<10240x128xf32, #tpu.memory_space<hbm>> -> memref<10240x128xf32, #tpu.memory_space<hbm>>
        tpu.enqueue_indirect_dma source(%dma_start3A_291 : memref<10240x128xf32, #tpu.memory_space<hbm>>) target(%arg8 : memref<64x128xf32, #tpu.memory_space<vmem>>) offsets(%dma_start3A_288 : memref<64xi32, #tpu.memory_space<vmem>>) semaphore(%arg13 : memref<!tpu.dma_semaphore, #tpu.memory_space<semaphore_mem>>)
      } else {
      }
      %mul3A_235 = arith.constant 4 : i32
      %mul3A_236 = arith.muli %scan3A_221, %mul3A_235 : i32
      %add3A_237 = arith.constant 1 : i32
      %add3A_238 = arith.addi %mul3A_236, %add3A_237 : i32
      %dma_wait3A_239 = arith.constant 0 : i32
      %dma_wait3A_240 = tpu.memref_slice %arg6[%add3A_238, %dma_wait3A_239] : memref<40x64xi32, #tpu.memory_space<vmem>> -> memref<1x64xi32, #tpu.memory_space<vmem>>
      %dma_wait3A_241 = tpu.memref_squeeze %dma_wait3A_240 : memref<1x64xi32, #tpu.memory_space<vmem>> -> memref<64xi32, #tpu.memory_space<vmem>>
      %dma_wait3A_242 = arith.constant 0 : i32
      %dma_wait3A_243 = arith.constant 0 : i32
      %dma_wait3A_244 = tpu.memref_slice %arg2[%dma_wait3A_242, %dma_wait3A_243] : memref<10240x128xf32, #tpu.memory_space<hbm>> -> memref<10240x128xf32, #tpu.memory_space<hbm>>
      tpu.wait_indirect_dma semaphore(%arg14 : memref<!tpu.dma_semaphore, #tpu.memory_space<semaphore_mem>>) src(%dma_wait3A_244 : memref<10240x128xf32, #tpu.memory_space<hbm>>) dst(%arg9 : memref<64x128xf32, #tpu.memory_space<vmem>>)
      "tpu.region"() ({
        %run_scoped3A = tpu.sem_alloc : memref<!tpu.dma_semaphore, #tpu.memory_space<semaphore_mem>>
        %dma_start3A_286 = arith.constant 0 : i32
        %dma_start3A_287 = tpu.memref_slice %arg7[%add3A_238, %dma_start3A_286] : memref<40x64xi32, #tpu.memory_space<vmem>> -> memref<1x64xi32, #tpu.memory_space<vmem>>
        %dma_start3A_288 = tpu.memref_squeeze %dma_start3A_287 : memref<1x64xi32, #tpu.memory_space<vmem>> -> memref<64xi32, #tpu.memory_space<vmem>>
        %dma_start3A_289 = arith.constant 0 : i32
        %dma_start3A_290 = arith.constant 0 : i32
        %dma_start3A_291 = tpu.memref_slice %arg12[%dma_start3A_289, %dma_start3A_290] : memref<10112x128xf32, #tpu.memory_space<vmem_shared>> -> memref<10112x128xf32, #tpu.memory_space<vmem_shared>>
        tpu.enqueue_indirect_dma source(%arg9 : memref<64x128xf32, #tpu.memory_space<vmem>>) target(%dma_start3A_291 : memref<10112x128xf32, #tpu.memory_space<vmem_shared>>) offsets(%dma_start3A_288 : memref<64xi32, #tpu.memory_space<vmem>>) semaphore(%run_scoped3A : memref<!tpu.dma_semaphore, #tpu.memory_space<semaphore_mem>>) {add = true}
        %dma_wait3A_292 = arith.constant 0 : i32
        %dma_wait3A_293 = tpu.memref_slice %arg7[%add3A_238, %dma_wait3A_292] : memref<40x64xi32, #tpu.memory_space<vmem>> -> memref<1x64xi32, #tpu.memory_space<vmem>>
        %dma_wait3A_294 = tpu.memref_squeeze %dma_wait3A_293 : memref<1x64xi32, #tpu.memory_space<vmem>> -> memref<64xi32, #tpu.memory_space<vmem>>
        %dma_wait3A_295 = arith.constant 0 : i32
        %dma_wait3A_296 = arith.constant 0 : i32
        %dma_wait3A_297 = tpu.memref_slice %arg12[%dma_wait3A_295, %dma_wait3A_296] : memref<10112x128xf32, #tpu.memory_space<vmem_shared>> -> memref<10112x128xf32, #tpu.memory_space<vmem_shared>>
        tpu.wait_indirect_dma semaphore(%run_scoped3A : memref<!tpu.dma_semaphore, #tpu.memory_space<semaphore_mem>>) src(%arg9 : memref<64x128xf32, #tpu.memory_space<vmem>>) dst(%dma_wait3A_297 : memref<10112x128xf32, #tpu.memory_space<vmem_shared>>)
        tpu.yield
      }) : () -> ()
      %add3A_245 = arith.constant 4 : i32
      %add3A_246 = arith.addi %add3A_238, %add3A_245 : i32
      %lt3A_247 = arith.constant 40 : i32
      %lt3A_248 = arith.cmpi slt, %add3A_246, %lt3A_247 : i32
      %convert_element_type3A_249 = arith.extui %lt3A_248 : i1 to i32
      %cond3A_250 = arith.constant 0 : i32
      %cond3A_251 = arith.cmpi ne, %convert_element_type3A_249, %cond3A_250 : i32
      scf.if %cond3A_251 {
        %dma_start3A_286 = arith.constant 0 : i32
        %dma_start3A_287 = tpu.memref_slice %arg6[%add3A_246, %dma_start3A_286] : memref<40x64xi32, #tpu.memory_space<vmem>> -> memref<1x64xi32, #tpu.memory_space<vmem>>
        %dma_start3A_288 = tpu.memref_squeeze %dma_start3A_287 : memref<1x64xi32, #tpu.memory_space<vmem>> -> memref<64xi32, #tpu.memory_space<vmem>>
        %dma_start3A_289 = arith.constant 0 : i32
        %dma_start3A_290 = arith.constant 0 : i32
        %dma_start3A_291 = tpu.memref_slice %arg2[%dma_start3A_289, %dma_start3A_290] : memref<10240x128xf32, #tpu.memory_space<hbm>> -> memref<10240x128xf32, #tpu.memory_space<hbm>>
        tpu.enqueue_indirect_dma source(%dma_start3A_291 : memref<10240x128xf32, #tpu.memory_space<hbm>>) target(%arg9 : memref<64x128xf32, #tpu.memory_space<vmem>>) offsets(%dma_start3A_288 : memref<64xi32, #tpu.memory_space<vmem>>) semaphore(%arg14 : memref<!tpu.dma_semaphore, #tpu.memory_space<semaphore_mem>>)
      } else {
      }
      %mul3A_252 = arith.constant 4 : i32
      %mul3A_253 = arith.muli %scan3A_221, %mul3A_252 : i32
      %add3A_254 = arith.constant 2 : i32
      %add3A_255 = arith.addi %mul3A_253, %add3A_254 : i32
      %dma_wait3A_256 = arith.constant 0 : i32
      %dma_wait3A_257 = tpu.memref_slice %arg6[%add3A_255, %dma_wait3A_256] : memref<40x64xi32, #tpu.memory_space<vmem>> -> memref<1x64xi32, #tpu.memory_space<vmem>>
      %dma_wait3A_258 = tpu.memref_squeeze %dma_wait3A_257 : memref<1x64xi32, #tpu.memory_space<vmem>> -> memref<64xi32, #tpu.memory_space<vmem>>
      %dma_wait3A_259 = arith.constant 0 : i32
      %dma_wait3A_260 = arith.constant 0 : i32
      %dma_wait3A_261 = tpu.memref_slice %arg2[%dma_wait3A_259, %dma_wait3A_260] : memref<10240x128xf32, #tpu.memory_space<hbm>> -> memref<10240x128xf32, #tpu.memory_space<hbm>>
      tpu.wait_indirect_dma semaphore(%arg15 : memref<!tpu.dma_semaphore, #tpu.memory_space<semaphore_mem>>) src(%dma_wait3A_261 : memref<10240x128xf32, #tpu.memory_space<hbm>>) dst(%arg10 : memref<64x128xf32, #tpu.memory_space<vmem>>)
      "tpu.region"() ({
        %run_scoped3A = tpu.sem_alloc : memref<!tpu.dma_semaphore, #tpu.memory_space<semaphore_mem>>
        %dma_start3A_286 = arith.constant 0 : i32
        %dma_start3A_287 = tpu.memref_slice %arg7[%add3A_255, %dma_start3A_286] : memref<40x64xi32, #tpu.memory_space<vmem>> -> memref<1x64xi32, #tpu.memory_space<vmem>>
        %dma_start3A_288 = tpu.memref_squeeze %dma_start3A_287 : memref<1x64xi32, #tpu.memory_space<vmem>> -> memref<64xi32, #tpu.memory_space<vmem>>
        %dma_start3A_289 = arith.constant 0 : i32
        %dma_start3A_290 = arith.constant 0 : i32
        %dma_start3A_291 = tpu.memref_slice %arg12[%dma_start3A_289, %dma_start3A_290] : memref<10112x128xf32, #tpu.memory_space<vmem_shared>> -> memref<10112x128xf32, #tpu.memory_space<vmem_shared>>
        tpu.enqueue_indirect_dma source(%arg10 : memref<64x128xf32, #tpu.memory_space<vmem>>) target(%dma_start3A_291 : memref<10112x128xf32, #tpu.memory_space<vmem_shared>>) offsets(%dma_start3A_288 : memref<64xi32, #tpu.memory_space<vmem>>) semaphore(%run_scoped3A : memref<!tpu.dma_semaphore, #tpu.memory_space<semaphore_mem>>) {add = true}
        %dma_wait3A_292 = arith.constant 0 : i32
        %dma_wait3A_293 = tpu.memref_slice %arg7[%add3A_255, %dma_wait3A_292] : memref<40x64xi32, #tpu.memory_space<vmem>> -> memref<1x64xi32, #tpu.memory_space<vmem>>
        %dma_wait3A_294 = tpu.memref_squeeze %dma_wait3A_293 : memref<1x64xi32, #tpu.memory_space<vmem>> -> memref<64xi32, #tpu.memory_space<vmem>>
        %dma_wait3A_295 = arith.constant 0 : i32
        %dma_wait3A_296 = arith.constant 0 : i32
        %dma_wait3A_297 = tpu.memref_slice %arg12[%dma_wait3A_295, %dma_wait3A_296] : memref<10112x128xf32, #tpu.memory_space<vmem_shared>> -> memref<10112x128xf32, #tpu.memory_space<vmem_shared>>
        tpu.wait_indirect_dma semaphore(%run_scoped3A : memref<!tpu.dma_semaphore, #tpu.memory_space<semaphore_mem>>) src(%arg10 : memref<64x128xf32, #tpu.memory_space<vmem>>) dst(%dma_wait3A_297 : memref<10112x128xf32, #tpu.memory_space<vmem_shared>>)
        tpu.yield
      }) : () -> ()
      %add3A_262 = arith.constant 4 : i32
      %add3A_263 = arith.addi %add3A_255, %add3A_262 : i32
      %lt3A_264 = arith.constant 40 : i32
      %lt3A_265 = arith.cmpi slt, %add3A_263, %lt3A_264 : i32
      %convert_element_type3A_266 = arith.extui %lt3A_265 : i1 to i32
      %cond3A_267 = arith.constant 0 : i32
      %cond3A_268 = arith.cmpi ne, %convert_element_type3A_266, %cond3A_267 : i32
      scf.if %cond3A_268 {
        %dma_start3A_286 = arith.constant 0 : i32
        %dma_start3A_287 = tpu.memref_slice %arg6[%add3A_263, %dma_start3A_286] : memref<40x64xi32, #tpu.memory_space<vmem>> -> memref<1x64xi32, #tpu.memory_space<vmem>>
        %dma_start3A_288 = tpu.memref_squeeze %dma_start3A_287 : memref<1x64xi32, #tpu.memory_space<vmem>> -> memref<64xi32, #tpu.memory_space<vmem>>
        %dma_start3A_289 = arith.constant 0 : i32
        %dma_start3A_290 = arith.constant 0 : i32
        %dma_start3A_291 = tpu.memref_slice %arg2[%dma_start3A_289, %dma_start3A_290] : memref<10240x128xf32, #tpu.memory_space<hbm>> -> memref<10240x128xf32, #tpu.memory_space<hbm>>
        tpu.enqueue_indirect_dma source(%dma_start3A_291 : memref<10240x128xf32, #tpu.memory_space<hbm>>) target(%arg10 : memref<64x128xf32, #tpu.memory_space<vmem>>) offsets(%dma_start3A_288 : memref<64xi32, #tpu.memory_space<vmem>>) semaphore(%arg15 : memref<!tpu.dma_semaphore, #tpu.memory_space<semaphore_mem>>)
      } else {
      }
      %mul3A_269 = arith.constant 4 : i32
      %mul3A_270 = arith.muli %scan3A_221, %mul3A_269 : i32
      %add3A_271 = arith.constant 3 : i32
      %add3A_272 = arith.addi %mul3A_270, %add3A_271 : i32
      %dma_wait3A_273 = arith.constant 0 : i32
      %dma_wait3A_274 = tpu.memref_slice %arg6[%add3A_272, %dma_wait3A_273] : memref<40x64xi32, #tpu.memory_space<vmem>> -> memref<1x64xi32, #tpu.memory_space<vmem>>
      %dma_wait3A_275 = tpu.memref_squeeze %dma_wait3A_274 : memref<1x64xi32, #tpu.memory_space<vmem>> -> memref<64xi32, #tpu.memory_space<vmem>>
      %dma_wait3A_276 = arith.constant 0 : i32
      %dma_wait3A_277 = arith.constant 0 : i32
      %dma_wait3A_278 = tpu.memref_slice %arg2[%dma_wait3A_276, %dma_wait3A_277] : memref<10240x128xf32, #tpu.memory_space<hbm>> -> memref<10240x128xf32, #tpu.memory_space<hbm>>
      tpu.wait_indirect_dma semaphore(%arg16 : memref<!tpu.dma_semaphore, #tpu.memory_space<semaphore_mem>>) src(%dma_wait3A_278 : memref<10240x128xf32, #tpu.memory_space<hbm>>) dst(%arg11 : memref<64x128xf32, #tpu.memory_space<vmem>>)
      "tpu.region"() ({
        %run_scoped3A = tpu.sem_alloc : memref<!tpu.dma_semaphore, #tpu.memory_space<semaphore_mem>>
        %dma_start3A_286 = arith.constant 0 : i32
        %dma_start3A_287 = tpu.memref_slice %arg7[%add3A_272, %dma_start3A_286] : memref<40x64xi32, #tpu.memory_space<vmem>> -> memref<1x64xi32, #tpu.memory_space<vmem>>
        %dma_start3A_288 = tpu.memref_squeeze %dma_start3A_287 : memref<1x64xi32, #tpu.memory_space<vmem>> -> memref<64xi32, #tpu.memory_space<vmem>>
        %dma_start3A_289 = arith.constant 0 : i32
        %dma_start3A_290 = arith.constant 0 : i32
        %dma_start3A_291 = tpu.memref_slice %arg12[%dma_start3A_289, %dma_start3A_290] : memref<10112x128xf32, #tpu.memory_space<vmem_shared>> -> memref<10112x128xf32, #tpu.memory_space<vmem_shared>>
        tpu.enqueue_indirect_dma source(%arg11 : memref<64x128xf32, #tpu.memory_space<vmem>>) target(%dma_start3A_291 : memref<10112x128xf32, #tpu.memory_space<vmem_shared>>) offsets(%dma_start3A_288 : memref<64xi32, #tpu.memory_space<vmem>>) semaphore(%run_scoped3A : memref<!tpu.dma_semaphore, #tpu.memory_space<semaphore_mem>>) {add = true}
        %dma_wait3A_292 = arith.constant 0 : i32
        %dma_wait3A_293 = tpu.memref_slice %arg7[%add3A_272, %dma_wait3A_292] : memref<40x64xi32, #tpu.memory_space<vmem>> -> memref<1x64xi32, #tpu.memory_space<vmem>>
        %dma_wait3A_294 = tpu.memref_squeeze %dma_wait3A_293 : memref<1x64xi32, #tpu.memory_space<vmem>> -> memref<64xi32, #tpu.memory_space<vmem>>
        %dma_wait3A_295 = arith.constant 0 : i32
        %dma_wait3A_296 = arith.constant 0 : i32
        %dma_wait3A_297 = tpu.memref_slice %arg12[%dma_wait3A_295, %dma_wait3A_296] : memref<10112x128xf32, #tpu.memory_space<vmem_shared>> -> memref<10112x128xf32, #tpu.memory_space<vmem_shared>>
        tpu.wait_indirect_dma semaphore(%run_scoped3A : memref<!tpu.dma_semaphore, #tpu.memory_space<semaphore_mem>>) src(%arg11 : memref<64x128xf32, #tpu.memory_space<vmem>>) dst(%dma_wait3A_297 : memref<10112x128xf32, #tpu.memory_space<vmem_shared>>)
        tpu.yield
      }) : () -> ()
      %add3A_279 = arith.constant 4 : i32
      %add3A_280 = arith.addi %add3A_272, %add3A_279 : i32
      %lt3A_281 = arith.constant 40 : i32
      %lt3A_282 = arith.cmpi slt, %add3A_280, %lt3A_281 : i32
      %convert_element_type3A_283 = arith.extui %lt3A_282 : i1 to i32
      %cond3A_284 = arith.constant 0 : i32
      %cond3A_285 = arith.cmpi ne, %convert_element_type3A_283, %cond3A_284 : i32
      scf.if %cond3A_285 {
        %dma_start3A_286 = arith.constant 0 : i32
        %dma_start3A_287 = tpu.memref_slice %arg6[%add3A_280, %dma_start3A_286] : memref<40x64xi32, #tpu.memory_space<vmem>> -> memref<1x64xi32, #tpu.memory_space<vmem>>
        %dma_start3A_288 = tpu.memref_squeeze %dma_start3A_287 : memref<1x64xi32, #tpu.memory_space<vmem>> -> memref<64xi32, #tpu.memory_space<vmem>>
        %dma_start3A_289 = arith.constant 0 : i32
        %dma_start3A_290 = arith.constant 0 : i32
        %dma_start3A_291 = tpu.memref_slice %arg2[%dma_start3A_289, %dma_start3A_290] : memref<10240x128xf32, #tpu.memory_space<hbm>> -> memref<10240x128xf32, #tpu.memory_space<hbm>>
        tpu.enqueue_indirect_dma source(%dma_start3A_291 : memref<10240x128xf32, #tpu.memory_space<hbm>>) target(%arg11 : memref<64x128xf32, #tpu.memory_space<vmem>>) offsets(%dma_start3A_288 : memref<64xi32, #tpu.memory_space<vmem>>) semaphore(%arg16 : memref<!tpu.dma_semaphore, #tpu.memory_space<semaphore_mem>>)
      } else {
      }
    }
    %scan3A_141 = arith.constant 10 : i32
    %mul3A_142 = arith.constant 160 : i32
    %mul3A_143 = arith.muli %add3A, %mul3A_142 : i32
    %add3A_144 = arith.constant 120 : i32
    %add3A_145 = arith.addi %mul3A_143, %add3A_144 : i32
    "tpu.region"() ({
      %run_scoped3A = tpu.sem_alloc : memref<!tpu.dma_semaphore, #tpu.memory_space<semaphore_mem>>
      %dma_start3A_221 = arith.constant 0 : i32
      %dma_start3A_222 = tpu.memref_slice %arg3[%add3A_145, %dma_start3A_221] : memref<5120x64xi32, #tpu.memory_space<hbm>> -> memref<40x64xi32, #tpu.memory_space<hbm>>
      %dma_start3A_223 = arith.constant 0 : i32
      %dma_start3A_224 = tpu.memref_slice %arg3[%add3A_145, %dma_start3A_223] : memref<5120x64xi32, #tpu.memory_space<hbm>> -> memref<40x64xi32, #tpu.memory_space<hbm>>
      tpu.enqueue_dma source(%dma_start3A_224 : memref<40x64xi32, #tpu.memory_space<hbm>>) target(%arg6 : memref<40x64xi32, #tpu.memory_space<vmem>>) target_semaphore(%run_scoped3A : memref<!tpu.dma_semaphore, #tpu.memory_space<semaphore_mem>>)
      %dma_wait3A = arith.constant 0 : i32
      %dma_wait3A_225 = tpu.memref_slice %arg3[%add3A_145, %dma_wait3A] : memref<5120x64xi32, #tpu.memory_space<hbm>> -> memref<40x64xi32, #tpu.memory_space<hbm>>
      %dma_wait3A_226 = arith.constant 0 : i32
      %dma_wait3A_227 = tpu.memref_slice %arg3[%add3A_145, %dma_wait3A_226] : memref<5120x64xi32, #tpu.memory_space<hbm>> -> memref<40x64xi32, #tpu.memory_space<hbm>>
      tpu.wait_dma2 semaphore(%run_scoped3A : memref<!tpu.dma_semaphore, #tpu.memory_space<semaphore_mem>>) src(%dma_wait3A_227 : memref<40x64xi32, #tpu.memory_space<hbm>>) dst(%arg6 : memref<40x64xi32, #tpu.memory_space<vmem>>)
      tpu.yield
    }) : () -> ()
    "tpu.region"() ({
      %run_scoped3A = tpu.sem_alloc : memref<!tpu.dma_semaphore, #tpu.memory_space<semaphore_mem>>
      %dma_start3A_221 = arith.constant 0 : i32
      %dma_start3A_222 = tpu.memref_slice %arg4[%add3A_145, %dma_start3A_221] : memref<5120x64xi32, #tpu.memory_space<hbm>> -> memref<40x64xi32, #tpu.memory_space<hbm>>
      %dma_start3A_223 = arith.constant 0 : i32
      %dma_start3A_224 = tpu.memref_slice %arg4[%add3A_145, %dma_start3A_223] : memref<5120x64xi32, #tpu.memory_space<hbm>> -> memref<40x64xi32, #tpu.memory_space<hbm>>
      tpu.enqueue_dma source(%dma_start3A_224 : memref<40x64xi32, #tpu.memory_space<hbm>>) target(%arg7 : memref<40x64xi32, #tpu.memory_space<vmem>>) target_semaphore(%run_scoped3A : memref<!tpu.dma_semaphore, #tpu.memory_space<semaphore_mem>>)
      %dma_wait3A = arith.constant 0 : i32
      %dma_wait3A_225 = tpu.memref_slice %arg4[%add3A_145, %dma_wait3A] : memref<5120x64xi32, #tpu.memory_space<hbm>> -> memref<40x64xi32, #tpu.memory_space<hbm>>
      %dma_wait3A_226 = arith.constant 0 : i32
      %dma_wait3A_227 = tpu.memref_slice %arg4[%add3A_145, %dma_wait3A_226] : memref<5120x64xi32, #tpu.memory_space<hbm>> -> memref<40x64xi32, #tpu.memory_space<hbm>>
      tpu.wait_dma2 semaphore(%run_scoped3A : memref<!tpu.dma_semaphore, #tpu.memory_space<semaphore_mem>>) src(%dma_wait3A_227 : memref<40x64xi32, #tpu.memory_space<hbm>>) dst(%arg7 : memref<40x64xi32, #tpu.memory_space<vmem>>)
      tpu.yield
    }) : () -> ()
    %dma_start3A_146 = arith.constant 0 : i32
    %dma_start3A_147 = arith.constant 0 : i32
    %dma_start3A_148 = tpu.memref_slice %arg6[%dma_start3A_146, %dma_start3A_147] : memref<40x64xi32, #tpu.memory_space<vmem>> -> memref<1x64xi32, #tpu.memory_space<vmem>>
    %dma_start3A_149 = tpu.memref_squeeze %dma_start3A_148 : memref<1x64xi32, #tpu.memory_space<vmem>> -> memref<64xi32, #tpu.memory_space<vmem>>
    %dma_start3A_150 = arith.constant 0 : i32
    %dma_start3A_151 = arith.constant 0 : i32
    %dma_start3A_152 = tpu.memref_slice %arg2[%dma_start3A_150, %dma_start3A_151] : memref<10240x128xf32, #tpu.memory_space<hbm>> -> memref<10240x128xf32, #tpu.memory_space<hbm>>
    tpu.enqueue_indirect_dma source(%dma_start3A_152 : memref<10240x128xf32, #tpu.memory_space<hbm>>) target(%arg8 : memref<64x128xf32, #tpu.memory_space<vmem>>) offsets(%dma_start3A_149 : memref<64xi32, #tpu.memory_space<vmem>>) semaphore(%arg13 : memref<!tpu.dma_semaphore, #tpu.memory_space<semaphore_mem>>)
    %dma_start3A_153 = arith.constant 1 : i32
    %dma_start3A_154 = arith.constant 0 : i32
    %dma_start3A_155 = tpu.memref_slice %arg6[%dma_start3A_153, %dma_start3A_154] : memref<40x64xi32, #tpu.memory_space<vmem>> -> memref<1x64xi32, #tpu.memory_space<vmem>>
    %dma_start3A_156 = tpu.memref_squeeze %dma_start3A_155 : memref<1x64xi32, #tpu.memory_space<vmem>> -> memref<64xi32, #tpu.memory_space<vmem>>
    %dma_start3A_157 = arith.constant 0 : i32
    %dma_start3A_158 = arith.constant 0 : i32
    %dma_start3A_159 = tpu.memref_slice %arg2[%dma_start3A_157, %dma_start3A_158] : memref<10240x128xf32, #tpu.memory_space<hbm>> -> memref<10240x128xf32, #tpu.memory_space<hbm>>
    tpu.enqueue_indirect_dma source(%dma_start3A_159 : memref<10240x128xf32, #tpu.memory_space<hbm>>) target(%arg9 : memref<64x128xf32, #tpu.memory_space<vmem>>) offsets(%dma_start3A_156 : memref<64xi32, #tpu.memory_space<vmem>>) semaphore(%arg14 : memref<!tpu.dma_semaphore, #tpu.memory_space<semaphore_mem>>)
    %dma_start3A_160 = arith.constant 2 : i32
    %dma_start3A_161 = arith.constant 0 : i32
    %dma_start3A_162 = tpu.memref_slice %arg6[%dma_start3A_160, %dma_start3A_161] : memref<40x64xi32, #tpu.memory_space<vmem>> -> memref<1x64xi32, #tpu.memory_space<vmem>>
    %dma_start3A_163 = tpu.memref_squeeze %dma_start3A_162 : memref<1x64xi32, #tpu.memory_space<vmem>> -> memref<64xi32, #tpu.memory_space<vmem>>
    %dma_start3A_164 = arith.constant 0 : i32
    %dma_start3A_165 = arith.constant 0 : i32
    %dma_start3A_166 = tpu.memref_slice %arg2[%dma_start3A_164, %dma_start3A_165] : memref<10240x128xf32, #tpu.memory_space<hbm>> -> memref<10240x128xf32, #tpu.memory_space<hbm>>
    tpu.enqueue_indirect_dma source(%dma_start3A_166 : memref<10240x128xf32, #tpu.memory_space<hbm>>) target(%arg10 : memref<64x128xf32, #tpu.memory_space<vmem>>) offsets(%dma_start3A_163 : memref<64xi32, #tpu.memory_space<vmem>>) semaphore(%arg15 : memref<!tpu.dma_semaphore, #tpu.memory_space<semaphore_mem>>)
    %dma_start3A_167 = arith.constant 3 : i32
    %dma_start3A_168 = arith.constant 0 : i32
    %dma_start3A_169 = tpu.memref_slice %arg6[%dma_start3A_167, %dma_start3A_168] : memref<40x64xi32, #tpu.memory_space<vmem>> -> memref<1x64xi32, #tpu.memory_space<vmem>>
    %dma_start3A_170 = tpu.memref_squeeze %dma_start3A_169 : memref<1x64xi32, #tpu.memory_space<vmem>> -> memref<64xi32, #tpu.memory_space<vmem>>
    %dma_start3A_171 = arith.constant 0 : i32
    %dma_start3A_172 = arith.constant 0 : i32
    %dma_start3A_173 = tpu.memref_slice %arg2[%dma_start3A_171, %dma_start3A_172] : memref<10240x128xf32, #tpu.memory_space<hbm>> -> memref<10240x128xf32, #tpu.memory_space<hbm>>
    tpu.enqueue_indirect_dma source(%dma_start3A_173 : memref<10240x128xf32, #tpu.memory_space<hbm>>) target(%arg11 : memref<64x128xf32, #tpu.memory_space<vmem>>) offsets(%dma_start3A_170 : memref<64xi32, #tpu.memory_space<vmem>>) semaphore(%arg16 : memref<!tpu.dma_semaphore, #tpu.memory_space<semaphore_mem>>)
    %scan3A_174 = arith.constant 0 : i32
    %scan3A_175 = arith.constant 0 : i32
    %scan3A_176 = arith.constant 10 : i32
    %scan3A_177 = arith.addi %scan3A_175, %scan3A_176 : i32
    %scan3A_178 = arith.constant 1 : i32
    scf.for %scan3A_221 = %scan3A_175 to %scan3A_177 step %scan3A_178  : i32 {
      %mul3A_222 = arith.constant 4 : i32
      %mul3A_223 = arith.muli %scan3A_221, %mul3A_222 : i32
      %add3A_224 = arith.constant 0 : i32
      %add3A_225 = arith.addi %mul3A_223, %add3A_224 : i32
      %dma_wait3A = arith.constant 0 : i32
      %dma_wait3A_226 = tpu.memref_slice %arg6[%add3A_225, %dma_wait3A] : memref<40x64xi32, #tpu.memory_space<vmem>> -> memref<1x64xi32, #tpu.memory_space<vmem>>
      %dma_wait3A_227 = tpu.memref_squeeze %dma_wait3A_226 : memref<1x64xi32, #tpu.memory_space<vmem>> -> memref<64xi32, #tpu.memory_space<vmem>>
      %dma_wait3A_228 = arith.constant 0 : i32
      %dma_wait3A_229 = arith.constant 0 : i32
      %dma_wait3A_230 = tpu.memref_slice %arg2[%dma_wait3A_228, %dma_wait3A_229] : memref<10240x128xf32, #tpu.memory_space<hbm>> -> memref<10240x128xf32, #tpu.memory_space<hbm>>
      tpu.wait_indirect_dma semaphore(%arg13 : memref<!tpu.dma_semaphore, #tpu.memory_space<semaphore_mem>>) src(%dma_wait3A_230 : memref<10240x128xf32, #tpu.memory_space<hbm>>) dst(%arg8 : memref<64x128xf32, #tpu.memory_space<vmem>>)
      "tpu.region"() ({
        %run_scoped3A = tpu.sem_alloc : memref<!tpu.dma_semaphore, #tpu.memory_space<semaphore_mem>>
        %dma_start3A_286 = arith.constant 0 : i32
        %dma_start3A_287 = tpu.memref_slice %arg7[%add3A_225, %dma_start3A_286] : memref<40x64xi32, #tpu.memory_space<vmem>> -> memref<1x64xi32, #tpu.memory_space<vmem>>
        %dma_start3A_288 = tpu.memref_squeeze %dma_start3A_287 : memref<1x64xi32, #tpu.memory_space<vmem>> -> memref<64xi32, #tpu.memory_space<vmem>>
        %dma_start3A_289 = arith.constant 0 : i32
        %dma_start3A_290 = arith.constant 0 : i32
        %dma_start3A_291 = tpu.memref_slice %arg12[%dma_start3A_289, %dma_start3A_290] : memref<10112x128xf32, #tpu.memory_space<vmem_shared>> -> memref<10112x128xf32, #tpu.memory_space<vmem_shared>>
        tpu.enqueue_indirect_dma source(%arg8 : memref<64x128xf32, #tpu.memory_space<vmem>>) target(%dma_start3A_291 : memref<10112x128xf32, #tpu.memory_space<vmem_shared>>) offsets(%dma_start3A_288 : memref<64xi32, #tpu.memory_space<vmem>>) semaphore(%run_scoped3A : memref<!tpu.dma_semaphore, #tpu.memory_space<semaphore_mem>>) {add = true}
        %dma_wait3A_292 = arith.constant 0 : i32
        %dma_wait3A_293 = tpu.memref_slice %arg7[%add3A_225, %dma_wait3A_292] : memref<40x64xi32, #tpu.memory_space<vmem>> -> memref<1x64xi32, #tpu.memory_space<vmem>>
        %dma_wait3A_294 = tpu.memref_squeeze %dma_wait3A_293 : memref<1x64xi32, #tpu.memory_space<vmem>> -> memref<64xi32, #tpu.memory_space<vmem>>
        %dma_wait3A_295 = arith.constant 0 : i32
        %dma_wait3A_296 = arith.constant 0 : i32
        %dma_wait3A_297 = tpu.memref_slice %arg12[%dma_wait3A_295, %dma_wait3A_296] : memref<10112x128xf32, #tpu.memory_space<vmem_shared>> -> memref<10112x128xf32, #tpu.memory_space<vmem_shared>>
        tpu.wait_indirect_dma semaphore(%run_scoped3A : memref<!tpu.dma_semaphore, #tpu.memory_space<semaphore_mem>>) src(%arg8 : memref<64x128xf32, #tpu.memory_space<vmem>>) dst(%dma_wait3A_297 : memref<10112x128xf32, #tpu.memory_space<vmem_shared>>)
        tpu.yield
      }) : () -> ()
      %add3A_231 = arith.constant 4 : i32
      %add3A_232 = arith.addi %add3A_225, %add3A_231 : i32
      %lt3A = arith.constant 40 : i32
      %lt3A_233 = arith.cmpi slt, %add3A_232, %lt3A : i32
      %convert_element_type3A = arith.extui %lt3A_233 : i1 to i32
      %cond3A = arith.constant 0 : i32
      %cond3A_234 = arith.cmpi ne, %convert_element_type3A, %cond3A : i32
      scf.if %cond3A_234 {
        %dma_start3A_286 = arith.constant 0 : i32
        %dma_start3A_287 = tpu.memref_slice %arg6[%add3A_232, %dma_start3A_286] : memref<40x64xi32, #tpu.memory_space<vmem>> -> memref<1x64xi32, #tpu.memory_space<vmem>>
        %dma_start3A_288 = tpu.memref_squeeze %dma_start3A_287 : memref<1x64xi32, #tpu.memory_space<vmem>> -> memref<64xi32, #tpu.memory_space<vmem>>
        %dma_start3A_289 = arith.constant 0 : i32
        %dma_start3A_290 = arith.constant 0 : i32
        %dma_start3A_291 = tpu.memref_slice %arg2[%dma_start3A_289, %dma_start3A_290] : memref<10240x128xf32, #tpu.memory_space<hbm>> -> memref<10240x128xf32, #tpu.memory_space<hbm>>
        tpu.enqueue_indirect_dma source(%dma_start3A_291 : memref<10240x128xf32, #tpu.memory_space<hbm>>) target(%arg8 : memref<64x128xf32, #tpu.memory_space<vmem>>) offsets(%dma_start3A_288 : memref<64xi32, #tpu.memory_space<vmem>>) semaphore(%arg13 : memref<!tpu.dma_semaphore, #tpu.memory_space<semaphore_mem>>)
      } else {
      }
      %mul3A_235 = arith.constant 4 : i32
      %mul3A_236 = arith.muli %scan3A_221, %mul3A_235 : i32
      %add3A_237 = arith.constant 1 : i32
      %add3A_238 = arith.addi %mul3A_236, %add3A_237 : i32
      %dma_wait3A_239 = arith.constant 0 : i32
      %dma_wait3A_240 = tpu.memref_slice %arg6[%add3A_238, %dma_wait3A_239] : memref<40x64xi32, #tpu.memory_space<vmem>> -> memref<1x64xi32, #tpu.memory_space<vmem>>
      %dma_wait3A_241 = tpu.memref_squeeze %dma_wait3A_240 : memref<1x64xi32, #tpu.memory_space<vmem>> -> memref<64xi32, #tpu.memory_space<vmem>>
      %dma_wait3A_242 = arith.constant 0 : i32
      %dma_wait3A_243 = arith.constant 0 : i32
      %dma_wait3A_244 = tpu.memref_slice %arg2[%dma_wait3A_242, %dma_wait3A_243] : memref<10240x128xf32, #tpu.memory_space<hbm>> -> memref<10240x128xf32, #tpu.memory_space<hbm>>
      tpu.wait_indirect_dma semaphore(%arg14 : memref<!tpu.dma_semaphore, #tpu.memory_space<semaphore_mem>>) src(%dma_wait3A_244 : memref<10240x128xf32, #tpu.memory_space<hbm>>) dst(%arg9 : memref<64x128xf32, #tpu.memory_space<vmem>>)
      "tpu.region"() ({
        %run_scoped3A = tpu.sem_alloc : memref<!tpu.dma_semaphore, #tpu.memory_space<semaphore_mem>>
        %dma_start3A_286 = arith.constant 0 : i32
        %dma_start3A_287 = tpu.memref_slice %arg7[%add3A_238, %dma_start3A_286] : memref<40x64xi32, #tpu.memory_space<vmem>> -> memref<1x64xi32, #tpu.memory_space<vmem>>
        %dma_start3A_288 = tpu.memref_squeeze %dma_start3A_287 : memref<1x64xi32, #tpu.memory_space<vmem>> -> memref<64xi32, #tpu.memory_space<vmem>>
        %dma_start3A_289 = arith.constant 0 : i32
        %dma_start3A_290 = arith.constant 0 : i32
        %dma_start3A_291 = tpu.memref_slice %arg12[%dma_start3A_289, %dma_start3A_290] : memref<10112x128xf32, #tpu.memory_space<vmem_shared>> -> memref<10112x128xf32, #tpu.memory_space<vmem_shared>>
        tpu.enqueue_indirect_dma source(%arg9 : memref<64x128xf32, #tpu.memory_space<vmem>>) target(%dma_start3A_291 : memref<10112x128xf32, #tpu.memory_space<vmem_shared>>) offsets(%dma_start3A_288 : memref<64xi32, #tpu.memory_space<vmem>>) semaphore(%run_scoped3A : memref<!tpu.dma_semaphore, #tpu.memory_space<semaphore_mem>>) {add = true}
        %dma_wait3A_292 = arith.constant 0 : i32
        %dma_wait3A_293 = tpu.memref_slice %arg7[%add3A_238, %dma_wait3A_292] : memref<40x64xi32, #tpu.memory_space<vmem>> -> memref<1x64xi32, #tpu.memory_space<vmem>>
        %dma_wait3A_294 = tpu.memref_squeeze %dma_wait3A_293 : memref<1x64xi32, #tpu.memory_space<vmem>> -> memref<64xi32, #tpu.memory_space<vmem>>
        %dma_wait3A_295 = arith.constant 0 : i32
        %dma_wait3A_296 = arith.constant 0 : i32
        %dma_wait3A_297 = tpu.memref_slice %arg12[%dma_wait3A_295, %dma_wait3A_296] : memref<10112x128xf32, #tpu.memory_space<vmem_shared>> -> memref<10112x128xf32, #tpu.memory_space<vmem_shared>>
        tpu.wait_indirect_dma semaphore(%run_scoped3A : memref<!tpu.dma_semaphore, #tpu.memory_space<semaphore_mem>>) src(%arg9 : memref<64x128xf32, #tpu.memory_space<vmem>>) dst(%dma_wait3A_297 : memref<10112x128xf32, #tpu.memory_space<vmem_shared>>)
        tpu.yield
      }) : () -> ()
      %add3A_245 = arith.constant 4 : i32
      %add3A_246 = arith.addi %add3A_238, %add3A_245 : i32
      %lt3A_247 = arith.constant 40 : i32
      %lt3A_248 = arith.cmpi slt, %add3A_246, %lt3A_247 : i32
      %convert_element_type3A_249 = arith.extui %lt3A_248 : i1 to i32
      %cond3A_250 = arith.constant 0 : i32
      %cond3A_251 = arith.cmpi ne, %convert_element_type3A_249, %cond3A_250 : i32
      scf.if %cond3A_251 {
        %dma_start3A_286 = arith.constant 0 : i32
        %dma_start3A_287 = tpu.memref_slice %arg6[%add3A_246, %dma_start3A_286] : memref<40x64xi32, #tpu.memory_space<vmem>> -> memref<1x64xi32, #tpu.memory_space<vmem>>
        %dma_start3A_288 = tpu.memref_squeeze %dma_start3A_287 : memref<1x64xi32, #tpu.memory_space<vmem>> -> memref<64xi32, #tpu.memory_space<vmem>>
        %dma_start3A_289 = arith.constant 0 : i32
        %dma_start3A_290 = arith.constant 0 : i32
        %dma_start3A_291 = tpu.memref_slice %arg2[%dma_start3A_289, %dma_start3A_290] : memref<10240x128xf32, #tpu.memory_space<hbm>> -> memref<10240x128xf32, #tpu.memory_space<hbm>>
        tpu.enqueue_indirect_dma source(%dma_start3A_291 : memref<10240x128xf32, #tpu.memory_space<hbm>>) target(%arg9 : memref<64x128xf32, #tpu.memory_space<vmem>>) offsets(%dma_start3A_288 : memref<64xi32, #tpu.memory_space<vmem>>) semaphore(%arg14 : memref<!tpu.dma_semaphore, #tpu.memory_space<semaphore_mem>>)
      } else {
      }
      %mul3A_252 = arith.constant 4 : i32
      %mul3A_253 = arith.muli %scan3A_221, %mul3A_252 : i32
      %add3A_254 = arith.constant 2 : i32
      %add3A_255 = arith.addi %mul3A_253, %add3A_254 : i32
      %dma_wait3A_256 = arith.constant 0 : i32
      %dma_wait3A_257 = tpu.memref_slice %arg6[%add3A_255, %dma_wait3A_256] : memref<40x64xi32, #tpu.memory_space<vmem>> -> memref<1x64xi32, #tpu.memory_space<vmem>>
      %dma_wait3A_258 = tpu.memref_squeeze %dma_wait3A_257 : memref<1x64xi32, #tpu.memory_space<vmem>> -> memref<64xi32, #tpu.memory_space<vmem>>
      %dma_wait3A_259 = arith.constant 0 : i32
      %dma_wait3A_260 = arith.constant 0 : i32
      %dma_wait3A_261 = tpu.memref_slice %arg2[%dma_wait3A_259, %dma_wait3A_260] : memref<10240x128xf32, #tpu.memory_space<hbm>> -> memref<10240x128xf32, #tpu.memory_space<hbm>>
      tpu.wait_indirect_dma semaphore(%arg15 : memref<!tpu.dma_semaphore, #tpu.memory_space<semaphore_mem>>) src(%dma_wait3A_261 : memref<10240x128xf32, #tpu.memory_space<hbm>>) dst(%arg10 : memref<64x128xf32, #tpu.memory_space<vmem>>)
      "tpu.region"() ({
        %run_scoped3A = tpu.sem_alloc : memref<!tpu.dma_semaphore, #tpu.memory_space<semaphore_mem>>
        %dma_start3A_286 = arith.constant 0 : i32
        %dma_start3A_287 = tpu.memref_slice %arg7[%add3A_255, %dma_start3A_286] : memref<40x64xi32, #tpu.memory_space<vmem>> -> memref<1x64xi32, #tpu.memory_space<vmem>>
        %dma_start3A_288 = tpu.memref_squeeze %dma_start3A_287 : memref<1x64xi32, #tpu.memory_space<vmem>> -> memref<64xi32, #tpu.memory_space<vmem>>
        %dma_start3A_289 = arith.constant 0 : i32
        %dma_start3A_290 = arith.constant 0 : i32
        %dma_start3A_291 = tpu.memref_slice %arg12[%dma_start3A_289, %dma_start3A_290] : memref<10112x128xf32, #tpu.memory_space<vmem_shared>> -> memref<10112x128xf32, #tpu.memory_space<vmem_shared>>
        tpu.enqueue_indirect_dma source(%arg10 : memref<64x128xf32, #tpu.memory_space<vmem>>) target(%dma_start3A_291 : memref<10112x128xf32, #tpu.memory_space<vmem_shared>>) offsets(%dma_start3A_288 : memref<64xi32, #tpu.memory_space<vmem>>) semaphore(%run_scoped3A : memref<!tpu.dma_semaphore, #tpu.memory_space<semaphore_mem>>) {add = true}
        %dma_wait3A_292 = arith.constant 0 : i32
        %dma_wait3A_293 = tpu.memref_slice %arg7[%add3A_255, %dma_wait3A_292] : memref<40x64xi32, #tpu.memory_space<vmem>> -> memref<1x64xi32, #tpu.memory_space<vmem>>
        %dma_wait3A_294 = tpu.memref_squeeze %dma_wait3A_293 : memref<1x64xi32, #tpu.memory_space<vmem>> -> memref<64xi32, #tpu.memory_space<vmem>>
        %dma_wait3A_295 = arith.constant 0 : i32
        %dma_wait3A_296 = arith.constant 0 : i32
        %dma_wait3A_297 = tpu.memref_slice %arg12[%dma_wait3A_295, %dma_wait3A_296] : memref<10112x128xf32, #tpu.memory_space<vmem_shared>> -> memref<10112x128xf32, #tpu.memory_space<vmem_shared>>
        tpu.wait_indirect_dma semaphore(%run_scoped3A : memref<!tpu.dma_semaphore, #tpu.memory_space<semaphore_mem>>) src(%arg10 : memref<64x128xf32, #tpu.memory_space<vmem>>) dst(%dma_wait3A_297 : memref<10112x128xf32, #tpu.memory_space<vmem_shared>>)
        tpu.yield
      }) : () -> ()
      %add3A_262 = arith.constant 4 : i32
      %add3A_263 = arith.addi %add3A_255, %add3A_262 : i32
      %lt3A_264 = arith.constant 40 : i32
      %lt3A_265 = arith.cmpi slt, %add3A_263, %lt3A_264 : i32
      %convert_element_type3A_266 = arith.extui %lt3A_265 : i1 to i32
      %cond3A_267 = arith.constant 0 : i32
      %cond3A_268 = arith.cmpi ne, %convert_element_type3A_266, %cond3A_267 : i32
      scf.if %cond3A_268 {
        %dma_start3A_286 = arith.constant 0 : i32
        %dma_start3A_287 = tpu.memref_slice %arg6[%add3A_263, %dma_start3A_286] : memref<40x64xi32, #tpu.memory_space<vmem>> -> memref<1x64xi32, #tpu.memory_space<vmem>>
        %dma_start3A_288 = tpu.memref_squeeze %dma_start3A_287 : memref<1x64xi32, #tpu.memory_space<vmem>> -> memref<64xi32, #tpu.memory_space<vmem>>
        %dma_start3A_289 = arith.constant 0 : i32
        %dma_start3A_290 = arith.constant 0 : i32
        %dma_start3A_291 = tpu.memref_slice %arg2[%dma_start3A_289, %dma_start3A_290] : memref<10240x128xf32, #tpu.memory_space<hbm>> -> memref<10240x128xf32, #tpu.memory_space<hbm>>
        tpu.enqueue_indirect_dma source(%dma_start3A_291 : memref<10240x128xf32, #tpu.memory_space<hbm>>) target(%arg10 : memref<64x128xf32, #tpu.memory_space<vmem>>) offsets(%dma_start3A_288 : memref<64xi32, #tpu.memory_space<vmem>>) semaphore(%arg15 : memref<!tpu.dma_semaphore, #tpu.memory_space<semaphore_mem>>)
      } else {
      }
      %mul3A_269 = arith.constant 4 : i32
      %mul3A_270 = arith.muli %scan3A_221, %mul3A_269 : i32
      %add3A_271 = arith.constant 3 : i32
      %add3A_272 = arith.addi %mul3A_270, %add3A_271 : i32
      %dma_wait3A_273 = arith.constant 0 : i32
      %dma_wait3A_274 = tpu.memref_slice %arg6[%add3A_272, %dma_wait3A_273] : memref<40x64xi32, #tpu.memory_space<vmem>> -> memref<1x64xi32, #tpu.memory_space<vmem>>
      %dma_wait3A_275 = tpu.memref_squeeze %dma_wait3A_274 : memref<1x64xi32, #tpu.memory_space<vmem>> -> memref<64xi32, #tpu.memory_space<vmem>>
      %dma_wait3A_276 = arith.constant 0 : i32
      %dma_wait3A_277 = arith.constant 0 : i32
      %dma_wait3A_278 = tpu.memref_slice %arg2[%dma_wait3A_276, %dma_wait3A_277] : memref<10240x128xf32, #tpu.memory_space<hbm>> -> memref<10240x128xf32, #tpu.memory_space<hbm>>
      tpu.wait_indirect_dma semaphore(%arg16 : memref<!tpu.dma_semaphore, #tpu.memory_space<semaphore_mem>>) src(%dma_wait3A_278 : memref<10240x128xf32, #tpu.memory_space<hbm>>) dst(%arg11 : memref<64x128xf32, #tpu.memory_space<vmem>>)
      "tpu.region"() ({
        %run_scoped3A = tpu.sem_alloc : memref<!tpu.dma_semaphore, #tpu.memory_space<semaphore_mem>>
        %dma_start3A_286 = arith.constant 0 : i32
        %dma_start3A_287 = tpu.memref_slice %arg7[%add3A_272, %dma_start3A_286] : memref<40x64xi32, #tpu.memory_space<vmem>> -> memref<1x64xi32, #tpu.memory_space<vmem>>
        %dma_start3A_288 = tpu.memref_squeeze %dma_start3A_287 : memref<1x64xi32, #tpu.memory_space<vmem>> -> memref<64xi32, #tpu.memory_space<vmem>>
        %dma_start3A_289 = arith.constant 0 : i32
        %dma_start3A_290 = arith.constant 0 : i32
        %dma_start3A_291 = tpu.memref_slice %arg12[%dma_start3A_289, %dma_start3A_290] : memref<10112x128xf32, #tpu.memory_space<vmem_shared>> -> memref<10112x128xf32, #tpu.memory_space<vmem_shared>>
        tpu.enqueue_indirect_dma source(%arg11 : memref<64x128xf32, #tpu.memory_space<vmem>>) target(%dma_start3A_291 : memref<10112x128xf32, #tpu.memory_space<vmem_shared>>) offsets(%dma_start3A_288 : memref<64xi32, #tpu.memory_space<vmem>>) semaphore(%run_scoped3A : memref<!tpu.dma_semaphore, #tpu.memory_space<semaphore_mem>>) {add = true}
        %dma_wait3A_292 = arith.constant 0 : i32
        %dma_wait3A_293 = tpu.memref_slice %arg7[%add3A_272, %dma_wait3A_292] : memref<40x64xi32, #tpu.memory_space<vmem>> -> memref<1x64xi32, #tpu.memory_space<vmem>>
        %dma_wait3A_294 = tpu.memref_squeeze %dma_wait3A_293 : memref<1x64xi32, #tpu.memory_space<vmem>> -> memref<64xi32, #tpu.memory_space<vmem>>
        %dma_wait3A_295 = arith.constant 0 : i32
        %dma_wait3A_296 = arith.constant 0 : i32
        %dma_wait3A_297 = tpu.memref_slice %arg12[%dma_wait3A_295, %dma_wait3A_296] : memref<10112x128xf32, #tpu.memory_space<vmem_shared>> -> memref<10112x128xf32, #tpu.memory_space<vmem_shared>>
        tpu.wait_indirect_dma semaphore(%run_scoped3A : memref<!tpu.dma_semaphore, #tpu.memory_space<semaphore_mem>>) src(%arg11 : memref<64x128xf32, #tpu.memory_space<vmem>>) dst(%dma_wait3A_297 : memref<10112x128xf32, #tpu.memory_space<vmem_shared>>)
        tpu.yield
      }) : () -> ()
      %add3A_279 = arith.constant 4 : i32
      %add3A_280 = arith.addi %add3A_272, %add3A_279 : i32
      %lt3A_281 = arith.constant 40 : i32
      %lt3A_282 = arith.cmpi slt, %add3A_280, %lt3A_281 : i32
      %convert_element_type3A_283 = arith.extui %lt3A_282 : i1 to i32
      %cond3A_284 = arith.constant 0 : i32
      %cond3A_285 = arith.cmpi ne, %convert_element_type3A_283, %cond3A_284 : i32
      scf.if %cond3A_285 {
        %dma_start3A_286 = arith.constant 0 : i32
        %dma_start3A_287 = tpu.memref_slice %arg6[%add3A_280, %dma_start3A_286] : memref<40x64xi32, #tpu.memory_space<vmem>> -> memref<1x64xi32, #tpu.memory_space<vmem>>
        %dma_start3A_288 = tpu.memref_squeeze %dma_start3A_287 : memref<1x64xi32, #tpu.memory_space<vmem>> -> memref<64xi32, #tpu.memory_space<vmem>>
        %dma_start3A_289 = arith.constant 0 : i32
        %dma_start3A_290 = arith.constant 0 : i32
        %dma_start3A_291 = tpu.memref_slice %arg2[%dma_start3A_289, %dma_start3A_290] : memref<10240x128xf32, #tpu.memory_space<hbm>> -> memref<10240x128xf32, #tpu.memory_space<hbm>>
        tpu.enqueue_indirect_dma source(%dma_start3A_291 : memref<10240x128xf32, #tpu.memory_space<hbm>>) target(%arg11 : memref<64x128xf32, #tpu.memory_space<vmem>>) offsets(%dma_start3A_288 : memref<64xi32, #tpu.memory_space<vmem>>) semaphore(%arg16 : memref<!tpu.dma_semaphore, #tpu.memory_space<semaphore_mem>>)
      } else {
      }
    }
    %scan3A_179 = arith.constant 10 : i32
    %barrier3A_180 = arith.constant 0 : index
    tpu.barrier barrier_id(%barrier3A_180)
    %add3A_181 = arith.constant 0 : i32
    %add3A_182 = arith.addi %mul3A_2, %add3A_181 : i32
    %add3A_183 = arith.constant 0 : i32
    %add3A_184 = arith.addi %mul3A_2, %add3A_183 : i32
    "tpu.region"() ({
      %run_scoped3A = tpu.sem_alloc : memref<!tpu.dma_semaphore, #tpu.memory_space<semaphore_mem>>
      %dma_start3A_221 = arith.constant 0 : i32
      %dma_start3A_222 = tpu.memref_slice %arg5[%arg0, %add3A_184, %dma_start3A_221] : memref<2x10240x128xf32, #tpu.memory_space<hbm>> -> memref<1x64x128xf32, #tpu.memory_space<hbm>>
      %dma_start3A_223 = tpu.memref_squeeze %dma_start3A_222 : memref<1x64x128xf32, #tpu.memory_space<hbm>> -> memref<64x128xf32, #tpu.memory_space<hbm>>
      %dma_start3A_224 = arith.constant 0 : i32
      %dma_start3A_225 = tpu.memref_slice %arg12[%add3A_182, %dma_start3A_224] : memref<10112x128xf32, #tpu.memory_space<vmem_shared>> -> memref<64x128xf32, #tpu.memory_space<vmem_shared>>
      tpu.enqueue_dma source(%dma_start3A_225 : memref<64x128xf32, #tpu.memory_space<vmem_shared>>) target(%dma_start3A_223 : memref<64x128xf32, #tpu.memory_space<hbm>>) target_semaphore(%run_scoped3A : memref<!tpu.dma_semaphore, #tpu.memory_space<semaphore_mem>>)
      %dma_wait3A = arith.constant 0 : i32
      %dma_wait3A_226 = tpu.memref_slice %arg5[%arg0, %add3A_184, %dma_wait3A] : memref<2x10240x128xf32, #tpu.memory_space<hbm>> -> memref<1x64x128xf32, #tpu.memory_space<hbm>>
      %dma_wait3A_227 = tpu.memref_squeeze %dma_wait3A_226 : memref<1x64x128xf32, #tpu.memory_space<hbm>> -> memref<64x128xf32, #tpu.memory_space<hbm>>
      %dma_wait3A_228 = arith.constant 0 : i32
      %dma_wait3A_229 = tpu.memref_slice %arg12[%add3A_182, %dma_wait3A_228] : memref<10112x128xf32, #tpu.memory_space<vmem_shared>> -> memref<64x128xf32, #tpu.memory_space<vmem_shared>>
      tpu.wait_dma2 semaphore(%run_scoped3A : memref<!tpu.dma_semaphore, #tpu.memory_space<semaphore_mem>>) src(%dma_wait3A_229 : memref<64x128xf32, #tpu.memory_space<vmem_shared>>) dst(%dma_wait3A_227 : memref<64x128xf32, #tpu.memory_space<hbm>>)
      tpu.yield
    }) : () -> ()
    %add3A_185 = arith.constant 64 : i32
    %add3A_186 = arith.addi %mul3A_2, %add3A_185 : i32
    %add3A_187 = arith.constant 64 : i32
    %add3A_188 = arith.addi %mul3A_2, %add3A_187 : i32
    "tpu.region"() ({
      %run_scoped3A = tpu.sem_alloc : memref<!tpu.dma_semaphore, #tpu.memory_space<semaphore_mem>>
      %dma_start3A_221 = arith.constant 0 : i32
      %dma_start3A_222 = tpu.memref_slice %arg5[%arg0, %add3A_188, %dma_start3A_221] : memref<2x10240x128xf32, #tpu.memory_space<hbm>> -> memref<1x64x128xf32, #tpu.memory_space<hbm>>
      %dma_start3A_223 = tpu.memref_squeeze %dma_start3A_222 : memref<1x64x128xf32, #tpu.memory_space<hbm>> -> memref<64x128xf32, #tpu.memory_space<hbm>>
      %dma_start3A_224 = arith.constant 0 : i32
      %dma_start3A_225 = tpu.memref_slice %arg12[%add3A_186, %dma_start3A_224] : memref<10112x128xf32, #tpu.memory_space<vmem_shared>> -> memref<64x128xf32, #tpu.memory_space<vmem_shared>>
      tpu.enqueue_dma source(%dma_start3A_225 : memref<64x128xf32, #tpu.memory_space<vmem_shared>>) target(%dma_start3A_223 : memref<64x128xf32, #tpu.memory_space<hbm>>) target_semaphore(%run_scoped3A : memref<!tpu.dma_semaphore, #tpu.memory_space<semaphore_mem>>)
      %dma_wait3A = arith.constant 0 : i32
      %dma_wait3A_226 = tpu.memref_slice %arg5[%arg0, %add3A_188, %dma_wait3A] : memref<2x10240x128xf32, #tpu.memory_space<hbm>> -> memref<1x64x128xf32, #tpu.memory_space<hbm>>
      %dma_wait3A_227 = tpu.memref_squeeze %dma_wait3A_226 : memref<1x64x128xf32, #tpu.memory_space<hbm>> -> memref<64x128xf32, #tpu.memory_space<hbm>>
      %dma_wait3A_228 = arith.constant 0 : i32
      %dma_wait3A_229 = tpu.memref_slice %arg12[%add3A_186, %dma_wait3A_228] : memref<10112x128xf32, #tpu.memory_space<vmem_shared>> -> memref<64x128xf32, #tpu.memory_space<vmem_shared>>
      tpu.wait_dma2 semaphore(%run_scoped3A : memref<!tpu.dma_semaphore, #tpu.memory_space<semaphore_mem>>) src(%dma_wait3A_229 : memref<64x128xf32, #tpu.memory_space<vmem_shared>>) dst(%dma_wait3A_227 : memref<64x128xf32, #tpu.memory_space<hbm>>)
      tpu.yield
    }) : () -> ()
    %add3A_189 = arith.constant 128 : i32
    %add3A_190 = arith.addi %mul3A_2, %add3A_189 : i32
    %add3A_191 = arith.constant 128 : i32
    %add3A_192 = arith.addi %mul3A_2, %add3A_191 : i32
    "tpu.region"() ({
      %run_scoped3A = tpu.sem_alloc : memref<!tpu.dma_semaphore, #tpu.memory_space<semaphore_mem>>
      %dma_start3A_221 = arith.constant 0 : i32
      %dma_start3A_222 = tpu.memref_slice %arg5[%arg0, %add3A_192, %dma_start3A_221] : memref<2x10240x128xf32, #tpu.memory_space<hbm>> -> memref<1x64x128xf32, #tpu.memory_space<hbm>>
      %dma_start3A_223 = tpu.memref_squeeze %dma_start3A_222 : memref<1x64x128xf32, #tpu.memory_space<hbm>> -> memref<64x128xf32, #tpu.memory_space<hbm>>
      %dma_start3A_224 = arith.constant 0 : i32
      %dma_start3A_225 = tpu.memref_slice %arg12[%add3A_190, %dma_start3A_224] : memref<10112x128xf32, #tpu.memory_space<vmem_shared>> -> memref<64x128xf32, #tpu.memory_space<vmem_shared>>
      tpu.enqueue_dma source(%dma_start3A_225 : memref<64x128xf32, #tpu.memory_space<vmem_shared>>) target(%dma_start3A_223 : memref<64x128xf32, #tpu.memory_space<hbm>>) target_semaphore(%run_scoped3A : memref<!tpu.dma_semaphore, #tpu.memory_space<semaphore_mem>>)
      %dma_wait3A = arith.constant 0 : i32
      %dma_wait3A_226 = tpu.memref_slice %arg5[%arg0, %add3A_192, %dma_wait3A] : memref<2x10240x128xf32, #tpu.memory_space<hbm>> -> memref<1x64x128xf32, #tpu.memory_space<hbm>>
      %dma_wait3A_227 = tpu.memref_squeeze %dma_wait3A_226 : memref<1x64x128xf32, #tpu.memory_space<hbm>> -> memref<64x128xf32, #tpu.memory_space<hbm>>
      %dma_wait3A_228 = arith.constant 0 : i32
      %dma_wait3A_229 = tpu.memref_slice %arg12[%add3A_190, %dma_wait3A_228] : memref<10112x128xf32, #tpu.memory_space<vmem_shared>> -> memref<64x128xf32, #tpu.memory_space<vmem_shared>>
      tpu.wait_dma2 semaphore(%run_scoped3A : memref<!tpu.dma_semaphore, #tpu.memory_space<semaphore_mem>>) src(%dma_wait3A_229 : memref<64x128xf32, #tpu.memory_space<vmem_shared>>) dst(%dma_wait3A_227 : memref<64x128xf32, #tpu.memory_space<hbm>>)
      tpu.yield
    }) : () -> ()
    %add3A_193 = arith.constant 192 : i32
    %add3A_194 = arith.addi %mul3A_2, %add3A_193 : i32
    %add3A_195 = arith.constant 192 : i32
    %add3A_196 = arith.addi %mul3A_2, %add3A_195 : i32
    "tpu.region"() ({
      %run_scoped3A = tpu.sem_alloc : memref<!tpu.dma_semaphore, #tpu.memory_space<semaphore_mem>>
      %dma_start3A_221 = arith.constant 0 : i32
      %dma_start3A_222 = tpu.memref_slice %arg5[%arg0, %add3A_196, %dma_start3A_221] : memref<2x10240x128xf32, #tpu.memory_space<hbm>> -> memref<1x64x128xf32, #tpu.memory_space<hbm>>
      %dma_start3A_223 = tpu.memref_squeeze %dma_start3A_222 : memref<1x64x128xf32, #tpu.memory_space<hbm>> -> memref<64x128xf32, #tpu.memory_space<hbm>>
      %dma_start3A_224 = arith.constant 0 : i32
      %dma_start3A_225 = tpu.memref_slice %arg12[%add3A_194, %dma_start3A_224] : memref<10112x128xf32, #tpu.memory_space<vmem_shared>> -> memref<64x128xf32, #tpu.memory_space<vmem_shared>>
      tpu.enqueue_dma source(%dma_start3A_225 : memref<64x128xf32, #tpu.memory_space<vmem_shared>>) target(%dma_start3A_223 : memref<64x128xf32, #tpu.memory_space<hbm>>) target_semaphore(%run_scoped3A : memref<!tpu.dma_semaphore, #tpu.memory_space<semaphore_mem>>)
      %dma_wait3A = arith.constant 0 : i32
      %dma_wait3A_226 = tpu.memref_slice %arg5[%arg0, %add3A_196, %dma_wait3A] : memref<2x10240x128xf32, #tpu.memory_space<hbm>> -> memref<1x64x128xf32, #tpu.memory_space<hbm>>
      %dma_wait3A_227 = tpu.memref_squeeze %dma_wait3A_226 : memref<1x64x128xf32, #tpu.memory_space<hbm>> -> memref<64x128xf32, #tpu.memory_space<hbm>>
      %dma_wait3A_228 = arith.constant 0 : i32
      %dma_wait3A_229 = tpu.memref_slice %arg12[%add3A_194, %dma_wait3A_228] : memref<10112x128xf32, #tpu.memory_space<vmem_shared>> -> memref<64x128xf32, #tpu.memory_space<vmem_shared>>
      tpu.wait_dma2 semaphore(%run_scoped3A : memref<!tpu.dma_semaphore, #tpu.memory_space<semaphore_mem>>) src(%dma_wait3A_229 : memref<64x128xf32, #tpu.memory_space<vmem_shared>>) dst(%dma_wait3A_227 : memref<64x128xf32, #tpu.memory_space<hbm>>)
      tpu.yield
    }) : () -> ()
    %add3A_197 = arith.constant 256 : i32
    %add3A_198 = arith.addi %mul3A_2, %add3A_197 : i32
    %add3A_199 = arith.constant 256 : i32
    %add3A_200 = arith.addi %mul3A_2, %add3A_199 : i32
    "tpu.region"() ({
      %run_scoped3A = tpu.sem_alloc : memref<!tpu.dma_semaphore, #tpu.memory_space<semaphore_mem>>
      %dma_start3A_221 = arith.constant 0 : i32
      %dma_start3A_222 = tpu.memref_slice %arg5[%arg0, %add3A_200, %dma_start3A_221] : memref<2x10240x128xf32, #tpu.memory_space<hbm>> -> memref<1x64x128xf32, #tpu.memory_space<hbm>>
      %dma_start3A_223 = tpu.memref_squeeze %dma_start3A_222 : memref<1x64x128xf32, #tpu.memory_space<hbm>> -> memref<64x128xf32, #tpu.memory_space<hbm>>
      %dma_start3A_224 = arith.constant 0 : i32
      %dma_start3A_225 = tpu.memref_slice %arg12[%add3A_198, %dma_start3A_224] : memref<10112x128xf32, #tpu.memory_space<vmem_shared>> -> memref<64x128xf32, #tpu.memory_space<vmem_shared>>
      tpu.enqueue_dma source(%dma_start3A_225 : memref<64x128xf32, #tpu.memory_space<vmem_shared>>) target(%dma_start3A_223 : memref<64x128xf32, #tpu.memory_space<hbm>>) target_semaphore(%run_scoped3A : memref<!tpu.dma_semaphore, #tpu.memory_space<semaphore_mem>>)
      %dma_wait3A = arith.constant 0 : i32
      %dma_wait3A_226 = tpu.memref_slice %arg5[%arg0, %add3A_200, %dma_wait3A] : memref<2x10240x128xf32, #tpu.memory_space<hbm>> -> memref<1x64x128xf32, #tpu.memory_space<hbm>>
      %dma_wait3A_227 = tpu.memref_squeeze %dma_wait3A_226 : memref<1x64x128xf32, #tpu.memory_space<hbm>> -> memref<64x128xf32, #tpu.memory_space<hbm>>
      %dma_wait3A_228 = arith.constant 0 : i32
      %dma_wait3A_229 = tpu.memref_slice %arg12[%add3A_198, %dma_wait3A_228] : memref<10112x128xf32, #tpu.memory_space<vmem_shared>> -> memref<64x128xf32, #tpu.memory_space<vmem_shared>>
      tpu.wait_dma2 semaphore(%run_scoped3A : memref<!tpu.dma_semaphore, #tpu.memory_space<semaphore_mem>>) src(%dma_wait3A_229 : memref<64x128xf32, #tpu.memory_space<vmem_shared>>) dst(%dma_wait3A_227 : memref<64x128xf32, #tpu.memory_space<hbm>>)
      tpu.yield
    }) : () -> ()
    %add3A_201 = arith.constant 320 : i32
    %add3A_202 = arith.addi %mul3A_2, %add3A_201 : i32
    %add3A_203 = arith.constant 320 : i32
    %add3A_204 = arith.addi %mul3A_2, %add3A_203 : i32
    "tpu.region"() ({
      %run_scoped3A = tpu.sem_alloc : memref<!tpu.dma_semaphore, #tpu.memory_space<semaphore_mem>>
      %dma_start3A_221 = arith.constant 0 : i32
      %dma_start3A_222 = tpu.memref_slice %arg5[%arg0, %add3A_204, %dma_start3A_221] : memref<2x10240x128xf32, #tpu.memory_space<hbm>> -> memref<1x64x128xf32, #tpu.memory_space<hbm>>
      %dma_start3A_223 = tpu.memref_squeeze %dma_start3A_222 : memref<1x64x128xf32, #tpu.memory_space<hbm>> -> memref<64x128xf32, #tpu.memory_space<hbm>>
      %dma_start3A_224 = arith.constant 0 : i32
      %dma_start3A_225 = tpu.memref_slice %arg12[%add3A_202, %dma_start3A_224] : memref<10112x128xf32, #tpu.memory_space<vmem_shared>> -> memref<64x128xf32, #tpu.memory_space<vmem_shared>>
      tpu.enqueue_dma source(%dma_start3A_225 : memref<64x128xf32, #tpu.memory_space<vmem_shared>>) target(%dma_start3A_223 : memref<64x128xf32, #tpu.memory_space<hbm>>) target_semaphore(%run_scoped3A : memref<!tpu.dma_semaphore, #tpu.memory_space<semaphore_mem>>)
      %dma_wait3A = arith.constant 0 : i32
      %dma_wait3A_226 = tpu.memref_slice %arg5[%arg0, %add3A_204, %dma_wait3A] : memref<2x10240x128xf32, #tpu.memory_space<hbm>> -> memref<1x64x128xf32, #tpu.memory_space<hbm>>
      %dma_wait3A_227 = tpu.memref_squeeze %dma_wait3A_226 : memref<1x64x128xf32, #tpu.memory_space<hbm>> -> memref<64x128xf32, #tpu.memory_space<hbm>>
      %dma_wait3A_228 = arith.constant 0 : i32
      %dma_wait3A_229 = tpu.memref_slice %arg12[%add3A_202, %dma_wait3A_228] : memref<10112x128xf32, #tpu.memory_space<vmem_shared>> -> memref<64x128xf32, #tpu.memory_space<vmem_shared>>
      tpu.wait_dma2 semaphore(%run_scoped3A : memref<!tpu.dma_semaphore, #tpu.memory_space<semaphore_mem>>) src(%dma_wait3A_229 : memref<64x128xf32, #tpu.memory_space<vmem_shared>>) dst(%dma_wait3A_227 : memref<64x128xf32, #tpu.memory_space<hbm>>)
      tpu.yield
    }) : () -> ()
    %add3A_205 = arith.constant 384 : i32
    %add3A_206 = arith.addi %mul3A_2, %add3A_205 : i32
    %add3A_207 = arith.constant 384 : i32
    %add3A_208 = arith.addi %mul3A_2, %add3A_207 : i32
    "tpu.region"() ({
      %run_scoped3A = tpu.sem_alloc : memref<!tpu.dma_semaphore, #tpu.memory_space<semaphore_mem>>
      %dma_start3A_221 = arith.constant 0 : i32
      %dma_start3A_222 = tpu.memref_slice %arg5[%arg0, %add3A_208, %dma_start3A_221] : memref<2x10240x128xf32, #tpu.memory_space<hbm>> -> memref<1x64x128xf32, #tpu.memory_space<hbm>>
      %dma_start3A_223 = tpu.memref_squeeze %dma_start3A_222 : memref<1x64x128xf32, #tpu.memory_space<hbm>> -> memref<64x128xf32, #tpu.memory_space<hbm>>
      %dma_start3A_224 = arith.constant 0 : i32
      %dma_start3A_225 = tpu.memref_slice %arg12[%add3A_206, %dma_start3A_224] : memref<10112x128xf32, #tpu.memory_space<vmem_shared>> -> memref<64x128xf32, #tpu.memory_space<vmem_shared>>
      tpu.enqueue_dma source(%dma_start3A_225 : memref<64x128xf32, #tpu.memory_space<vmem_shared>>) target(%dma_start3A_223 : memref<64x128xf32, #tpu.memory_space<hbm>>) target_semaphore(%run_scoped3A : memref<!tpu.dma_semaphore, #tpu.memory_space<semaphore_mem>>)
      %dma_wait3A = arith.constant 0 : i32
      %dma_wait3A_226 = tpu.memref_slice %arg5[%arg0, %add3A_208, %dma_wait3A] : memref<2x10240x128xf32, #tpu.memory_space<hbm>> -> memref<1x64x128xf32, #tpu.memory_space<hbm>>
      %dma_wait3A_227 = tpu.memref_squeeze %dma_wait3A_226 : memref<1x64x128xf32, #tpu.memory_space<hbm>> -> memref<64x128xf32, #tpu.memory_space<hbm>>
      %dma_wait3A_228 = arith.constant 0 : i32
      %dma_wait3A_229 = tpu.memref_slice %arg12[%add3A_206, %dma_wait3A_228] : memref<10112x128xf32, #tpu.memory_space<vmem_shared>> -> memref<64x128xf32, #tpu.memory_space<vmem_shared>>
      tpu.wait_dma2 semaphore(%run_scoped3A : memref<!tpu.dma_semaphore, #tpu.memory_space<semaphore_mem>>) src(%dma_wait3A_229 : memref<64x128xf32, #tpu.memory_space<vmem_shared>>) dst(%dma_wait3A_227 : memref<64x128xf32, #tpu.memory_space<hbm>>)
      tpu.yield
    }) : () -> ()
    %add3A_209 = arith.constant 448 : i32
    %add3A_210 = arith.addi %mul3A_2, %add3A_209 : i32
    %add3A_211 = arith.constant 448 : i32
    %add3A_212 = arith.addi %mul3A_2, %add3A_211 : i32
    "tpu.region"() ({
      %run_scoped3A = tpu.sem_alloc : memref<!tpu.dma_semaphore, #tpu.memory_space<semaphore_mem>>
      %dma_start3A_221 = arith.constant 0 : i32
      %dma_start3A_222 = tpu.memref_slice %arg5[%arg0, %add3A_212, %dma_start3A_221] : memref<2x10240x128xf32, #tpu.memory_space<hbm>> -> memref<1x64x128xf32, #tpu.memory_space<hbm>>
      %dma_start3A_223 = tpu.memref_squeeze %dma_start3A_222 : memref<1x64x128xf32, #tpu.memory_space<hbm>> -> memref<64x128xf32, #tpu.memory_space<hbm>>
      %dma_start3A_224 = arith.constant 0 : i32
      %dma_start3A_225 = tpu.memref_slice %arg12[%add3A_210, %dma_start3A_224] : memref<10112x128xf32, #tpu.memory_space<vmem_shared>> -> memref<64x128xf32, #tpu.memory_space<vmem_shared>>
      tpu.enqueue_dma source(%dma_start3A_225 : memref<64x128xf32, #tpu.memory_space<vmem_shared>>) target(%dma_start3A_223 : memref<64x128xf32, #tpu.memory_space<hbm>>) target_semaphore(%run_scoped3A : memref<!tpu.dma_semaphore, #tpu.memory_space<semaphore_mem>>)
      %dma_wait3A = arith.constant 0 : i32
      %dma_wait3A_226 = tpu.memref_slice %arg5[%arg0, %add3A_212, %dma_wait3A] : memref<2x10240x128xf32, #tpu.memory_space<hbm>> -> memref<1x64x128xf32, #tpu.memory_space<hbm>>
      %dma_wait3A_227 = tpu.memref_squeeze %dma_wait3A_226 : memref<1x64x128xf32, #tpu.memory_space<hbm>> -> memref<64x128xf32, #tpu.memory_space<hbm>>
      %dma_wait3A_228 = arith.constant 0 : i32
      %dma_wait3A_229 = tpu.memref_slice %arg12[%add3A_210, %dma_wait3A_228] : memref<10112x128xf32, #tpu.memory_space<vmem_shared>> -> memref<64x128xf32, #tpu.memory_space<vmem_shared>>
      tpu.wait_dma2 semaphore(%run_scoped3A : memref<!tpu.dma_semaphore, #tpu.memory_space<semaphore_mem>>) src(%dma_wait3A_229 : memref<64x128xf32, #tpu.memory_space<vmem_shared>>) dst(%dma_wait3A_227 : memref<64x128xf32, #tpu.memory_space<hbm>>)
      tpu.yield
    }) : () -> ()
    %add3A_213 = arith.constant 512 : i32
    %add3A_214 = arith.addi %mul3A_2, %add3A_213 : i32
    %add3A_215 = arith.constant 512 : i32
    %add3A_216 = arith.addi %mul3A_2, %add3A_215 : i32
    "tpu.region"() ({
      %run_scoped3A = tpu.sem_alloc : memref<!tpu.dma_semaphore, #tpu.memory_space<semaphore_mem>>
      %dma_start3A_221 = arith.constant 0 : i32
      %dma_start3A_222 = tpu.memref_slice %arg5[%arg0, %add3A_216, %dma_start3A_221] : memref<2x10240x128xf32, #tpu.memory_space<hbm>> -> memref<1x64x128xf32, #tpu.memory_space<hbm>>
      %dma_start3A_223 = tpu.memref_squeeze %dma_start3A_222 : memref<1x64x128xf32, #tpu.memory_space<hbm>> -> memref<64x128xf32, #tpu.memory_space<hbm>>
      %dma_start3A_224 = arith.constant 0 : i32
      %dma_start3A_225 = tpu.memref_slice %arg12[%add3A_214, %dma_start3A_224] : memref<10112x128xf32, #tpu.memory_space<vmem_shared>> -> memref<64x128xf32, #tpu.memory_space<vmem_shared>>
      tpu.enqueue_dma source(%dma_start3A_225 : memref<64x128xf32, #tpu.memory_space<vmem_shared>>) target(%dma_start3A_223 : memref<64x128xf32, #tpu.memory_space<hbm>>) target_semaphore(%run_scoped3A : memref<!tpu.dma_semaphore, #tpu.memory_space<semaphore_mem>>)
      %dma_wait3A = arith.constant 0 : i32
      %dma_wait3A_226 = tpu.memref_slice %arg5[%arg0, %add3A_216, %dma_wait3A] : memref<2x10240x128xf32, #tpu.memory_space<hbm>> -> memref<1x64x128xf32, #tpu.memory_space<hbm>>
      %dma_wait3A_227 = tpu.memref_squeeze %dma_wait3A_226 : memref<1x64x128xf32, #tpu.memory_space<hbm>> -> memref<64x128xf32, #tpu.memory_space<hbm>>
      %dma_wait3A_228 = arith.constant 0 : i32
      %dma_wait3A_229 = tpu.memref_slice %arg12[%add3A_214, %dma_wait3A_228] : memref<10112x128xf32, #tpu.memory_space<vmem_shared>> -> memref<64x128xf32, #tpu.memory_space<vmem_shared>>
      tpu.wait_dma2 semaphore(%run_scoped3A : memref<!tpu.dma_semaphore, #tpu.memory_space<semaphore_mem>>) src(%dma_wait3A_229 : memref<64x128xf32, #tpu.memory_space<vmem_shared>>) dst(%dma_wait3A_227 : memref<64x128xf32, #tpu.memory_space<hbm>>)
      tpu.yield
    }) : () -> ()
    %add3A_217 = arith.constant 576 : i32
    %add3A_218 = arith.addi %mul3A_2, %add3A_217 : i32
    %add3A_219 = arith.constant 576 : i32
    %add3A_220 = arith.addi %mul3A_2, %add3A_219 : i32
    "tpu.region"() ({
      %run_scoped3A = tpu.sem_alloc : memref<!tpu.dma_semaphore, #tpu.memory_space<semaphore_mem>>
      %dma_start3A_221 = arith.constant 0 : i32
      %dma_start3A_222 = tpu.memref_slice %arg5[%arg0, %add3A_220, %dma_start3A_221] : memref<2x10240x128xf32, #tpu.memory_space<hbm>> -> memref<1x56x128xf32, #tpu.memory_space<hbm>>
      %dma_start3A_223 = tpu.memref_squeeze %dma_start3A_222 : memref<1x56x128xf32, #tpu.memory_space<hbm>> -> memref<56x128xf32, #tpu.memory_space<hbm>>
      %dma_start3A_224 = arith.constant 0 : i32
      %dma_start3A_225 = tpu.memref_slice %arg12[%add3A_218, %dma_start3A_224] : memref<10112x128xf32, #tpu.memory_space<vmem_shared>> -> memref<56x128xf32, #tpu.memory_space<vmem_shared>>
      tpu.enqueue_dma source(%dma_start3A_225 : memref<56x128xf32, #tpu.memory_space<vmem_shared>>) target(%dma_start3A_223 : memref<56x128xf32, #tpu.memory_space<hbm>>) target_semaphore(%run_scoped3A : memref<!tpu.dma_semaphore, #tpu.memory_space<semaphore_mem>>)
      %dma_wait3A = arith.constant 0 : i32
      %dma_wait3A_226 = tpu.memref_slice %arg5[%arg0, %add3A_220, %dma_wait3A] : memref<2x10240x128xf32, #tpu.memory_space<hbm>> -> memref<1x56x128xf32, #tpu.memory_space<hbm>>
      %dma_wait3A_227 = tpu.memref_squeeze %dma_wait3A_226 : memref<1x56x128xf32, #tpu.memory_space<hbm>> -> memref<56x128xf32, #tpu.memory_space<hbm>>
      %dma_wait3A_228 = arith.constant 0 : i32
      %dma_wait3A_229 = tpu.memref_slice %arg12[%add3A_218, %dma_wait3A_228] : memref<10112x128xf32, #tpu.memory_space<vmem_shared>> -> memref<56x128xf32, #tpu.memory_space<vmem_shared>>
      tpu.wait_dma2 semaphore(%run_scoped3A : memref<!tpu.dma_semaphore, #tpu.memory_space<semaphore_mem>>) src(%dma_wait3A_229 : memref<56x128xf32, #tpu.memory_space<vmem_shared>>) dst(%dma_wait3A_227 : memref<56x128xf32, #tpu.memory_space<hbm>>)
      tpu.yield
    }) : () -> ()
    return
  }
}

#map = affine_map<(d0, d1) -> (0, 0)>
#map1 = affine_map<(d0, d1) -> (0, 0, 0)>
module attributes {stable_mosaic.version = 14 : i64} {
  func.func @_msg_kernel(%arg0: i32, %arg1: i32, %arg2: memref<10240x128xf32, #tpu.memory_space<hbm>>, %arg3: memref<5120x64xi32, #tpu.memory_space<hbm>>, %arg4: memref<5120x64xi32, #tpu.memory_space<hbm>>, %arg5: memref<2x10240x128xf32, #tpu.memory_space<hbm>>, %arg6: memref<40x64xi32, #tpu.memory_space<vmem>>, %arg7: memref<40x64xi32, #tpu.memory_space<vmem>>, %arg8: memref<64x128xf32, #tpu.memory_space<vmem>>, %arg9: memref<64x128xf32, #tpu.memory_space<vmem>>, %arg10: memref<64x128xf32, #tpu.memory_space<vmem>>, %arg11: memref<64x128xf32, #tpu.memory_space<vmem>>, %arg12: memref<10112x128xf32, #tpu.memory_space<vmem_shared>>, %arg13: memref<!tpu.dma_semaphore, #tpu.memory_space<semaphore_mem>>, %arg14: memref<!tpu.dma_semaphore, #tpu.memory_space<semaphore_mem>>, %arg15: memref<!tpu.dma_semaphore, #tpu.memory_space<semaphore_mem>>, %arg16: memref<!tpu.dma_semaphore, #tpu.memory_space<semaphore_mem>>) attributes {dimension_semantics = [#tpu.dimension_semantics<core_parallel>, #tpu.dimension_semantics<subcore_parallel>], iteration_bounds = array<i64: 2, 16>, scalar_prefetch = 0 : i64, scratch_operands = 11 : i64, tpu.core_type = #tpu.core_type<sc_vector_subcore>, window_params = [{transform_indices = #map}, {transform_indices = #map}, {transform_indices = #map}, {transform_indices = #map1}]} {
    %mul3A = arith.constant 16 : i32
    %mul3A_0 = arith.muli %arg0, %mul3A : i32
    %add3A = arith.addi %mul3A_0, %arg1 : i32
    %mul3A_1 = arith.constant 632 : i32
    %mul3A_2 = arith.muli %arg1, %mul3A_1 : i32
    %broadcast_in_dim3A = arith.constant 0.000000e+00 : f32
    %broadcast_in_dim3A_3 = vector.broadcast %broadcast_in_dim3A : f32 to vector<16xf32>
    %scan3A = arith.constant 0 : i32
    %scan3A_4 = arith.constant 0 : i32
    %scan3A_5 = arith.constant 64 : i32
    %scan3A_6 = arith.addi %scan3A_4, %scan3A_5 : i32
    %scan3A_7 = arith.constant 1 : i32
    scf.for %scan3A_221 = %scan3A_4 to %scan3A_6 step %scan3A_7  : i32 {
      %swap3A = arith.index_cast %scan3A_221 : i32 to index
      %swap3A_222 = arith.constant 0 : index
      %swap3A_223 = tpu.vector_load %arg8[%swap3A, %swap3A_222] {strides = array<i32>} : memref<64x128xf32, #tpu.memory_space<vmem>>, vector<1x16xf32>,
      %swap3A_224 = vector.shape_cast %swap3A_223 : vector<1x16xf32> to vector<16xf32>
      %swap3A_225 = vector.shape_cast %broadcast_in_dim3A_3 : vector<16xf32> to vector<1x16xf32>
      tpu.vector_store %arg8[%swap3A, %swap3A_222], %swap3A_225 {strides = array<i32>} : memref<64x128xf32, #tpu.memory_space<vmem>>, vector<1x16xf32>,
      %swap3A_226 = arith.index_cast %scan3A_221 : i32 to index
      %swap3A_227 = arith.constant 16 : index
      %swap3A_228 = tpu.vector_load %arg8[%swap3A_226, %swap3A_227] {strides = array<i32>} : memref<64x128xf32, #tpu.memory_space<vmem>>, vector<1x16xf32>,
      %swap3A_229 = vector.shape_cast %swap3A_228 : vector<1x16xf32> to vector<16xf32>
      %swap3A_230 = vector.shape_cast %broadcast_in_dim3A_3 : vector<16xf32> to vector<1x16xf32>
      tpu.vector_store %arg8[%swap3A_226, %swap3A_227], %swap3A_230 {strides = array<i32>} : memref<64x128xf32, #tpu.memory_space<vmem>>, vector<1x16xf32>,
      %swap3A_231 = arith.index_cast %scan3A_221 : i32 to index
      %swap3A_232 = arith.constant 32 : index
      %swap3A_233 = tpu.vector_load %arg8[%swap3A_231, %swap3A_232] {strides = array<i32>} : memref<64x128xf32, #tpu.memory_space<vmem>>, vector<1x16xf32>,
      %swap3A_234 = vector.shape_cast %swap3A_233 : vector<1x16xf32> to vector<16xf32>
      %swap3A_235 = vector.shape_cast %broadcast_in_dim3A_3 : vector<16xf32> to vector<1x16xf32>
      tpu.vector_store %arg8[%swap3A_231, %swap3A_232], %swap3A_235 {strides = array<i32>} : memref<64x128xf32, #tpu.memory_space<vmem>>, vector<1x16xf32>,
      %swap3A_236 = arith.index_cast %scan3A_221 : i32 to index
      %swap3A_237 = arith.constant 48 : index
      %swap3A_238 = tpu.vector_load %arg8[%swap3A_236, %swap3A_237] {strides = array<i32>} : memref<64x128xf32, #tpu.memory_space<vmem>>, vector<1x16xf32>,
      %swap3A_239 = vector.shape_cast %swap3A_238 : vector<1x16xf32> to vector<16xf32>
      %swap3A_240 = vector.shape_cast %broadcast_in_dim3A_3 : vector<16xf32> to vector<1x16xf32>
      tpu.vector_store %arg8[%swap3A_236, %swap3A_237], %swap3A_240 {strides = array<i32>} : memref<64x128xf32, #tpu.memory_space<vmem>>, vector<1x16xf32>,
      %swap3A_241 = arith.index_cast %scan3A_221 : i32 to index
      %swap3A_242 = arith.constant 64 : index
      %swap3A_243 = tpu.vector_load %arg8[%swap3A_241, %swap3A_242] {strides = array<i32>} : memref<64x128xf32, #tpu.memory_space<vmem>>, vector<1x16xf32>,
      %swap3A_244 = vector.shape_cast %swap3A_243 : vector<1x16xf32> to vector<16xf32>
      %swap3A_245 = vector.shape_cast %broadcast_in_dim3A_3 : vector<16xf32> to vector<1x16xf32>
      tpu.vector_store %arg8[%swap3A_241, %swap3A_242], %swap3A_245 {strides = array<i32>} : memref<64x128xf32, #tpu.memory_space<vmem>>, vector<1x16xf32>,
      %swap3A_246 = arith.index_cast %scan3A_221 : i32 to index
      %swap3A_247 = arith.constant 80 : index
      %swap3A_248 = tpu.vector_load %arg8[%swap3A_246, %swap3A_247] {strides = array<i32>} : memref<64x128xf32, #tpu.memory_space<vmem>>, vector<1x16xf32>,
      %swap3A_249 = vector.shape_cast %swap3A_248 : vector<1x16xf32> to vector<16xf32>
      %swap3A_250 = vector.shape_cast %broadcast_in_dim3A_3 : vector<16xf32> to vector<1x16xf32>
      tpu.vector_store %arg8[%swap3A_246, %swap3A_247], %swap3A_250 {strides = array<i32>} : memref<64x128xf32, #tpu.memory_space<vmem>>, vector<1x16xf32>,
      %swap3A_251 = arith.index_cast %scan3A_221 : i32 to index
      %swap3A_252 = arith.constant 96 : index
      %swap3A_253 = tpu.vector_load %arg8[%swap3A_251, %swap3A_252] {strides = array<i32>} : memref<64x128xf32, #tpu.memory_space<vmem>>, vector<1x16xf32>,
      %swap3A_254 = vector.shape_cast %swap3A_253 : vector<1x16xf32> to vector<16xf32>
      %swap3A_255 = vector.shape_cast %broadcast_in_dim3A_3 : vector<16xf32> to vector<1x16xf32>
      tpu.vector_store %arg8[%swap3A_251, %swap3A_252], %swap3A_255 {strides = array<i32>} : memref<64x128xf32, #tpu.memory_space<vmem>>, vector<1x16xf32>,
      %swap3A_256 = arith.index_cast %scan3A_221 : i32 to index
      %swap3A_257 = arith.constant 112 : index
      %swap3A_258 = tpu.vector_load %arg8[%swap3A_256, %swap3A_257] {strides = array<i32>} : memref<64x128xf32, #tpu.memory_space<vmem>>, vector<1x16xf32>,
      %swap3A_259 = vector.shape_cast %swap3A_258 : vector<1x16xf32> to vector<16xf32>
      %swap3A_260 = vector.shape_cast %broadcast_in_dim3A_3 : vector<16xf32> to vector<1x16xf32>
      tpu.vector_store %arg8[%swap3A_256, %swap3A_257], %swap3A_260 {strides = array<i32>} : memref<64x128xf32, #tpu.memory_space<vmem>>, vector<1x16xf32>,
    }
    %scan3A_8 = arith.constant 64 : i32
    %add3A_9 = arith.constant 0 : i32
    %add3A_10 = arith.addi %mul3A_2, %add3A_9 : i32
    "tpu.region"() ({
      %run_scoped3A = tpu.sem_alloc : memref<!tpu.dma_semaphore, #tpu.memory_space<semaphore_mem>>
      %dma_start3A_221 = arith.constant 0 : i32
      %dma_start3A_222 = arith.constant 0 : i32
      %dma_start3A_223 = tpu.memref_slice %arg8[%dma_start3A_221, %dma_start3A_222] : memref<64x128xf32, #tpu.memory_space<vmem>> -> memref<64x128xf32, #tpu.memory_space<vmem>>
      %dma_start3A_224 = arith.constant 0 : i32
      %dma_start3A_225 = tpu.memref_slice %arg12[%add3A_10, %dma_start3A_224] : memref<10112x128xf32, #tpu.memory_space<vmem_shared>> -> memref<64x128xf32, #tpu.memory_space<vmem_shared>>
      %dma_start3A_226 = arith.constant 0 : i32
      %dma_start3A_227 = tpu.memref_slice %arg12[%add3A_10, %dma_start3A_226] : memref<10112x128xf32, #tpu.memory_space<vmem_shared>> -> memref<64x128xf32, #tpu.memory_space<vmem_shared>>
      %dma_start3A_228 = arith.constant 0 : i32
      %dma_start3A_229 = arith.constant 0 : i32
      %dma_start3A_230 = tpu.memref_slice %arg8[%dma_start3A_228, %dma_start3A_229] : memref<64x128xf32, #tpu.memory_space<vmem>> -> memref<64x128xf32, #tpu.memory_space<vmem>>
      tpu.enqueue_dma source(%dma_start3A_230 : memref<64x128xf32, #tpu.memory_space<vmem>>) target(%dma_start3A_227 : memref<64x128xf32, #tpu.memory_space<vmem_shared>>) target_semaphore(%run_scoped3A : memref<!tpu.dma_semaphore, #tpu.memory_space<semaphore_mem>>)
      %dma_wait3A = arith.constant 0 : i32
      %dma_wait3A_231 = arith.constant 0 : i32
      %dma_wait3A_232 = tpu.memref_slice %arg8[%dma_wait3A, %dma_wait3A_231] : memref<64x128xf32, #tpu.memory_space<vmem>> -> memref<64x128xf32, #tpu.memory_space<vmem>>
      %dma_wait3A_233 = arith.constant 0 : i32
      %dma_wait3A_234 = tpu.memref_slice %arg12[%add3A_10, %dma_wait3A_233] : memref<10112x128xf32, #tpu.memory_space<vmem_shared>> -> memref<64x128xf32, #tpu.memory_space<vmem_shared>>
      %dma_wait3A_235 = arith.constant 0 : i32
      %dma_wait3A_236 = tpu.memref_slice %arg12[%add3A_10, %dma_wait3A_235] : memref<10112x128xf32, #tpu.memory_space<vmem_shared>> -> memref<64x128xf32, #tpu.memory_space<vmem_shared>>
      %dma_wait3A_237 = arith.constant 0 : i32
      %dma_wait3A_238 = arith.constant 0 : i32
      %dma_wait3A_239 = tpu.memref_slice %arg8[%dma_wait3A_237, %dma_wait3A_238] : memref<64x128xf32, #tpu.memory_space<vmem>> -> memref<64x128xf32, #tpu.memory_space<vmem>>
      tpu.wait_dma2 semaphore(%run_scoped3A : memref<!tpu.dma_semaphore, #tpu.memory_space<semaphore_mem>>) src(%dma_wait3A_239 : memref<64x128xf32, #tpu.memory_space<vmem>>) dst(%dma_wait3A_236 : memref<64x128xf32, #tpu.memory_space<vmem_shared>>)
      tpu.yield
    }) : () -> ()
    %add3A_11 = arith.constant 64 : i32
    %add3A_12 = arith.addi %mul3A_2, %add3A_11 : i32
    "tpu.region"() ({
      %run_scoped3A = tpu.sem_alloc : memref<!tpu.dma_semaphore, #tpu.memory_space<semaphore_mem>>
      %dma_start3A_221 = arith.constant 0 : i32
      %dma_start3A_222 = arith.constant 0 : i32
      %dma_start3A_223 = tpu.memref_slice %arg8[%dma_start3A_221, %dma_start3A_222] : memref<64x128xf32, #tpu.memory_space<vmem>> -> memref<64x128xf32, #tpu.memory_space<vmem>>
      %dma_start3A_224 = arith.constant 0 : i32
      %dma_start3A_225 = tpu.memref_slice %arg12[%add3A_12, %dma_start3A_224] : memref<10112x128xf32, #tpu.memory_space<vmem_shared>> -> memref<64x128xf32, #tpu.memory_space<vmem_shared>>
      %dma_start3A_226 = arith.constant 0 : i32
      %dma_start3A_227 = tpu.memref_slice %arg12[%add3A_12, %dma_start3A_226] : memref<10112x128xf32, #tpu.memory_space<vmem_shared>> -> memref<64x128xf32, #tpu.memory_space<vmem_shared>>
      %dma_start3A_228 = arith.constant 0 : i32
      %dma_start3A_229 = arith.constant 0 : i32
      %dma_start3A_230 = tpu.memref_slice %arg8[%dma_start3A_228, %dma_start3A_229] : memref<64x128xf32, #tpu.memory_space<vmem>> -> memref<64x128xf32, #tpu.memory_space<vmem>>
      tpu.enqueue_dma source(%dma_start3A_230 : memref<64x128xf32, #tpu.memory_space<vmem>>) target(%dma_start3A_227 : memref<64x128xf32, #tpu.memory_space<vmem_shared>>) target_semaphore(%run_scoped3A : memref<!tpu.dma_semaphore, #tpu.memory_space<semaphore_mem>>)
      %dma_wait3A = arith.constant 0 : i32
      %dma_wait3A_231 = arith.constant 0 : i32
      %dma_wait3A_232 = tpu.memref_slice %arg8[%dma_wait3A, %dma_wait3A_231] : memref<64x128xf32, #tpu.memory_space<vmem>> -> memref<64x128xf32, #tpu.memory_space<vmem>>
      %dma_wait3A_233 = arith.constant 0 : i32
      %dma_wait3A_234 = tpu.memref_slice %arg12[%add3A_12, %dma_wait3A_233] : memref<10112x128xf32, #tpu.memory_space<vmem_shared>> -> memref<64x128xf32, #tpu.memory_space<vmem_shared>>
      %dma_wait3A_235 = arith.constant 0 : i32
      %dma_wait3A_236 = tpu.memref_slice %arg12[%add3A_12, %dma_wait3A_235] : memref<10112x128xf32, #tpu.memory_space<vmem_shared>> -> memref<64x128xf32, #tpu.memory_space<vmem_shared>>
      %dma_wait3A_237 = arith.constant 0 : i32
      %dma_wait3A_238 = arith.constant 0 : i32
      %dma_wait3A_239 = tpu.memref_slice %arg8[%dma_wait3A_237, %dma_wait3A_238] : memref<64x128xf32, #tpu.memory_space<vmem>> -> memref<64x128xf32, #tpu.memory_space<vmem>>
      tpu.wait_dma2 semaphore(%run_scoped3A : memref<!tpu.dma_semaphore, #tpu.memory_space<semaphore_mem>>) src(%dma_wait3A_239 : memref<64x128xf32, #tpu.memory_space<vmem>>) dst(%dma_wait3A_236 : memref<64x128xf32, #tpu.memory_space<vmem_shared>>)
      tpu.yield
    }) : () -> ()
    %add3A_13 = arith.constant 128 : i32
    %add3A_14 = arith.addi %mul3A_2, %add3A_13 : i32
    "tpu.region"() ({
      %run_scoped3A = tpu.sem_alloc : memref<!tpu.dma_semaphore, #tpu.memory_space<semaphore_mem>>
      %dma_start3A_221 = arith.constant 0 : i32
      %dma_start3A_222 = arith.constant 0 : i32
      %dma_start3A_223 = tpu.memref_slice %arg8[%dma_start3A_221, %dma_start3A_222] : memref<64x128xf32, #tpu.memory_space<vmem>> -> memref<64x128xf32, #tpu.memory_space<vmem>>
      %dma_start3A_224 = arith.constant 0 : i32
      %dma_start3A_225 = tpu.memref_slice %arg12[%add3A_14, %dma_start3A_224] : memref<10112x128xf32, #tpu.memory_space<vmem_shared>> -> memref<64x128xf32, #tpu.memory_space<vmem_shared>>
      %dma_start3A_226 = arith.constant 0 : i32
      %dma_start3A_227 = tpu.memref_slice %arg12[%add3A_14, %dma_start3A_226] : memref<10112x128xf32, #tpu.memory_space<vmem_shared>> -> memref<64x128xf32, #tpu.memory_space<vmem_shared>>
      %dma_start3A_228 = arith.constant 0 : i32
      %dma_start3A_229 = arith.constant 0 : i32
      %dma_start3A_230 = tpu.memref_slice %arg8[%dma_start3A_228, %dma_start3A_229] : memref<64x128xf32, #tpu.memory_space<vmem>> -> memref<64x128xf32, #tpu.memory_space<vmem>>
      tpu.enqueue_dma source(%dma_start3A_230 : memref<64x128xf32, #tpu.memory_space<vmem>>) target(%dma_start3A_227 : memref<64x128xf32, #tpu.memory_space<vmem_shared>>) target_semaphore(%run_scoped3A : memref<!tpu.dma_semaphore, #tpu.memory_space<semaphore_mem>>)
      %dma_wait3A = arith.constant 0 : i32
      %dma_wait3A_231 = arith.constant 0 : i32
      %dma_wait3A_232 = tpu.memref_slice %arg8[%dma_wait3A, %dma_wait3A_231] : memref<64x128xf32, #tpu.memory_space<vmem>> -> memref<64x128xf32, #tpu.memory_space<vmem>>
      %dma_wait3A_233 = arith.constant 0 : i32
      %dma_wait3A_234 = tpu.memref_slice %arg12[%add3A_14, %dma_wait3A_233] : memref<10112x128xf32, #tpu.memory_space<vmem_shared>> -> memref<64x128xf32, #tpu.memory_space<vmem_shared>>
      %dma_wait3A_235 = arith.constant 0 : i32
      %dma_wait3A_236 = tpu.memref_slice %arg12[%add3A_14, %dma_wait3A_235] : memref<10112x128xf32, #tpu.memory_space<vmem_shared>> -> memref<64x128xf32, #tpu.memory_space<vmem_shared>>
      %dma_wait3A_237 = arith.constant 0 : i32
      %dma_wait3A_238 = arith.constant 0 : i32
      %dma_wait3A_239 = tpu.memref_slice %arg8[%dma_wait3A_237, %dma_wait3A_238] : memref<64x128xf32, #tpu.memory_space<vmem>> -> memref<64x128xf32, #tpu.memory_space<vmem>>
      tpu.wait_dma2 semaphore(%run_scoped3A : memref<!tpu.dma_semaphore, #tpu.memory_space<semaphore_mem>>) src(%dma_wait3A_239 : memref<64x128xf32, #tpu.memory_space<vmem>>) dst(%dma_wait3A_236 : memref<64x128xf32, #tpu.memory_space<vmem_shared>>)
      tpu.yield
    }) : () -> ()
    %add3A_15 = arith.constant 192 : i32
    %add3A_16 = arith.addi %mul3A_2, %add3A_15 : i32
    "tpu.region"() ({
      %run_scoped3A = tpu.sem_alloc : memref<!tpu.dma_semaphore, #tpu.memory_space<semaphore_mem>>
      %dma_start3A_221 = arith.constant 0 : i32
      %dma_start3A_222 = arith.constant 0 : i32
      %dma_start3A_223 = tpu.memref_slice %arg8[%dma_start3A_221, %dma_start3A_222] : memref<64x128xf32, #tpu.memory_space<vmem>> -> memref<64x128xf32, #tpu.memory_space<vmem>>
      %dma_start3A_224 = arith.constant 0 : i32
      %dma_start3A_225 = tpu.memref_slice %arg12[%add3A_16, %dma_start3A_224] : memref<10112x128xf32, #tpu.memory_space<vmem_shared>> -> memref<64x128xf32, #tpu.memory_space<vmem_shared>>
      %dma_start3A_226 = arith.constant 0 : i32
      %dma_start3A_227 = tpu.memref_slice %arg12[%add3A_16, %dma_start3A_226] : memref<10112x128xf32, #tpu.memory_space<vmem_shared>> -> memref<64x128xf32, #tpu.memory_space<vmem_shared>>
      %dma_start3A_228 = arith.constant 0 : i32
      %dma_start3A_229 = arith.constant 0 : i32
      %dma_start3A_230 = tpu.memref_slice %arg8[%dma_start3A_228, %dma_start3A_229] : memref<64x128xf32, #tpu.memory_space<vmem>> -> memref<64x128xf32, #tpu.memory_space<vmem>>
      tpu.enqueue_dma source(%dma_start3A_230 : memref<64x128xf32, #tpu.memory_space<vmem>>) target(%dma_start3A_227 : memref<64x128xf32, #tpu.memory_space<vmem_shared>>) target_semaphore(%run_scoped3A : memref<!tpu.dma_semaphore, #tpu.memory_space<semaphore_mem>>)
      %dma_wait3A = arith.constant 0 : i32
      %dma_wait3A_231 = arith.constant 0 : i32
      %dma_wait3A_232 = tpu.memref_slice %arg8[%dma_wait3A, %dma_wait3A_231] : memref<64x128xf32, #tpu.memory_space<vmem>> -> memref<64x128xf32, #tpu.memory_space<vmem>>
      %dma_wait3A_233 = arith.constant 0 : i32
      %dma_wait3A_234 = tpu.memref_slice %arg12[%add3A_16, %dma_wait3A_233] : memref<10112x128xf32, #tpu.memory_space<vmem_shared>> -> memref<64x128xf32, #tpu.memory_space<vmem_shared>>
      %dma_wait3A_235 = arith.constant 0 : i32
      %dma_wait3A_236 = tpu.memref_slice %arg12[%add3A_16, %dma_wait3A_235] : memref<10112x128xf32, #tpu.memory_space<vmem_shared>> -> memref<64x128xf32, #tpu.memory_space<vmem_shared>>
      %dma_wait3A_237 = arith.constant 0 : i32
      %dma_wait3A_238 = arith.constant 0 : i32
      %dma_wait3A_239 = tpu.memref_slice %arg8[%dma_wait3A_237, %dma_wait3A_238] : memref<64x128xf32, #tpu.memory_space<vmem>> -> memref<64x128xf32, #tpu.memory_space<vmem>>
      tpu.wait_dma2 semaphore(%run_scoped3A : memref<!tpu.dma_semaphore, #tpu.memory_space<semaphore_mem>>) src(%dma_wait3A_239 : memref<64x128xf32, #tpu.memory_space<vmem>>) dst(%dma_wait3A_236 : memref<64x128xf32, #tpu.memory_space<vmem_shared>>)
      tpu.yield
    }) : () -> ()
    %add3A_17 = arith.constant 256 : i32
    %add3A_18 = arith.addi %mul3A_2, %add3A_17 : i32
    "tpu.region"() ({
      %run_scoped3A = tpu.sem_alloc : memref<!tpu.dma_semaphore, #tpu.memory_space<semaphore_mem>>
      %dma_start3A_221 = arith.constant 0 : i32
      %dma_start3A_222 = arith.constant 0 : i32
      %dma_start3A_223 = tpu.memref_slice %arg8[%dma_start3A_221, %dma_start3A_222] : memref<64x128xf32, #tpu.memory_space<vmem>> -> memref<64x128xf32, #tpu.memory_space<vmem>>
      %dma_start3A_224 = arith.constant 0 : i32
      %dma_start3A_225 = tpu.memref_slice %arg12[%add3A_18, %dma_start3A_224] : memref<10112x128xf32, #tpu.memory_space<vmem_shared>> -> memref<64x128xf32, #tpu.memory_space<vmem_shared>>
      %dma_start3A_226 = arith.constant 0 : i32
      %dma_start3A_227 = tpu.memref_slice %arg12[%add3A_18, %dma_start3A_226] : memref<10112x128xf32, #tpu.memory_space<vmem_shared>> -> memref<64x128xf32, #tpu.memory_space<vmem_shared>>
      %dma_start3A_228 = arith.constant 0 : i32
      %dma_start3A_229 = arith.constant 0 : i32
      %dma_start3A_230 = tpu.memref_slice %arg8[%dma_start3A_228, %dma_start3A_229] : memref<64x128xf32, #tpu.memory_space<vmem>> -> memref<64x128xf32, #tpu.memory_space<vmem>>
      tpu.enqueue_dma source(%dma_start3A_230 : memref<64x128xf32, #tpu.memory_space<vmem>>) target(%dma_start3A_227 : memref<64x128xf32, #tpu.memory_space<vmem_shared>>) target_semaphore(%run_scoped3A : memref<!tpu.dma_semaphore, #tpu.memory_space<semaphore_mem>>)
      %dma_wait3A = arith.constant 0 : i32
      %dma_wait3A_231 = arith.constant 0 : i32
      %dma_wait3A_232 = tpu.memref_slice %arg8[%dma_wait3A, %dma_wait3A_231] : memref<64x128xf32, #tpu.memory_space<vmem>> -> memref<64x128xf32, #tpu.memory_space<vmem>>
      %dma_wait3A_233 = arith.constant 0 : i32
      %dma_wait3A_234 = tpu.memref_slice %arg12[%add3A_18, %dma_wait3A_233] : memref<10112x128xf32, #tpu.memory_space<vmem_shared>> -> memref<64x128xf32, #tpu.memory_space<vmem_shared>>
      %dma_wait3A_235 = arith.constant 0 : i32
      %dma_wait3A_236 = tpu.memref_slice %arg12[%add3A_18, %dma_wait3A_235] : memref<10112x128xf32, #tpu.memory_space<vmem_shared>> -> memref<64x128xf32, #tpu.memory_space<vmem_shared>>
      %dma_wait3A_237 = arith.constant 0 : i32
      %dma_wait3A_238 = arith.constant 0 : i32
      %dma_wait3A_239 = tpu.memref_slice %arg8[%dma_wait3A_237, %dma_wait3A_238] : memref<64x128xf32, #tpu.memory_space<vmem>> -> memref<64x128xf32, #tpu.memory_space<vmem>>
      tpu.wait_dma2 semaphore(%run_scoped3A : memref<!tpu.dma_semaphore, #tpu.memory_space<semaphore_mem>>) src(%dma_wait3A_239 : memref<64x128xf32, #tpu.memory_space<vmem>>) dst(%dma_wait3A_236 : memref<64x128xf32, #tpu.memory_space<vmem_shared>>)
      tpu.yield
    }) : () -> ()
    %add3A_19 = arith.constant 320 : i32
    %add3A_20 = arith.addi %mul3A_2, %add3A_19 : i32
    "tpu.region"() ({
      %run_scoped3A = tpu.sem_alloc : memref<!tpu.dma_semaphore, #tpu.memory_space<semaphore_mem>>
      %dma_start3A_221 = arith.constant 0 : i32
      %dma_start3A_222 = arith.constant 0 : i32
      %dma_start3A_223 = tpu.memref_slice %arg8[%dma_start3A_221, %dma_start3A_222] : memref<64x128xf32, #tpu.memory_space<vmem>> -> memref<64x128xf32, #tpu.memory_space<vmem>>
      %dma_start3A_224 = arith.constant 0 : i32
      %dma_start3A_225 = tpu.memref_slice %arg12[%add3A_20, %dma_start3A_224] : memref<10112x128xf32, #tpu.memory_space<vmem_shared>> -> memref<64x128xf32, #tpu.memory_space<vmem_shared>>
      %dma_start3A_226 = arith.constant 0 : i32
      %dma_start3A_227 = tpu.memref_slice %arg12[%add3A_20, %dma_start3A_226] : memref<10112x128xf32, #tpu.memory_space<vmem_shared>> -> memref<64x128xf32, #tpu.memory_space<vmem_shared>>
      %dma_start3A_228 = arith.constant 0 : i32
      %dma_start3A_229 = arith.constant 0 : i32
      %dma_start3A_230 = tpu.memref_slice %arg8[%dma_start3A_228, %dma_start3A_229] : memref<64x128xf32, #tpu.memory_space<vmem>> -> memref<64x128xf32, #tpu.memory_space<vmem>>
      tpu.enqueue_dma source(%dma_start3A_230 : memref<64x128xf32, #tpu.memory_space<vmem>>) target(%dma_start3A_227 : memref<64x128xf32, #tpu.memory_space<vmem_shared>>) target_semaphore(%run_scoped3A : memref<!tpu.dma_semaphore, #tpu.memory_space<semaphore_mem>>)
      %dma_wait3A = arith.constant 0 : i32
      %dma_wait3A_231 = arith.constant 0 : i32
      %dma_wait3A_232 = tpu.memref_slice %arg8[%dma_wait3A, %dma_wait3A_231] : memref<64x128xf32, #tpu.memory_space<vmem>> -> memref<64x128xf32, #tpu.memory_space<vmem>>
      %dma_wait3A_233 = arith.constant 0 : i32
      %dma_wait3A_234 = tpu.memref_slice %arg12[%add3A_20, %dma_wait3A_233] : memref<10112x128xf32, #tpu.memory_space<vmem_shared>> -> memref<64x128xf32, #tpu.memory_space<vmem_shared>>
      %dma_wait3A_235 = arith.constant 0 : i32
      %dma_wait3A_236 = tpu.memref_slice %arg12[%add3A_20, %dma_wait3A_235] : memref<10112x128xf32, #tpu.memory_space<vmem_shared>> -> memref<64x128xf32, #tpu.memory_space<vmem_shared>>
      %dma_wait3A_237 = arith.constant 0 : i32
      %dma_wait3A_238 = arith.constant 0 : i32
      %dma_wait3A_239 = tpu.memref_slice %arg8[%dma_wait3A_237, %dma_wait3A_238] : memref<64x128xf32, #tpu.memory_space<vmem>> -> memref<64x128xf32, #tpu.memory_space<vmem>>
      tpu.wait_dma2 semaphore(%run_scoped3A : memref<!tpu.dma_semaphore, #tpu.memory_space<semaphore_mem>>) src(%dma_wait3A_239 : memref<64x128xf32, #tpu.memory_space<vmem>>) dst(%dma_wait3A_236 : memref<64x128xf32, #tpu.memory_space<vmem_shared>>)
      tpu.yield
    }) : () -> ()
    %add3A_21 = arith.constant 384 : i32
    %add3A_22 = arith.addi %mul3A_2, %add3A_21 : i32
    "tpu.region"() ({
      %run_scoped3A = tpu.sem_alloc : memref<!tpu.dma_semaphore, #tpu.memory_space<semaphore_mem>>
      %dma_start3A_221 = arith.constant 0 : i32
      %dma_start3A_222 = arith.constant 0 : i32
      %dma_start3A_223 = tpu.memref_slice %arg8[%dma_start3A_221, %dma_start3A_222] : memref<64x128xf32, #tpu.memory_space<vmem>> -> memref<64x128xf32, #tpu.memory_space<vmem>>
      %dma_start3A_224 = arith.constant 0 : i32
      %dma_start3A_225 = tpu.memref_slice %arg12[%add3A_22, %dma_start3A_224] : memref<10112x128xf32, #tpu.memory_space<vmem_shared>> -> memref<64x128xf32, #tpu.memory_space<vmem_shared>>
      %dma_start3A_226 = arith.constant 0 : i32
      %dma_start3A_227 = tpu.memref_slice %arg12[%add3A_22, %dma_start3A_226] : memref<10112x128xf32, #tpu.memory_space<vmem_shared>> -> memref<64x128xf32, #tpu.memory_space<vmem_shared>>
      %dma_start3A_228 = arith.constant 0 : i32
      %dma_start3A_229 = arith.constant 0 : i32
      %dma_start3A_230 = tpu.memref_slice %arg8[%dma_start3A_228, %dma_start3A_229] : memref<64x128xf32, #tpu.memory_space<vmem>> -> memref<64x128xf32, #tpu.memory_space<vmem>>
      tpu.enqueue_dma source(%dma_start3A_230 : memref<64x128xf32, #tpu.memory_space<vmem>>) target(%dma_start3A_227 : memref<64x128xf32, #tpu.memory_space<vmem_shared>>) target_semaphore(%run_scoped3A : memref<!tpu.dma_semaphore, #tpu.memory_space<semaphore_mem>>)
      %dma_wait3A = arith.constant 0 : i32
      %dma_wait3A_231 = arith.constant 0 : i32
      %dma_wait3A_232 = tpu.memref_slice %arg8[%dma_wait3A, %dma_wait3A_231] : memref<64x128xf32, #tpu.memory_space<vmem>> -> memref<64x128xf32, #tpu.memory_space<vmem>>
      %dma_wait3A_233 = arith.constant 0 : i32
      %dma_wait3A_234 = tpu.memref_slice %arg12[%add3A_22, %dma_wait3A_233] : memref<10112x128xf32, #tpu.memory_space<vmem_shared>> -> memref<64x128xf32, #tpu.memory_space<vmem_shared>>
      %dma_wait3A_235 = arith.constant 0 : i32
      %dma_wait3A_236 = tpu.memref_slice %arg12[%add3A_22, %dma_wait3A_235] : memref<10112x128xf32, #tpu.memory_space<vmem_shared>> -> memref<64x128xf32, #tpu.memory_space<vmem_shared>>
      %dma_wait3A_237 = arith.constant 0 : i32
      %dma_wait3A_238 = arith.constant 0 : i32
      %dma_wait3A_239 = tpu.memref_slice %arg8[%dma_wait3A_237, %dma_wait3A_238] : memref<64x128xf32, #tpu.memory_space<vmem>> -> memref<64x128xf32, #tpu.memory_space<vmem>>
      tpu.wait_dma2 semaphore(%run_scoped3A : memref<!tpu.dma_semaphore, #tpu.memory_space<semaphore_mem>>) src(%dma_wait3A_239 : memref<64x128xf32, #tpu.memory_space<vmem>>) dst(%dma_wait3A_236 : memref<64x128xf32, #tpu.memory_space<vmem_shared>>)
      tpu.yield
    }) : () -> ()
    %add3A_23 = arith.constant 448 : i32
    %add3A_24 = arith.addi %mul3A_2, %add3A_23 : i32
    "tpu.region"() ({
      %run_scoped3A = tpu.sem_alloc : memref<!tpu.dma_semaphore, #tpu.memory_space<semaphore_mem>>
      %dma_start3A_221 = arith.constant 0 : i32
      %dma_start3A_222 = arith.constant 0 : i32
      %dma_start3A_223 = tpu.memref_slice %arg8[%dma_start3A_221, %dma_start3A_222] : memref<64x128xf32, #tpu.memory_space<vmem>> -> memref<64x128xf32, #tpu.memory_space<vmem>>
      %dma_start3A_224 = arith.constant 0 : i32
      %dma_start3A_225 = tpu.memref_slice %arg12[%add3A_24, %dma_start3A_224] : memref<10112x128xf32, #tpu.memory_space<vmem_shared>> -> memref<64x128xf32, #tpu.memory_space<vmem_shared>>
      %dma_start3A_226 = arith.constant 0 : i32
      %dma_start3A_227 = tpu.memref_slice %arg12[%add3A_24, %dma_start3A_226] : memref<10112x128xf32, #tpu.memory_space<vmem_shared>> -> memref<64x128xf32, #tpu.memory_space<vmem_shared>>
      %dma_start3A_228 = arith.constant 0 : i32
      %dma_start3A_229 = arith.constant 0 : i32
      %dma_start3A_230 = tpu.memref_slice %arg8[%dma_start3A_228, %dma_start3A_229] : memref<64x128xf32, #tpu.memory_space<vmem>> -> memref<64x128xf32, #tpu.memory_space<vmem>>
      tpu.enqueue_dma source(%dma_start3A_230 : memref<64x128xf32, #tpu.memory_space<vmem>>) target(%dma_start3A_227 : memref<64x128xf32, #tpu.memory_space<vmem_shared>>) target_semaphore(%run_scoped3A : memref<!tpu.dma_semaphore, #tpu.memory_space<semaphore_mem>>)
      %dma_wait3A = arith.constant 0 : i32
      %dma_wait3A_231 = arith.constant 0 : i32
      %dma_wait3A_232 = tpu.memref_slice %arg8[%dma_wait3A, %dma_wait3A_231] : memref<64x128xf32, #tpu.memory_space<vmem>> -> memref<64x128xf32, #tpu.memory_space<vmem>>
      %dma_wait3A_233 = arith.constant 0 : i32
      %dma_wait3A_234 = tpu.memref_slice %arg12[%add3A_24, %dma_wait3A_233] : memref<10112x128xf32, #tpu.memory_space<vmem_shared>> -> memref<64x128xf32, #tpu.memory_space<vmem_shared>>
      %dma_wait3A_235 = arith.constant 0 : i32
      %dma_wait3A_236 = tpu.memref_slice %arg12[%add3A_24, %dma_wait3A_235] : memref<10112x128xf32, #tpu.memory_space<vmem_shared>> -> memref<64x128xf32, #tpu.memory_space<vmem_shared>>
      %dma_wait3A_237 = arith.constant 0 : i32
      %dma_wait3A_238 = arith.constant 0 : i32
      %dma_wait3A_239 = tpu.memref_slice %arg8[%dma_wait3A_237, %dma_wait3A_238] : memref<64x128xf32, #tpu.memory_space<vmem>> -> memref<64x128xf32, #tpu.memory_space<vmem>>
      tpu.wait_dma2 semaphore(%run_scoped3A : memref<!tpu.dma_semaphore, #tpu.memory_space<semaphore_mem>>) src(%dma_wait3A_239 : memref<64x128xf32, #tpu.memory_space<vmem>>) dst(%dma_wait3A_236 : memref<64x128xf32, #tpu.memory_space<vmem_shared>>)
      tpu.yield
    }) : () -> ()
    %add3A_25 = arith.constant 512 : i32
    %add3A_26 = arith.addi %mul3A_2, %add3A_25 : i32
    "tpu.region"() ({
      %run_scoped3A = tpu.sem_alloc : memref<!tpu.dma_semaphore, #tpu.memory_space<semaphore_mem>>
      %dma_start3A_221 = arith.constant 0 : i32
      %dma_start3A_222 = arith.constant 0 : i32
      %dma_start3A_223 = tpu.memref_slice %arg8[%dma_start3A_221, %dma_start3A_222] : memref<64x128xf32, #tpu.memory_space<vmem>> -> memref<64x128xf32, #tpu.memory_space<vmem>>
      %dma_start3A_224 = arith.constant 0 : i32
      %dma_start3A_225 = tpu.memref_slice %arg12[%add3A_26, %dma_start3A_224] : memref<10112x128xf32, #tpu.memory_space<vmem_shared>> -> memref<64x128xf32, #tpu.memory_space<vmem_shared>>
      %dma_start3A_226 = arith.constant 0 : i32
      %dma_start3A_227 = tpu.memref_slice %arg12[%add3A_26, %dma_start3A_226] : memref<10112x128xf32, #tpu.memory_space<vmem_shared>> -> memref<64x128xf32, #tpu.memory_space<vmem_shared>>
      %dma_start3A_228 = arith.constant 0 : i32
      %dma_start3A_229 = arith.constant 0 : i32
      %dma_start3A_230 = tpu.memref_slice %arg8[%dma_start3A_228, %dma_start3A_229] : memref<64x128xf32, #tpu.memory_space<vmem>> -> memref<64x128xf32, #tpu.memory_space<vmem>>
      tpu.enqueue_dma source(%dma_start3A_230 : memref<64x128xf32, #tpu.memory_space<vmem>>) target(%dma_start3A_227 : memref<64x128xf32, #tpu.memory_space<vmem_shared>>) target_semaphore(%run_scoped3A : memref<!tpu.dma_semaphore, #tpu.memory_space<semaphore_mem>>)
      %dma_wait3A = arith.constant 0 : i32
      %dma_wait3A_231 = arith.constant 0 : i32
      %dma_wait3A_232 = tpu.memref_slice %arg8[%dma_wait3A, %dma_wait3A_231] : memref<64x128xf32, #tpu.memory_space<vmem>> -> memref<64x128xf32, #tpu.memory_space<vmem>>
      %dma_wait3A_233 = arith.constant 0 : i32
      %dma_wait3A_234 = tpu.memref_slice %arg12[%add3A_26, %dma_wait3A_233] : memref<10112x128xf32, #tpu.memory_space<vmem_shared>> -> memref<64x128xf32, #tpu.memory_space<vmem_shared>>
      %dma_wait3A_235 = arith.constant 0 : i32
      %dma_wait3A_236 = tpu.memref_slice %arg12[%add3A_26, %dma_wait3A_235] : memref<10112x128xf32, #tpu.memory_space<vmem_shared>> -> memref<64x128xf32, #tpu.memory_space<vmem_shared>>
      %dma_wait3A_237 = arith.constant 0 : i32
      %dma_wait3A_238 = arith.constant 0 : i32
      %dma_wait3A_239 = tpu.memref_slice %arg8[%dma_wait3A_237, %dma_wait3A_238] : memref<64x128xf32, #tpu.memory_space<vmem>> -> memref<64x128xf32, #tpu.memory_space<vmem>>
      tpu.wait_dma2 semaphore(%run_scoped3A : memref<!tpu.dma_semaphore, #tpu.memory_space<semaphore_mem>>) src(%dma_wait3A_239 : memref<64x128xf32, #tpu.memory_space<vmem>>) dst(%dma_wait3A_236 : memref<64x128xf32, #tpu.memory_space<vmem_shared>>)
      tpu.yield
    }) : () -> ()
    %add3A_27 = arith.constant 576 : i32
    %add3A_28 = arith.addi %mul3A_2, %add3A_27 : i32
    "tpu.region"() ({
      %run_scoped3A = tpu.sem_alloc : memref<!tpu.dma_semaphore, #tpu.memory_space<semaphore_mem>>
      %dma_start3A_221 = arith.constant 0 : i32
      %dma_start3A_222 = arith.constant 0 : i32
      %dma_start3A_223 = tpu.memref_slice %arg8[%dma_start3A_221, %dma_start3A_222] : memref<64x128xf32, #tpu.memory_space<vmem>> -> memref<56x128xf32, #tpu.memory_space<vmem>>
      %dma_start3A_224 = arith.constant 0 : i32
      %dma_start3A_225 = tpu.memref_slice %arg12[%add3A_28, %dma_start3A_224] : memref<10112x128xf32, #tpu.memory_space<vmem_shared>> -> memref<56x128xf32, #tpu.memory_space<vmem_shared>>
      %dma_start3A_226 = arith.constant 0 : i32
      %dma_start3A_227 = tpu.memref_slice %arg12[%add3A_28, %dma_start3A_226] : memref<10112x128xf32, #tpu.memory_space<vmem_shared>> -> memref<56x128xf32, #tpu.memory_space<vmem_shared>>
      %dma_start3A_228 = arith.constant 0 : i32
      %dma_start3A_229 = arith.constant 0 : i32
      %dma_start3A_230 = tpu.memref_slice %arg8[%dma_start3A_228, %dma_start3A_229] : memref<64x128xf32, #tpu.memory_space<vmem>> -> memref<56x128xf32, #tpu.memory_space<vmem>>
      tpu.enqueue_dma source(%dma_start3A_230 : memref<56x128xf32, #tpu.memory_space<vmem>>) target(%dma_start3A_227 : memref<56x128xf32, #tpu.memory_space<vmem_shared>>) target_semaphore(%run_scoped3A : memref<!tpu.dma_semaphore, #tpu.memory_space<semaphore_mem>>)
      %dma_wait3A = arith.constant 0 : i32
      %dma_wait3A_231 = arith.constant 0 : i32
      %dma_wait3A_232 = tpu.memref_slice %arg8[%dma_wait3A, %dma_wait3A_231] : memref<64x128xf32, #tpu.memory_space<vmem>> -> memref<56x128xf32, #tpu.memory_space<vmem>>
      %dma_wait3A_233 = arith.constant 0 : i32
      %dma_wait3A_234 = tpu.memref_slice %arg12[%add3A_28, %dma_wait3A_233] : memref<10112x128xf32, #tpu.memory_space<vmem_shared>> -> memref<56x128xf32, #tpu.memory_space<vmem_shared>>
      %dma_wait3A_235 = arith.constant 0 : i32
      %dma_wait3A_236 = tpu.memref_slice %arg12[%add3A_28, %dma_wait3A_235] : memref<10112x128xf32, #tpu.memory_space<vmem_shared>> -> memref<56x128xf32, #tpu.memory_space<vmem_shared>>
      %dma_wait3A_237 = arith.constant 0 : i32
      %dma_wait3A_238 = arith.constant 0 : i32
      %dma_wait3A_239 = tpu.memref_slice %arg8[%dma_wait3A_237, %dma_wait3A_238] : memref<64x128xf32, #tpu.memory_space<vmem>> -> memref<56x128xf32, #tpu.memory_space<vmem>>
      tpu.wait_dma2 semaphore(%run_scoped3A : memref<!tpu.dma_semaphore, #tpu.memory_space<semaphore_mem>>) src(%dma_wait3A_239 : memref<56x128xf32, #tpu.memory_space<vmem>>) dst(%dma_wait3A_236 : memref<56x128xf32, #tpu.memory_space<vmem_shared>>)
      tpu.yield
    }) : () -> ()
    %barrier3A = arith.constant 0 : index
    tpu.barrier barrier_id(%barrier3A)
    %mul3A_29 = arith.constant 160 : i32
    %mul3A_30 = arith.muli %add3A, %mul3A_29 : i32
    %add3A_31 = arith.constant 0 : i32
    %add3A_32 = arith.addi %mul3A_30, %add3A_31 : i32
    "tpu.region"() ({
      %run_scoped3A = tpu.sem_alloc : memref<!tpu.dma_semaphore, #tpu.memory_space<semaphore_mem>>
      %dma_start3A_221 = arith.constant 0 : i32
      %dma_start3A_222 = tpu.memref_slice %arg3[%add3A_32, %dma_start3A_221] : memref<5120x64xi32, #tpu.memory_space<hbm>> -> memref<40x64xi32, #tpu.memory_space<hbm>>
      %dma_start3A_223 = arith.constant 0 : i32
      %dma_start3A_224 = tpu.memref_slice %arg3[%add3A_32, %dma_start3A_223] : memref<5120x64xi32, #tpu.memory_space<hbm>> -> memref<40x64xi32, #tpu.memory_space<hbm>>
      tpu.enqueue_dma source(%dma_start3A_224 : memref<40x64xi32, #tpu.memory_space<hbm>>) target(%arg6 : memref<40x64xi32, #tpu.memory_space<vmem>>) target_semaphore(%run_scoped3A : memref<!tpu.dma_semaphore, #tpu.memory_space<semaphore_mem>>)
      %dma_wait3A = arith.constant 0 : i32
      %dma_wait3A_225 = tpu.memref_slice %arg3[%add3A_32, %dma_wait3A] : memref<5120x64xi32, #tpu.memory_space<hbm>> -> memref<40x64xi32, #tpu.memory_space<hbm>>
      %dma_wait3A_226 = arith.constant 0 : i32
      %dma_wait3A_227 = tpu.memref_slice %arg3[%add3A_32, %dma_wait3A_226] : memref<5120x64xi32, #tpu.memory_space<hbm>> -> memref<40x64xi32, #tpu.memory_space<hbm>>
      tpu.wait_dma2 semaphore(%run_scoped3A : memref<!tpu.dma_semaphore, #tpu.memory_space<semaphore_mem>>) src(%dma_wait3A_227 : memref<40x64xi32, #tpu.memory_space<hbm>>) dst(%arg6 : memref<40x64xi32, #tpu.memory_space<vmem>>)
      tpu.yield
    }) : () -> ()
    "tpu.region"() ({
      %run_scoped3A = tpu.sem_alloc : memref<!tpu.dma_semaphore, #tpu.memory_space<semaphore_mem>>
      %dma_start3A_221 = arith.constant 0 : i32
      %dma_start3A_222 = tpu.memref_slice %arg4[%add3A_32, %dma_start3A_221] : memref<5120x64xi32, #tpu.memory_space<hbm>> -> memref<40x64xi32, #tpu.memory_space<hbm>>
      %dma_start3A_223 = arith.constant 0 : i32
      %dma_start3A_224 = tpu.memref_slice %arg4[%add3A_32, %dma_start3A_223] : memref<5120x64xi32, #tpu.memory_space<hbm>> -> memref<40x64xi32, #tpu.memory_space<hbm>>
      tpu.enqueue_dma source(%dma_start3A_224 : memref<40x64xi32, #tpu.memory_space<hbm>>) target(%arg7 : memref<40x64xi32, #tpu.memory_space<vmem>>) target_semaphore(%run_scoped3A : memref<!tpu.dma_semaphore, #tpu.memory_space<semaphore_mem>>)
      %dma_wait3A = arith.constant 0 : i32
      %dma_wait3A_225 = tpu.memref_slice %arg4[%add3A_32, %dma_wait3A] : memref<5120x64xi32, #tpu.memory_space<hbm>> -> memref<40x64xi32, #tpu.memory_space<hbm>>
      %dma_wait3A_226 = arith.constant 0 : i32
      %dma_wait3A_227 = tpu.memref_slice %arg4[%add3A_32, %dma_wait3A_226] : memref<5120x64xi32, #tpu.memory_space<hbm>> -> memref<40x64xi32, #tpu.memory_space<hbm>>
      tpu.wait_dma2 semaphore(%run_scoped3A : memref<!tpu.dma_semaphore, #tpu.memory_space<semaphore_mem>>) src(%dma_wait3A_227 : memref<40x64xi32, #tpu.memory_space<hbm>>) dst(%arg7 : memref<40x64xi32, #tpu.memory_space<vmem>>)
      tpu.yield
    }) : () -> ()
    %dma_start3A = arith.constant 0 : i32
    %dma_start3A_33 = arith.constant 0 : i32
    %dma_start3A_34 = tpu.memref_slice %arg6[%dma_start3A, %dma_start3A_33] : memref<40x64xi32, #tpu.memory_space<vmem>> -> memref<1x64xi32, #tpu.memory_space<vmem>>
    %dma_start3A_35 = tpu.memref_squeeze %dma_start3A_34 : memref<1x64xi32, #tpu.memory_space<vmem>> -> memref<64xi32, #tpu.memory_space<vmem>>
    %dma_start3A_36 = arith.constant 0 : i32
    %dma_start3A_37 = arith.constant 0 : i32
    %dma_start3A_38 = tpu.memref_slice %arg2[%dma_start3A_36, %dma_start3A_37] : memref<10240x128xf32, #tpu.memory_space<hbm>> -> memref<10240x128xf32, #tpu.memory_space<hbm>>
    tpu.enqueue_indirect_dma source(%dma_start3A_38 : memref<10240x128xf32, #tpu.memory_space<hbm>>) target(%arg8 : memref<64x128xf32, #tpu.memory_space<vmem>>) offsets(%dma_start3A_35 : memref<64xi32, #tpu.memory_space<vmem>>) semaphore(%arg13 : memref<!tpu.dma_semaphore, #tpu.memory_space<semaphore_mem>>)
    %dma_start3A_39 = arith.constant 1 : i32
    %dma_start3A_40 = arith.constant 0 : i32
    %dma_start3A_41 = tpu.memref_slice %arg6[%dma_start3A_39, %dma_start3A_40] : memref<40x64xi32, #tpu.memory_space<vmem>> -> memref<1x64xi32, #tpu.memory_space<vmem>>
    %dma_start3A_42 = tpu.memref_squeeze %dma_start3A_41 : memref<1x64xi32, #tpu.memory_space<vmem>> -> memref<64xi32, #tpu.memory_space<vmem>>
    %dma_start3A_43 = arith.constant 0 : i32
    %dma_start3A_44 = arith.constant 0 : i32
    %dma_start3A_45 = tpu.memref_slice %arg2[%dma_start3A_43, %dma_start3A_44] : memref<10240x128xf32, #tpu.memory_space<hbm>> -> memref<10240x128xf32, #tpu.memory_space<hbm>>
    tpu.enqueue_indirect_dma source(%dma_start3A_45 : memref<10240x128xf32, #tpu.memory_space<hbm>>) target(%arg9 : memref<64x128xf32, #tpu.memory_space<vmem>>) offsets(%dma_start3A_42 : memref<64xi32, #tpu.memory_space<vmem>>) semaphore(%arg14 : memref<!tpu.dma_semaphore, #tpu.memory_space<semaphore_mem>>)
    %dma_start3A_46 = arith.constant 2 : i32
    %dma_start3A_47 = arith.constant 0 : i32
    %dma_start3A_48 = tpu.memref_slice %arg6[%dma_start3A_46, %dma_start3A_47] : memref<40x64xi32, #tpu.memory_space<vmem>> -> memref<1x64xi32, #tpu.memory_space<vmem>>
    %dma_start3A_49 = tpu.memref_squeeze %dma_start3A_48 : memref<1x64xi32, #tpu.memory_space<vmem>> -> memref<64xi32, #tpu.memory_space<vmem>>
    %dma_start3A_50 = arith.constant 0 : i32
    %dma_start3A_51 = arith.constant 0 : i32
    %dma_start3A_52 = tpu.memref_slice %arg2[%dma_start3A_50, %dma_start3A_51] : memref<10240x128xf32, #tpu.memory_space<hbm>> -> memref<10240x128xf32, #tpu.memory_space<hbm>>
    tpu.enqueue_indirect_dma source(%dma_start3A_52 : memref<10240x128xf32, #tpu.memory_space<hbm>>) target(%arg10 : memref<64x128xf32, #tpu.memory_space<vmem>>) offsets(%dma_start3A_49 : memref<64xi32, #tpu.memory_space<vmem>>) semaphore(%arg15 : memref<!tpu.dma_semaphore, #tpu.memory_space<semaphore_mem>>)
    %dma_start3A_53 = arith.constant 3 : i32
    %dma_start3A_54 = arith.constant 0 : i32
    %dma_start3A_55 = tpu.memref_slice %arg6[%dma_start3A_53, %dma_start3A_54] : memref<40x64xi32, #tpu.memory_space<vmem>> -> memref<1x64xi32, #tpu.memory_space<vmem>>
    %dma_start3A_56 = tpu.memref_squeeze %dma_start3A_55 : memref<1x64xi32, #tpu.memory_space<vmem>> -> memref<64xi32, #tpu.memory_space<vmem>>
    %dma_start3A_57 = arith.constant 0 : i32
    %dma_start3A_58 = arith.constant 0 : i32
    %dma_start3A_59 = tpu.memref_slice %arg2[%dma_start3A_57, %dma_start3A_58] : memref<10240x128xf32, #tpu.memory_space<hbm>> -> memref<10240x128xf32, #tpu.memory_space<hbm>>
    tpu.enqueue_indirect_dma source(%dma_start3A_59 : memref<10240x128xf32, #tpu.memory_space<hbm>>) target(%arg11 : memref<64x128xf32, #tpu.memory_space<vmem>>) offsets(%dma_start3A_56 : memref<64xi32, #tpu.memory_space<vmem>>) semaphore(%arg16 : memref<!tpu.dma_semaphore, #tpu.memory_space<semaphore_mem>>)
    %scan3A_60 = arith.constant 0 : i32
    %scan3A_61 = arith.constant 0 : i32
    %scan3A_62 = arith.constant 10 : i32
    %scan3A_63 = arith.addi %scan3A_61, %scan3A_62 : i32
    %scan3A_64 = arith.constant 1 : i32
    scf.for %scan3A_221 = %scan3A_61 to %scan3A_63 step %scan3A_64  : i32 {
      %mul3A_222 = arith.constant 4 : i32
      %mul3A_223 = arith.muli %scan3A_221, %mul3A_222 : i32
      %add3A_224 = arith.constant 0 : i32
      %add3A_225 = arith.addi %mul3A_223, %add3A_224 : i32
      %dma_wait3A = arith.constant 0 : i32
      %dma_wait3A_226 = tpu.memref_slice %arg6[%add3A_225, %dma_wait3A] : memref<40x64xi32, #tpu.memory_space<vmem>> -> memref<1x64xi32, #tpu.memory_space<vmem>>
      %dma_wait3A_227 = tpu.memref_squeeze %dma_wait3A_226 : memref<1x64xi32, #tpu.memory_space<vmem>> -> memref<64xi32, #tpu.memory_space<vmem>>
      %dma_wait3A_228 = arith.constant 0 : i32
      %dma_wait3A_229 = arith.constant 0 : i32
      %dma_wait3A_230 = tpu.memref_slice %arg2[%dma_wait3A_228, %dma_wait3A_229] : memref<10240x128xf32, #tpu.memory_space<hbm>> -> memref<10240x128xf32, #tpu.memory_space<hbm>>
      tpu.wait_indirect_dma semaphore(%arg13 : memref<!tpu.dma_semaphore, #tpu.memory_space<semaphore_mem>>) src(%dma_wait3A_230 : memref<10240x128xf32, #tpu.memory_space<hbm>>) dst(%arg8 : memref<64x128xf32, #tpu.memory_space<vmem>>)
      "tpu.region"() ({
        %run_scoped3A = tpu.sem_alloc : memref<!tpu.dma_semaphore, #tpu.memory_space<semaphore_mem>>
        %dma_start3A_286 = arith.constant 0 : i32
        %dma_start3A_287 = tpu.memref_slice %arg7[%add3A_225, %dma_start3A_286] : memref<40x64xi32, #tpu.memory_space<vmem>> -> memref<1x64xi32, #tpu.memory_space<vmem>>
        %dma_start3A_288 = tpu.memref_squeeze %dma_start3A_287 : memref<1x64xi32, #tpu.memory_space<vmem>> -> memref<64xi32, #tpu.memory_space<vmem>>
        %dma_start3A_289 = arith.constant 0 : i32
        %dma_start3A_290 = arith.constant 0 : i32
        %dma_start3A_291 = tpu.memref_slice %arg12[%dma_start3A_289, %dma_start3A_290] : memref<10112x128xf32, #tpu.memory_space<vmem_shared>> -> memref<10112x128xf32, #tpu.memory_space<vmem_shared>>
        tpu.enqueue_indirect_dma source(%arg8 : memref<64x128xf32, #tpu.memory_space<vmem>>) target(%dma_start3A_291 : memref<10112x128xf32, #tpu.memory_space<vmem_shared>>) offsets(%dma_start3A_288 : memref<64xi32, #tpu.memory_space<vmem>>) semaphore(%run_scoped3A : memref<!tpu.dma_semaphore, #tpu.memory_space<semaphore_mem>>) {add = true}
        %dma_wait3A_292 = arith.constant 0 : i32
        %dma_wait3A_293 = tpu.memref_slice %arg7[%add3A_225, %dma_wait3A_292] : memref<40x64xi32, #tpu.memory_space<vmem>> -> memref<1x64xi32, #tpu.memory_space<vmem>>
        %dma_wait3A_294 = tpu.memref_squeeze %dma_wait3A_293 : memref<1x64xi32, #tpu.memory_space<vmem>> -> memref<64xi32, #tpu.memory_space<vmem>>
        %dma_wait3A_295 = arith.constant 0 : i32
        %dma_wait3A_296 = arith.constant 0 : i32
        %dma_wait3A_297 = tpu.memref_slice %arg12[%dma_wait3A_295, %dma_wait3A_296] : memref<10112x128xf32, #tpu.memory_space<vmem_shared>> -> memref<10112x128xf32, #tpu.memory_space<vmem_shared>>
        tpu.wait_indirect_dma semaphore(%run_scoped3A : memref<!tpu.dma_semaphore, #tpu.memory_space<semaphore_mem>>) src(%arg8 : memref<64x128xf32, #tpu.memory_space<vmem>>) dst(%dma_wait3A_297 : memref<10112x128xf32, #tpu.memory_space<vmem_shared>>)
        tpu.yield
      }) : () -> ()
      %add3A_231 = arith.constant 4 : i32
      %add3A_232 = arith.addi %add3A_225, %add3A_231 : i32
      %lt3A = arith.constant 40 : i32
      %lt3A_233 = arith.cmpi slt, %add3A_232, %lt3A : i32
      %convert_element_type3A = arith.extui %lt3A_233 : i1 to i32
      %cond3A = arith.constant 0 : i32
      %cond3A_234 = arith.cmpi ne, %convert_element_type3A, %cond3A : i32
      scf.if %cond3A_234 {
        %dma_start3A_286 = arith.constant 0 : i32
        %dma_start3A_287 = tpu.memref_slice %arg6[%add3A_232, %dma_start3A_286] : memref<40x64xi32, #tpu.memory_space<vmem>> -> memref<1x64xi32, #tpu.memory_space<vmem>>
        %dma_start3A_288 = tpu.memref_squeeze %dma_start3A_287 : memref<1x64xi32, #tpu.memory_space<vmem>> -> memref<64xi32, #tpu.memory_space<vmem>>
        %dma_start3A_289 = arith.constant 0 : i32
        %dma_start3A_290 = arith.constant 0 : i32
        %dma_start3A_291 = tpu.memref_slice %arg2[%dma_start3A_289, %dma_start3A_290] : memref<10240x128xf32, #tpu.memory_space<hbm>> -> memref<10240x128xf32, #tpu.memory_space<hbm>>
        tpu.enqueue_indirect_dma source(%dma_start3A_291 : memref<10240x128xf32, #tpu.memory_space<hbm>>) target(%arg8 : memref<64x128xf32, #tpu.memory_space<vmem>>) offsets(%dma_start3A_288 : memref<64xi32, #tpu.memory_space<vmem>>) semaphore(%arg13 : memref<!tpu.dma_semaphore, #tpu.memory_space<semaphore_mem>>)
      } else {
      }
      %mul3A_235 = arith.constant 4 : i32
      %mul3A_236 = arith.muli %scan3A_221, %mul3A_235 : i32
      %add3A_237 = arith.constant 1 : i32
      %add3A_238 = arith.addi %mul3A_236, %add3A_237 : i32
      %dma_wait3A_239 = arith.constant 0 : i32
      %dma_wait3A_240 = tpu.memref_slice %arg6[%add3A_238, %dma_wait3A_239] : memref<40x64xi32, #tpu.memory_space<vmem>> -> memref<1x64xi32, #tpu.memory_space<vmem>>
      %dma_wait3A_241 = tpu.memref_squeeze %dma_wait3A_240 : memref<1x64xi32, #tpu.memory_space<vmem>> -> memref<64xi32, #tpu.memory_space<vmem>>
      %dma_wait3A_242 = arith.constant 0 : i32
      %dma_wait3A_243 = arith.constant 0 : i32
      %dma_wait3A_244 = tpu.memref_slice %arg2[%dma_wait3A_242, %dma_wait3A_243] : memref<10240x128xf32, #tpu.memory_space<hbm>> -> memref<10240x128xf32, #tpu.memory_space<hbm>>
      tpu.wait_indirect_dma semaphore(%arg14 : memref<!tpu.dma_semaphore, #tpu.memory_space<semaphore_mem>>) src(%dma_wait3A_244 : memref<10240x128xf32, #tpu.memory_space<hbm>>) dst(%arg9 : memref<64x128xf32, #tpu.memory_space<vmem>>)
      "tpu.region"() ({
        %run_scoped3A = tpu.sem_alloc : memref<!tpu.dma_semaphore, #tpu.memory_space<semaphore_mem>>
        %dma_start3A_286 = arith.constant 0 : i32
        %dma_start3A_287 = tpu.memref_slice %arg7[%add3A_238, %dma_start3A_286] : memref<40x64xi32, #tpu.memory_space<vmem>> -> memref<1x64xi32, #tpu.memory_space<vmem>>
        %dma_start3A_288 = tpu.memref_squeeze %dma_start3A_287 : memref<1x64xi32, #tpu.memory_space<vmem>> -> memref<64xi32, #tpu.memory_space<vmem>>
        %dma_start3A_289 = arith.constant 0 : i32
        %dma_start3A_290 = arith.constant 0 : i32
        %dma_start3A_291 = tpu.memref_slice %arg12[%dma_start3A_289, %dma_start3A_290] : memref<10112x128xf32, #tpu.memory_space<vmem_shared>> -> memref<10112x128xf32, #tpu.memory_space<vmem_shared>>
        tpu.enqueue_indirect_dma source(%arg9 : memref<64x128xf32, #tpu.memory_space<vmem>>) target(%dma_start3A_291 : memref<10112x128xf32, #tpu.memory_space<vmem_shared>>) offsets(%dma_start3A_288 : memref<64xi32, #tpu.memory_space<vmem>>) semaphore(%run_scoped3A : memref<!tpu.dma_semaphore, #tpu.memory_space<semaphore_mem>>) {add = true}
        %dma_wait3A_292 = arith.constant 0 : i32
        %dma_wait3A_293 = tpu.memref_slice %arg7[%add3A_238, %dma_wait3A_292] : memref<40x64xi32, #tpu.memory_space<vmem>> -> memref<1x64xi32, #tpu.memory_space<vmem>>
        %dma_wait3A_294 = tpu.memref_squeeze %dma_wait3A_293 : memref<1x64xi32, #tpu.memory_space<vmem>> -> memref<64xi32, #tpu.memory_space<vmem>>
        %dma_wait3A_295 = arith.constant 0 : i32
        %dma_wait3A_296 = arith.constant 0 : i32
        %dma_wait3A_297 = tpu.memref_slice %arg12[%dma_wait3A_295, %dma_wait3A_296] : memref<10112x128xf32, #tpu.memory_space<vmem_shared>> -> memref<10112x128xf32, #tpu.memory_space<vmem_shared>>
        tpu.wait_indirect_dma semaphore(%run_scoped3A : memref<!tpu.dma_semaphore, #tpu.memory_space<semaphore_mem>>) src(%arg9 : memref<64x128xf32, #tpu.memory_space<vmem>>) dst(%dma_wait3A_297 : memref<10112x128xf32, #tpu.memory_space<vmem_shared>>)
        tpu.yield
      }) : () -> ()
      %add3A_245 = arith.constant 4 : i32
      %add3A_246 = arith.addi %add3A_238, %add3A_245 : i32
      %lt3A_247 = arith.constant 40 : i32
      %lt3A_248 = arith.cmpi slt, %add3A_246, %lt3A_247 : i32
      %convert_element_type3A_249 = arith.extui %lt3A_248 : i1 to i32
      %cond3A_250 = arith.constant 0 : i32
      %cond3A_251 = arith.cmpi ne, %convert_element_type3A_249, %cond3A_250 : i32
      scf.if %cond3A_251 {
        %dma_start3A_286 = arith.constant 0 : i32
        %dma_start3A_287 = tpu.memref_slice %arg6[%add3A_246, %dma_start3A_286] : memref<40x64xi32, #tpu.memory_space<vmem>> -> memref<1x64xi32, #tpu.memory_space<vmem>>
        %dma_start3A_288 = tpu.memref_squeeze %dma_start3A_287 : memref<1x64xi32, #tpu.memory_space<vmem>> -> memref<64xi32, #tpu.memory_space<vmem>>
        %dma_start3A_289 = arith.constant 0 : i32
        %dma_start3A_290 = arith.constant 0 : i32
        %dma_start3A_291 = tpu.memref_slice %arg2[%dma_start3A_289, %dma_start3A_290] : memref<10240x128xf32, #tpu.memory_space<hbm>> -> memref<10240x128xf32, #tpu.memory_space<hbm>>
        tpu.enqueue_indirect_dma source(%dma_start3A_291 : memref<10240x128xf32, #tpu.memory_space<hbm>>) target(%arg9 : memref<64x128xf32, #tpu.memory_space<vmem>>) offsets(%dma_start3A_288 : memref<64xi32, #tpu.memory_space<vmem>>) semaphore(%arg14 : memref<!tpu.dma_semaphore, #tpu.memory_space<semaphore_mem>>)
      } else {
      }
      %mul3A_252 = arith.constant 4 : i32
      %mul3A_253 = arith.muli %scan3A_221, %mul3A_252 : i32
      %add3A_254 = arith.constant 2 : i32
      %add3A_255 = arith.addi %mul3A_253, %add3A_254 : i32
      %dma_wait3A_256 = arith.constant 0 : i32
      %dma_wait3A_257 = tpu.memref_slice %arg6[%add3A_255, %dma_wait3A_256] : memref<40x64xi32, #tpu.memory_space<vmem>> -> memref<1x64xi32, #tpu.memory_space<vmem>>
      %dma_wait3A_258 = tpu.memref_squeeze %dma_wait3A_257 : memref<1x64xi32, #tpu.memory_space<vmem>> -> memref<64xi32, #tpu.memory_space<vmem>>
      %dma_wait3A_259 = arith.constant 0 : i32
      %dma_wait3A_260 = arith.constant 0 : i32
      %dma_wait3A_261 = tpu.memref_slice %arg2[%dma_wait3A_259, %dma_wait3A_260] : memref<10240x128xf32, #tpu.memory_space<hbm>> -> memref<10240x128xf32, #tpu.memory_space<hbm>>
      tpu.wait_indirect_dma semaphore(%arg15 : memref<!tpu.dma_semaphore, #tpu.memory_space<semaphore_mem>>) src(%dma_wait3A_261 : memref<10240x128xf32, #tpu.memory_space<hbm>>) dst(%arg10 : memref<64x128xf32, #tpu.memory_space<vmem>>)
      "tpu.region"() ({
        %run_scoped3A = tpu.sem_alloc : memref<!tpu.dma_semaphore, #tpu.memory_space<semaphore_mem>>
        %dma_start3A_286 = arith.constant 0 : i32
        %dma_start3A_287 = tpu.memref_slice %arg7[%add3A_255, %dma_start3A_286] : memref<40x64xi32, #tpu.memory_space<vmem>> -> memref<1x64xi32, #tpu.memory_space<vmem>>
        %dma_start3A_288 = tpu.memref_squeeze %dma_start3A_287 : memref<1x64xi32, #tpu.memory_space<vmem>> -> memref<64xi32, #tpu.memory_space<vmem>>
        %dma_start3A_289 = arith.constant 0 : i32
        %dma_start3A_290 = arith.constant 0 : i32
        %dma_start3A_291 = tpu.memref_slice %arg12[%dma_start3A_289, %dma_start3A_290] : memref<10112x128xf32, #tpu.memory_space<vmem_shared>> -> memref<10112x128xf32, #tpu.memory_space<vmem_shared>>
        tpu.enqueue_indirect_dma source(%arg10 : memref<64x128xf32, #tpu.memory_space<vmem>>) target(%dma_start3A_291 : memref<10112x128xf32, #tpu.memory_space<vmem_shared>>) offsets(%dma_start3A_288 : memref<64xi32, #tpu.memory_space<vmem>>) semaphore(%run_scoped3A : memref<!tpu.dma_semaphore, #tpu.memory_space<semaphore_mem>>) {add = true}
        %dma_wait3A_292 = arith.constant 0 : i32
        %dma_wait3A_293 = tpu.memref_slice %arg7[%add3A_255, %dma_wait3A_292] : memref<40x64xi32, #tpu.memory_space<vmem>> -> memref<1x64xi32, #tpu.memory_space<vmem>>
        %dma_wait3A_294 = tpu.memref_squeeze %dma_wait3A_293 : memref<1x64xi32, #tpu.memory_space<vmem>> -> memref<64xi32, #tpu.memory_space<vmem>>
        %dma_wait3A_295 = arith.constant 0 : i32
        %dma_wait3A_296 = arith.constant 0 : i32
        %dma_wait3A_297 = tpu.memref_slice %arg12[%dma_wait3A_295, %dma_wait3A_296] : memref<10112x128xf32, #tpu.memory_space<vmem_shared>> -> memref<10112x128xf32, #tpu.memory_space<vmem_shared>>
        tpu.wait_indirect_dma semaphore(%run_scoped3A : memref<!tpu.dma_semaphore, #tpu.memory_space<semaphore_mem>>) src(%arg10 : memref<64x128xf32, #tpu.memory_space<vmem>>) dst(%dma_wait3A_297 : memref<10112x128xf32, #tpu.memory_space<vmem_shared>>)
        tpu.yield
      }) : () -> ()
      %add3A_262 = arith.constant 4 : i32
      %add3A_263 = arith.addi %add3A_255, %add3A_262 : i32
      %lt3A_264 = arith.constant 40 : i32
      %lt3A_265 = arith.cmpi slt, %add3A_263, %lt3A_264 : i32
      %convert_element_type3A_266 = arith.extui %lt3A_265 : i1 to i32
      %cond3A_267 = arith.constant 0 : i32
      %cond3A_268 = arith.cmpi ne, %convert_element_type3A_266, %cond3A_267 : i32
      scf.if %cond3A_268 {
        %dma_start3A_286 = arith.constant 0 : i32
        %dma_start3A_287 = tpu.memref_slice %arg6[%add3A_263, %dma_start3A_286] : memref<40x64xi32, #tpu.memory_space<vmem>> -> memref<1x64xi32, #tpu.memory_space<vmem>>
        %dma_start3A_288 = tpu.memref_squeeze %dma_start3A_287 : memref<1x64xi32, #tpu.memory_space<vmem>> -> memref<64xi32, #tpu.memory_space<vmem>>
        %dma_start3A_289 = arith.constant 0 : i32
        %dma_start3A_290 = arith.constant 0 : i32
        %dma_start3A_291 = tpu.memref_slice %arg2[%dma_start3A_289, %dma_start3A_290] : memref<10240x128xf32, #tpu.memory_space<hbm>> -> memref<10240x128xf32, #tpu.memory_space<hbm>>
        tpu.enqueue_indirect_dma source(%dma_start3A_291 : memref<10240x128xf32, #tpu.memory_space<hbm>>) target(%arg10 : memref<64x128xf32, #tpu.memory_space<vmem>>) offsets(%dma_start3A_288 : memref<64xi32, #tpu.memory_space<vmem>>) semaphore(%arg15 : memref<!tpu.dma_semaphore, #tpu.memory_space<semaphore_mem>>)
      } else {
      }
      %mul3A_269 = arith.constant 4 : i32
      %mul3A_270 = arith.muli %scan3A_221, %mul3A_269 : i32
      %add3A_271 = arith.constant 3 : i32
      %add3A_272 = arith.addi %mul3A_270, %add3A_271 : i32
      %dma_wait3A_273 = arith.constant 0 : i32
      %dma_wait3A_274 = tpu.memref_slice %arg6[%add3A_272, %dma_wait3A_273] : memref<40x64xi32, #tpu.memory_space<vmem>> -> memref<1x64xi32, #tpu.memory_space<vmem>>
      %dma_wait3A_275 = tpu.memref_squeeze %dma_wait3A_274 : memref<1x64xi32, #tpu.memory_space<vmem>> -> memref<64xi32, #tpu.memory_space<vmem>>
      %dma_wait3A_276 = arith.constant 0 : i32
      %dma_wait3A_277 = arith.constant 0 : i32
      %dma_wait3A_278 = tpu.memref_slice %arg2[%dma_wait3A_276, %dma_wait3A_277] : memref<10240x128xf32, #tpu.memory_space<hbm>> -> memref<10240x128xf32, #tpu.memory_space<hbm>>
      tpu.wait_indirect_dma semaphore(%arg16 : memref<!tpu.dma_semaphore, #tpu.memory_space<semaphore_mem>>) src(%dma_wait3A_278 : memref<10240x128xf32, #tpu.memory_space<hbm>>) dst(%arg11 : memref<64x128xf32, #tpu.memory_space<vmem>>)
      "tpu.region"() ({
        %run_scoped3A = tpu.sem_alloc : memref<!tpu.dma_semaphore, #tpu.memory_space<semaphore_mem>>
        %dma_start3A_286 = arith.constant 0 : i32
        %dma_start3A_287 = tpu.memref_slice %arg7[%add3A_272, %dma_start3A_286] : memref<40x64xi32, #tpu.memory_space<vmem>> -> memref<1x64xi32, #tpu.memory_space<vmem>>
        %dma_start3A_288 = tpu.memref_squeeze %dma_start3A_287 : memref<1x64xi32, #tpu.memory_space<vmem>> -> memref<64xi32, #tpu.memory_space<vmem>>
        %dma_start3A_289 = arith.constant 0 : i32
        %dma_start3A_290 = arith.constant 0 : i32
        %dma_start3A_291 = tpu.memref_slice %arg12[%dma_start3A_289, %dma_start3A_290] : memref<10112x128xf32, #tpu.memory_space<vmem_shared>> -> memref<10112x128xf32, #tpu.memory_space<vmem_shared>>
        tpu.enqueue_indirect_dma source(%arg11 : memref<64x128xf32, #tpu.memory_space<vmem>>) target(%dma_start3A_291 : memref<10112x128xf32, #tpu.memory_space<vmem_shared>>) offsets(%dma_start3A_288 : memref<64xi32, #tpu.memory_space<vmem>>) semaphore(%run_scoped3A : memref<!tpu.dma_semaphore, #tpu.memory_space<semaphore_mem>>) {add = true}
        %dma_wait3A_292 = arith.constant 0 : i32
        %dma_wait3A_293 = tpu.memref_slice %arg7[%add3A_272, %dma_wait3A_292] : memref<40x64xi32, #tpu.memory_space<vmem>> -> memref<1x64xi32, #tpu.memory_space<vmem>>
        %dma_wait3A_294 = tpu.memref_squeeze %dma_wait3A_293 : memref<1x64xi32, #tpu.memory_space<vmem>> -> memref<64xi32, #tpu.memory_space<vmem>>
        %dma_wait3A_295 = arith.constant 0 : i32
        %dma_wait3A_296 = arith.constant 0 : i32
        %dma_wait3A_297 = tpu.memref_slice %arg12[%dma_wait3A_295, %dma_wait3A_296] : memref<10112x128xf32, #tpu.memory_space<vmem_shared>> -> memref<10112x128xf32, #tpu.memory_space<vmem_shared>>
        tpu.wait_indirect_dma semaphore(%run_scoped3A : memref<!tpu.dma_semaphore, #tpu.memory_space<semaphore_mem>>) src(%arg11 : memref<64x128xf32, #tpu.memory_space<vmem>>) dst(%dma_wait3A_297 : memref<10112x128xf32, #tpu.memory_space<vmem_shared>>)
        tpu.yield
      }) : () -> ()
      %add3A_279 = arith.constant 4 : i32
      %add3A_280 = arith.addi %add3A_272, %add3A_279 : i32
      %lt3A_281 = arith.constant 40 : i32
      %lt3A_282 = arith.cmpi slt, %add3A_280, %lt3A_281 : i32
      %convert_element_type3A_283 = arith.extui %lt3A_282 : i1 to i32
      %cond3A_284 = arith.constant 0 : i32
      %cond3A_285 = arith.cmpi ne, %convert_element_type3A_283, %cond3A_284 : i32
      scf.if %cond3A_285 {
        %dma_start3A_286 = arith.constant 0 : i32
        %dma_start3A_287 = tpu.memref_slice %arg6[%add3A_280, %dma_start3A_286] : memref<40x64xi32, #tpu.memory_space<vmem>> -> memref<1x64xi32, #tpu.memory_space<vmem>>
        %dma_start3A_288 = tpu.memref_squeeze %dma_start3A_287 : memref<1x64xi32, #tpu.memory_space<vmem>> -> memref<64xi32, #tpu.memory_space<vmem>>
        %dma_start3A_289 = arith.constant 0 : i32
        %dma_start3A_290 = arith.constant 0 : i32
        %dma_start3A_291 = tpu.memref_slice %arg2[%dma_start3A_289, %dma_start3A_290] : memref<10240x128xf32, #tpu.memory_space<hbm>> -> memref<10240x128xf32, #tpu.memory_space<hbm>>
        tpu.enqueue_indirect_dma source(%dma_start3A_291 : memref<10240x128xf32, #tpu.memory_space<hbm>>) target(%arg11 : memref<64x128xf32, #tpu.memory_space<vmem>>) offsets(%dma_start3A_288 : memref<64xi32, #tpu.memory_space<vmem>>) semaphore(%arg16 : memref<!tpu.dma_semaphore, #tpu.memory_space<semaphore_mem>>)
      } else {
      }
    }
    %scan3A_65 = arith.constant 10 : i32
    %mul3A_66 = arith.constant 160 : i32
    %mul3A_67 = arith.muli %add3A, %mul3A_66 : i32
    %add3A_68 = arith.constant 40 : i32
    %add3A_69 = arith.addi %mul3A_67, %add3A_68 : i32
    "tpu.region"() ({
      %run_scoped3A = tpu.sem_alloc : memref<!tpu.dma_semaphore, #tpu.memory_space<semaphore_mem>>
      %dma_start3A_221 = arith.constant 0 : i32
      %dma_start3A_222 = tpu.memref_slice %arg3[%add3A_69, %dma_start3A_221] : memref<5120x64xi32, #tpu.memory_space<hbm>> -> memref<40x64xi32, #tpu.memory_space<hbm>>
      %dma_start3A_223 = arith.constant 0 : i32
      %dma_start3A_224 = tpu.memref_slice %arg3[%add3A_69, %dma_start3A_223] : memref<5120x64xi32, #tpu.memory_space<hbm>> -> memref<40x64xi32, #tpu.memory_space<hbm>>
      tpu.enqueue_dma source(%dma_start3A_224 : memref<40x64xi32, #tpu.memory_space<hbm>>) target(%arg6 : memref<40x64xi32, #tpu.memory_space<vmem>>) target_semaphore(%run_scoped3A : memref<!tpu.dma_semaphore, #tpu.memory_space<semaphore_mem>>)
      %dma_wait3A = arith.constant 0 : i32
      %dma_wait3A_225 = tpu.memref_slice %arg3[%add3A_69, %dma_wait3A] : memref<5120x64xi32, #tpu.memory_space<hbm>> -> memref<40x64xi32, #tpu.memory_space<hbm>>
      %dma_wait3A_226 = arith.constant 0 : i32
      %dma_wait3A_227 = tpu.memref_slice %arg3[%add3A_69, %dma_wait3A_226] : memref<5120x64xi32, #tpu.memory_space<hbm>> -> memref<40x64xi32, #tpu.memory_space<hbm>>
      tpu.wait_dma2 semaphore(%run_scoped3A : memref<!tpu.dma_semaphore, #tpu.memory_space<semaphore_mem>>) src(%dma_wait3A_227 : memref<40x64xi32, #tpu.memory_space<hbm>>) dst(%arg6 : memref<40x64xi32, #tpu.memory_space<vmem>>)
      tpu.yield
    }) : () -> ()
    "tpu.region"() ({
      %run_scoped3A = tpu.sem_alloc : memref<!tpu.dma_semaphore, #tpu.memory_space<semaphore_mem>>
      %dma_start3A_221 = arith.constant 0 : i32
      %dma_start3A_222 = tpu.memref_slice %arg4[%add3A_69, %dma_start3A_221] : memref<5120x64xi32, #tpu.memory_space<hbm>> -> memref<40x64xi32, #tpu.memory_space<hbm>>
      %dma_start3A_223 = arith.constant 0 : i32
      %dma_start3A_224 = tpu.memref_slice %arg4[%add3A_69, %dma_start3A_223] : memref<5120x64xi32, #tpu.memory_space<hbm>> -> memref<40x64xi32, #tpu.memory_space<hbm>>
      tpu.enqueue_dma source(%dma_start3A_224 : memref<40x64xi32, #tpu.memory_space<hbm>>) target(%arg7 : memref<40x64xi32, #tpu.memory_space<vmem>>) target_semaphore(%run_scoped3A : memref<!tpu.dma_semaphore, #tpu.memory_space<semaphore_mem>>)
      %dma_wait3A = arith.constant 0 : i32
      %dma_wait3A_225 = tpu.memref_slice %arg4[%add3A_69, %dma_wait3A] : memref<5120x64xi32, #tpu.memory_space<hbm>> -> memref<40x64xi32, #tpu.memory_space<hbm>>
      %dma_wait3A_226 = arith.constant 0 : i32
      %dma_wait3A_227 = tpu.memref_slice %arg4[%add3A_69, %dma_wait3A_226] : memref<5120x64xi32, #tpu.memory_space<hbm>> -> memref<40x64xi32, #tpu.memory_space<hbm>>
      tpu.wait_dma2 semaphore(%run_scoped3A : memref<!tpu.dma_semaphore, #tpu.memory_space<semaphore_mem>>) src(%dma_wait3A_227 : memref<40x64xi32, #tpu.memory_space<hbm>>) dst(%arg7 : memref<40x64xi32, #tpu.memory_space<vmem>>)
      tpu.yield
    }) : () -> ()
    %dma_start3A_70 = arith.constant 0 : i32
    %dma_start3A_71 = arith.constant 0 : i32
    %dma_start3A_72 = tpu.memref_slice %arg6[%dma_start3A_70, %dma_start3A_71] : memref<40x64xi32, #tpu.memory_space<vmem>> -> memref<1x64xi32, #tpu.memory_space<vmem>>
    %dma_start3A_73 = tpu.memref_squeeze %dma_start3A_72 : memref<1x64xi32, #tpu.memory_space<vmem>> -> memref<64xi32, #tpu.memory_space<vmem>>
    %dma_start3A_74 = arith.constant 0 : i32
    %dma_start3A_75 = arith.constant 0 : i32
    %dma_start3A_76 = tpu.memref_slice %arg2[%dma_start3A_74, %dma_start3A_75] : memref<10240x128xf32, #tpu.memory_space<hbm>> -> memref<10240x128xf32, #tpu.memory_space<hbm>>
    tpu.enqueue_indirect_dma source(%dma_start3A_76 : memref<10240x128xf32, #tpu.memory_space<hbm>>) target(%arg8 : memref<64x128xf32, #tpu.memory_space<vmem>>) offsets(%dma_start3A_73 : memref<64xi32, #tpu.memory_space<vmem>>) semaphore(%arg13 : memref<!tpu.dma_semaphore, #tpu.memory_space<semaphore_mem>>)
    %dma_start3A_77 = arith.constant 1 : i32
    %dma_start3A_78 = arith.constant 0 : i32
    %dma_start3A_79 = tpu.memref_slice %arg6[%dma_start3A_77, %dma_start3A_78] : memref<40x64xi32, #tpu.memory_space<vmem>> -> memref<1x64xi32, #tpu.memory_space<vmem>>
    %dma_start3A_80 = tpu.memref_squeeze %dma_start3A_79 : memref<1x64xi32, #tpu.memory_space<vmem>> -> memref<64xi32, #tpu.memory_space<vmem>>
    %dma_start3A_81 = arith.constant 0 : i32
    %dma_start3A_82 = arith.constant 0 : i32
    %dma_start3A_83 = tpu.memref_slice %arg2[%dma_start3A_81, %dma_start3A_82] : memref<10240x128xf32, #tpu.memory_space<hbm>> -> memref<10240x128xf32, #tpu.memory_space<hbm>>
    tpu.enqueue_indirect_dma source(%dma_start3A_83 : memref<10240x128xf32, #tpu.memory_space<hbm>>) target(%arg9 : memref<64x128xf32, #tpu.memory_space<vmem>>) offsets(%dma_start3A_80 : memref<64xi32, #tpu.memory_space<vmem>>) semaphore(%arg14 : memref<!tpu.dma_semaphore, #tpu.memory_space<semaphore_mem>>)
    %dma_start3A_84 = arith.constant 2 : i32
    %dma_start3A_85 = arith.constant 0 : i32
    %dma_start3A_86 = tpu.memref_slice %arg6[%dma_start3A_84, %dma_start3A_85] : memref<40x64xi32, #tpu.memory_space<vmem>> -> memref<1x64xi32, #tpu.memory_space<vmem>>
    %dma_start3A_87 = tpu.memref_squeeze %dma_start3A_86 : memref<1x64xi32, #tpu.memory_space<vmem>> -> memref<64xi32, #tpu.memory_space<vmem>>
    %dma_start3A_88 = arith.constant 0 : i32
    %dma_start3A_89 = arith.constant 0 : i32
    %dma_start3A_90 = tpu.memref_slice %arg2[%dma_start3A_88, %dma_start3A_89] : memref<10240x128xf32, #tpu.memory_space<hbm>> -> memref<10240x128xf32, #tpu.memory_space<hbm>>
    tpu.enqueue_indirect_dma source(%dma_start3A_90 : memref<10240x128xf32, #tpu.memory_space<hbm>>) target(%arg10 : memref<64x128xf32, #tpu.memory_space<vmem>>) offsets(%dma_start3A_87 : memref<64xi32, #tpu.memory_space<vmem>>) semaphore(%arg15 : memref<!tpu.dma_semaphore, #tpu.memory_space<semaphore_mem>>)
    %dma_start3A_91 = arith.constant 3 : i32
    %dma_start3A_92 = arith.constant 0 : i32
    %dma_start3A_93 = tpu.memref_slice %arg6[%dma_start3A_91, %dma_start3A_92] : memref<40x64xi32, #tpu.memory_space<vmem>> -> memref<1x64xi32, #tpu.memory_space<vmem>>
    %dma_start3A_94 = tpu.memref_squeeze %dma_start3A_93 : memref<1x64xi32, #tpu.memory_space<vmem>> -> memref<64xi32, #tpu.memory_space<vmem>>
    %dma_start3A_95 = arith.constant 0 : i32
    %dma_start3A_96 = arith.constant 0 : i32
    %dma_start3A_97 = tpu.memref_slice %arg2[%dma_start3A_95, %dma_start3A_96] : memref<10240x128xf32, #tpu.memory_space<hbm>> -> memref<10240x128xf32, #tpu.memory_space<hbm>>
    tpu.enqueue_indirect_dma source(%dma_start3A_97 : memref<10240x128xf32, #tpu.memory_space<hbm>>) target(%arg11 : memref<64x128xf32, #tpu.memory_space<vmem>>) offsets(%dma_start3A_94 : memref<64xi32, #tpu.memory_space<vmem>>) semaphore(%arg16 : memref<!tpu.dma_semaphore, #tpu.memory_space<semaphore_mem>>)
    %scan3A_98 = arith.constant 0 : i32
    %scan3A_99 = arith.constant 0 : i32
    %scan3A_100 = arith.constant 10 : i32
    %scan3A_101 = arith.addi %scan3A_99, %scan3A_100 : i32
    %scan3A_102 = arith.constant 1 : i32
    scf.for %scan3A_221 = %scan3A_99 to %scan3A_101 step %scan3A_102  : i32 {
      %mul3A_222 = arith.constant 4 : i32
      %mul3A_223 = arith.muli %scan3A_221, %mul3A_222 : i32
      %add3A_224 = arith.constant 0 : i32
      %add3A_225 = arith.addi %mul3A_223, %add3A_224 : i32
      %dma_wait3A = arith.constant 0 : i32
      %dma_wait3A_226 = tpu.memref_slice %arg6[%add3A_225, %dma_wait3A] : memref<40x64xi32, #tpu.memory_space<vmem>> -> memref<1x64xi32, #tpu.memory_space<vmem>>
      %dma_wait3A_227 = tpu.memref_squeeze %dma_wait3A_226 : memref<1x64xi32, #tpu.memory_space<vmem>> -> memref<64xi32, #tpu.memory_space<vmem>>
      %dma_wait3A_228 = arith.constant 0 : i32
      %dma_wait3A_229 = arith.constant 0 : i32
      %dma_wait3A_230 = tpu.memref_slice %arg2[%dma_wait3A_228, %dma_wait3A_229] : memref<10240x128xf32, #tpu.memory_space<hbm>> -> memref<10240x128xf32, #tpu.memory_space<hbm>>
      tpu.wait_indirect_dma semaphore(%arg13 : memref<!tpu.dma_semaphore, #tpu.memory_space<semaphore_mem>>) src(%dma_wait3A_230 : memref<10240x128xf32, #tpu.memory_space<hbm>>) dst(%arg8 : memref<64x128xf32, #tpu.memory_space<vmem>>)
      "tpu.region"() ({
        %run_scoped3A = tpu.sem_alloc : memref<!tpu.dma_semaphore, #tpu.memory_space<semaphore_mem>>
        %dma_start3A_286 = arith.constant 0 : i32
        %dma_start3A_287 = tpu.memref_slice %arg7[%add3A_225, %dma_start3A_286] : memref<40x64xi32, #tpu.memory_space<vmem>> -> memref<1x64xi32, #tpu.memory_space<vmem>>
        %dma_start3A_288 = tpu.memref_squeeze %dma_start3A_287 : memref<1x64xi32, #tpu.memory_space<vmem>> -> memref<64xi32, #tpu.memory_space<vmem>>
        %dma_start3A_289 = arith.constant 0 : i32
        %dma_start3A_290 = arith.constant 0 : i32
        %dma_start3A_291 = tpu.memref_slice %arg12[%dma_start3A_289, %dma_start3A_290] : memref<10112x128xf32, #tpu.memory_space<vmem_shared>> -> memref<10112x128xf32, #tpu.memory_space<vmem_shared>>
        tpu.enqueue_indirect_dma source(%arg8 : memref<64x128xf32, #tpu.memory_space<vmem>>) target(%dma_start3A_291 : memref<10112x128xf32, #tpu.memory_space<vmem_shared>>) offsets(%dma_start3A_288 : memref<64xi32, #tpu.memory_space<vmem>>) semaphore(%run_scoped3A : memref<!tpu.dma_semaphore, #tpu.memory_space<semaphore_mem>>) {add = true}
        %dma_wait3A_292 = arith.constant 0 : i32
        %dma_wait3A_293 = tpu.memref_slice %arg7[%add3A_225, %dma_wait3A_292] : memref<40x64xi32, #tpu.memory_space<vmem>> -> memref<1x64xi32, #tpu.memory_space<vmem>>
        %dma_wait3A_294 = tpu.memref_squeeze %dma_wait3A_293 : memref<1x64xi32, #tpu.memory_space<vmem>> -> memref<64xi32, #tpu.memory_space<vmem>>
        %dma_wait3A_295 = arith.constant 0 : i32
        %dma_wait3A_296 = arith.constant 0 : i32
        %dma_wait3A_297 = tpu.memref_slice %arg12[%dma_wait3A_295, %dma_wait3A_296] : memref<10112x128xf32, #tpu.memory_space<vmem_shared>> -> memref<10112x128xf32, #tpu.memory_space<vmem_shared>>
        tpu.wait_indirect_dma semaphore(%run_scoped3A : memref<!tpu.dma_semaphore, #tpu.memory_space<semaphore_mem>>) src(%arg8 : memref<64x128xf32, #tpu.memory_space<vmem>>) dst(%dma_wait3A_297 : memref<10112x128xf32, #tpu.memory_space<vmem_shared>>)
        tpu.yield
      }) : () -> ()
      %add3A_231 = arith.constant 4 : i32
      %add3A_232 = arith.addi %add3A_225, %add3A_231 : i32
      %lt3A = arith.constant 40 : i32
      %lt3A_233 = arith.cmpi slt, %add3A_232, %lt3A : i32
      %convert_element_type3A = arith.extui %lt3A_233 : i1 to i32
      %cond3A = arith.constant 0 : i32
      %cond3A_234 = arith.cmpi ne, %convert_element_type3A, %cond3A : i32
      scf.if %cond3A_234 {
        %dma_start3A_286 = arith.constant 0 : i32
        %dma_start3A_287 = tpu.memref_slice %arg6[%add3A_232, %dma_start3A_286] : memref<40x64xi32, #tpu.memory_space<vmem>> -> memref<1x64xi32, #tpu.memory_space<vmem>>
        %dma_start3A_288 = tpu.memref_squeeze %dma_start3A_287 : memref<1x64xi32, #tpu.memory_space<vmem>> -> memref<64xi32, #tpu.memory_space<vmem>>
        %dma_start3A_289 = arith.constant 0 : i32
        %dma_start3A_290 = arith.constant 0 : i32
        %dma_start3A_291 = tpu.memref_slice %arg2[%dma_start3A_289, %dma_start3A_290] : memref<10240x128xf32, #tpu.memory_space<hbm>> -> memref<10240x128xf32, #tpu.memory_space<hbm>>
        tpu.enqueue_indirect_dma source(%dma_start3A_291 : memref<10240x128xf32, #tpu.memory_space<hbm>>) target(%arg8 : memref<64x128xf32, #tpu.memory_space<vmem>>) offsets(%dma_start3A_288 : memref<64xi32, #tpu.memory_space<vmem>>) semaphore(%arg13 : memref<!tpu.dma_semaphore, #tpu.memory_space<semaphore_mem>>)
      } else {
      }
      %mul3A_235 = arith.constant 4 : i32
      %mul3A_236 = arith.muli %scan3A_221, %mul3A_235 : i32
      %add3A_237 = arith.constant 1 : i32
      %add3A_238 = arith.addi %mul3A_236, %add3A_237 : i32
      %dma_wait3A_239 = arith.constant 0 : i32
      %dma_wait3A_240 = tpu.memref_slice %arg6[%add3A_238, %dma_wait3A_239] : memref<40x64xi32, #tpu.memory_space<vmem>> -> memref<1x64xi32, #tpu.memory_space<vmem>>
      %dma_wait3A_241 = tpu.memref_squeeze %dma_wait3A_240 : memref<1x64xi32, #tpu.memory_space<vmem>> -> memref<64xi32, #tpu.memory_space<vmem>>
      %dma_wait3A_242 = arith.constant 0 : i32
      %dma_wait3A_243 = arith.constant 0 : i32
      %dma_wait3A_244 = tpu.memref_slice %arg2[%dma_wait3A_242, %dma_wait3A_243] : memref<10240x128xf32, #tpu.memory_space<hbm>> -> memref<10240x128xf32, #tpu.memory_space<hbm>>
      tpu.wait_indirect_dma semaphore(%arg14 : memref<!tpu.dma_semaphore, #tpu.memory_space<semaphore_mem>>) src(%dma_wait3A_244 : memref<10240x128xf32, #tpu.memory_space<hbm>>) dst(%arg9 : memref<64x128xf32, #tpu.memory_space<vmem>>)
      "tpu.region"() ({
        %run_scoped3A = tpu.sem_alloc : memref<!tpu.dma_semaphore, #tpu.memory_space<semaphore_mem>>
        %dma_start3A_286 = arith.constant 0 : i32
        %dma_start3A_287 = tpu.memref_slice %arg7[%add3A_238, %dma_start3A_286] : memref<40x64xi32, #tpu.memory_space<vmem>> -> memref<1x64xi32, #tpu.memory_space<vmem>>
        %dma_start3A_288 = tpu.memref_squeeze %dma_start3A_287 : memref<1x64xi32, #tpu.memory_space<vmem>> -> memref<64xi32, #tpu.memory_space<vmem>>
        %dma_start3A_289 = arith.constant 0 : i32
        %dma_start3A_290 = arith.constant 0 : i32
        %dma_start3A_291 = tpu.memref_slice %arg12[%dma_start3A_289, %dma_start3A_290] : memref<10112x128xf32, #tpu.memory_space<vmem_shared>> -> memref<10112x128xf32, #tpu.memory_space<vmem_shared>>
        tpu.enqueue_indirect_dma source(%arg9 : memref<64x128xf32, #tpu.memory_space<vmem>>) target(%dma_start3A_291 : memref<10112x128xf32, #tpu.memory_space<vmem_shared>>) offsets(%dma_start3A_288 : memref<64xi32, #tpu.memory_space<vmem>>) semaphore(%run_scoped3A : memref<!tpu.dma_semaphore, #tpu.memory_space<semaphore_mem>>) {add = true}
        %dma_wait3A_292 = arith.constant 0 : i32
        %dma_wait3A_293 = tpu.memref_slice %arg7[%add3A_238, %dma_wait3A_292] : memref<40x64xi32, #tpu.memory_space<vmem>> -> memref<1x64xi32, #tpu.memory_space<vmem>>
        %dma_wait3A_294 = tpu.memref_squeeze %dma_wait3A_293 : memref<1x64xi32, #tpu.memory_space<vmem>> -> memref<64xi32, #tpu.memory_space<vmem>>
        %dma_wait3A_295 = arith.constant 0 : i32
        %dma_wait3A_296 = arith.constant 0 : i32
        %dma_wait3A_297 = tpu.memref_slice %arg12[%dma_wait3A_295, %dma_wait3A_296] : memref<10112x128xf32, #tpu.memory_space<vmem_shared>> -> memref<10112x128xf32, #tpu.memory_space<vmem_shared>>
        tpu.wait_indirect_dma semaphore(%run_scoped3A : memref<!tpu.dma_semaphore, #tpu.memory_space<semaphore_mem>>) src(%arg9 : memref<64x128xf32, #tpu.memory_space<vmem>>) dst(%dma_wait3A_297 : memref<10112x128xf32, #tpu.memory_space<vmem_shared>>)
        tpu.yield
      }) : () -> ()
      %add3A_245 = arith.constant 4 : i32
      %add3A_246 = arith.addi %add3A_238, %add3A_245 : i32
      %lt3A_247 = arith.constant 40 : i32
      %lt3A_248 = arith.cmpi slt, %add3A_246, %lt3A_247 : i32
      %convert_element_type3A_249 = arith.extui %lt3A_248 : i1 to i32
      %cond3A_250 = arith.constant 0 : i32
      %cond3A_251 = arith.cmpi ne, %convert_element_type3A_249, %cond3A_250 : i32
      scf.if %cond3A_251 {
        %dma_start3A_286 = arith.constant 0 : i32
        %dma_start3A_287 = tpu.memref_slice %arg6[%add3A_246, %dma_start3A_286] : memref<40x64xi32, #tpu.memory_space<vmem>> -> memref<1x64xi32, #tpu.memory_space<vmem>>
        %dma_start3A_288 = tpu.memref_squeeze %dma_start3A_287 : memref<1x64xi32, #tpu.memory_space<vmem>> -> memref<64xi32, #tpu.memory_space<vmem>>
        %dma_start3A_289 = arith.constant 0 : i32
        %dma_start3A_290 = arith.constant 0 : i32
        %dma_start3A_291 = tpu.memref_slice %arg2[%dma_start3A_289, %dma_start3A_290] : memref<10240x128xf32, #tpu.memory_space<hbm>> -> memref<10240x128xf32, #tpu.memory_space<hbm>>
        tpu.enqueue_indirect_dma source(%dma_start3A_291 : memref<10240x128xf32, #tpu.memory_space<hbm>>) target(%arg9 : memref<64x128xf32, #tpu.memory_space<vmem>>) offsets(%dma_start3A_288 : memref<64xi32, #tpu.memory_space<vmem>>) semaphore(%arg14 : memref<!tpu.dma_semaphore, #tpu.memory_space<semaphore_mem>>)
      } else {
      }
      %mul3A_252 = arith.constant 4 : i32
      %mul3A_253 = arith.muli %scan3A_221, %mul3A_252 : i32
      %add3A_254 = arith.constant 2 : i32
      %add3A_255 = arith.addi %mul3A_253, %add3A_254 : i32
      %dma_wait3A_256 = arith.constant 0 : i32
      %dma_wait3A_257 = tpu.memref_slice %arg6[%add3A_255, %dma_wait3A_256] : memref<40x64xi32, #tpu.memory_space<vmem>> -> memref<1x64xi32, #tpu.memory_space<vmem>>
      %dma_wait3A_258 = tpu.memref_squeeze %dma_wait3A_257 : memref<1x64xi32, #tpu.memory_space<vmem>> -> memref<64xi32, #tpu.memory_space<vmem>>
      %dma_wait3A_259 = arith.constant 0 : i32
      %dma_wait3A_260 = arith.constant 0 : i32
      %dma_wait3A_261 = tpu.memref_slice %arg2[%dma_wait3A_259, %dma_wait3A_260] : memref<10240x128xf32, #tpu.memory_space<hbm>> -> memref<10240x128xf32, #tpu.memory_space<hbm>>
      tpu.wait_indirect_dma semaphore(%arg15 : memref<!tpu.dma_semaphore, #tpu.memory_space<semaphore_mem>>) src(%dma_wait3A_261 : memref<10240x128xf32, #tpu.memory_space<hbm>>) dst(%arg10 : memref<64x128xf32, #tpu.memory_space<vmem>>)
      "tpu.region"() ({
        %run_scoped3A = tpu.sem_alloc : memref<!tpu.dma_semaphore, #tpu.memory_space<semaphore_mem>>
        %dma_start3A_286 = arith.constant 0 : i32
        %dma_start3A_287 = tpu.memref_slice %arg7[%add3A_255, %dma_start3A_286] : memref<40x64xi32, #tpu.memory_space<vmem>> -> memref<1x64xi32, #tpu.memory_space<vmem>>
        %dma_start3A_288 = tpu.memref_squeeze %dma_start3A_287 : memref<1x64xi32, #tpu.memory_space<vmem>> -> memref<64xi32, #tpu.memory_space<vmem>>
        %dma_start3A_289 = arith.constant 0 : i32
        %dma_start3A_290 = arith.constant 0 : i32
        %dma_start3A_291 = tpu.memref_slice %arg12[%dma_start3A_289, %dma_start3A_290] : memref<10112x128xf32, #tpu.memory_space<vmem_shared>> -> memref<10112x128xf32, #tpu.memory_space<vmem_shared>>
        tpu.enqueue_indirect_dma source(%arg10 : memref<64x128xf32, #tpu.memory_space<vmem>>) target(%dma_start3A_291 : memref<10112x128xf32, #tpu.memory_space<vmem_shared>>) offsets(%dma_start3A_288 : memref<64xi32, #tpu.memory_space<vmem>>) semaphore(%run_scoped3A : memref<!tpu.dma_semaphore, #tpu.memory_space<semaphore_mem>>) {add = true}
        %dma_wait3A_292 = arith.constant 0 : i32
        %dma_wait3A_293 = tpu.memref_slice %arg7[%add3A_255, %dma_wait3A_292] : memref<40x64xi32, #tpu.memory_space<vmem>> -> memref<1x64xi32, #tpu.memory_space<vmem>>
        %dma_wait3A_294 = tpu.memref_squeeze %dma_wait3A_293 : memref<1x64xi32, #tpu.memory_space<vmem>> -> memref<64xi32, #tpu.memory_space<vmem>>
        %dma_wait3A_295 = arith.constant 0 : i32
        %dma_wait3A_296 = arith.constant 0 : i32
        %dma_wait3A_297 = tpu.memref_slice %arg12[%dma_wait3A_295, %dma_wait3A_296] : memref<10112x128xf32, #tpu.memory_space<vmem_shared>> -> memref<10112x128xf32, #tpu.memory_space<vmem_shared>>
        tpu.wait_indirect_dma semaphore(%run_scoped3A : memref<!tpu.dma_semaphore, #tpu.memory_space<semaphore_mem>>) src(%arg10 : memref<64x128xf32, #tpu.memory_space<vmem>>) dst(%dma_wait3A_297 : memref<10112x128xf32, #tpu.memory_space<vmem_shared>>)
        tpu.yield
      }) : () -> ()
      %add3A_262 = arith.constant 4 : i32
      %add3A_263 = arith.addi %add3A_255, %add3A_262 : i32
      %lt3A_264 = arith.constant 40 : i32
      %lt3A_265 = arith.cmpi slt, %add3A_263, %lt3A_264 : i32
      %convert_element_type3A_266 = arith.extui %lt3A_265 : i1 to i32
      %cond3A_267 = arith.constant 0 : i32
      %cond3A_268 = arith.cmpi ne, %convert_element_type3A_266, %cond3A_267 : i32
      scf.if %cond3A_268 {
        %dma_start3A_286 = arith.constant 0 : i32
        %dma_start3A_287 = tpu.memref_slice %arg6[%add3A_263, %dma_start3A_286] : memref<40x64xi32, #tpu.memory_space<vmem>> -> memref<1x64xi32, #tpu.memory_space<vmem>>
        %dma_start3A_288 = tpu.memref_squeeze %dma_start3A_287 : memref<1x64xi32, #tpu.memory_space<vmem>> -> memref<64xi32, #tpu.memory_space<vmem>>
        %dma_start3A_289 = arith.constant 0 : i32
        %dma_start3A_290 = arith.constant 0 : i32
        %dma_start3A_291 = tpu.memref_slice %arg2[%dma_start3A_289, %dma_start3A_290] : memref<10240x128xf32, #tpu.memory_space<hbm>> -> memref<10240x128xf32, #tpu.memory_space<hbm>>
        tpu.enqueue_indirect_dma source(%dma_start3A_291 : memref<10240x128xf32, #tpu.memory_space<hbm>>) target(%arg10 : memref<64x128xf32, #tpu.memory_space<vmem>>) offsets(%dma_start3A_288 : memref<64xi32, #tpu.memory_space<vmem>>) semaphore(%arg15 : memref<!tpu.dma_semaphore, #tpu.memory_space<semaphore_mem>>)
      } else {
      }
      %mul3A_269 = arith.constant 4 : i32
      %mul3A_270 = arith.muli %scan3A_221, %mul3A_269 : i32
      %add3A_271 = arith.constant 3 : i32
      %add3A_272 = arith.addi %mul3A_270, %add3A_271 : i32
      %dma_wait3A_273 = arith.constant 0 : i32
      %dma_wait3A_274 = tpu.memref_slice %arg6[%add3A_272, %dma_wait3A_273] : memref<40x64xi32, #tpu.memory_space<vmem>> -> memref<1x64xi32, #tpu.memory_space<vmem>>
      %dma_wait3A_275 = tpu.memref_squeeze %dma_wait3A_274 : memref<1x64xi32, #tpu.memory_space<vmem>> -> memref<64xi32, #tpu.memory_space<vmem>>
      %dma_wait3A_276 = arith.constant 0 : i32
      %dma_wait3A_277 = arith.constant 0 : i32
      %dma_wait3A_278 = tpu.memref_slice %arg2[%dma_wait3A_276, %dma_wait3A_277] : memref<10240x128xf32, #tpu.memory_space<hbm>> -> memref<10240x128xf32, #tpu.memory_space<hbm>>
      tpu.wait_indirect_dma semaphore(%arg16 : memref<!tpu.dma_semaphore, #tpu.memory_space<semaphore_mem>>) src(%dma_wait3A_278 : memref<10240x128xf32, #tpu.memory_space<hbm>>) dst(%arg11 : memref<64x128xf32, #tpu.memory_space<vmem>>)
      "tpu.region"() ({
        %run_scoped3A = tpu.sem_alloc : memref<!tpu.dma_semaphore, #tpu.memory_space<semaphore_mem>>
        %dma_start3A_286 = arith.constant 0 : i32
        %dma_start3A_287 = tpu.memref_slice %arg7[%add3A_272, %dma_start3A_286] : memref<40x64xi32, #tpu.memory_space<vmem>> -> memref<1x64xi32, #tpu.memory_space<vmem>>
        %dma_start3A_288 = tpu.memref_squeeze %dma_start3A_287 : memref<1x64xi32, #tpu.memory_space<vmem>> -> memref<64xi32, #tpu.memory_space<vmem>>
        %dma_start3A_289 = arith.constant 0 : i32
        %dma_start3A_290 = arith.constant 0 : i32
        %dma_start3A_291 = tpu.memref_slice %arg12[%dma_start3A_289, %dma_start3A_290] : memref<10112x128xf32, #tpu.memory_space<vmem_shared>> -> memref<10112x128xf32, #tpu.memory_space<vmem_shared>>
        tpu.enqueue_indirect_dma source(%arg11 : memref<64x128xf32, #tpu.memory_space<vmem>>) target(%dma_start3A_291 : memref<10112x128xf32, #tpu.memory_space<vmem_shared>>) offsets(%dma_start3A_288 : memref<64xi32, #tpu.memory_space<vmem>>) semaphore(%run_scoped3A : memref<!tpu.dma_semaphore, #tpu.memory_space<semaphore_mem>>) {add = true}
        %dma_wait3A_292 = arith.constant 0 : i32
        %dma_wait3A_293 = tpu.memref_slice %arg7[%add3A_272, %dma_wait3A_292] : memref<40x64xi32, #tpu.memory_space<vmem>> -> memref<1x64xi32, #tpu.memory_space<vmem>>
        %dma_wait3A_294 = tpu.memref_squeeze %dma_wait3A_293 : memref<1x64xi32, #tpu.memory_space<vmem>> -> memref<64xi32, #tpu.memory_space<vmem>>
        %dma_wait3A_295 = arith.constant 0 : i32
        %dma_wait3A_296 = arith.constant 0 : i32
        %dma_wait3A_297 = tpu.memref_slice %arg12[%dma_wait3A_295, %dma_wait3A_296] : memref<10112x128xf32, #tpu.memory_space<vmem_shared>> -> memref<10112x128xf32, #tpu.memory_space<vmem_shared>>
        tpu.wait_indirect_dma semaphore(%run_scoped3A : memref<!tpu.dma_semaphore, #tpu.memory_space<semaphore_mem>>) src(%arg11 : memref<64x128xf32, #tpu.memory_space<vmem>>) dst(%dma_wait3A_297 : memref<10112x128xf32, #tpu.memory_space<vmem_shared>>)
        tpu.yield
      }) : () -> ()
      %add3A_279 = arith.constant 4 : i32
      %add3A_280 = arith.addi %add3A_272, %add3A_279 : i32
      %lt3A_281 = arith.constant 40 : i32
      %lt3A_282 = arith.cmpi slt, %add3A_280, %lt3A_281 : i32
      %convert_element_type3A_283 = arith.extui %lt3A_282 : i1 to i32
      %cond3A_284 = arith.constant 0 : i32
      %cond3A_285 = arith.cmpi ne, %convert_element_type3A_283, %cond3A_284 : i32
      scf.if %cond3A_285 {
        %dma_start3A_286 = arith.constant 0 : i32
        %dma_start3A_287 = tpu.memref_slice %arg6[%add3A_280, %dma_start3A_286] : memref<40x64xi32, #tpu.memory_space<vmem>> -> memref<1x64xi32, #tpu.memory_space<vmem>>
        %dma_start3A_288 = tpu.memref_squeeze %dma_start3A_287 : memref<1x64xi32, #tpu.memory_space<vmem>> -> memref<64xi32, #tpu.memory_space<vmem>>
        %dma_start3A_289 = arith.constant 0 : i32
        %dma_start3A_290 = arith.constant 0 : i32
        %dma_start3A_291 = tpu.memref_slice %arg2[%dma_start3A_289, %dma_start3A_290] : memref<10240x128xf32, #tpu.memory_space<hbm>> -> memref<10240x128xf32, #tpu.memory_space<hbm>>
        tpu.enqueue_indirect_dma source(%dma_start3A_291 : memref<10240x128xf32, #tpu.memory_space<hbm>>) target(%arg11 : memref<64x128xf32, #tpu.memory_space<vmem>>) offsets(%dma_start3A_288 : memref<64xi32, #tpu.memory_space<vmem>>) semaphore(%arg16 : memref<!tpu.dma_semaphore, #tpu.memory_space<semaphore_mem>>)
      } else {
      }
    }
    %scan3A_103 = arith.constant 10 : i32
    %mul3A_104 = arith.constant 160 : i32
    %mul3A_105 = arith.muli %add3A, %mul3A_104 : i32
    %add3A_106 = arith.constant 80 : i32
    %add3A_107 = arith.addi %mul3A_105, %add3A_106 : i32
    "tpu.region"() ({
      %run_scoped3A = tpu.sem_alloc : memref<!tpu.dma_semaphore, #tpu.memory_space<semaphore_mem>>
      %dma_start3A_221 = arith.constant 0 : i32
      %dma_start3A_222 = tpu.memref_slice %arg3[%add3A_107, %dma_start3A_221] : memref<5120x64xi32, #tpu.memory_space<hbm>> -> memref<40x64xi32, #tpu.memory_space<hbm>>
      %dma_start3A_223 = arith.constant 0 : i32
      %dma_start3A_224 = tpu.memref_slice %arg3[%add3A_107, %dma_start3A_223] : memref<5120x64xi32, #tpu.memory_space<hbm>> -> memref<40x64xi32, #tpu.memory_space<hbm>>
      tpu.enqueue_dma source(%dma_start3A_224 : memref<40x64xi32, #tpu.memory_space<hbm>>) target(%arg6 : memref<40x64xi32, #tpu.memory_space<vmem>>) target_semaphore(%run_scoped3A : memref<!tpu.dma_semaphore, #tpu.memory_space<semaphore_mem>>)
      %dma_wait3A = arith.constant 0 : i32
      %dma_wait3A_225 = tpu.memref_slice %arg3[%add3A_107, %dma_wait3A] : memref<5120x64xi32, #tpu.memory_space<hbm>> -> memref<40x64xi32, #tpu.memory_space<hbm>>
      %dma_wait3A_226 = arith.constant 0 : i32
      %dma_wait3A_227 = tpu.memref_slice %arg3[%add3A_107, %dma_wait3A_226] : memref<5120x64xi32, #tpu.memory_space<hbm>> -> memref<40x64xi32, #tpu.memory_space<hbm>>
      tpu.wait_dma2 semaphore(%run_scoped3A : memref<!tpu.dma_semaphore, #tpu.memory_space<semaphore_mem>>) src(%dma_wait3A_227 : memref<40x64xi32, #tpu.memory_space<hbm>>) dst(%arg6 : memref<40x64xi32, #tpu.memory_space<vmem>>)
      tpu.yield
    }) : () -> ()
    "tpu.region"() ({
      %run_scoped3A = tpu.sem_alloc : memref<!tpu.dma_semaphore, #tpu.memory_space<semaphore_mem>>
      %dma_start3A_221 = arith.constant 0 : i32
      %dma_start3A_222 = tpu.memref_slice %arg4[%add3A_107, %dma_start3A_221] : memref<5120x64xi32, #tpu.memory_space<hbm>> -> memref<40x64xi32, #tpu.memory_space<hbm>>
      %dma_start3A_223 = arith.constant 0 : i32
      %dma_start3A_224 = tpu.memref_slice %arg4[%add3A_107, %dma_start3A_223] : memref<5120x64xi32, #tpu.memory_space<hbm>> -> memref<40x64xi32, #tpu.memory_space<hbm>>
      tpu.enqueue_dma source(%dma_start3A_224 : memref<40x64xi32, #tpu.memory_space<hbm>>) target(%arg7 : memref<40x64xi32, #tpu.memory_space<vmem>>) target_semaphore(%run_scoped3A : memref<!tpu.dma_semaphore, #tpu.memory_space<semaphore_mem>>)
      %dma_wait3A = arith.constant 0 : i32
      %dma_wait3A_225 = tpu.memref_slice %arg4[%add3A_107, %dma_wait3A] : memref<5120x64xi32, #tpu.memory_space<hbm>> -> memref<40x64xi32, #tpu.memory_space<hbm>>
      %dma_wait3A_226 = arith.constant 0 : i32
      %dma_wait3A_227 = tpu.memref_slice %arg4[%add3A_107, %dma_wait3A_226] : memref<5120x64xi32, #tpu.memory_space<hbm>> -> memref<40x64xi32, #tpu.memory_space<hbm>>
      tpu.wait_dma2 semaphore(%run_scoped3A : memref<!tpu.dma_semaphore, #tpu.memory_space<semaphore_mem>>) src(%dma_wait3A_227 : memref<40x64xi32, #tpu.memory_space<hbm>>) dst(%arg7 : memref<40x64xi32, #tpu.memory_space<vmem>>)
      tpu.yield
    }) : () -> ()
    %dma_start3A_108 = arith.constant 0 : i32
    %dma_start3A_109 = arith.constant 0 : i32
    %dma_start3A_110 = tpu.memref_slice %arg6[%dma_start3A_108, %dma_start3A_109] : memref<40x64xi32, #tpu.memory_space<vmem>> -> memref<1x64xi32, #tpu.memory_space<vmem>>
    %dma_start3A_111 = tpu.memref_squeeze %dma_start3A_110 : memref<1x64xi32, #tpu.memory_space<vmem>> -> memref<64xi32, #tpu.memory_space<vmem>>
    %dma_start3A_112 = arith.constant 0 : i32
    %dma_start3A_113 = arith.constant 0 : i32
    %dma_start3A_114 = tpu.memref_slice %arg2[%dma_start3A_112, %dma_start3A_113] : memref<10240x128xf32, #tpu.memory_space<hbm>> -> memref<10240x128xf32, #tpu.memory_space<hbm>>
    tpu.enqueue_indirect_dma source(%dma_start3A_114 : memref<10240x128xf32, #tpu.memory_space<hbm>>) target(%arg8 : memref<64x128xf32, #tpu.memory_space<vmem>>) offsets(%dma_start3A_111 : memref<64xi32, #tpu.memory_space<vmem>>) semaphore(%arg13 : memref<!tpu.dma_semaphore, #tpu.memory_space<semaphore_mem>>)
    %dma_start3A_115 = arith.constant 1 : i32
    %dma_start3A_116 = arith.constant 0 : i32
    %dma_start3A_117 = tpu.memref_slice %arg6[%dma_start3A_115, %dma_start3A_116] : memref<40x64xi32, #tpu.memory_space<vmem>> -> memref<1x64xi32, #tpu.memory_space<vmem>>
    %dma_start3A_118 = tpu.memref_squeeze %dma_start3A_117 : memref<1x64xi32, #tpu.memory_space<vmem>> -> memref<64xi32, #tpu.memory_space<vmem>>
    %dma_start3A_119 = arith.constant 0 : i32
    %dma_start3A_120 = arith.constant 0 : i32
    %dma_start3A_121 = tpu.memref_slice %arg2[%dma_start3A_119, %dma_start3A_120] : memref<10240x128xf32, #tpu.memory_space<hbm>> -> memref<10240x128xf32, #tpu.memory_space<hbm>>
    tpu.enqueue_indirect_dma source(%dma_start3A_121 : memref<10240x128xf32, #tpu.memory_space<hbm>>) target(%arg9 : memref<64x128xf32, #tpu.memory_space<vmem>>) offsets(%dma_start3A_118 : memref<64xi32, #tpu.memory_space<vmem>>) semaphore(%arg14 : memref<!tpu.dma_semaphore, #tpu.memory_space<semaphore_mem>>)
    %dma_start3A_122 = arith.constant 2 : i32
    %dma_start3A_123 = arith.constant 0 : i32
    %dma_start3A_124 = tpu.memref_slice %arg6[%dma_start3A_122, %dma_start3A_123] : memref<40x64xi32, #tpu.memory_space<vmem>> -> memref<1x64xi32, #tpu.memory_space<vmem>>
    %dma_start3A_125 = tpu.memref_squeeze %dma_start3A_124 : memref<1x64xi32, #tpu.memory_space<vmem>> -> memref<64xi32, #tpu.memory_space<vmem>>
    %dma_start3A_126 = arith.constant 0 : i32
    %dma_start3A_127 = arith.constant 0 : i32
    %dma_start3A_128 = tpu.memref_slice %arg2[%dma_start3A_126, %dma_start3A_127] : memref<10240x128xf32, #tpu.memory_space<hbm>> -> memref<10240x128xf32, #tpu.memory_space<hbm>>
    tpu.enqueue_indirect_dma source(%dma_start3A_128 : memref<10240x128xf32, #tpu.memory_space<hbm>>) target(%arg10 : memref<64x128xf32, #tpu.memory_space<vmem>>) offsets(%dma_start3A_125 : memref<64xi32, #tpu.memory_space<vmem>>) semaphore(%arg15 : memref<!tpu.dma_semaphore, #tpu.memory_space<semaphore_mem>>)
    %dma_start3A_129 = arith.constant 3 : i32
    %dma_start3A_130 = arith.constant 0 : i32
    %dma_start3A_131 = tpu.memref_slice %arg6[%dma_start3A_129, %dma_start3A_130] : memref<40x64xi32, #tpu.memory_space<vmem>> -> memref<1x64xi32, #tpu.memory_space<vmem>>
    %dma_start3A_132 = tpu.memref_squeeze %dma_start3A_131 : memref<1x64xi32, #tpu.memory_space<vmem>> -> memref<64xi32, #tpu.memory_space<vmem>>
    %dma_start3A_133 = arith.constant 0 : i32
    %dma_start3A_134 = arith.constant 0 : i32
    %dma_start3A_135 = tpu.memref_slice %arg2[%dma_start3A_133, %dma_start3A_134] : memref<10240x128xf32, #tpu.memory_space<hbm>> -> memref<10240x128xf32, #tpu.memory_space<hbm>>
    tpu.enqueue_indirect_dma source(%dma_start3A_135 : memref<10240x128xf32, #tpu.memory_space<hbm>>) target(%arg11 : memref<64x128xf32, #tpu.memory_space<vmem>>) offsets(%dma_start3A_132 : memref<64xi32, #tpu.memory_space<vmem>>) semaphore(%arg16 : memref<!tpu.dma_semaphore, #tpu.memory_space<semaphore_mem>>)
    %scan3A_136 = arith.constant 0 : i32
    %scan3A_137 = arith.constant 0 : i32
    %scan3A_138 = arith.constant 10 : i32
    %scan3A_139 = arith.addi %scan3A_137, %scan3A_138 : i32
    %scan3A_140 = arith.constant 1 : i32
    scf.for %scan3A_221 = %scan3A_137 to %scan3A_139 step %scan3A_140  : i32 {
      %mul3A_222 = arith.constant 4 : i32
      %mul3A_223 = arith.muli %scan3A_221, %mul3A_222 : i32
      %add3A_224 = arith.constant 0 : i32
      %add3A_225 = arith.addi %mul3A_223, %add3A_224 : i32
      %dma_wait3A = arith.constant 0 : i32
      %dma_wait3A_226 = tpu.memref_slice %arg6[%add3A_225, %dma_wait3A] : memref<40x64xi32, #tpu.memory_space<vmem>> -> memref<1x64xi32, #tpu.memory_space<vmem>>
      %dma_wait3A_227 = tpu.memref_squeeze %dma_wait3A_226 : memref<1x64xi32, #tpu.memory_space<vmem>> -> memref<64xi32, #tpu.memory_space<vmem>>
      %dma_wait3A_228 = arith.constant 0 : i32
      %dma_wait3A_229 = arith.constant 0 : i32
      %dma_wait3A_230 = tpu.memref_slice %arg2[%dma_wait3A_228, %dma_wait3A_229] : memref<10240x128xf32, #tpu.memory_space<hbm>> -> memref<10240x128xf32, #tpu.memory_space<hbm>>
      tpu.wait_indirect_dma semaphore(%arg13 : memref<!tpu.dma_semaphore, #tpu.memory_space<semaphore_mem>>) src(%dma_wait3A_230 : memref<10240x128xf32, #tpu.memory_space<hbm>>) dst(%arg8 : memref<64x128xf32, #tpu.memory_space<vmem>>)
      "tpu.region"() ({
        %run_scoped3A = tpu.sem_alloc : memref<!tpu.dma_semaphore, #tpu.memory_space<semaphore_mem>>
        %dma_start3A_286 = arith.constant 0 : i32
        %dma_start3A_287 = tpu.memref_slice %arg7[%add3A_225, %dma_start3A_286] : memref<40x64xi32, #tpu.memory_space<vmem>> -> memref<1x64xi32, #tpu.memory_space<vmem>>
        %dma_start3A_288 = tpu.memref_squeeze %dma_start3A_287 : memref<1x64xi32, #tpu.memory_space<vmem>> -> memref<64xi32, #tpu.memory_space<vmem>>
        %dma_start3A_289 = arith.constant 0 : i32
        %dma_start3A_290 = arith.constant 0 : i32
        %dma_start3A_291 = tpu.memref_slice %arg12[%dma_start3A_289, %dma_start3A_290] : memref<10112x128xf32, #tpu.memory_space<vmem_shared>> -> memref<10112x128xf32, #tpu.memory_space<vmem_shared>>
        tpu.enqueue_indirect_dma source(%arg8 : memref<64x128xf32, #tpu.memory_space<vmem>>) target(%dma_start3A_291 : memref<10112x128xf32, #tpu.memory_space<vmem_shared>>) offsets(%dma_start3A_288 : memref<64xi32, #tpu.memory_space<vmem>>) semaphore(%run_scoped3A : memref<!tpu.dma_semaphore, #tpu.memory_space<semaphore_mem>>) {add = true}
        %dma_wait3A_292 = arith.constant 0 : i32
        %dma_wait3A_293 = tpu.memref_slice %arg7[%add3A_225, %dma_wait3A_292] : memref<40x64xi32, #tpu.memory_space<vmem>> -> memref<1x64xi32, #tpu.memory_space<vmem>>
        %dma_wait3A_294 = tpu.memref_squeeze %dma_wait3A_293 : memref<1x64xi32, #tpu.memory_space<vmem>> -> memref<64xi32, #tpu.memory_space<vmem>>
        %dma_wait3A_295 = arith.constant 0 : i32
        %dma_wait3A_296 = arith.constant 0 : i32
        %dma_wait3A_297 = tpu.memref_slice %arg12[%dma_wait3A_295, %dma_wait3A_296] : memref<10112x128xf32, #tpu.memory_space<vmem_shared>> -> memref<10112x128xf32, #tpu.memory_space<vmem_shared>>
        tpu.wait_indirect_dma semaphore(%run_scoped3A : memref<!tpu.dma_semaphore, #tpu.memory_space<semaphore_mem>>) src(%arg8 : memref<64x128xf32, #tpu.memory_space<vmem>>) dst(%dma_wait3A_297 : memref<10112x128xf32, #tpu.memory_space<vmem_shared>>)
        tpu.yield
      }) : () -> ()
      %add3A_231 = arith.constant 4 : i32
      %add3A_232 = arith.addi %add3A_225, %add3A_231 : i32
      %lt3A = arith.constant 40 : i32
      %lt3A_233 = arith.cmpi slt, %add3A_232, %lt3A : i32
      %convert_element_type3A = arith.extui %lt3A_233 : i1 to i32
      %cond3A = arith.constant 0 : i32
      %cond3A_234 = arith.cmpi ne, %convert_element_type3A, %cond3A : i32
      scf.if %cond3A_234 {
        %dma_start3A_286 = arith.constant 0 : i32
        %dma_start3A_287 = tpu.memref_slice %arg6[%add3A_232, %dma_start3A_286] : memref<40x64xi32, #tpu.memory_space<vmem>> -> memref<1x64xi32, #tpu.memory_space<vmem>>
        %dma_start3A_288 = tpu.memref_squeeze %dma_start3A_287 : memref<1x64xi32, #tpu.memory_space<vmem>> -> memref<64xi32, #tpu.memory_space<vmem>>
        %dma_start3A_289 = arith.constant 0 : i32
        %dma_start3A_290 = arith.constant 0 : i32
        %dma_start3A_291 = tpu.memref_slice %arg2[%dma_start3A_289, %dma_start3A_290] : memref<10240x128xf32, #tpu.memory_space<hbm>> -> memref<10240x128xf32, #tpu.memory_space<hbm>>
        tpu.enqueue_indirect_dma source(%dma_start3A_291 : memref<10240x128xf32, #tpu.memory_space<hbm>>) target(%arg8 : memref<64x128xf32, #tpu.memory_space<vmem>>) offsets(%dma_start3A_288 : memref<64xi32, #tpu.memory_space<vmem>>) semaphore(%arg13 : memref<!tpu.dma_semaphore, #tpu.memory_space<semaphore_mem>>)
      } else {
      }
      %mul3A_235 = arith.constant 4 : i32
      %mul3A_236 = arith.muli %scan3A_221, %mul3A_235 : i32
      %add3A_237 = arith.constant 1 : i32
      %add3A_238 = arith.addi %mul3A_236, %add3A_237 : i32
      %dma_wait3A_239 = arith.constant 0 : i32
      %dma_wait3A_240 = tpu.memref_slice %arg6[%add3A_238, %dma_wait3A_239] : memref<40x64xi32, #tpu.memory_space<vmem>> -> memref<1x64xi32, #tpu.memory_space<vmem>>
      %dma_wait3A_241 = tpu.memref_squeeze %dma_wait3A_240 : memref<1x64xi32, #tpu.memory_space<vmem>> -> memref<64xi32, #tpu.memory_space<vmem>>
      %dma_wait3A_242 = arith.constant 0 : i32
      %dma_wait3A_243 = arith.constant 0 : i32
      %dma_wait3A_244 = tpu.memref_slice %arg2[%dma_wait3A_242, %dma_wait3A_243] : memref<10240x128xf32, #tpu.memory_space<hbm>> -> memref<10240x128xf32, #tpu.memory_space<hbm>>
      tpu.wait_indirect_dma semaphore(%arg14 : memref<!tpu.dma_semaphore, #tpu.memory_space<semaphore_mem>>) src(%dma_wait3A_244 : memref<10240x128xf32, #tpu.memory_space<hbm>>) dst(%arg9 : memref<64x128xf32, #tpu.memory_space<vmem>>)
      "tpu.region"() ({
        %run_scoped3A = tpu.sem_alloc : memref<!tpu.dma_semaphore, #tpu.memory_space<semaphore_mem>>
        %dma_start3A_286 = arith.constant 0 : i32
        %dma_start3A_287 = tpu.memref_slice %arg7[%add3A_238, %dma_start3A_286] : memref<40x64xi32, #tpu.memory_space<vmem>> -> memref<1x64xi32, #tpu.memory_space<vmem>>
        %dma_start3A_288 = tpu.memref_squeeze %dma_start3A_287 : memref<1x64xi32, #tpu.memory_space<vmem>> -> memref<64xi32, #tpu.memory_space<vmem>>
        %dma_start3A_289 = arith.constant 0 : i32
        %dma_start3A_290 = arith.constant 0 : i32
        %dma_start3A_291 = tpu.memref_slice %arg12[%dma_start3A_289, %dma_start3A_290] : memref<10112x128xf32, #tpu.memory_space<vmem_shared>> -> memref<10112x128xf32, #tpu.memory_space<vmem_shared>>
        tpu.enqueue_indirect_dma source(%arg9 : memref<64x128xf32, #tpu.memory_space<vmem>>) target(%dma_start3A_291 : memref<10112x128xf32, #tpu.memory_space<vmem_shared>>) offsets(%dma_start3A_288 : memref<64xi32, #tpu.memory_space<vmem>>) semaphore(%run_scoped3A : memref<!tpu.dma_semaphore, #tpu.memory_space<semaphore_mem>>) {add = true}
        %dma_wait3A_292 = arith.constant 0 : i32
        %dma_wait3A_293 = tpu.memref_slice %arg7[%add3A_238, %dma_wait3A_292] : memref<40x64xi32, #tpu.memory_space<vmem>> -> memref<1x64xi32, #tpu.memory_space<vmem>>
        %dma_wait3A_294 = tpu.memref_squeeze %dma_wait3A_293 : memref<1x64xi32, #tpu.memory_space<vmem>> -> memref<64xi32, #tpu.memory_space<vmem>>
        %dma_wait3A_295 = arith.constant 0 : i32
        %dma_wait3A_296 = arith.constant 0 : i32
        %dma_wait3A_297 = tpu.memref_slice %arg12[%dma_wait3A_295, %dma_wait3A_296] : memref<10112x128xf32, #tpu.memory_space<vmem_shared>> -> memref<10112x128xf32, #tpu.memory_space<vmem_shared>>
        tpu.wait_indirect_dma semaphore(%run_scoped3A : memref<!tpu.dma_semaphore, #tpu.memory_space<semaphore_mem>>) src(%arg9 : memref<64x128xf32, #tpu.memory_space<vmem>>) dst(%dma_wait3A_297 : memref<10112x128xf32, #tpu.memory_space<vmem_shared>>)
        tpu.yield
      }) : () -> ()
      %add3A_245 = arith.constant 4 : i32
      %add3A_246 = arith.addi %add3A_238, %add3A_245 : i32
      %lt3A_247 = arith.constant 40 : i32
      %lt3A_248 = arith.cmpi slt, %add3A_246, %lt3A_247 : i32
      %convert_element_type3A_249 = arith.extui %lt3A_248 : i1 to i32
      %cond3A_250 = arith.constant 0 : i32
      %cond3A_251 = arith.cmpi ne, %convert_element_type3A_249, %cond3A_250 : i32
      scf.if %cond3A_251 {
        %dma_start3A_286 = arith.constant 0 : i32
        %dma_start3A_287 = tpu.memref_slice %arg6[%add3A_246, %dma_start3A_286] : memref<40x64xi32, #tpu.memory_space<vmem>> -> memref<1x64xi32, #tpu.memory_space<vmem>>
        %dma_start3A_288 = tpu.memref_squeeze %dma_start3A_287 : memref<1x64xi32, #tpu.memory_space<vmem>> -> memref<64xi32, #tpu.memory_space<vmem>>
        %dma_start3A_289 = arith.constant 0 : i32
        %dma_start3A_290 = arith.constant 0 : i32
        %dma_start3A_291 = tpu.memref_slice %arg2[%dma_start3A_289, %dma_start3A_290] : memref<10240x128xf32, #tpu.memory_space<hbm>> -> memref<10240x128xf32, #tpu.memory_space<hbm>>
        tpu.enqueue_indirect_dma source(%dma_start3A_291 : memref<10240x128xf32, #tpu.memory_space<hbm>>) target(%arg9 : memref<64x128xf32, #tpu.memory_space<vmem>>) offsets(%dma_start3A_288 : memref<64xi32, #tpu.memory_space<vmem>>) semaphore(%arg14 : memref<!tpu.dma_semaphore, #tpu.memory_space<semaphore_mem>>)
      } else {
      }
      %mul3A_252 = arith.constant 4 : i32
      %mul3A_253 = arith.muli %scan3A_221, %mul3A_252 : i32
      %add3A_254 = arith.constant 2 : i32
      %add3A_255 = arith.addi %mul3A_253, %add3A_254 : i32
      %dma_wait3A_256 = arith.constant 0 : i32
      %dma_wait3A_257 = tpu.memref_slice %arg6[%add3A_255, %dma_wait3A_256] : memref<40x64xi32, #tpu.memory_space<vmem>> -> memref<1x64xi32, #tpu.memory_space<vmem>>
      %dma_wait3A_258 = tpu.memref_squeeze %dma_wait3A_257 : memref<1x64xi32, #tpu.memory_space<vmem>> -> memref<64xi32, #tpu.memory_space<vmem>>
      %dma_wait3A_259 = arith.constant 0 : i32
      %dma_wait3A_260 = arith.constant 0 : i32
      %dma_wait3A_261 = tpu.memref_slice %arg2[%dma_wait3A_259, %dma_wait3A_260] : memref<10240x128xf32, #tpu.memory_space<hbm>> -> memref<10240x128xf32, #tpu.memory_space<hbm>>
      tpu.wait_indirect_dma semaphore(%arg15 : memref<!tpu.dma_semaphore, #tpu.memory_space<semaphore_mem>>) src(%dma_wait3A_261 : memref<10240x128xf32, #tpu.memory_space<hbm>>) dst(%arg10 : memref<64x128xf32, #tpu.memory_space<vmem>>)
      "tpu.region"() ({
        %run_scoped3A = tpu.sem_alloc : memref<!tpu.dma_semaphore, #tpu.memory_space<semaphore_mem>>
        %dma_start3A_286 = arith.constant 0 : i32
        %dma_start3A_287 = tpu.memref_slice %arg7[%add3A_255, %dma_start3A_286] : memref<40x64xi32, #tpu.memory_space<vmem>> -> memref<1x64xi32, #tpu.memory_space<vmem>>
        %dma_start3A_288 = tpu.memref_squeeze %dma_start3A_287 : memref<1x64xi32, #tpu.memory_space<vmem>> -> memref<64xi32, #tpu.memory_space<vmem>>
        %dma_start3A_289 = arith.constant 0 : i32
        %dma_start3A_290 = arith.constant 0 : i32
        %dma_start3A_291 = tpu.memref_slice %arg12[%dma_start3A_289, %dma_start3A_290] : memref<10112x128xf32, #tpu.memory_space<vmem_shared>> -> memref<10112x128xf32, #tpu.memory_space<vmem_shared>>
        tpu.enqueue_indirect_dma source(%arg10 : memref<64x128xf32, #tpu.memory_space<vmem>>) target(%dma_start3A_291 : memref<10112x128xf32, #tpu.memory_space<vmem_shared>>) offsets(%dma_start3A_288 : memref<64xi32, #tpu.memory_space<vmem>>) semaphore(%run_scoped3A : memref<!tpu.dma_semaphore, #tpu.memory_space<semaphore_mem>>) {add = true}
        %dma_wait3A_292 = arith.constant 0 : i32
        %dma_wait3A_293 = tpu.memref_slice %arg7[%add3A_255, %dma_wait3A_292] : memref<40x64xi32, #tpu.memory_space<vmem>> -> memref<1x64xi32, #tpu.memory_space<vmem>>
        %dma_wait3A_294 = tpu.memref_squeeze %dma_wait3A_293 : memref<1x64xi32, #tpu.memory_space<vmem>> -> memref<64xi32, #tpu.memory_space<vmem>>
        %dma_wait3A_295 = arith.constant 0 : i32
        %dma_wait3A_296 = arith.constant 0 : i32
        %dma_wait3A_297 = tpu.memref_slice %arg12[%dma_wait3A_295, %dma_wait3A_296] : memref<10112x128xf32, #tpu.memory_space<vmem_shared>> -> memref<10112x128xf32, #tpu.memory_space<vmem_shared>>
        tpu.wait_indirect_dma semaphore(%run_scoped3A : memref<!tpu.dma_semaphore, #tpu.memory_space<semaphore_mem>>) src(%arg10 : memref<64x128xf32, #tpu.memory_space<vmem>>) dst(%dma_wait3A_297 : memref<10112x128xf32, #tpu.memory_space<vmem_shared>>)
        tpu.yield
      }) : () -> ()
      %add3A_262 = arith.constant 4 : i32
      %add3A_263 = arith.addi %add3A_255, %add3A_262 : i32
      %lt3A_264 = arith.constant 40 : i32
      %lt3A_265 = arith.cmpi slt, %add3A_263, %lt3A_264 : i32
      %convert_element_type3A_266 = arith.extui %lt3A_265 : i1 to i32
      %cond3A_267 = arith.constant 0 : i32
      %cond3A_268 = arith.cmpi ne, %convert_element_type3A_266, %cond3A_267 : i32
      scf.if %cond3A_268 {
        %dma_start3A_286 = arith.constant 0 : i32
        %dma_start3A_287 = tpu.memref_slice %arg6[%add3A_263, %dma_start3A_286] : memref<40x64xi32, #tpu.memory_space<vmem>> -> memref<1x64xi32, #tpu.memory_space<vmem>>
        %dma_start3A_288 = tpu.memref_squeeze %dma_start3A_287 : memref<1x64xi32, #tpu.memory_space<vmem>> -> memref<64xi32, #tpu.memory_space<vmem>>
        %dma_start3A_289 = arith.constant 0 : i32
        %dma_start3A_290 = arith.constant 0 : i32
        %dma_start3A_291 = tpu.memref_slice %arg2[%dma_start3A_289, %dma_start3A_290] : memref<10240x128xf32, #tpu.memory_space<hbm>> -> memref<10240x128xf32, #tpu.memory_space<hbm>>
        tpu.enqueue_indirect_dma source(%dma_start3A_291 : memref<10240x128xf32, #tpu.memory_space<hbm>>) target(%arg10 : memref<64x128xf32, #tpu.memory_space<vmem>>) offsets(%dma_start3A_288 : memref<64xi32, #tpu.memory_space<vmem>>) semaphore(%arg15 : memref<!tpu.dma_semaphore, #tpu.memory_space<semaphore_mem>>)
      } else {
      }
      %mul3A_269 = arith.constant 4 : i32
      %mul3A_270 = arith.muli %scan3A_221, %mul3A_269 : i32
      %add3A_271 = arith.constant 3 : i32
      %add3A_272 = arith.addi %mul3A_270, %add3A_271 : i32
      %dma_wait3A_273 = arith.constant 0 : i32
      %dma_wait3A_274 = tpu.memref_slice %arg6[%add3A_272, %dma_wait3A_273] : memref<40x64xi32, #tpu.memory_space<vmem>> -> memref<1x64xi32, #tpu.memory_space<vmem>>
      %dma_wait3A_275 = tpu.memref_squeeze %dma_wait3A_274 : memref<1x64xi32, #tpu.memory_space<vmem>> -> memref<64xi32, #tpu.memory_space<vmem>>
      %dma_wait3A_276 = arith.constant 0 : i32
      %dma_wait3A_277 = arith.constant 0 : i32
      %dma_wait3A_278 = tpu.memref_slice %arg2[%dma_wait3A_276, %dma_wait3A_277] : memref<10240x128xf32, #tpu.memory_space<hbm>> -> memref<10240x128xf32, #tpu.memory_space<hbm>>
      tpu.wait_indirect_dma semaphore(%arg16 : memref<!tpu.dma_semaphore, #tpu.memory_space<semaphore_mem>>) src(%dma_wait3A_278 : memref<10240x128xf32, #tpu.memory_space<hbm>>) dst(%arg11 : memref<64x128xf32, #tpu.memory_space<vmem>>)
      "tpu.region"() ({
        %run_scoped3A = tpu.sem_alloc : memref<!tpu.dma_semaphore, #tpu.memory_space<semaphore_mem>>
        %dma_start3A_286 = arith.constant 0 : i32
        %dma_start3A_287 = tpu.memref_slice %arg7[%add3A_272, %dma_start3A_286] : memref<40x64xi32, #tpu.memory_space<vmem>> -> memref<1x64xi32, #tpu.memory_space<vmem>>
        %dma_start3A_288 = tpu.memref_squeeze %dma_start3A_287 : memref<1x64xi32, #tpu.memory_space<vmem>> -> memref<64xi32, #tpu.memory_space<vmem>>
        %dma_start3A_289 = arith.constant 0 : i32
        %dma_start3A_290 = arith.constant 0 : i32
        %dma_start3A_291 = tpu.memref_slice %arg12[%dma_start3A_289, %dma_start3A_290] : memref<10112x128xf32, #tpu.memory_space<vmem_shared>> -> memref<10112x128xf32, #tpu.memory_space<vmem_shared>>
        tpu.enqueue_indirect_dma source(%arg11 : memref<64x128xf32, #tpu.memory_space<vmem>>) target(%dma_start3A_291 : memref<10112x128xf32, #tpu.memory_space<vmem_shared>>) offsets(%dma_start3A_288 : memref<64xi32, #tpu.memory_space<vmem>>) semaphore(%run_scoped3A : memref<!tpu.dma_semaphore, #tpu.memory_space<semaphore_mem>>) {add = true}
        %dma_wait3A_292 = arith.constant 0 : i32
        %dma_wait3A_293 = tpu.memref_slice %arg7[%add3A_272, %dma_wait3A_292] : memref<40x64xi32, #tpu.memory_space<vmem>> -> memref<1x64xi32, #tpu.memory_space<vmem>>
        %dma_wait3A_294 = tpu.memref_squeeze %dma_wait3A_293 : memref<1x64xi32, #tpu.memory_space<vmem>> -> memref<64xi32, #tpu.memory_space<vmem>>
        %dma_wait3A_295 = arith.constant 0 : i32
        %dma_wait3A_296 = arith.constant 0 : i32
        %dma_wait3A_297 = tpu.memref_slice %arg12[%dma_wait3A_295, %dma_wait3A_296] : memref<10112x128xf32, #tpu.memory_space<vmem_shared>> -> memref<10112x128xf32, #tpu.memory_space<vmem_shared>>
        tpu.wait_indirect_dma semaphore(%run_scoped3A : memref<!tpu.dma_semaphore, #tpu.memory_space<semaphore_mem>>) src(%arg11 : memref<64x128xf32, #tpu.memory_space<vmem>>) dst(%dma_wait3A_297 : memref<10112x128xf32, #tpu.memory_space<vmem_shared>>)
        tpu.yield
      }) : () -> ()
      %add3A_279 = arith.constant 4 : i32
      %add3A_280 = arith.addi %add3A_272, %add3A_279 : i32
      %lt3A_281 = arith.constant 40 : i32
      %lt3A_282 = arith.cmpi slt, %add3A_280, %lt3A_281 : i32
      %convert_element_type3A_283 = arith.extui %lt3A_282 : i1 to i32
      %cond3A_284 = arith.constant 0 : i32
      %cond3A_285 = arith.cmpi ne, %convert_element_type3A_283, %cond3A_284 : i32
      scf.if %cond3A_285 {
        %dma_start3A_286 = arith.constant 0 : i32
        %dma_start3A_287 = tpu.memref_slice %arg6[%add3A_280, %dma_start3A_286] : memref<40x64xi32, #tpu.memory_space<vmem>> -> memref<1x64xi32, #tpu.memory_space<vmem>>
        %dma_start3A_288 = tpu.memref_squeeze %dma_start3A_287 : memref<1x64xi32, #tpu.memory_space<vmem>> -> memref<64xi32, #tpu.memory_space<vmem>>
        %dma_start3A_289 = arith.constant 0 : i32
        %dma_start3A_290 = arith.constant 0 : i32
        %dma_start3A_291 = tpu.memref_slice %arg2[%dma_start3A_289, %dma_start3A_290] : memref<10240x128xf32, #tpu.memory_space<hbm>> -> memref<10240x128xf32, #tpu.memory_space<hbm>>
        tpu.enqueue_indirect_dma source(%dma_start3A_291 : memref<10240x128xf32, #tpu.memory_space<hbm>>) target(%arg11 : memref<64x128xf32, #tpu.memory_space<vmem>>) offsets(%dma_start3A_288 : memref<64xi32, #tpu.memory_space<vmem>>) semaphore(%arg16 : memref<!tpu.dma_semaphore, #tpu.memory_space<semaphore_mem>>)
      } else {
      }
    }
    %scan3A_141 = arith.constant 10 : i32
    %mul3A_142 = arith.constant 160 : i32
    %mul3A_143 = arith.muli %add3A, %mul3A_142 : i32
    %add3A_144 = arith.constant 120 : i32
    %add3A_145 = arith.addi %mul3A_143, %add3A_144 : i32
    "tpu.region"() ({
      %run_scoped3A = tpu.sem_alloc : memref<!tpu.dma_semaphore, #tpu.memory_space<semaphore_mem>>
      %dma_start3A_221 = arith.constant 0 : i32
      %dma_start3A_222 = tpu.memref_slice %arg3[%add3A_145, %dma_start3A_221] : memref<5120x64xi32, #tpu.memory_space<hbm>> -> memref<40x64xi32, #tpu.memory_space<hbm>>
      %dma_start3A_223 = arith.constant 0 : i32
      %dma_start3A_224 = tpu.memref_slice %arg3[%add3A_145, %dma_start3A_223] : memref<5120x64xi32, #tpu.memory_space<hbm>> -> memref<40x64xi32, #tpu.memory_space<hbm>>
      tpu.enqueue_dma source(%dma_start3A_224 : memref<40x64xi32, #tpu.memory_space<hbm>>) target(%arg6 : memref<40x64xi32, #tpu.memory_space<vmem>>) target_semaphore(%run_scoped3A : memref<!tpu.dma_semaphore, #tpu.memory_space<semaphore_mem>>)
      %dma_wait3A = arith.constant 0 : i32
      %dma_wait3A_225 = tpu.memref_slice %arg3[%add3A_145, %dma_wait3A] : memref<5120x64xi32, #tpu.memory_space<hbm>> -> memref<40x64xi32, #tpu.memory_space<hbm>>
      %dma_wait3A_226 = arith.constant 0 : i32
      %dma_wait3A_227 = tpu.memref_slice %arg3[%add3A_145, %dma_wait3A_226] : memref<5120x64xi32, #tpu.memory_space<hbm>> -> memref<40x64xi32, #tpu.memory_space<hbm>>
      tpu.wait_dma2 semaphore(%run_scoped3A : memref<!tpu.dma_semaphore, #tpu.memory_space<semaphore_mem>>) src(%dma_wait3A_227 : memref<40x64xi32, #tpu.memory_space<hbm>>) dst(%arg6 : memref<40x64xi32, #tpu.memory_space<vmem>>)
      tpu.yield
    }) : () -> ()
    "tpu.region"() ({
      %run_scoped3A = tpu.sem_alloc : memref<!tpu.dma_semaphore, #tpu.memory_space<semaphore_mem>>
      %dma_start3A_221 = arith.constant 0 : i32
      %dma_start3A_222 = tpu.memref_slice %arg4[%add3A_145, %dma_start3A_221] : memref<5120x64xi32, #tpu.memory_space<hbm>> -> memref<40x64xi32, #tpu.memory_space<hbm>>
      %dma_start3A_223 = arith.constant 0 : i32
      %dma_start3A_224 = tpu.memref_slice %arg4[%add3A_145, %dma_start3A_223] : memref<5120x64xi32, #tpu.memory_space<hbm>> -> memref<40x64xi32, #tpu.memory_space<hbm>>
      tpu.enqueue_dma source(%dma_start3A_224 : memref<40x64xi32, #tpu.memory_space<hbm>>) target(%arg7 : memref<40x64xi32, #tpu.memory_space<vmem>>) target_semaphore(%run_scoped3A : memref<!tpu.dma_semaphore, #tpu.memory_space<semaphore_mem>>)
      %dma_wait3A = arith.constant 0 : i32
      %dma_wait3A_225 = tpu.memref_slice %arg4[%add3A_145, %dma_wait3A] : memref<5120x64xi32, #tpu.memory_space<hbm>> -> memref<40x64xi32, #tpu.memory_space<hbm>>
      %dma_wait3A_226 = arith.constant 0 : i32
      %dma_wait3A_227 = tpu.memref_slice %arg4[%add3A_145, %dma_wait3A_226] : memref<5120x64xi32, #tpu.memory_space<hbm>> -> memref<40x64xi32, #tpu.memory_space<hbm>>
      tpu.wait_dma2 semaphore(%run_scoped3A : memref<!tpu.dma_semaphore, #tpu.memory_space<semaphore_mem>>) src(%dma_wait3A_227 : memref<40x64xi32, #tpu.memory_space<hbm>>) dst(%arg7 : memref<40x64xi32, #tpu.memory_space<vmem>>)
      tpu.yield
    }) : () -> ()
    %dma_start3A_146 = arith.constant 0 : i32
    %dma_start3A_147 = arith.constant 0 : i32
    %dma_start3A_148 = tpu.memref_slice %arg6[%dma_start3A_146, %dma_start3A_147] : memref<40x64xi32, #tpu.memory_space<vmem>> -> memref<1x64xi32, #tpu.memory_space<vmem>>
    %dma_start3A_149 = tpu.memref_squeeze %dma_start3A_148 : memref<1x64xi32, #tpu.memory_space<vmem>> -> memref<64xi32, #tpu.memory_space<vmem>>
    %dma_start3A_150 = arith.constant 0 : i32
    %dma_start3A_151 = arith.constant 0 : i32
    %dma_start3A_152 = tpu.memref_slice %arg2[%dma_start3A_150, %dma_start3A_151] : memref<10240x128xf32, #tpu.memory_space<hbm>> -> memref<10240x128xf32, #tpu.memory_space<hbm>>
    tpu.enqueue_indirect_dma source(%dma_start3A_152 : memref<10240x128xf32, #tpu.memory_space<hbm>>) target(%arg8 : memref<64x128xf32, #tpu.memory_space<vmem>>) offsets(%dma_start3A_149 : memref<64xi32, #tpu.memory_space<vmem>>) semaphore(%arg13 : memref<!tpu.dma_semaphore, #tpu.memory_space<semaphore_mem>>)
    %dma_start3A_153 = arith.constant 1 : i32
    %dma_start3A_154 = arith.constant 0 : i32
    %dma_start3A_155 = tpu.memref_slice %arg6[%dma_start3A_153, %dma_start3A_154] : memref<40x64xi32, #tpu.memory_space<vmem>> -> memref<1x64xi32, #tpu.memory_space<vmem>>
    %dma_start3A_156 = tpu.memref_squeeze %dma_start3A_155 : memref<1x64xi32, #tpu.memory_space<vmem>> -> memref<64xi32, #tpu.memory_space<vmem>>
    %dma_start3A_157 = arith.constant 0 : i32
    %dma_start3A_158 = arith.constant 0 : i32
    %dma_start3A_159 = tpu.memref_slice %arg2[%dma_start3A_157, %dma_start3A_158] : memref<10240x128xf32, #tpu.memory_space<hbm>> -> memref<10240x128xf32, #tpu.memory_space<hbm>>
    tpu.enqueue_indirect_dma source(%dma_start3A_159 : memref<10240x128xf32, #tpu.memory_space<hbm>>) target(%arg9 : memref<64x128xf32, #tpu.memory_space<vmem>>) offsets(%dma_start3A_156 : memref<64xi32, #tpu.memory_space<vmem>>) semaphore(%arg14 : memref<!tpu.dma_semaphore, #tpu.memory_space<semaphore_mem>>)
    %dma_start3A_160 = arith.constant 2 : i32
    %dma_start3A_161 = arith.constant 0 : i32
    %dma_start3A_162 = tpu.memref_slice %arg6[%dma_start3A_160, %dma_start3A_161] : memref<40x64xi32, #tpu.memory_space<vmem>> -> memref<1x64xi32, #tpu.memory_space<vmem>>
    %dma_start3A_163 = tpu.memref_squeeze %dma_start3A_162 : memref<1x64xi32, #tpu.memory_space<vmem>> -> memref<64xi32, #tpu.memory_space<vmem>>
    %dma_start3A_164 = arith.constant 0 : i32
    %dma_start3A_165 = arith.constant 0 : i32
    %dma_start3A_166 = tpu.memref_slice %arg2[%dma_start3A_164, %dma_start3A_165] : memref<10240x128xf32, #tpu.memory_space<hbm>> -> memref<10240x128xf32, #tpu.memory_space<hbm>>
    tpu.enqueue_indirect_dma source(%dma_start3A_166 : memref<10240x128xf32, #tpu.memory_space<hbm>>) target(%arg10 : memref<64x128xf32, #tpu.memory_space<vmem>>) offsets(%dma_start3A_163 : memref<64xi32, #tpu.memory_space<vmem>>) semaphore(%arg15 : memref<!tpu.dma_semaphore, #tpu.memory_space<semaphore_mem>>)
    %dma_start3A_167 = arith.constant 3 : i32
    %dma_start3A_168 = arith.constant 0 : i32
    %dma_start3A_169 = tpu.memref_slice %arg6[%dma_start3A_167, %dma_start3A_168] : memref<40x64xi32, #tpu.memory_space<vmem>> -> memref<1x64xi32, #tpu.memory_space<vmem>>
    %dma_start3A_170 = tpu.memref_squeeze %dma_start3A_169 : memref<1x64xi32, #tpu.memory_space<vmem>> -> memref<64xi32, #tpu.memory_space<vmem>>
    %dma_start3A_171 = arith.constant 0 : i32
    %dma_start3A_172 = arith.constant 0 : i32
    %dma_start3A_173 = tpu.memref_slice %arg2[%dma_start3A_171, %dma_start3A_172] : memref<10240x128xf32, #tpu.memory_space<hbm>> -> memref<10240x128xf32, #tpu.memory_space<hbm>>
    tpu.enqueue_indirect_dma source(%dma_start3A_173 : memref<10240x128xf32, #tpu.memory_space<hbm>>) target(%arg11 : memref<64x128xf32, #tpu.memory_space<vmem>>) offsets(%dma_start3A_170 : memref<64xi32, #tpu.memory_space<vmem>>) semaphore(%arg16 : memref<!tpu.dma_semaphore, #tpu.memory_space<semaphore_mem>>)
    %scan3A_174 = arith.constant 0 : i32
    %scan3A_175 = arith.constant 0 : i32
    %scan3A_176 = arith.constant 10 : i32
    %scan3A_177 = arith.addi %scan3A_175, %scan3A_176 : i32
    %scan3A_178 = arith.constant 1 : i32
    scf.for %scan3A_221 = %scan3A_175 to %scan3A_177 step %scan3A_178  : i32 {
      %mul3A_222 = arith.constant 4 : i32
      %mul3A_223 = arith.muli %scan3A_221, %mul3A_222 : i32
      %add3A_224 = arith.constant 0 : i32
      %add3A_225 = arith.addi %mul3A_223, %add3A_224 : i32
      %dma_wait3A = arith.constant 0 : i32
      %dma_wait3A_226 = tpu.memref_slice %arg6[%add3A_225, %dma_wait3A] : memref<40x64xi32, #tpu.memory_space<vmem>> -> memref<1x64xi32, #tpu.memory_space<vmem>>
      %dma_wait3A_227 = tpu.memref_squeeze %dma_wait3A_226 : memref<1x64xi32, #tpu.memory_space<vmem>> -> memref<64xi32, #tpu.memory_space<vmem>>
      %dma_wait3A_228 = arith.constant 0 : i32
      %dma_wait3A_229 = arith.constant 0 : i32
      %dma_wait3A_230 = tpu.memref_slice %arg2[%dma_wait3A_228, %dma_wait3A_229] : memref<10240x128xf32, #tpu.memory_space<hbm>> -> memref<10240x128xf32, #tpu.memory_space<hbm>>
      tpu.wait_indirect_dma semaphore(%arg13 : memref<!tpu.dma_semaphore, #tpu.memory_space<semaphore_mem>>) src(%dma_wait3A_230 : memref<10240x128xf32, #tpu.memory_space<hbm>>) dst(%arg8 : memref<64x128xf32, #tpu.memory_space<vmem>>)
      "tpu.region"() ({
        %run_scoped3A = tpu.sem_alloc : memref<!tpu.dma_semaphore, #tpu.memory_space<semaphore_mem>>
        %dma_start3A_286 = arith.constant 0 : i32
        %dma_start3A_287 = tpu.memref_slice %arg7[%add3A_225, %dma_start3A_286] : memref<40x64xi32, #tpu.memory_space<vmem>> -> memref<1x64xi32, #tpu.memory_space<vmem>>
        %dma_start3A_288 = tpu.memref_squeeze %dma_start3A_287 : memref<1x64xi32, #tpu.memory_space<vmem>> -> memref<64xi32, #tpu.memory_space<vmem>>
        %dma_start3A_289 = arith.constant 0 : i32
        %dma_start3A_290 = arith.constant 0 : i32
        %dma_start3A_291 = tpu.memref_slice %arg12[%dma_start3A_289, %dma_start3A_290] : memref<10112x128xf32, #tpu.memory_space<vmem_shared>> -> memref<10112x128xf32, #tpu.memory_space<vmem_shared>>
        tpu.enqueue_indirect_dma source(%arg8 : memref<64x128xf32, #tpu.memory_space<vmem>>) target(%dma_start3A_291 : memref<10112x128xf32, #tpu.memory_space<vmem_shared>>) offsets(%dma_start3A_288 : memref<64xi32, #tpu.memory_space<vmem>>) semaphore(%run_scoped3A : memref<!tpu.dma_semaphore, #tpu.memory_space<semaphore_mem>>) {add = true}
        %dma_wait3A_292 = arith.constant 0 : i32
        %dma_wait3A_293 = tpu.memref_slice %arg7[%add3A_225, %dma_wait3A_292] : memref<40x64xi32, #tpu.memory_space<vmem>> -> memref<1x64xi32, #tpu.memory_space<vmem>>
        %dma_wait3A_294 = tpu.memref_squeeze %dma_wait3A_293 : memref<1x64xi32, #tpu.memory_space<vmem>> -> memref<64xi32, #tpu.memory_space<vmem>>
        %dma_wait3A_295 = arith.constant 0 : i32
        %dma_wait3A_296 = arith.constant 0 : i32
        %dma_wait3A_297 = tpu.memref_slice %arg12[%dma_wait3A_295, %dma_wait3A_296] : memref<10112x128xf32, #tpu.memory_space<vmem_shared>> -> memref<10112x128xf32, #tpu.memory_space<vmem_shared>>
        tpu.wait_indirect_dma semaphore(%run_scoped3A : memref<!tpu.dma_semaphore, #tpu.memory_space<semaphore_mem>>) src(%arg8 : memref<64x128xf32, #tpu.memory_space<vmem>>) dst(%dma_wait3A_297 : memref<10112x128xf32, #tpu.memory_space<vmem_shared>>)
        tpu.yield
      }) : () -> ()
      %add3A_231 = arith.constant 4 : i32
      %add3A_232 = arith.addi %add3A_225, %add3A_231 : i32
      %lt3A = arith.constant 40 : i32
      %lt3A_233 = arith.cmpi slt, %add3A_232, %lt3A : i32
      %convert_element_type3A = arith.extui %lt3A_233 : i1 to i32
      %cond3A = arith.constant 0 : i32
      %cond3A_234 = arith.cmpi ne, %convert_element_type3A, %cond3A : i32
      scf.if %cond3A_234 {
        %dma_start3A_286 = arith.constant 0 : i32
        %dma_start3A_287 = tpu.memref_slice %arg6[%add3A_232, %dma_start3A_286] : memref<40x64xi32, #tpu.memory_space<vmem>> -> memref<1x64xi32, #tpu.memory_space<vmem>>
        %dma_start3A_288 = tpu.memref_squeeze %dma_start3A_287 : memref<1x64xi32, #tpu.memory_space<vmem>> -> memref<64xi32, #tpu.memory_space<vmem>>
        %dma_start3A_289 = arith.constant 0 : i32
        %dma_start3A_290 = arith.constant 0 : i32
        %dma_start3A_291 = tpu.memref_slice %arg2[%dma_start3A_289, %dma_start3A_290] : memref<10240x128xf32, #tpu.memory_space<hbm>> -> memref<10240x128xf32, #tpu.memory_space<hbm>>
        tpu.enqueue_indirect_dma source(%dma_start3A_291 : memref<10240x128xf32, #tpu.memory_space<hbm>>) target(%arg8 : memref<64x128xf32, #tpu.memory_space<vmem>>) offsets(%dma_start3A_288 : memref<64xi32, #tpu.memory_space<vmem>>) semaphore(%arg13 : memref<!tpu.dma_semaphore, #tpu.memory_space<semaphore_mem>>)
      } else {
      }
      %mul3A_235 = arith.constant 4 : i32
      %mul3A_236 = arith.muli %scan3A_221, %mul3A_235 : i32
      %add3A_237 = arith.constant 1 : i32
      %add3A_238 = arith.addi %mul3A_236, %add3A_237 : i32
      %dma_wait3A_239 = arith.constant 0 : i32
      %dma_wait3A_240 = tpu.memref_slice %arg6[%add3A_238, %dma_wait3A_239] : memref<40x64xi32, #tpu.memory_space<vmem>> -> memref<1x64xi32, #tpu.memory_space<vmem>>
      %dma_wait3A_241 = tpu.memref_squeeze %dma_wait3A_240 : memref<1x64xi32, #tpu.memory_space<vmem>> -> memref<64xi32, #tpu.memory_space<vmem>>
      %dma_wait3A_242 = arith.constant 0 : i32
      %dma_wait3A_243 = arith.constant 0 : i32
      %dma_wait3A_244 = tpu.memref_slice %arg2[%dma_wait3A_242, %dma_wait3A_243] : memref<10240x128xf32, #tpu.memory_space<hbm>> -> memref<10240x128xf32, #tpu.memory_space<hbm>>
      tpu.wait_indirect_dma semaphore(%arg14 : memref<!tpu.dma_semaphore, #tpu.memory_space<semaphore_mem>>) src(%dma_wait3A_244 : memref<10240x128xf32, #tpu.memory_space<hbm>>) dst(%arg9 : memref<64x128xf32, #tpu.memory_space<vmem>>)
      "tpu.region"() ({
        %run_scoped3A = tpu.sem_alloc : memref<!tpu.dma_semaphore, #tpu.memory_space<semaphore_mem>>
        %dma_start3A_286 = arith.constant 0 : i32
        %dma_start3A_287 = tpu.memref_slice %arg7[%add3A_238, %dma_start3A_286] : memref<40x64xi32, #tpu.memory_space<vmem>> -> memref<1x64xi32, #tpu.memory_space<vmem>>
        %dma_start3A_288 = tpu.memref_squeeze %dma_start3A_287 : memref<1x64xi32, #tpu.memory_space<vmem>> -> memref<64xi32, #tpu.memory_space<vmem>>
        %dma_start3A_289 = arith.constant 0 : i32
        %dma_start3A_290 = arith.constant 0 : i32
        %dma_start3A_291 = tpu.memref_slice %arg12[%dma_start3A_289, %dma_start3A_290] : memref<10112x128xf32, #tpu.memory_space<vmem_shared>> -> memref<10112x128xf32, #tpu.memory_space<vmem_shared>>
        tpu.enqueue_indirect_dma source(%arg9 : memref<64x128xf32, #tpu.memory_space<vmem>>) target(%dma_start3A_291 : memref<10112x128xf32, #tpu.memory_space<vmem_shared>>) offsets(%dma_start3A_288 : memref<64xi32, #tpu.memory_space<vmem>>) semaphore(%run_scoped3A : memref<!tpu.dma_semaphore, #tpu.memory_space<semaphore_mem>>) {add = true}
        %dma_wait3A_292 = arith.constant 0 : i32
        %dma_wait3A_293 = tpu.memref_slice %arg7[%add3A_238, %dma_wait3A_292] : memref<40x64xi32, #tpu.memory_space<vmem>> -> memref<1x64xi32, #tpu.memory_space<vmem>>
        %dma_wait3A_294 = tpu.memref_squeeze %dma_wait3A_293 : memref<1x64xi32, #tpu.memory_space<vmem>> -> memref<64xi32, #tpu.memory_space<vmem>>
        %dma_wait3A_295 = arith.constant 0 : i32
        %dma_wait3A_296 = arith.constant 0 : i32
        %dma_wait3A_297 = tpu.memref_slice %arg12[%dma_wait3A_295, %dma_wait3A_296] : memref<10112x128xf32, #tpu.memory_space<vmem_shared>> -> memref<10112x128xf32, #tpu.memory_space<vmem_shared>>
        tpu.wait_indirect_dma semaphore(%run_scoped3A : memref<!tpu.dma_semaphore, #tpu.memory_space<semaphore_mem>>) src(%arg9 : memref<64x128xf32, #tpu.memory_space<vmem>>) dst(%dma_wait3A_297 : memref<10112x128xf32, #tpu.memory_space<vmem_shared>>)
        tpu.yield
      }) : () -> ()
      %add3A_245 = arith.constant 4 : i32
      %add3A_246 = arith.addi %add3A_238, %add3A_245 : i32
      %lt3A_247 = arith.constant 40 : i32
      %lt3A_248 = arith.cmpi slt, %add3A_246, %lt3A_247 : i32
      %convert_element_type3A_249 = arith.extui %lt3A_248 : i1 to i32
      %cond3A_250 = arith.constant 0 : i32
      %cond3A_251 = arith.cmpi ne, %convert_element_type3A_249, %cond3A_250 : i32
      scf.if %cond3A_251 {
        %dma_start3A_286 = arith.constant 0 : i32
        %dma_start3A_287 = tpu.memref_slice %arg6[%add3A_246, %dma_start3A_286] : memref<40x64xi32, #tpu.memory_space<vmem>> -> memref<1x64xi32, #tpu.memory_space<vmem>>
        %dma_start3A_288 = tpu.memref_squeeze %dma_start3A_287 : memref<1x64xi32, #tpu.memory_space<vmem>> -> memref<64xi32, #tpu.memory_space<vmem>>
        %dma_start3A_289 = arith.constant 0 : i32
        %dma_start3A_290 = arith.constant 0 : i32
        %dma_start3A_291 = tpu.memref_slice %arg2[%dma_start3A_289, %dma_start3A_290] : memref<10240x128xf32, #tpu.memory_space<hbm>> -> memref<10240x128xf32, #tpu.memory_space<hbm>>
        tpu.enqueue_indirect_dma source(%dma_start3A_291 : memref<10240x128xf32, #tpu.memory_space<hbm>>) target(%arg9 : memref<64x128xf32, #tpu.memory_space<vmem>>) offsets(%dma_start3A_288 : memref<64xi32, #tpu.memory_space<vmem>>) semaphore(%arg14 : memref<!tpu.dma_semaphore, #tpu.memory_space<semaphore_mem>>)
      } else {
      }
      %mul3A_252 = arith.constant 4 : i32
      %mul3A_253 = arith.muli %scan3A_221, %mul3A_252 : i32
      %add3A_254 = arith.constant 2 : i32
      %add3A_255 = arith.addi %mul3A_253, %add3A_254 : i32
      %dma_wait3A_256 = arith.constant 0 : i32
      %dma_wait3A_257 = tpu.memref_slice %arg6[%add3A_255, %dma_wait3A_256] : memref<40x64xi32, #tpu.memory_space<vmem>> -> memref<1x64xi32, #tpu.memory_space<vmem>>
      %dma_wait3A_258 = tpu.memref_squeeze %dma_wait3A_257 : memref<1x64xi32, #tpu.memory_space<vmem>> -> memref<64xi32, #tpu.memory_space<vmem>>
      %dma_wait3A_259 = arith.constant 0 : i32
      %dma_wait3A_260 = arith.constant 0 : i32
      %dma_wait3A_261 = tpu.memref_slice %arg2[%dma_wait3A_259, %dma_wait3A_260] : memref<10240x128xf32, #tpu.memory_space<hbm>> -> memref<10240x128xf32, #tpu.memory_space<hbm>>
      tpu.wait_indirect_dma semaphore(%arg15 : memref<!tpu.dma_semaphore, #tpu.memory_space<semaphore_mem>>) src(%dma_wait3A_261 : memref<10240x128xf32, #tpu.memory_space<hbm>>) dst(%arg10 : memref<64x128xf32, #tpu.memory_space<vmem>>)
      "tpu.region"() ({
        %run_scoped3A = tpu.sem_alloc : memref<!tpu.dma_semaphore, #tpu.memory_space<semaphore_mem>>
        %dma_start3A_286 = arith.constant 0 : i32
        %dma_start3A_287 = tpu.memref_slice %arg7[%add3A_255, %dma_start3A_286] : memref<40x64xi32, #tpu.memory_space<vmem>> -> memref<1x64xi32, #tpu.memory_space<vmem>>
        %dma_start3A_288 = tpu.memref_squeeze %dma_start3A_287 : memref<1x64xi32, #tpu.memory_space<vmem>> -> memref<64xi32, #tpu.memory_space<vmem>>
        %dma_start3A_289 = arith.constant 0 : i32
        %dma_start3A_290 = arith.constant 0 : i32
        %dma_start3A_291 = tpu.memref_slice %arg12[%dma_start3A_289, %dma_start3A_290] : memref<10112x128xf32, #tpu.memory_space<vmem_shared>> -> memref<10112x128xf32, #tpu.memory_space<vmem_shared>>
        tpu.enqueue_indirect_dma source(%arg10 : memref<64x128xf32, #tpu.memory_space<vmem>>) target(%dma_start3A_291 : memref<10112x128xf32, #tpu.memory_space<vmem_shared>>) offsets(%dma_start3A_288 : memref<64xi32, #tpu.memory_space<vmem>>) semaphore(%run_scoped3A : memref<!tpu.dma_semaphore, #tpu.memory_space<semaphore_mem>>) {add = true}
        %dma_wait3A_292 = arith.constant 0 : i32
        %dma_wait3A_293 = tpu.memref_slice %arg7[%add3A_255, %dma_wait3A_292] : memref<40x64xi32, #tpu.memory_space<vmem>> -> memref<1x64xi32, #tpu.memory_space<vmem>>
        %dma_wait3A_294 = tpu.memref_squeeze %dma_wait3A_293 : memref<1x64xi32, #tpu.memory_space<vmem>> -> memref<64xi32, #tpu.memory_space<vmem>>
        %dma_wait3A_295 = arith.constant 0 : i32
        %dma_wait3A_296 = arith.constant 0 : i32
        %dma_wait3A_297 = tpu.memref_slice %arg12[%dma_wait3A_295, %dma_wait3A_296] : memref<10112x128xf32, #tpu.memory_space<vmem_shared>> -> memref<10112x128xf32, #tpu.memory_space<vmem_shared>>
        tpu.wait_indirect_dma semaphore(%run_scoped3A : memref<!tpu.dma_semaphore, #tpu.memory_space<semaphore_mem>>) src(%arg10 : memref<64x128xf32, #tpu.memory_space<vmem>>) dst(%dma_wait3A_297 : memref<10112x128xf32, #tpu.memory_space<vmem_shared>>)
        tpu.yield
      }) : () -> ()
      %add3A_262 = arith.constant 4 : i32
      %add3A_263 = arith.addi %add3A_255, %add3A_262 : i32
      %lt3A_264 = arith.constant 40 : i32
      %lt3A_265 = arith.cmpi slt, %add3A_263, %lt3A_264 : i32
      %convert_element_type3A_266 = arith.extui %lt3A_265 : i1 to i32
      %cond3A_267 = arith.constant 0 : i32
      %cond3A_268 = arith.cmpi ne, %convert_element_type3A_266, %cond3A_267 : i32
      scf.if %cond3A_268 {
        %dma_start3A_286 = arith.constant 0 : i32
        %dma_start3A_287 = tpu.memref_slice %arg6[%add3A_263, %dma_start3A_286] : memref<40x64xi32, #tpu.memory_space<vmem>> -> memref<1x64xi32, #tpu.memory_space<vmem>>
        %dma_start3A_288 = tpu.memref_squeeze %dma_start3A_287 : memref<1x64xi32, #tpu.memory_space<vmem>> -> memref<64xi32, #tpu.memory_space<vmem>>
        %dma_start3A_289 = arith.constant 0 : i32
        %dma_start3A_290 = arith.constant 0 : i32
        %dma_start3A_291 = tpu.memref_slice %arg2[%dma_start3A_289, %dma_start3A_290] : memref<10240x128xf32, #tpu.memory_space<hbm>> -> memref<10240x128xf32, #tpu.memory_space<hbm>>
        tpu.enqueue_indirect_dma source(%dma_start3A_291 : memref<10240x128xf32, #tpu.memory_space<hbm>>) target(%arg10 : memref<64x128xf32, #tpu.memory_space<vmem>>) offsets(%dma_start3A_288 : memref<64xi32, #tpu.memory_space<vmem>>) semaphore(%arg15 : memref<!tpu.dma_semaphore, #tpu.memory_space<semaphore_mem>>)
      } else {
      }
      %mul3A_269 = arith.constant 4 : i32
      %mul3A_270 = arith.muli %scan3A_221, %mul3A_269 : i32
      %add3A_271 = arith.constant 3 : i32
      %add3A_272 = arith.addi %mul3A_270, %add3A_271 : i32
      %dma_wait3A_273 = arith.constant 0 : i32
      %dma_wait3A_274 = tpu.memref_slice %arg6[%add3A_272, %dma_wait3A_273] : memref<40x64xi32, #tpu.memory_space<vmem>> -> memref<1x64xi32, #tpu.memory_space<vmem>>
      %dma_wait3A_275 = tpu.memref_squeeze %dma_wait3A_274 : memref<1x64xi32, #tpu.memory_space<vmem>> -> memref<64xi32, #tpu.memory_space<vmem>>
      %dma_wait3A_276 = arith.constant 0 : i32
      %dma_wait3A_277 = arith.constant 0 : i32
      %dma_wait3A_278 = tpu.memref_slice %arg2[%dma_wait3A_276, %dma_wait3A_277] : memref<10240x128xf32, #tpu.memory_space<hbm>> -> memref<10240x128xf32, #tpu.memory_space<hbm>>
      tpu.wait_indirect_dma semaphore(%arg16 : memref<!tpu.dma_semaphore, #tpu.memory_space<semaphore_mem>>) src(%dma_wait3A_278 : memref<10240x128xf32, #tpu.memory_space<hbm>>) dst(%arg11 : memref<64x128xf32, #tpu.memory_space<vmem>>)
      "tpu.region"() ({
        %run_scoped3A = tpu.sem_alloc : memref<!tpu.dma_semaphore, #tpu.memory_space<semaphore_mem>>
        %dma_start3A_286 = arith.constant 0 : i32
        %dma_start3A_287 = tpu.memref_slice %arg7[%add3A_272, %dma_start3A_286] : memref<40x64xi32, #tpu.memory_space<vmem>> -> memref<1x64xi32, #tpu.memory_space<vmem>>
        %dma_start3A_288 = tpu.memref_squeeze %dma_start3A_287 : memref<1x64xi32, #tpu.memory_space<vmem>> -> memref<64xi32, #tpu.memory_space<vmem>>
        %dma_start3A_289 = arith.constant 0 : i32
        %dma_start3A_290 = arith.constant 0 : i32
        %dma_start3A_291 = tpu.memref_slice %arg12[%dma_start3A_289, %dma_start3A_290] : memref<10112x128xf32, #tpu.memory_space<vmem_shared>> -> memref<10112x128xf32, #tpu.memory_space<vmem_shared>>
        tpu.enqueue_indirect_dma source(%arg11 : memref<64x128xf32, #tpu.memory_space<vmem>>) target(%dma_start3A_291 : memref<10112x128xf32, #tpu.memory_space<vmem_shared>>) offsets(%dma_start3A_288 : memref<64xi32, #tpu.memory_space<vmem>>) semaphore(%run_scoped3A : memref<!tpu.dma_semaphore, #tpu.memory_space<semaphore_mem>>) {add = true}
        %dma_wait3A_292 = arith.constant 0 : i32
        %dma_wait3A_293 = tpu.memref_slice %arg7[%add3A_272, %dma_wait3A_292] : memref<40x64xi32, #tpu.memory_space<vmem>> -> memref<1x64xi32, #tpu.memory_space<vmem>>
        %dma_wait3A_294 = tpu.memref_squeeze %dma_wait3A_293 : memref<1x64xi32, #tpu.memory_space<vmem>> -> memref<64xi32, #tpu.memory_space<vmem>>
        %dma_wait3A_295 = arith.constant 0 : i32
        %dma_wait3A_296 = arith.constant 0 : i32
        %dma_wait3A_297 = tpu.memref_slice %arg12[%dma_wait3A_295, %dma_wait3A_296] : memref<10112x128xf32, #tpu.memory_space<vmem_shared>> -> memref<10112x128xf32, #tpu.memory_space<vmem_shared>>
        tpu.wait_indirect_dma semaphore(%run_scoped3A : memref<!tpu.dma_semaphore, #tpu.memory_space<semaphore_mem>>) src(%arg11 : memref<64x128xf32, #tpu.memory_space<vmem>>) dst(%dma_wait3A_297 : memref<10112x128xf32, #tpu.memory_space<vmem_shared>>)
        tpu.yield
      }) : () -> ()
      %add3A_279 = arith.constant 4 : i32
      %add3A_280 = arith.addi %add3A_272, %add3A_279 : i32
      %lt3A_281 = arith.constant 40 : i32
      %lt3A_282 = arith.cmpi slt, %add3A_280, %lt3A_281 : i32
      %convert_element_type3A_283 = arith.extui %lt3A_282 : i1 to i32
      %cond3A_284 = arith.constant 0 : i32
      %cond3A_285 = arith.cmpi ne, %convert_element_type3A_283, %cond3A_284 : i32
      scf.if %cond3A_285 {
        %dma_start3A_286 = arith.constant 0 : i32
        %dma_start3A_287 = tpu.memref_slice %arg6[%add3A_280, %dma_start3A_286] : memref<40x64xi32, #tpu.memory_space<vmem>> -> memref<1x64xi32, #tpu.memory_space<vmem>>
        %dma_start3A_288 = tpu.memref_squeeze %dma_start3A_287 : memref<1x64xi32, #tpu.memory_space<vmem>> -> memref<64xi32, #tpu.memory_space<vmem>>
        %dma_start3A_289 = arith.constant 0 : i32
        %dma_start3A_290 = arith.constant 0 : i32
        %dma_start3A_291 = tpu.memref_slice %arg2[%dma_start3A_289, %dma_start3A_290] : memref<10240x128xf32, #tpu.memory_space<hbm>> -> memref<10240x128xf32, #tpu.memory_space<hbm>>
        tpu.enqueue_indirect_dma source(%dma_start3A_291 : memref<10240x128xf32, #tpu.memory_space<hbm>>) target(%arg11 : memref<64x128xf32, #tpu.memory_space<vmem>>) offsets(%dma_start3A_288 : memref<64xi32, #tpu.memory_space<vmem>>) semaphore(%arg16 : memref<!tpu.dma_semaphore, #tpu.memory_space<semaphore_mem>>)
      } else {
      }
    }
    %scan3A_179 = arith.constant 10 : i32
    %barrier3A_180 = arith.constant 0 : index
    tpu.barrier barrier_id(%barrier3A_180)
    %add3A_181 = arith.constant 0 : i32
    %add3A_182 = arith.addi %mul3A_2, %add3A_181 : i32
    %add3A_183 = arith.constant 0 : i32
    %add3A_184 = arith.addi %mul3A_2, %add3A_183 : i32
    "tpu.region"() ({
      %run_scoped3A = tpu.sem_alloc : memref<!tpu.dma_semaphore, #tpu.memory_space<semaphore_mem>>
      %dma_start3A_221 = arith.constant 0 : i32
      %dma_start3A_222 = tpu.memref_slice %arg5[%arg0, %add3A_184, %dma_start3A_221] : memref<2x10240x128xf32, #tpu.memory_space<hbm>> -> memref<1x64x128xf32, #tpu.memory_space<hbm>>
      %dma_start3A_223 = tpu.memref_squeeze %dma_start3A_222 : memref<1x64x128xf32, #tpu.memory_space<hbm>> -> memref<64x128xf32, #tpu.memory_space<hbm>>
      %dma_start3A_224 = arith.constant 0 : i32
      %dma_start3A_225 = tpu.memref_slice %arg12[%add3A_182, %dma_start3A_224] : memref<10112x128xf32, #tpu.memory_space<vmem_shared>> -> memref<64x128xf32, #tpu.memory_space<vmem_shared>>
      tpu.enqueue_dma source(%dma_start3A_225 : memref<64x128xf32, #tpu.memory_space<vmem_shared>>) target(%dma_start3A_223 : memref<64x128xf32, #tpu.memory_space<hbm>>) target_semaphore(%run_scoped3A : memref<!tpu.dma_semaphore, #tpu.memory_space<semaphore_mem>>)
      %dma_wait3A = arith.constant 0 : i32
      %dma_wait3A_226 = tpu.memref_slice %arg5[%arg0, %add3A_184, %dma_wait3A] : memref<2x10240x128xf32, #tpu.memory_space<hbm>> -> memref<1x64x128xf32, #tpu.memory_space<hbm>>
      %dma_wait3A_227 = tpu.memref_squeeze %dma_wait3A_226 : memref<1x64x128xf32, #tpu.memory_space<hbm>> -> memref<64x128xf32, #tpu.memory_space<hbm>>
      %dma_wait3A_228 = arith.constant 0 : i32
      %dma_wait3A_229 = tpu.memref_slice %arg12[%add3A_182, %dma_wait3A_228] : memref<10112x128xf32, #tpu.memory_space<vmem_shared>> -> memref<64x128xf32, #tpu.memory_space<vmem_shared>>
      tpu.wait_dma2 semaphore(%run_scoped3A : memref<!tpu.dma_semaphore, #tpu.memory_space<semaphore_mem>>) src(%dma_wait3A_229 : memref<64x128xf32, #tpu.memory_space<vmem_shared>>) dst(%dma_wait3A_227 : memref<64x128xf32, #tpu.memory_space<hbm>>)
      tpu.yield
    }) : () -> ()
    %add3A_185 = arith.constant 64 : i32
    %add3A_186 = arith.addi %mul3A_2, %add3A_185 : i32
    %add3A_187 = arith.constant 64 : i32
    %add3A_188 = arith.addi %mul3A_2, %add3A_187 : i32
    "tpu.region"() ({
      %run_scoped3A = tpu.sem_alloc : memref<!tpu.dma_semaphore, #tpu.memory_space<semaphore_mem>>
      %dma_start3A_221 = arith.constant 0 : i32
      %dma_start3A_222 = tpu.memref_slice %arg5[%arg0, %add3A_188, %dma_start3A_221] : memref<2x10240x128xf32, #tpu.memory_space<hbm>> -> memref<1x64x128xf32, #tpu.memory_space<hbm>>
      %dma_start3A_223 = tpu.memref_squeeze %dma_start3A_222 : memref<1x64x128xf32, #tpu.memory_space<hbm>> -> memref<64x128xf32, #tpu.memory_space<hbm>>
      %dma_start3A_224 = arith.constant 0 : i32
      %dma_start3A_225 = tpu.memref_slice %arg12[%add3A_186, %dma_start3A_224] : memref<10112x128xf32, #tpu.memory_space<vmem_shared>> -> memref<64x128xf32, #tpu.memory_space<vmem_shared>>
      tpu.enqueue_dma source(%dma_start3A_225 : memref<64x128xf32, #tpu.memory_space<vmem_shared>>) target(%dma_start3A_223 : memref<64x128xf32, #tpu.memory_space<hbm>>) target_semaphore(%run_scoped3A : memref<!tpu.dma_semaphore, #tpu.memory_space<semaphore_mem>>)
      %dma_wait3A = arith.constant 0 : i32
      %dma_wait3A_226 = tpu.memref_slice %arg5[%arg0, %add3A_188, %dma_wait3A] : memref<2x10240x128xf32, #tpu.memory_space<hbm>> -> memref<1x64x128xf32, #tpu.memory_space<hbm>>
      %dma_wait3A_227 = tpu.memref_squeeze %dma_wait3A_226 : memref<1x64x128xf32, #tpu.memory_space<hbm>> -> memref<64x128xf32, #tpu.memory_space<hbm>>
      %dma_wait3A_228 = arith.constant 0 : i32
      %dma_wait3A_229 = tpu.memref_slice %arg12[%add3A_186, %dma_wait3A_228] : memref<10112x128xf32, #tpu.memory_space<vmem_shared>> -> memref<64x128xf32, #tpu.memory_space<vmem_shared>>
      tpu.wait_dma2 semaphore(%run_scoped3A : memref<!tpu.dma_semaphore, #tpu.memory_space<semaphore_mem>>) src(%dma_wait3A_229 : memref<64x128xf32, #tpu.memory_space<vmem_shared>>) dst(%dma_wait3A_227 : memref<64x128xf32, #tpu.memory_space<hbm>>)
      tpu.yield
    }) : () -> ()
    %add3A_189 = arith.constant 128 : i32
    %add3A_190 = arith.addi %mul3A_2, %add3A_189 : i32
    %add3A_191 = arith.constant 128 : i32
    %add3A_192 = arith.addi %mul3A_2, %add3A_191 : i32
    "tpu.region"() ({
      %run_scoped3A = tpu.sem_alloc : memref<!tpu.dma_semaphore, #tpu.memory_space<semaphore_mem>>
      %dma_start3A_221 = arith.constant 0 : i32
      %dma_start3A_222 = tpu.memref_slice %arg5[%arg0, %add3A_192, %dma_start3A_221] : memref<2x10240x128xf32, #tpu.memory_space<hbm>> -> memref<1x64x128xf32, #tpu.memory_space<hbm>>
      %dma_start3A_223 = tpu.memref_squeeze %dma_start3A_222 : memref<1x64x128xf32, #tpu.memory_space<hbm>> -> memref<64x128xf32, #tpu.memory_space<hbm>>
      %dma_start3A_224 = arith.constant 0 : i32
      %dma_start3A_225 = tpu.memref_slice %arg12[%add3A_190, %dma_start3A_224] : memref<10112x128xf32, #tpu.memory_space<vmem_shared>> -> memref<64x128xf32, #tpu.memory_space<vmem_shared>>
      tpu.enqueue_dma source(%dma_start3A_225 : memref<64x128xf32, #tpu.memory_space<vmem_shared>>) target(%dma_start3A_223 : memref<64x128xf32, #tpu.memory_space<hbm>>) target_semaphore(%run_scoped3A : memref<!tpu.dma_semaphore, #tpu.memory_space<semaphore_mem>>)
      %dma_wait3A = arith.constant 0 : i32
      %dma_wait3A_226 = tpu.memref_slice %arg5[%arg0, %add3A_192, %dma_wait3A] : memref<2x10240x128xf32, #tpu.memory_space<hbm>> -> memref<1x64x128xf32, #tpu.memory_space<hbm>>
      %dma_wait3A_227 = tpu.memref_squeeze %dma_wait3A_226 : memref<1x64x128xf32, #tpu.memory_space<hbm>> -> memref<64x128xf32, #tpu.memory_space<hbm>>
      %dma_wait3A_228 = arith.constant 0 : i32
      %dma_wait3A_229 = tpu.memref_slice %arg12[%add3A_190, %dma_wait3A_228] : memref<10112x128xf32, #tpu.memory_space<vmem_shared>> -> memref<64x128xf32, #tpu.memory_space<vmem_shared>>
      tpu.wait_dma2 semaphore(%run_scoped3A : memref<!tpu.dma_semaphore, #tpu.memory_space<semaphore_mem>>) src(%dma_wait3A_229 : memref<64x128xf32, #tpu.memory_space<vmem_shared>>) dst(%dma_wait3A_227 : memref<64x128xf32, #tpu.memory_space<hbm>>)
      tpu.yield
    }) : () -> ()
    %add3A_193 = arith.constant 192 : i32
    %add3A_194 = arith.addi %mul3A_2, %add3A_193 : i32
    %add3A_195 = arith.constant 192 : i32
    %add3A_196 = arith.addi %mul3A_2, %add3A_195 : i32
    "tpu.region"() ({
      %run_scoped3A = tpu.sem_alloc : memref<!tpu.dma_semaphore, #tpu.memory_space<semaphore_mem>>
      %dma_start3A_221 = arith.constant 0 : i32
      %dma_start3A_222 = tpu.memref_slice %arg5[%arg0, %add3A_196, %dma_start3A_221] : memref<2x10240x128xf32, #tpu.memory_space<hbm>> -> memref<1x64x128xf32, #tpu.memory_space<hbm>>
      %dma_start3A_223 = tpu.memref_squeeze %dma_start3A_222 : memref<1x64x128xf32, #tpu.memory_space<hbm>> -> memref<64x128xf32, #tpu.memory_space<hbm>>
      %dma_start3A_224 = arith.constant 0 : i32
      %dma_start3A_225 = tpu.memref_slice %arg12[%add3A_194, %dma_start3A_224] : memref<10112x128xf32, #tpu.memory_space<vmem_shared>> -> memref<64x128xf32, #tpu.memory_space<vmem_shared>>
      tpu.enqueue_dma source(%dma_start3A_225 : memref<64x128xf32, #tpu.memory_space<vmem_shared>>) target(%dma_start3A_223 : memref<64x128xf32, #tpu.memory_space<hbm>>) target_semaphore(%run_scoped3A : memref<!tpu.dma_semaphore, #tpu.memory_space<semaphore_mem>>)
      %dma_wait3A = arith.constant 0 : i32
      %dma_wait3A_226 = tpu.memref_slice %arg5[%arg0, %add3A_196, %dma_wait3A] : memref<2x10240x128xf32, #tpu.memory_space<hbm>> -> memref<1x64x128xf32, #tpu.memory_space<hbm>>
      %dma_wait3A_227 = tpu.memref_squeeze %dma_wait3A_226 : memref<1x64x128xf32, #tpu.memory_space<hbm>> -> memref<64x128xf32, #tpu.memory_space<hbm>>
      %dma_wait3A_228 = arith.constant 0 : i32
      %dma_wait3A_229 = tpu.memref_slice %arg12[%add3A_194, %dma_wait3A_228] : memref<10112x128xf32, #tpu.memory_space<vmem_shared>> -> memref<64x128xf32, #tpu.memory_space<vmem_shared>>
      tpu.wait_dma2 semaphore(%run_scoped3A : memref<!tpu.dma_semaphore, #tpu.memory_space<semaphore_mem>>) src(%dma_wait3A_229 : memref<64x128xf32, #tpu.memory_space<vmem_shared>>) dst(%dma_wait3A_227 : memref<64x128xf32, #tpu.memory_space<hbm>>)
      tpu.yield
    }) : () -> ()
    %add3A_197 = arith.constant 256 : i32
    %add3A_198 = arith.addi %mul3A_2, %add3A_197 : i32
    %add3A_199 = arith.constant 256 : i32
    %add3A_200 = arith.addi %mul3A_2, %add3A_199 : i32
    "tpu.region"() ({
      %run_scoped3A = tpu.sem_alloc : memref<!tpu.dma_semaphore, #tpu.memory_space<semaphore_mem>>
      %dma_start3A_221 = arith.constant 0 : i32
      %dma_start3A_222 = tpu.memref_slice %arg5[%arg0, %add3A_200, %dma_start3A_221] : memref<2x10240x128xf32, #tpu.memory_space<hbm>> -> memref<1x64x128xf32, #tpu.memory_space<hbm>>
      %dma_start3A_223 = tpu.memref_squeeze %dma_start3A_222 : memref<1x64x128xf32, #tpu.memory_space<hbm>> -> memref<64x128xf32, #tpu.memory_space<hbm>>
      %dma_start3A_224 = arith.constant 0 : i32
      %dma_start3A_225 = tpu.memref_slice %arg12[%add3A_198, %dma_start3A_224] : memref<10112x128xf32, #tpu.memory_space<vmem_shared>> -> memref<64x128xf32, #tpu.memory_space<vmem_shared>>
      tpu.enqueue_dma source(%dma_start3A_225 : memref<64x128xf32, #tpu.memory_space<vmem_shared>>) target(%dma_start3A_223 : memref<64x128xf32, #tpu.memory_space<hbm>>) target_semaphore(%run_scoped3A : memref<!tpu.dma_semaphore, #tpu.memory_space<semaphore_mem>>)
      %dma_wait3A = arith.constant 0 : i32
      %dma_wait3A_226 = tpu.memref_slice %arg5[%arg0, %add3A_200, %dma_wait3A] : memref<2x10240x128xf32, #tpu.memory_space<hbm>> -> memref<1x64x128xf32, #tpu.memory_space<hbm>>
      %dma_wait3A_227 = tpu.memref_squeeze %dma_wait3A_226 : memref<1x64x128xf32, #tpu.memory_space<hbm>> -> memref<64x128xf32, #tpu.memory_space<hbm>>
      %dma_wait3A_228 = arith.constant 0 : i32
      %dma_wait3A_229 = tpu.memref_slice %arg12[%add3A_198, %dma_wait3A_228] : memref<10112x128xf32, #tpu.memory_space<vmem_shared>> -> memref<64x128xf32, #tpu.memory_space<vmem_shared>>
      tpu.wait_dma2 semaphore(%run_scoped3A : memref<!tpu.dma_semaphore, #tpu.memory_space<semaphore_mem>>) src(%dma_wait3A_229 : memref<64x128xf32, #tpu.memory_space<vmem_shared>>) dst(%dma_wait3A_227 : memref<64x128xf32, #tpu.memory_space<hbm>>)
      tpu.yield
    }) : () -> ()
    %add3A_201 = arith.constant 320 : i32
    %add3A_202 = arith.addi %mul3A_2, %add3A_201 : i32
    %add3A_203 = arith.constant 320 : i32
    %add3A_204 = arith.addi %mul3A_2, %add3A_203 : i32
    "tpu.region"() ({
      %run_scoped3A = tpu.sem_alloc : memref<!tpu.dma_semaphore, #tpu.memory_space<semaphore_mem>>
      %dma_start3A_221 = arith.constant 0 : i32
      %dma_start3A_222 = tpu.memref_slice %arg5[%arg0, %add3A_204, %dma_start3A_221] : memref<2x10240x128xf32, #tpu.memory_space<hbm>> -> memref<1x64x128xf32, #tpu.memory_space<hbm>>
      %dma_start3A_223 = tpu.memref_squeeze %dma_start3A_222 : memref<1x64x128xf32, #tpu.memory_space<hbm>> -> memref<64x128xf32, #tpu.memory_space<hbm>>
      %dma_start3A_224 = arith.constant 0 : i32
      %dma_start3A_225 = tpu.memref_slice %arg12[%add3A_202, %dma_start3A_224] : memref<10112x128xf32, #tpu.memory_space<vmem_shared>> -> memref<64x128xf32, #tpu.memory_space<vmem_shared>>
      tpu.enqueue_dma source(%dma_start3A_225 : memref<64x128xf32, #tpu.memory_space<vmem_shared>>) target(%dma_start3A_223 : memref<64x128xf32, #tpu.memory_space<hbm>>) target_semaphore(%run_scoped3A : memref<!tpu.dma_semaphore, #tpu.memory_space<semaphore_mem>>)
      %dma_wait3A = arith.constant 0 : i32
      %dma_wait3A_226 = tpu.memref_slice %arg5[%arg0, %add3A_204, %dma_wait3A] : memref<2x10240x128xf32, #tpu.memory_space<hbm>> -> memref<1x64x128xf32, #tpu.memory_space<hbm>>
      %dma_wait3A_227 = tpu.memref_squeeze %dma_wait3A_226 : memref<1x64x128xf32, #tpu.memory_space<hbm>> -> memref<64x128xf32, #tpu.memory_space<hbm>>
      %dma_wait3A_228 = arith.constant 0 : i32
      %dma_wait3A_229 = tpu.memref_slice %arg12[%add3A_202, %dma_wait3A_228] : memref<10112x128xf32, #tpu.memory_space<vmem_shared>> -> memref<64x128xf32, #tpu.memory_space<vmem_shared>>
      tpu.wait_dma2 semaphore(%run_scoped3A : memref<!tpu.dma_semaphore, #tpu.memory_space<semaphore_mem>>) src(%dma_wait3A_229 : memref<64x128xf32, #tpu.memory_space<vmem_shared>>) dst(%dma_wait3A_227 : memref<64x128xf32, #tpu.memory_space<hbm>>)
      tpu.yield
    }) : () -> ()
    %add3A_205 = arith.constant 384 : i32
    %add3A_206 = arith.addi %mul3A_2, %add3A_205 : i32
    %add3A_207 = arith.constant 384 : i32
    %add3A_208 = arith.addi %mul3A_2, %add3A_207 : i32
    "tpu.region"() ({
      %run_scoped3A = tpu.sem_alloc : memref<!tpu.dma_semaphore, #tpu.memory_space<semaphore_mem>>
      %dma_start3A_221 = arith.constant 0 : i32
      %dma_start3A_222 = tpu.memref_slice %arg5[%arg0, %add3A_208, %dma_start3A_221] : memref<2x10240x128xf32, #tpu.memory_space<hbm>> -> memref<1x64x128xf32, #tpu.memory_space<hbm>>
      %dma_start3A_223 = tpu.memref_squeeze %dma_start3A_222 : memref<1x64x128xf32, #tpu.memory_space<hbm>> -> memref<64x128xf32, #tpu.memory_space<hbm>>
      %dma_start3A_224 = arith.constant 0 : i32
      %dma_start3A_225 = tpu.memref_slice %arg12[%add3A_206, %dma_start3A_224] : memref<10112x128xf32, #tpu.memory_space<vmem_shared>> -> memref<64x128xf32, #tpu.memory_space<vmem_shared>>
      tpu.enqueue_dma source(%dma_start3A_225 : memref<64x128xf32, #tpu.memory_space<vmem_shared>>) target(%dma_start3A_223 : memref<64x128xf32, #tpu.memory_space<hbm>>) target_semaphore(%run_scoped3A : memref<!tpu.dma_semaphore, #tpu.memory_space<semaphore_mem>>)
      %dma_wait3A = arith.constant 0 : i32
      %dma_wait3A_226 = tpu.memref_slice %arg5[%arg0, %add3A_208, %dma_wait3A] : memref<2x10240x128xf32, #tpu.memory_space<hbm>> -> memref<1x64x128xf32, #tpu.memory_space<hbm>>
      %dma_wait3A_227 = tpu.memref_squeeze %dma_wait3A_226 : memref<1x64x128xf32, #tpu.memory_space<hbm>> -> memref<64x128xf32, #tpu.memory_space<hbm>>
      %dma_wait3A_228 = arith.constant 0 : i32
      %dma_wait3A_229 = tpu.memref_slice %arg12[%add3A_206, %dma_wait3A_228] : memref<10112x128xf32, #tpu.memory_space<vmem_shared>> -> memref<64x128xf32, #tpu.memory_space<vmem_shared>>
      tpu.wait_dma2 semaphore(%run_scoped3A : memref<!tpu.dma_semaphore, #tpu.memory_space<semaphore_mem>>) src(%dma_wait3A_229 : memref<64x128xf32, #tpu.memory_space<vmem_shared>>) dst(%dma_wait3A_227 : memref<64x128xf32, #tpu.memory_space<hbm>>)
      tpu.yield
    }) : () -> ()
    %add3A_209 = arith.constant 448 : i32
    %add3A_210 = arith.addi %mul3A_2, %add3A_209 : i32
    %add3A_211 = arith.constant 448 : i32
    %add3A_212 = arith.addi %mul3A_2, %add3A_211 : i32
    "tpu.region"() ({
      %run_scoped3A = tpu.sem_alloc : memref<!tpu.dma_semaphore, #tpu.memory_space<semaphore_mem>>
      %dma_start3A_221 = arith.constant 0 : i32
      %dma_start3A_222 = tpu.memref_slice %arg5[%arg0, %add3A_212, %dma_start3A_221] : memref<2x10240x128xf32, #tpu.memory_space<hbm>> -> memref<1x64x128xf32, #tpu.memory_space<hbm>>
      %dma_start3A_223 = tpu.memref_squeeze %dma_start3A_222 : memref<1x64x128xf32, #tpu.memory_space<hbm>> -> memref<64x128xf32, #tpu.memory_space<hbm>>
      %dma_start3A_224 = arith.constant 0 : i32
      %dma_start3A_225 = tpu.memref_slice %arg12[%add3A_210, %dma_start3A_224] : memref<10112x128xf32, #tpu.memory_space<vmem_shared>> -> memref<64x128xf32, #tpu.memory_space<vmem_shared>>
      tpu.enqueue_dma source(%dma_start3A_225 : memref<64x128xf32, #tpu.memory_space<vmem_shared>>) target(%dma_start3A_223 : memref<64x128xf32, #tpu.memory_space<hbm>>) target_semaphore(%run_scoped3A : memref<!tpu.dma_semaphore, #tpu.memory_space<semaphore_mem>>)
      %dma_wait3A = arith.constant 0 : i32
      %dma_wait3A_226 = tpu.memref_slice %arg5[%arg0, %add3A_212, %dma_wait3A] : memref<2x10240x128xf32, #tpu.memory_space<hbm>> -> memref<1x64x128xf32, #tpu.memory_space<hbm>>
      %dma_wait3A_227 = tpu.memref_squeeze %dma_wait3A_226 : memref<1x64x128xf32, #tpu.memory_space<hbm>> -> memref<64x128xf32, #tpu.memory_space<hbm>>
      %dma_wait3A_228 = arith.constant 0 : i32
      %dma_wait3A_229 = tpu.memref_slice %arg12[%add3A_210, %dma_wait3A_228] : memref<10112x128xf32, #tpu.memory_space<vmem_shared>> -> memref<64x128xf32, #tpu.memory_space<vmem_shared>>
      tpu.wait_dma2 semaphore(%run_scoped3A : memref<!tpu.dma_semaphore, #tpu.memory_space<semaphore_mem>>) src(%dma_wait3A_229 : memref<64x128xf32, #tpu.memory_space<vmem_shared>>) dst(%dma_wait3A_227 : memref<64x128xf32, #tpu.memory_space<hbm>>)
      tpu.yield
    }) : () -> ()
    %add3A_213 = arith.constant 512 : i32
    %add3A_214 = arith.addi %mul3A_2, %add3A_213 : i32
    %add3A_215 = arith.constant 512 : i32
    %add3A_216 = arith.addi %mul3A_2, %add3A_215 : i32
    "tpu.region"() ({
      %run_scoped3A = tpu.sem_alloc : memref<!tpu.dma_semaphore, #tpu.memory_space<semaphore_mem>>
      %dma_start3A_221 = arith.constant 0 : i32
      %dma_start3A_222 = tpu.memref_slice %arg5[%arg0, %add3A_216, %dma_start3A_221] : memref<2x10240x128xf32, #tpu.memory_space<hbm>> -> memref<1x64x128xf32, #tpu.memory_space<hbm>>
      %dma_start3A_223 = tpu.memref_squeeze %dma_start3A_222 : memref<1x64x128xf32, #tpu.memory_space<hbm>> -> memref<64x128xf32, #tpu.memory_space<hbm>>
      %dma_start3A_224 = arith.constant 0 : i32
      %dma_start3A_225 = tpu.memref_slice %arg12[%add3A_214, %dma_start3A_224] : memref<10112x128xf32, #tpu.memory_space<vmem_shared>> -> memref<64x128xf32, #tpu.memory_space<vmem_shared>>
      tpu.enqueue_dma source(%dma_start3A_225 : memref<64x128xf32, #tpu.memory_space<vmem_shared>>) target(%dma_start3A_223 : memref<64x128xf32, #tpu.memory_space<hbm>>) target_semaphore(%run_scoped3A : memref<!tpu.dma_semaphore, #tpu.memory_space<semaphore_mem>>)
      %dma_wait3A = arith.constant 0 : i32
      %dma_wait3A_226 = tpu.memref_slice %arg5[%arg0, %add3A_216, %dma_wait3A] : memref<2x10240x128xf32, #tpu.memory_space<hbm>> -> memref<1x64x128xf32, #tpu.memory_space<hbm>>
      %dma_wait3A_227 = tpu.memref_squeeze %dma_wait3A_226 : memref<1x64x128xf32, #tpu.memory_space<hbm>> -> memref<64x128xf32, #tpu.memory_space<hbm>>
      %dma_wait3A_228 = arith.constant 0 : i32
      %dma_wait3A_229 = tpu.memref_slice %arg12[%add3A_214, %dma_wait3A_228] : memref<10112x128xf32, #tpu.memory_space<vmem_shared>> -> memref<64x128xf32, #tpu.memory_space<vmem_shared>>
      tpu.wait_dma2 semaphore(%run_scoped3A : memref<!tpu.dma_semaphore, #tpu.memory_space<semaphore_mem>>) src(%dma_wait3A_229 : memref<64x128xf32, #tpu.memory_space<vmem_shared>>) dst(%dma_wait3A_227 : memref<64x128xf32, #tpu.memory_space<hbm>>)
      tpu.yield
    }) : () -> ()
    %add3A_217 = arith.constant 576 : i32
    %add3A_218 = arith.addi %mul3A_2, %add3A_217 : i32
    %add3A_219 = arith.constant 576 : i32
    %add3A_220 = arith.addi %mul3A_2, %add3A_219 : i32
    "tpu.region"() ({
      %run_scoped3A = tpu.sem_alloc : memref<!tpu.dma_semaphore, #tpu.memory_space<semaphore_mem>>
      %dma_start3A_221 = arith.constant 0 : i32
      %dma_start3A_222 = tpu.memref_slice %arg5[%arg0, %add3A_220, %dma_start3A_221] : memref<2x10240x128xf32, #tpu.memory_space<hbm>> -> memref<1x56x128xf32, #tpu.memory_space<hbm>>
      %dma_start3A_223 = tpu.memref_squeeze %dma_start3A_222 : memref<1x56x128xf32, #tpu.memory_space<hbm>> -> memref<56x128xf32, #tpu.memory_space<hbm>>
      %dma_start3A_224 = arith.constant 0 : i32
      %dma_start3A_225 = tpu.memref_slice %arg12[%add3A_218, %dma_start3A_224] : memref<10112x128xf32, #tpu.memory_space<vmem_shared>> -> memref<56x128xf32, #tpu.memory_space<vmem_shared>>
      tpu.enqueue_dma source(%dma_start3A_225 : memref<56x128xf32, #tpu.memory_space<vmem_shared>>) target(%dma_start3A_223 : memref<56x128xf32, #tpu.memory_space<hbm>>) target_semaphore(%run_scoped3A : memref<!tpu.dma_semaphore, #tpu.memory_space<semaphore_mem>>)
      %dma_wait3A = arith.constant 0 : i32
      %dma_wait3A_226 = tpu.memref_slice %arg5[%arg0, %add3A_220, %dma_wait3A] : memref<2x10240x128xf32, #tpu.memory_space<hbm>> -> memref<1x56x128xf32, #tpu.memory_space<hbm>>
      %dma_wait3A_227 = tpu.memref_squeeze %dma_wait3A_226 : memref<1x56x128xf32, #tpu.memory_space<hbm>> -> memref<56x128xf32, #tpu.memory_space<hbm>>
      %dma_wait3A_228 = arith.constant 0 : i32
      %dma_wait3A_229 = tpu.memref_slice %arg12[%add3A_218, %dma_wait3A_228] : memref<10112x128xf32, #tpu.memory_space<vmem_shared>> -> memref<56x128xf32, #tpu.memory_space<vmem_shared>>
      tpu.wait_dma2 semaphore(%run_scoped3A : memref<!tpu.dma_semaphore, #tpu.memory_space<semaphore_mem>>) src(%dma_wait3A_229 : memref<56x128xf32, #tpu.memory_space<vmem_shared>>) dst(%dma_wait3A_227 : memref<56x128xf32, #tpu.memory_space<hbm>>)
      tpu.yield
    }) : () -> ()
    return
  }
}

module attributes {stable_mosaic.version = 14 : i64} {
  func.func @_pre_body(%arg0: i32, %arg1: memref<32x1024xf32, #tpu.memory_space<vmem>>, %arg2: memref<1024x128xf32, #tpu.memory_space<vmem>>, %arg3: memref<128x128xf32, #tpu.memory_space<vmem>>, %arg4: memref<1024x128xf32, #tpu.memory_space<vmem>>) attributes {dimension_semantics = [#tpu.dimension_semantics<arbitrary>], iteration_bounds = array<i64: 10>, scalar_prefetch = 0 : i64, scratch_operands = 0 : i64, tpu.core_type = #tpu.core_type<tc>, window_params = [{transform_indices = @transform_0, window_bounds = array<i64: 32, 1024>}, {transform_indices = @transform_1, window_bounds = array<i64: 1024, 128>}, {pipeline_mode = #tpu.pipeline_mode<synchronous>, transform_indices = @transform_2, window_bounds = array<i64: 128, 128>}, {transform_indices = @transform_3, window_bounds = array<i64: 1024, 128>}]} {
    %get3A = arith.constant 0 : index
    %get3A_0 = arith.constant 0 : index
    %get3A_1 = vector.load %arg1[%get3A, %get3A_0] : memref<32x1024xf32, #tpu.memory_space<vmem>>, vector<32x1024xf32>
    %reduce_sum3A = arith.constant dense<0.000000e+00> : vector<1024xf32>
    %reduce_sum3A_2 = vector.multi_reduction <add>, %get3A_1, %reduce_sum3A [0] : vector<32x1024xf32> to vector<1024xf32>
    %add3A = arith.constant 1.000000e+00 : f32
    %add3A_3 = vector.broadcast %add3A : f32 to vector<1024xf32>
    %add3A_4 = arith.addf %reduce_sum3A_2, %add3A_3 : vector<1024xf32>
    %rsqrt3A = math.rsqrt %add3A_4 : vector<1024xf32>
    %get3A_5 = arith.constant 0 : index
    %get3A_6 = arith.constant 0 : index
    %get3A_7 = vector.load %arg2[%get3A_5, %get3A_6] : memref<1024x128xf32, #tpu.memory_space<vmem>>, vector<1024x128xf32>
    %get3A_8 = arith.constant 0 : index
    %get3A_9 = arith.constant 0 : index
    %get3A_10 = vector.load %arg3[%get3A_8, %get3A_9] : memref<128x128xf32, #tpu.memory_space<vmem>>, vector<128x128xf32>
    %dot_general3A = arith.constant dense<0.000000e+00> : vector<1024x128xf32>
    %dot_general3A_11 = tpu.matmul %get3A_7, %get3A_10, %dot_general3A {dimension_numbers = #tpu.dot_dimension_numbers<[1], [0], [0], [1], [0, 0, 1, 1], [], []>, precision = #tpu.contract_precision<fp32>, transpose_lhs_hint = false} : vector<1024x128xf32>, vector<128x128xf32>, vector<1024x128xf32> -> vector<1024x128xf32>
    %broadcast_in_dim3A = vector.shape_cast %rsqrt3A : vector<1024xf32> to vector<1024x1xf32>
    %mul3A = vector.broadcast %broadcast_in_dim3A : vector<1024x1xf32> to vector<1024x128xf32>
    %mul3A_12 = arith.mulf %dot_general3A_11, %mul3A : vector<1024x128xf32>
    %swap3A = arith.constant 0 : index
    %swap3A_13 = arith.constant 0 : index
    %swap3A_14 = vector.load %arg4[%swap3A, %swap3A_13] : memref<1024x128xf32, #tpu.memory_space<vmem>>, vector<1024x128xf32>
    tpu.vector_store %arg4[%swap3A, %swap3A_13], %mul3A_12 {strides = array<i32>} : memref<1024x128xf32, #tpu.memory_space<vmem>>, vector<1024x128xf32>,
    return
  }
  func.func @transform_0(%arg0: i32) -> (i32, i32) {
    %c0_i32 = arith.constant 0 : i32
    %c0_i32_0 = arith.constant 0 : i32
    return %c0_i32, %arg0 : i32, i32
  }
  func.func @transform_1(%arg0: i32) -> (i32, i32) {
    %c0_i32 = arith.constant 0 : i32
    %c0_i32_0 = arith.constant 0 : i32
    return %arg0, %c0_i32 : i32, i32
  }
  func.func @transform_2(%arg0: i32) -> (i32, i32) {
    %c0_i32 = arith.constant 0 : i32
    %c0_i32_0 = arith.constant 0 : i32
    %c0_i32_1 = arith.constant 0 : i32
    return %c0_i32, %c0_i32_0 : i32, i32
  }
  func.func @transform_3(%arg0: i32) -> (i32, i32) {
    %c0_i32 = arith.constant 0 : i32
    %c0_i32_0 = arith.constant 0 : i32
    return %arg0, %c0_i32 : i32, i32
  }
}

module attributes {stable_mosaic.version = 14 : i64} {
  func.func @_mid_body(%arg0: i32, %arg1: memref<32x1024xf32, #tpu.memory_space<vmem>>, %arg2: memref<2x1024x128xf32, #tpu.memory_space<vmem>>, %arg3: memref<1024x128xf32, #tpu.memory_space<vmem>>, %arg4: memref<128x128xf32, #tpu.memory_space<vmem>>, %arg5: memref<1x128xf32, #tpu.memory_space<vmem>>, %arg6: memref<1024x128xf32, #tpu.memory_space<vmem>>) attributes {dimension_semantics = [#tpu.dimension_semantics<arbitrary>], iteration_bounds = array<i64: 10>, scalar_prefetch = 0 : i64, scratch_operands = 0 : i64, tpu.core_type = #tpu.core_type<tc>, window_params = [{transform_indices = @transform_0, window_bounds = array<i64: 32, 1024>}, {transform_indices = @transform_1, window_bounds = array<i64: 2, 1024, 128>}, {transform_indices = @transform_2, window_bounds = array<i64: 1024, 128>}, {pipeline_mode = #tpu.pipeline_mode<synchronous>, transform_indices = @transform_3, window_bounds = array<i64: 128, 128>}, {pipeline_mode = #tpu.pipeline_mode<synchronous>, transform_indices = @transform_4, window_bounds = array<i64: 1, 128>}, {transform_indices = @transform_5, window_bounds = array<i64: 1024, 128>}]} {
    %get3A = arith.constant 0 : index
    %get3A_0 = arith.constant 0 : index
    %get3A_1 = vector.load %arg1[%get3A, %get3A_0] : memref<32x1024xf32, #tpu.memory_space<vmem>>, vector<32x1024xf32>
    %reduce_sum3A = arith.constant dense<0.000000e+00> : vector<1024xf32>
    %reduce_sum3A_2 = vector.multi_reduction <add>, %get3A_1, %reduce_sum3A [0] : vector<32x1024xf32> to vector<1024xf32>
    %add3A = arith.constant 1.000000e+00 : f32
    %add3A_3 = vector.broadcast %add3A : f32 to vector<1024xf32>
    %add3A_4 = arith.addf %reduce_sum3A_2, %add3A_3 : vector<1024xf32>
    %rsqrt3A = math.rsqrt %add3A_4 : vector<1024xf32>
    %get3A_5 = arith.constant 0 : index
    %get3A_6 = arith.constant 0 : index
    %get3A_7 = arith.constant 0 : index
    %get3A_8 = vector.load %arg2[%get3A_5, %get3A_6, %get3A_7] : memref<2x1024x128xf32, #tpu.memory_space<vmem>>, vector<1x1024x128xf32>
    %get3A_9 = vector.shape_cast %get3A_8 : vector<1x1024x128xf32> to vector<1024x128xf32>
    %get3A_10 = arith.constant 1 : index
    %get3A_11 = arith.constant 0 : index
    %get3A_12 = arith.constant 0 : index
    %get3A_13 = vector.load %arg2[%get3A_10, %get3A_11, %get3A_12] : memref<2x1024x128xf32, #tpu.memory_space<vmem>>, vector<1x1024x128xf32>
    %get3A_14 = vector.shape_cast %get3A_13 : vector<1x1024x128xf32> to vector<1024x128xf32>
    %add3A_15 = arith.addf %get3A_9, %get3A_14 : vector<1024x128xf32>
    %get3A_16 = arith.constant 0 : index
    %get3A_17 = arith.constant 0 : index
    %get3A_18 = vector.load %arg3[%get3A_16, %get3A_17] : memref<1024x128xf32, #tpu.memory_space<vmem>>, vector<1024x128xf32>
    %add3A_19 = arith.addf %add3A_15, %get3A_18 : vector<1024x128xf32>
    %broadcast_in_dim3A = vector.shape_cast %rsqrt3A : vector<1024xf32> to vector<1024x1xf32>
    %mul3A = vector.broadcast %broadcast_in_dim3A : vector<1024x1xf32> to vector<1024x128xf32>
    %mul3A_20 = arith.mulf %add3A_19, %mul3A : vector<1024x128xf32>
    %get3A_21 = arith.constant 0 : index
    %get3A_22 = arith.constant 0 : index
    %get3A_23 = vector.load %arg5[%get3A_21, %get3A_22] : memref<1x128xf32, #tpu.memory_space<vmem>>, vector<1x128xf32>
    %add3A_24 = vector.broadcast %get3A_23 : vector<1x128xf32> to vector<1024x128xf32>
    %add3A_25 = arith.addf %mul3A_20, %add3A_24 : vector<1024x128xf32>
    %max3A = arith.constant 0.000000e+00 : f32
    %max3A_26 = vector.broadcast %max3A : f32 to vector<1024x128xf32>
    %max3A_27 = arith.maximumf %add3A_25, %max3A_26 : vector<1024x128xf32>
    %get3A_28 = arith.constant 0 : index
    %get3A_29 = arith.constant 0 : index
    %get3A_30 = vector.load %arg4[%get3A_28, %get3A_29] : memref<128x128xf32, #tpu.memory_space<vmem>>, vector<128x128xf32>
    %dot_general3A = arith.constant dense<0.000000e+00> : vector<1024x128xf32>
    %dot_general3A_31 = tpu.matmul %max3A_27, %get3A_30, %dot_general3A {dimension_numbers = #tpu.dot_dimension_numbers<[1], [0], [0], [1], [0, 0, 1, 1], [], []>, precision = #tpu.contract_precision<fp32>, transpose_lhs_hint = false} : vector<1024x128xf32>, vector<128x128xf32>, vector<1024x128xf32> -> vector<1024x128xf32>
    %broadcast_in_dim3A_32 = vector.shape_cast %rsqrt3A : vector<1024xf32> to vector<1024x1xf32>
    %mul3A_33 = vector.broadcast %broadcast_in_dim3A_32 : vector<1024x1xf32> to vector<1024x128xf32>
    %mul3A_34 = arith.mulf %dot_general3A_31, %mul3A_33 : vector<1024x128xf32>
    %swap3A = arith.constant 0 : index
    %swap3A_35 = arith.constant 0 : index
    %swap3A_36 = vector.load %arg6[%swap3A, %swap3A_35] : memref<1024x128xf32, #tpu.memory_space<vmem>>, vector<1024x128xf32>
    tpu.vector_store %arg6[%swap3A, %swap3A_35], %mul3A_34 {strides = array<i32>} : memref<1024x128xf32, #tpu.memory_space<vmem>>, vector<1024x128xf32>,
    return
  }
  func.func @transform_0(%arg0: i32) -> (i32, i32) {
    %c0_i32 = arith.constant 0 : i32
    %c0_i32_0 = arith.constant 0 : i32
    return %c0_i32, %arg0 : i32, i32
  }
  func.func @transform_1(%arg0: i32) -> (i32, i32, i32) {
    %c0_i32 = arith.constant 0 : i32
    %c0_i32_0 = arith.constant 0 : i32
    %c0_i32_1 = arith.constant 0 : i32
    return %c0_i32, %arg0, %c0_i32_0 : i32, i32, i32
  }
  func.func @transform_2(%arg0: i32) -> (i32, i32) {
    %c0_i32 = arith.constant 0 : i32
    %c0_i32_0 = arith.constant 0 : i32
    return %arg0, %c0_i32 : i32, i32
  }
  func.func @transform_3(%arg0: i32) -> (i32, i32) {
    %c0_i32 = arith.constant 0 : i32
    %c0_i32_0 = arith.constant 0 : i32
    %c0_i32_1 = arith.constant 0 : i32
    return %c0_i32, %c0_i32_0 : i32, i32
  }
  func.func @transform_4(%arg0: i32) -> (i32, i32) {
    %c0_i32 = arith.constant 0 : i32
    %c0_i32_0 = arith.constant 0 : i32
    %c0_i32_1 = arith.constant 0 : i32
    return %c0_i32, %c0_i32_0 : i32, i32
  }
  func.func @transform_5(%arg0: i32) -> (i32, i32) {
    %c0_i32 = arith.constant 0 : i32
    %c0_i32_0 = arith.constant 0 : i32
    return %arg0, %c0_i32 : i32, i32
  }
}

module attributes {stable_mosaic.version = 14 : i64} {
  func.func @_post_body(%arg0: i32, %arg1: memref<32x1024xf32, #tpu.memory_space<vmem>>, %arg2: memref<2x1024x128xf32, #tpu.memory_space<vmem>>, %arg3: memref<1024x128xf32, #tpu.memory_space<vmem>>, %arg4: memref<1x128xf32, #tpu.memory_space<vmem>>, %arg5: memref<1024x128xf32, #tpu.memory_space<vmem>>) attributes {dimension_semantics = [#tpu.dimension_semantics<arbitrary>], iteration_bounds = array<i64: 10>, scalar_prefetch = 0 : i64, scratch_operands = 0 : i64, tpu.core_type = #tpu.core_type<tc>, window_params = [{transform_indices = @transform_0, window_bounds = array<i64: 32, 1024>}, {transform_indices = @transform_1, window_bounds = array<i64: 2, 1024, 128>}, {transform_indices = @transform_2, window_bounds = array<i64: 1024, 128>}, {pipeline_mode = #tpu.pipeline_mode<synchronous>, transform_indices = @transform_3, window_bounds = array<i64: 1, 128>}, {transform_indices = @transform_4, window_bounds = array<i64: 1024, 128>}]} {
    %get3A = arith.constant 0 : index
    %get3A_0 = arith.constant 0 : index
    %get3A_1 = vector.load %arg1[%get3A, %get3A_0] : memref<32x1024xf32, #tpu.memory_space<vmem>>, vector<32x1024xf32>
    %reduce_sum3A = arith.constant dense<0.000000e+00> : vector<1024xf32>
    %reduce_sum3A_2 = vector.multi_reduction <add>, %get3A_1, %reduce_sum3A [0] : vector<32x1024xf32> to vector<1024xf32>
    %add3A = arith.constant 1.000000e+00 : f32
    %add3A_3 = vector.broadcast %add3A : f32 to vector<1024xf32>
    %add3A_4 = arith.addf %reduce_sum3A_2, %add3A_3 : vector<1024xf32>
    %rsqrt3A = math.rsqrt %add3A_4 : vector<1024xf32>
    %get3A_5 = arith.constant 0 : index
    %get3A_6 = arith.constant 0 : index
    %get3A_7 = arith.constant 0 : index
    %get3A_8 = vector.load %arg2[%get3A_5, %get3A_6, %get3A_7] : memref<2x1024x128xf32, #tpu.memory_space<vmem>>, vector<1x1024x128xf32>
    %get3A_9 = vector.shape_cast %get3A_8 : vector<1x1024x128xf32> to vector<1024x128xf32>
    %get3A_10 = arith.constant 1 : index
    %get3A_11 = arith.constant 0 : index
    %get3A_12 = arith.constant 0 : index
    %get3A_13 = vector.load %arg2[%get3A_10, %get3A_11, %get3A_12] : memref<2x1024x128xf32, #tpu.memory_space<vmem>>, vector<1x1024x128xf32>
    %get3A_14 = vector.shape_cast %get3A_13 : vector<1x1024x128xf32> to vector<1024x128xf32>
    %add3A_15 = arith.addf %get3A_9, %get3A_14 : vector<1024x128xf32>
    %get3A_16 = arith.constant 0 : index
    %get3A_17 = arith.constant 0 : index
    %get3A_18 = vector.load %arg3[%get3A_16, %get3A_17] : memref<1024x128xf32, #tpu.memory_space<vmem>>, vector<1024x128xf32>
    %add3A_19 = arith.addf %add3A_15, %get3A_18 : vector<1024x128xf32>
    %broadcast_in_dim3A = vector.shape_cast %rsqrt3A : vector<1024xf32> to vector<1024x1xf32>
    %mul3A = vector.broadcast %broadcast_in_dim3A : vector<1024x1xf32> to vector<1024x128xf32>
    %mul3A_20 = arith.mulf %add3A_19, %mul3A : vector<1024x128xf32>
    %get3A_21 = arith.constant 0 : index
    %get3A_22 = arith.constant 0 : index
    %get3A_23 = vector.load %arg4[%get3A_21, %get3A_22] : memref<1x128xf32, #tpu.memory_space<vmem>>, vector<1x128xf32>
    %add3A_24 = vector.broadcast %get3A_23 : vector<1x128xf32> to vector<1024x128xf32>
    %add3A_25 = arith.addf %mul3A_20, %add3A_24 : vector<1024x128xf32>
    %swap3A = arith.constant 0 : index
    %swap3A_26 = arith.constant 0 : index
    %swap3A_27 = vector.load %arg5[%swap3A, %swap3A_26] : memref<1024x128xf32, #tpu.memory_space<vmem>>, vector<1024x128xf32>
    tpu.vector_store %arg5[%swap3A, %swap3A_26], %add3A_25 {strides = array<i32>} : memref<1024x128xf32, #tpu.memory_space<vmem>>, vector<1024x128xf32>,
    return
  }
  func.func @transform_0(%arg0: i32) -> (i32, i32) {
    %c0_i32 = arith.constant 0 : i32
    %c0_i32_0 = arith.constant 0 : i32
    return %c0_i32, %arg0 : i32, i32
  }
  func.func @transform_1(%arg0: i32) -> (i32, i32, i32) {
    %c0_i32 = arith.constant 0 : i32
    %c0_i32_0 = arith.constant 0 : i32
    %c0_i32_1 = arith.constant 0 : i32
    return %c0_i32, %arg0, %c0_i32_0 : i32, i32, i32
  }
  func.func @transform_2(%arg0: i32) -> (i32, i32) {
    %c0_i32 = arith.constant 0 : i32
    %c0_i32_0 = arith.constant 0 : i32
    return %arg0, %c0_i32 : i32, i32
  }
  func.func @transform_3(%arg0: i32) -> (i32, i32) {
    %c0_i32 = arith.constant 0 : i32
    %c0_i32_0 = arith.constant 0 : i32
    %c0_i32_1 = arith.constant 0 : i32
    return %c0_i32, %c0_i32_0 : i32, i32
  }
  func.func @transform_4(%arg0: i32) -> (i32, i32) {
    %c0_i32 = arith.constant 0 : i32
    %c0_i32_0 = arith.constant 0 : i32
    return %arg0, %c0_i32 : i32, i32
  }
}

</mosaic_0001>

<sc_bundles>
// kernel: kernel.11.cloned.1.call-start
scs
__scs_entry_jumppad:
0x0: {  	(pc) =	sbr.rel $0x88, $3  }
0x1: {  	(tag) =	ssettag $0x0;
	lr =	simm.s32 $0x1  }
0x2: {  	[smem:$0x3F9B] =	sst lr;
	_ =	strace $0xD0000000  }
0x3: {  	_ = 	snop  }
0x4: {  	_ = 	snop  }
0x5: {  	_ = 	snop  }
0x6: {  	_ = 	snop  }
0x7: {  	_ = 	snop  }
__scs_overlays_trampoline_lowered:
0x8: {  	[smem:$0x3FAA] =	sst s0  }
0x9: {  	[smem:$0x3FAB] =	sst s1  }
0xa: {  	[smem:$0x3FAC] =	sst s2  }
0xb: {  	[smem:$0x3FAD] =	sst s3  }
0xc: {  	[smem:$0x3FAE] =	sst s4  }
0xd: {  	[smem:$0x3FAF] =	sst s5  }
0xe: {  	[smem:$0x3FB0] =	sst s6  }
0xf: {  	[smem:$0x3FB1] =	sst s7  }
0x10: {  	[smem:$0x3FB2] =	sst s8  }
0x11: {  	[smem:$0x3FB3] =	sst s9;
	s0 =	simm.s32 @!p0 $0x0  }
0x12: {  	s1 =	sld [smem:$0x3F99];
	s0 =	simm.s32 @p0 $0x1  }
0x13: {  	[smem:$0x3FB4] =	sst s0;
	s0 =	simm.s32 @!p1 $0x0  }
0x14: {  	s2 =	sld [smem:$0x3F98];
	s0 =	simm.s32 @p1 $0x1  }
0x15: {  	[smem:$0x3FB5] =	sst s0;
	s0 =	simm.s32 @!p2 $0x0  }
0x16: {  	s3 =	sld [smem:$0x3FDB];
	s0 =	simm.s32 @p2 $0x1  }
0x17: {  	s4 =	simm.s32 $0x1BF5;
	[smem:$0x3FB7] =	sst s0  }
0x18: {  	s0 =	sld [smem:$0x3F9A];
	_ =	swait.ge [sflag:s4], $0x0  }
0x19: {  	s7 =	sld [smem:$0x3F9B]  }
0x1a: {  	s8 =	sadd.s32 $0xFFFFE003, lr  }
0x1b: {  	s9 =	sadd.s32 $0xFFFFFEF7, lr;
	s5 =	simm.s32 $0xFFFFFFFF;
	p2 =	slt.u32 s8, $0xFFFFF086  }
0x1c: {  	p1 =	slt.u32 s9, $0xF7A;
	s5 =	simm.s32 @!p2 $0x0  }
0x1d: {  	s5 =	simm.s32 @p1 $0x1;
	p0 =	seq.s32 s7, s2  }
0x1e: {  	s7 =	smul.u32 @!p0 $0xF7A, s2;
	p2 =	seq.s32 @!p0 s5, $0x0  }
0x1f: {  	s9 =	smul.u32 $0xF7A, s1;
	s8 =	simm.s32 @!p0 $0x1BF5;
	p2 =	por !p2, p0  }
0x20: {  	[sflag:s8] =	ssyncset.s32 @!p0 $0xFFFFF086;
	s6 =	sadd.s32 @!p0 s3, s7;
	s7 =	simm.s32 @!p0 $0x108  }
0x21: {  	s3 =	sadd.s32 s3, s9;
	s6 =	sadd.s32 @!p0 $0x88, s6;
	s7 =	simm.s32 @p2 $0x1082  }
0x22: {  	[simem:s7], [sflag:s8] =	dma.local @!p0 [hbm:s6], $0xF7A  }
0x23: {  	s9 =	sor.u32 $0xD0000000, s2;
	s6 =	simm.s32 $0x108;
	_ =	swait.ge @!p0 [sflag:s8], $0x0  }
0x24: {  	s3 =	sadd.s32 $0x88, s3;
	s6 =	simm.s32 @!p1 $0x1082;
	[sflag:s4] =	ssyncset.s32 $0xFFFFF086  }
0x25: {  	[simem:s6], [sflag:s4] =	dma.local [hbm:s3], $0xF7A  }
0x26: {  	[smem:$0x3F9B] =	sst s1;
	(tag) =	ssettag s2;
	_ =	strace s9  }
0x27: {  	s1 =	sld [smem:$0x3FAB]  }
0x28: {  	s2 =	sld [smem:$0x3FAC]  }
0x29: {  	s4 =	sld [smem:$0x3FAE]  }
0x2a: {  	p0 =	seq.s32 s5, $0x0;
	s5 =	sld [smem:$0x3FAF]  }
0x2b: {  	s6 =	sld [smem:$0x3FB0]  }
0x2c: {  	s7 =	sld [smem:$0x3FB1]  }
0x2d: {  	s3 =	simm.s32 $0x108;
	s8 =	sld [smem:$0x3FB2]  }
0x2e: {  	s3 =	simm.s32 @!p0 $0x1082;
	s9 =	sld [smem:$0x3FB3]  }
0x2f: {  	lr =	sadd.s32 s0, s3;
	s0 =	sld [smem:$0x3FAA]  }
0x30: {  	s3 =	sld [smem:$0x3FAD]  }
0x31: {  	[smem:$0x3FB6] =	sst s10  }
0x32: {  	s10 =	sld [smem:$0x3FB4];
	_ =	sdelay $0x3  }
0x33: {  	p0 =	seq.s32 s10, $0x1;
	s10 =	sld [smem:$0x3FB6];
	_ =	sdelay $0x3  }
0x34: {  	[smem:$0x3FB6] =	sst s10  }
0x35: {  	s10 =	sld [smem:$0x3FB5];
	_ =	sdelay $0x3  }
0x36: {  	p1 =	seq.s32 s10, $0x1;
	s10 =	sld [smem:$0x3FB6];
	_ =	sdelay $0x3  }
0x37: {  	[smem:$0x3FB6] =	sst s10  }
0x38: {  	s10 =	sld [smem:$0x3FB7]  }
0x39: {  	_ = 	snop;
	(pc) =	sbr.ind lr, $3  }
0x3a: {  	_ = 	snop  }
0x3b: {  	_ = 	snop  }
0x3c: {  	p2 =	seq.s32 s10, $0x1;
	s10 =	sld [smem:$0x3FB6]  }
0x3d: {  	_ =	shalt  }
0x3e: {  	_ =	shalt  }
0x3f: {  	_ =	shalt  }
0x40: {  	_ =	shalt  }
0x41: {  	_ =	shalt  }
0x42: {  	_ =	shalt  }
0x43: {  	_ =	shalt  }
0x44: {  	_ =	shalt  }
0x45: {  	_ =	shalt  }
0x46: {  	_ =	shalt  }
0x47: {  	_ =	shalt  }
0x48: {  	_ =	shalt  }
0x49: {  	_ =	shalt  }
0x4a: {  	_ =	shalt  }
0x4b: {  	_ =	shalt  }
0x4c: {  	_ =	shalt  }
0x4d: {  	_ =	shalt  }
0x4e: {  	_ =	shalt  }
0x4f: {  	_ =	shalt  }
0x50: {  	_ =	shalt  }
0x51: {  	_ =	shalt  }
0x52: {  	_ =	shalt  }
0x53: {  	_ =	shalt  }
0x54: {  	_ =	shalt  }
0x55: {  	_ =	shalt  }
0x56: {  	_ =	shalt  }
0x57: {  	_ =	shalt  }
0x58: {  	_ =	shalt  }
0x59: {  	_ =	shalt  }
0x5a: {  	_ =	shalt  }
0x5b: {  	_ =	shalt  }
0x5c: {  	_ =	shalt  }
0x5d: {  	_ =	shalt  }
0x5e: {  	_ =	shalt  }
0x5f: {  	_ =	shalt  }
0x60: {  	_ =	shalt  }
0x61: {  	_ =	shalt  }
0x62: {  	_ =	shalt  }
0x63: {  	_ =	shalt  }
0x64: {  	_ =	shalt  }
0x65: {  	_ =	shalt  }
0x66: {  	_ =	shalt  }
0x67: {  	_ =	shalt  }
0x68: {  	_ =	shalt  }
0x69: {  	_ =	shalt  }
0x6a: {  	_ =	shalt  }
0x6b: {  	_ =	shalt  }
0x6c: {  	_ =	shalt  }
0x6d: {  	_ =	shalt  }
0x6e: {  	_ =	shalt  }
0x6f: {  	_ =	shalt  }
0x70: {  	_ =	shalt  }
0x71: {  	_ =	shalt  }
0x72: {  	_ =	shalt  }
0x73: {  	_ =	shalt  }
0x74: {  	_ =	shalt  }
0x75: {  	_ =	shalt  }
0x76: {  	_ =	shalt  }
0x77: {  	_ =	shalt  }
0x78: {  	_ =	shalt  }
0x79: {  	_ =	shalt  }
0x7a: {  	_ =	shalt  }
0x7b: {  	_ =	shalt  }
0x7c: {  	_ =	shalt  }
0x7d: {  	_ =	shalt  }
0x7e: {  	_ =	shalt  }
0x7f: {  	_ =	shalt  }
0x80: {  	_ =	shalt  }
0x81: {  	_ =	shalt  }
0x82: {  	_ =	shalt  }
0x83: {  	_ =	shalt  }
0x84: {  	_ =	shalt  }
0x85: {  	_ =	shalt  }
0x86: {  	_ =	shalt  }
0x87: {  	_ =	shalt  }
.Lfunc_end0:
.L_simem_size_0:
called_computation.1_lowered:
.L_overlay_start_0:
0x88: {  	s2 =	sld [smem:$0x3FD9]  }
0x89: {  	s3 =	sld [smem:$0x3FFE];
	_ =	sdelay $0x1  }
0x8a: {  	s1 =	srdreg.scid  }
0x8b: {  	s0 =	sand.u32 $0x1, s1  }
0x8c: {  	s17 =	sshll.u32 s0, $0xA;
	s2 =	sadd.s32 s3, s2  }
0x8d: {  	s2 =	sadd.s32 s2, s17  }
0x8e: {  	[smem:$0x3FC2] =	sst s2  }
0x8f: {  	_ = 	snop  }
0x90: {  	s2 =	sld [smem:$0x3FD0];
	(tm) =	ssettm $0x1  }
0x91: {  	s18 =	sld [smem:$0x3FFB];
	_ =	sdelay $0x3  }
0x92: {  	_ =	strace s18  }
0x93: {  	s3 =	sld [smem:$0x3FFC];
	_ =	sdelay $0x3  }
0x94: {  	_ =	strace s3  }
0x95: {  	s3 =	sld [smem:$0x3FFD];
	_ =	sdelay $0x3  }
0x96: {  	_ =	strace s3  }
0x97: {  	_ =	strace $0x8FFFFFFF  }
0x98: {  	s19 =	sld [smem:$0x3FDB];
	_ =	sdelay $0x1  }
0x99: {  	s4 =	simm.s32 $_scs_section_size  }
0x9a: {  	s5 =	simm.s32 $_size__tile_overlayer_lowered;
	s6 =	simm.s32 $_tile_overlayer_lowered  }
0x9b: {  	s22 =	simm.s32 $0x1BFF;
	s21 =	sshll.u32 s6, $0x1;
	s3 =	sadd.s32 s4, s19  }
0x9c: {  	s7 =	simm.s32 $0x0;
	s20 =	sshll.u32 s5, $0x1;
	s5 =	sadd.s32 s21, s3  }
0x9d: {  	[timem:s7], [sflag:s22] =	dma.local [hbm:s5], s20  }
0x9e: {  	_ =	swait.ge [sflag:s22], s20  }
0x9f: {  	s4 =	ssub.s32 $0x0, s20;
	[sflag:s22] =	ssyncset.done $0x0  }
0xa0: {  	[sflag:s22] =	ssyncadd.s32 s4;
	_ =	sdelay $0x1  }
0xa1: {  	s23 =	simm.s32 $0x1B8B  }
0xa2: {  	_ =	swait.ge [sflag:s23], $0x1  }
0xa3: {  	[sflag:s23] =	ssyncset.done $0x0  }
0xa4: {  	s25 =	simm.s32 $0x1B8E;
	s24 =	sld [smem:$0x3FFE];
	[sflag:s23] =	ssyncadd.s32 $0xFFFFFFFF  }
0xa5: {  	s26 =	simm.s32 $execute0_lowered;
	[smem:$0x3FD2] =	sst s25  }
0xa6: {  	s5 =	sshll.u32 s26, $0x1;
	_ =	strace $0x80000049;
	[dreg:$0x1] =	wrdreg $0xFFFFFFFF  }
0xa7: {  	s28 =	simm.s32 $_size_execute0_lowered;
	s3 =	sadd.s32 s3, s5;
	[dreg:$0x0] =	wrdreg $0x0  }
0xa8: {  	s5 =	sshll.u32 s28, $0x1;
	[dreg:$0x2] =	wrdreg s3  }
0xa9: {  	[dreg:$0x3] =	wrdreg s5  }
0xaa: {  	[dreg:$0x4] =	wrdreg $0xC0  }
0xab: {  	_ =	task [dreg:s7], $0x5FFFF  }
0xac: {  	[dreg:$0x1] =	wrdreg $0xFFFFFFFF  }
0xad: {  	[dreg:$0x0] =	wrdreg $0x60  }
0xae: {  	[dreg:$0x2] =	wrdreg s24  }
0xaf: {  	[dreg:$0x3] =	wrdreg s2  }
0xb0: {  	[dreg:$0x4] =	wrdreg $0xA8000  }
0xb1: {  	[dreg:$0x5] =	wrdreg $0x9  }
0xb2: {  	_ =	task.clear_ibuf [dreg:s7], $0x6FFFF;
	_ =	strace $0x90000049  }
0xb3: {  	s29 =	simm.s32 $0x9;
	_ =	strace $0x8000004B  }
0xb4: {  	_ =	swait.ge [sflag:s29], $0x1  }
0xb5: {  	[sflag:s29] =	ssyncadd.s32 $0xFFFFFFFF  }
0xb6: {  	_ =	strace $0x9000004B  }
0xb7: {  	_ =	sfence  }
0xb8: {  	s30 =	sld [smem:$0x0];
	_ =	sdelay $0x2  }
0xb9: {  	s31 =	sshll.u32 s1, $0xD;
	s1 =	sshrl.u32 s1, $0x2  }
0xba: {  	s3 =	sand.u32 $0x4000, s31;
	s1 =	sadd.s32 s1, s30  }
0xbb: {  	s0 =	sor.u32 s3, s0;
	s1 =	sshll.u32 s1, $0x11  }
0xbc: {  	s0 =	sor.u32 s1, s0  }
0xbd: {  	s0 =	sadd.s32 $0x8F2B, s0  }
0xbe: {  	[sflag:s0] =	ssyncadd.remote.s32 $0x1  }
0xbf: {  	_ =	sfence.sel $0xFFFF  }
0xc0: {  	[dreg:$0x0] =	wrdreg $0xFFFFFFFF;
	(pc) =	sbr.abs _section_cstart, $3  }
0xc1: {  	[dreg:$0x1] =	wrdreg $0xFFFFFFFF  }
0xc2: {  	_ =	task.clear_ibuf [dreg:s7], $0x2FFFF;
	_ =	strace $0x9FFFFFFF  }
0xc3: {  	(tm) =	ssettm $0x7FFFFFFF  }
tec
execute0_lowered:
.L_overlay_start_1:
0x0: {  	(tag) =	ssettag $0x1  }
0x1: {  	s0 =	rddreg [dreg:$0x0];
	s2 =	srdreg.scid  }
0x2: {  	s3 =	rddreg [dreg:$0x1];
	s1 =	simm.s32 $0x0;
	s21 =	stileid.u32  }
0x3: {  	s4 =	sand.u32 $0x1, s2;
	[smem:$0x7FF] =	sst s1;
	s5 =	sadd.s32 $0xC400, s0  }
0x4: {  	s7 =	smul.u32 $0x13C00, s21;
	s8 =	sadd.s32 $0x48400, s0;
	s2 =	ssub.s32 $0x2, s4  }
0x5: {  	s20 =	sshll.u32 s4, $0x4;
	s4 =	smul.u32 $0x140000, s4;
	s6 =	sshrl.u32 s2, $0x1  }
0x6: {  	s9 =	sadd.s32 $0x2000, s7;
	s2 =	ssub.s32 s2, s6;
	s6 =	sor.u32 s21, s20  }
0x7: {  	s10 =	sadd.s32 $0x4000, s7;
	s11 =	sadd.s32 $0x6000, s7;
	s13 =	smul.u32 $0x5000, s6  }
0x8: {  	s12 =	sadd.s32 $0x8000, s7;
	s14 =	sadd.s32 $0xA000, s7;
	s6 =	smul.u32 $0xA00, s6  }
0x9: {  	s15 =	sadd.s32 $0xC000, s7;
	s16 =	sadd.s32 $0xE000, s7;
	s17 =	sadd.s32 $0x10000, s7  }
0xa: {  	s20 =	sadd.s32 $0x12000, s7;
	s13 =	sshrl.u32 s13, $0x3;
	s18 =	sadd.s32 s5, s6  }
0xb: {  	s6 =	sadd.s32 s3, s6;
	[dreg:$0x4] =	wrdreg s18;
	s22 =	sadd.s32 $0x280, s13  }
0xc: {  	s21 =	smul.u32 $0x4F000, s21;
	[dreg:$0x5] =	wrdreg s6;
	s23 =	sadd.s32 s5, s22  }
0xd: {  	s25 =	sadd.s32 $0x500, s13;
	s24 =	sadd.s32 s3, s22;
	[dreg:$0x6] =	wrdreg s23  }
0xe: {  	s2 =	smax.u32 s2, $0x1;
	s26 =	sadd.s32 s5, s25;
	[dreg:$0x7] =	wrdreg s24  }
0xf: {  	s13 =	sadd.s32 $0x780, s13;
	s6 =	sadd.s32 s3, s25;
	[dreg:$0x8] =	wrdreg s26  }
0x10: {  	s5 =	sadd.s32 s5, s13;
	s3 =	sadd.s32 s3, s13;
	[dreg:$0x9] =	wrdreg s6  }
0x11: {  	s13 =	sadd.s32 s4, s10;
	s22 =	sadd.s32 s4, s11;
	[dreg:$0xa] =	wrdreg s5  }
0x12: {  	[dreg:$0xb] =	wrdreg s3;
	s6 =	sadd.s32 s7, s4;
	s7 =	sadd.s32 s4, s9  }
0x13: {  	s19 =	sshrl.u32 s13, $0x3;
	s23 =	sadd.s32 s4, s12;
	s24 =	sadd.s32 s4, s14  }
0x14: {  	s3 =	sshrl.u32 s6, $0x3;
	s5 =	sshrl.u32 s7, $0x3;
	s26 =	sshrl.u32 s24, $0x3  }
0x15: {  	s6 =	sadd.s32 s4, s16;
	s7 =	sadd.s32 s4, s17;
	s3 =	sadd.s32 s8, s3  }
0x16: {  	s18 =	sadd.s32 s8, s5;
	s5 =	sshrl.u32 s23, $0x3;
	[dreg:$0xc] =	wrdreg s3  }
0x17: {  	s23 =	sshrl.u32 s21, $0x2;
	s21 =	simm.s32 $0x2700;
	[dreg:$0xd] =	wrdreg s18  }
0x18: {  	s3 =	sadd.s32 s8, s19;
	s25 =	sadd.s32 s8, s5;
	s5 =	sadd.s32 s4, s15  }
0x19: {  	s18 =	sshrl.u32 s7, $0x3;
	s4 =	sadd.s32 s4, s20;
	s19 =	rddreg [dreg:$0x2]  }
0x1a: {  	s7 =	simm.s32 $0x80;
	[dreg:$0xe] =	wrdreg s3;
	s3 =	sshrl.u32 s22, $0x3  }
0x1b: {  	[dreg:$0x10] =	wrdreg s25;
	s22 =	sshrl.u32 s4, $0x3;
	s24 =	sadd.s32 s23, s19  }
0x1c: {  	s25 =	sadd.s32 s9, s19;
	s28 =	sadd.s32 s12, s19;
	s29 =	sadd.s32 s14, s19  }
0x1d: {  	s30 =	sadd.s32 s15, s19;
	s31 =	sadd.s32 s16, s19;
	s4 =	simm.s32 $0x5  }
0x1e: {  	s9 =	simm.s32 $0x100;
	s12 =	simm.s32 $0x8800;
	s14 =	simm.s32 $0x2  }
0x1f: {  	s15 =	simm.s32 $0x3;
	s16 =	simm.s32 $0x4;
	s3 =	sadd.s32 s8, s3  }
0x20: {  	[dreg:$0xf] =	wrdreg s3;
	s3 =	sadd.s32 s8, s26;
	s26 =	sadd.s32 s10, s19  }
0x21: {  	s10 =	simm.s32 $0x6800;
	[dreg:$0x11] =	wrdreg s3;
	s3 =	sshrl.u32 s5, $0x3  }
0x22: {  	s5 =	sshrl.u32 s6, $0x3;
	s6 =	simm.s32 $0x40;
	s3 =	sadd.s32 s8, s3  }
0x23: {  	s13 =	sadd.s32 s8, s5;
	s5 =	simm.s32 $0x1400;
	[dreg:$0x12] =	wrdreg s3  }
0x24: {  	[dreg:$0x13] =	wrdreg s13;
	s3 =	sadd.s32 s8, s18;
	s18 =	sadd.s32 s17, s19  }
0x25: {  	s13 =	simm.s32 $0x1;
	[dreg:$0x14] =	wrdreg s3;
	s3 =	sadd.s32 s8, s22  }
0x26: {  	s17 =	simm.s32 $0x2600;
	s22 =	sadd.s32 $0x20400, s0;
	[dreg:$0x15] =	wrdreg s3  }
0x27: {  	s0 =	sadd.s32 s20, s19;
	_ =	strace $0x8000004A;
	[dreg:$0x16] =	wrdreg s24  }
0x28: {  	s8 =	simm.s32 $0x4800;
	s20 =	simm.s32 $0x2680;
	[dreg:$0x17] =	wrdreg s25  }
0x29: {  	s3 =	simm.s32 $0x2800;
	[dreg:$0x18] =	wrdreg s26;
	s26 =	sadd.s32 s11, s19  }
0x2a: {  	v0 =	vimm.f32 $0.0e+00;
	[dreg:$0x19] =	wrdreg s2;
	s11 =	simm.s32 $0x180;
	s2 =	simm.s32 $0x2780  }
.LBB2_1:
0x2b: {  	s23 =	simm.s32 $0x0;
	s24 =	simm.s32 $0x200  }
.LBB2_2:
0x2c: {  	p0 =	sne.s32 s24, $0x7E00;
	[tilespmem:s23+$0x2870] =	vst v0  }
0x2d: {  	[tilespmem:s23+$0x2800] =	vst v0  }
0x2e: {  	[tilespmem:s23+$0x2810] =	vst v0  }
.Ltmp0:
0x2f: {  	[tilespmem:s23+$0x2820] =	vst v0;
	(pc) =	sbr.rel @p0 .LBB2_2-.Ltmp0, $4  }
0x30: {  	[tilespmem:s23+$0x2830] =	vst v0  }
0x31: {  	[tilespmem:s23+$0x2840] =	vst v0  }
0x32: {  	[tilespmem:s23+$0x2850] =	vst v0  }
0x33: {  	[tilespmem:s23+$0x2860] =	vst v0;
	s23 =	sshra.s32 s24, $0x2;
	s24 =	sadd.s32 $0x200, s24  }
0x34: {  	[tilespmem:s23+$0x2870] =	vst v0  }
0x35: {  	[tilespmem:s23+$0x2800] =	vst v0  }
0x36: {  	[tilespmem:s23+$0x2810] =	vst v0  }
0x37: {  	[tilespmem:s23+$0x2820] =	vst v0  }
0x38: {  	[tilespmem:s23+$0x2830] =	vst v0  }
0x39: {  	[tilespmem:s23+$0x2840] =	vst v0  }
0x3a: {  	[tilespmem:s23+$0x2850] =	vst v0  }
0x3b: {  	[tilespmem:s23+$0x2860] =	vst v0;
	s24 =	rddreg [dreg:$0x16]  }
0x3c: {  	[spmem:s24] =	stream.linear.scatter [tilespmem:s3], [sflag:$0x5], $0x2000, $0x38;
	[tilespmem:$0x1E400] =	vst v63  }
0x3d: {  	_ =	swait.ge [sflag:s4], $0x2000  }
0x3e: {  	[sflag:s4] =	ssyncset.done $0x0  }
0x3f: {  	s25 =	rddreg [dreg:$0x17];
	[sflag:s4] =	ssyncadd.s32 $0xFFFFE000  }
0x40: {  	[spmem:s25] =	stream.linear.scatter [tilespmem:s3], [sflag:$0x5], $0x2000, $0x38;
	[tilespmem:$0x1E400] =	vst v63  }
0x41: {  	_ =	swait.ge [sflag:s4], $0x2000  }
0x42: {  	[sflag:s4] =	ssyncset.done $0x0  }
0x43: {  	s24 =	rddreg [dreg:$0x18];
	[sflag:s4] =	ssyncadd.s32 $0xFFFFE000  }
0x44: {  	[spmem:s24] =	stream.linear.scatter [tilespmem:s3], [sflag:$0x5], $0x2000, $0x38;
	[tilespmem:$0x1E400] =	vst v63  }
0x45: {  	_ =	swait.ge [sflag:s4], $0x2000  }
0x46: {  	[sflag:s4] =	ssyncset.done $0x0  }
0x47: {  	[sflag:s4] =	ssyncadd.s32 $0xFFFFE000  }
0x48: {  	[spmem:s26] =	stream.linear.scatter [tilespmem:s3], [sflag:$0x5], $0x2000, $0x38;
	[tilespmem:$0x1E400] =	vst v63  }
0x49: {  	_ =	swait.ge [sflag:s4], $0x2000  }
0x4a: {  	[sflag:s4] =	ssyncset.done $0x0  }
0x4b: {  	[sflag:s4] =	ssyncadd.s32 $0xFFFFE000  }
0x4c: {  	[spmem:s28] =	stream.linear.scatter [tilespmem:s3], [sflag:$0x5], $0x2000, $0x38;
	[tilespmem:$0x1E400] =	vst v63  }
0x4d: {  	_ =	swait.ge [sflag:s4], $0x2000  }
0x4e: {  	[sflag:s4] =	ssyncset.done $0x0  }
0x4f: {  	[sflag:s4] =	ssyncadd.s32 $0xFFFFE000  }
0x50: {  	[spmem:s29] =	stream.linear.scatter [tilespmem:s3], [sflag:$0x5], $0x2000, $0x38;
	[tilespmem:$0x1E400] =	vst v63  }
0x51: {  	_ =	swait.ge [sflag:s4], $0x2000  }
0x52: {  	[sflag:s4] =	ssyncset.done $0x0  }
0x53: {  	[sflag:s4] =	ssyncadd.s32 $0xFFFFE000  }
0x54: {  	[spmem:s30] =	stream.linear.scatter [tilespmem:s3], [sflag:$0x5], $0x2000, $0x38;
	[tilespmem:$0x1E400] =	vst v63  }
0x55: {  	_ =	swait.ge [sflag:s4], $0x2000  }
0x56: {  	[sflag:s4] =	ssyncset.done $0x0  }
0x57: {  	[sflag:s4] =	ssyncadd.s32 $0xFFFFE000  }
0x58: {  	[spmem:s31] =	stream.linear.scatter [tilespmem:s3], [sflag:$0x5], $0x2000, $0x38;
	[tilespmem:$0x1E400] =	vst v63  }
0x59: {  	_ =	swait.ge [sflag:s4], $0x2000  }
0x5a: {  	[sflag:s4] =	ssyncset.done $0x0  }
0x5b: {  	[sflag:s4] =	ssyncadd.s32 $0xFFFFE000  }
0x5c: {  	[spmem:s18] =	stream.linear.scatter [tilespmem:s3], [sflag:$0x5], $0x2000, $0x38;
	[tilespmem:$0x1E400] =	vst v63  }
0x5d: {  	_ =	swait.ge [sflag:s4], $0x2000  }
0x5e: {  	[sflag:s4] =	ssyncset.done $0x0  }
0x5f: {  	[sflag:s4] =	ssyncadd.s32 $0xFFFFE000  }
0x60: {  	[spmem:s0] =	stream.linear.scatter [tilespmem:s3], [sflag:$0x5], $0x1C00, $0x38;
	[tilespmem:$0x1E400] =	vst v63  }
0x61: {  	_ =	swait.ge [sflag:s4], $0x1C00  }
0x62: {  	[sflag:s4] =	ssyncset.done $0x0  }
0x63: {  	[sflag:s4] =	ssyncadd.s32 $0xFFFFE400  }
0x64: {  	[bflag:$0x0] =	sbarrier.arrive $0xFFFF  }
0x65: {  	s23 =	simm.s32 $0x0;
	s24 =	rddreg [dreg:$0x4]  }
0x66: {  	[tilespmem:s23], [sflag:$0x5] =	stream.linear.gather [hbm4b:s24+s23], $0x1400, $0x38;
	[tilespmem:$0x1E400] =	vst v63  }
0x67: {  	_ =	swait.ge [sflag:s4], $0x1400  }
0x68: {  	[sflag:s4] =	ssyncset.done $0x0  }
0x69: {  	s25 =	rddreg [dreg:$0x5];
	[sflag:s4] =	ssyncadd.s32 $0xFFFFEC00  }
0x6a: {  	[tilespmem:s5], [sflag:$0x5] =	stream.linear.gather [hbm4b:s25+s23], $0x1400, $0x38;
	[tilespmem:$0x1E400] =	vst v63  }
0x6b: {  	_ =	swait.ge [sflag:s4], $0x1400  }
0x6c: {  	[sflag:s4] =	ssyncset.done $0x0  }
0x6d: {  	[sflag:s4] =	ssyncadd.s32 $0xFFFFEC00  }
0x6e: {  	[tilespmem:s3], [sflag:$0x1] =	stream.indirect.gather [hbm4b:s22+s6], $0x80, s23, s6, $0xb8;
	[tilespmem:$0x1E400] =	vst v63  }
0x6f: {  	_ = 	snop  }
0x70: {  	[tilespmem:s8], [sflag:$0x2] =	stream.indirect.gather [hbm4b:s22+s6], $0x80, s7, s6, $0xb8;
	[tilespmem:$0x1E400] =	vst v63  }
0x71: {  	_ = 	snop  }
0x72: {  	[tilespmem:s10], [sflag:$0x3] =	stream.indirect.gather [hbm4b:s22+s6], $0x80, s9, s6, $0xb8;
	[tilespmem:$0x1E400] =	vst v63  }
0x73: {  	_ = 	snop  }
0x74: {  	[tilespmem:s12], [sflag:$0x4] =	stream.indirect.gather [hbm4b:s22+s6], $0x80, s11, s6, $0xb8;
	[tilespmem:$0x1E400] =	vst v63  }
0x75: {  	_ =	swait.ge [sflag:s13], $0x2000  }
0x76: {  	[sflag:s13] =	ssyncset.done $0x0  }
0x77: {  	s25 =	simm.s32 $0x1400;
	[sflag:s13] =	ssyncadd.s32 $0xFFFFE000  }
0x78: {  	[spmem:s19] =	stream.indirect.scatter.add.f32 [tilespmem:s3], [sflag:$0x5], $0x80, s25, s6, $0xb8;
	[tilespmem:$0x1E400] =	vst v63  }
0x79: {  	_ =	swait.ge [sflag:s4], $0x2000  }
0x7a: {  	[sflag:s4] =	ssyncset.done $0x0  }
0x7b: {  	s24 =	simm.s32 $0x200;
	[sflag:s4] =	ssyncadd.s32 $0xFFFFE000  }
0x7c: {  	[tilespmem:s3], [sflag:$0x1] =	stream.indirect.gather [hbm4b:s22+s6], $0x80, s24, s6, $0xb8;
	[tilespmem:$0x1E400] =	vst v63  }
0x7d: {  	_ =	swait.ge [sflag:s14], $0x2000  }
0x7e: {  	[sflag:s14] =	ssyncset.done $0x0  }
0x7f: {  	s25 =	simm.s32 $0x1480;
	[sflag:s14] =	ssyncadd.s32 $0xFFFFE000  }
0x80: {  	[spmem:s19] =	stream.indirect.scatter.add.f32 [tilespmem:s8], [sflag:$0x5], $0x80, s25, s6, $0xb8;
	[tilespmem:$0x1E400] =	vst v63  }
0x81: {  	_ =	swait.ge [sflag:s4], $0x2000  }
0x82: {  	[sflag:s4] =	ssyncset.done $0x0  }
0x83: {  	s24 =	simm.s32 $0x280;
	[sflag:s4] =	ssyncadd.s32 $0xFFFFE000  }
0x84: {  	[tilespmem:s8], [sflag:$0x2] =	stream.indirect.gather [hbm4b:s22+s6], $0x80, s24, s6, $0xb8;
	[tilespmem:$0x1E400] =	vst v63  }
0x85: {  	_ =	swait.ge [sflag:s15], $0x2000  }
0x86: {  	[sflag:s15] =	ssyncset.done $0x0  }
0x87: {  	s25 =	simm.s32 $0x1500;
	[sflag:s15] =	ssyncadd.s32 $0xFFFFE000  }
0x88: {  	[spmem:s19] =	stream.indirect.scatter.add.f32 [tilespmem:s10], [sflag:$0x5], $0x80, s25, s6, $0xb8;
	[tilespmem:$0x1E400] =	vst v63  }
0x89: {  	_ =	swait.ge [sflag:s4], $0x2000  }
0x8a: {  	[sflag:s4] =	ssyncset.done $0x0  }
0x8b: {  	s24 =	simm.s32 $0x300;
	[sflag:s4] =	ssyncadd.s32 $0xFFFFE000  }
0x8c: {  	[tilespmem:s10], [sflag:$0x3] =	stream.indirect.gather [hbm4b:s22+s6], $0x80, s24, s6, $0xb8;
	[tilespmem:$0x1E400] =	vst v63  }
0x8d: {  	_ =	swait.ge [sflag:s16], $0x2000  }
0x8e: {  	[sflag:s16] =	ssyncset.done $0x0  }
0x8f: {  	s25 =	simm.s32 $0x1580;
	[sflag:s16] =	ssyncadd.s32 $0xFFFFE000  }
0x90: {  	[spmem:s19] =	stream.indirect.scatter.add.f32 [tilespmem:s12], [sflag:$0x5], $0x80, s25, s6, $0xb8;
	[tilespmem:$0x1E400] =	vst v63  }
0x91: {  	_ =	swait.ge [sflag:s4], $0x2000  }
0x92: {  	[sflag:s4] =	ssyncset.done $0x0  }
0x93: {  	s23 =	simm.s32 $0x800;
	s24 =	simm.s32 $0x380;
	[sflag:s4] =	ssyncadd.s32 $0xFFFFE000  }
.LBB2_4:
0x94: {  	[tilespmem:s12], [sflag:$0x4] =	stream.indirect.gather [hbm4b:s22+s6], $0x80, s24, s6, $0xb8;
	[tilespmem:$0x1E400] =	vst v63  }
0x95: {  	s24 =	smov.u32 s23  }
0x96: {  	p0 =	sne.s32 s23, $0x4000;
	s23 =	sadd.s32 $0x800, s23;
	_ =	swait.ge [sflag:s13], $0x2000  }
0x97: {  	s24 =	sshra.s32 s24, $0x2;
	[sflag:s13] =	ssyncset.done $0x0  }
0x98: {  	s25 =	sadd.s32 $0x1400, s24;
	[sflag:s13] =	ssyncadd.s32 $0xFFFFE000  }
0x99: {  	[spmem:s19] =	stream.indirect.scatter.add.f32 [tilespmem:s3], [sflag:$0x5], $0x80, s25, s6, $0xb8;
	[tilespmem:$0x1E400] =	vst v63  }
0x9a: {  	_ =	swait.ge [sflag:s4], $0x2000  }
0x9b: {  	[sflag:s4] =	ssyncset.done $0x0  }
0x9c: {  	s25 =	sadd.s32 $0x200, s24;
	[sflag:s4] =	ssyncadd.s32 $0xFFFFE000  }
0x9d: {  	[tilespmem:s3], [sflag:$0x1] =	stream.indirect.gather [hbm4b:s22+s6], $0x80, s25, s6, $0xb8;
	[tilespmem:$0x1E400] =	vst v63  }
0x9e: {  	_ =	swait.ge [sflag:s14], $0x2000  }
0x9f: {  	[sflag:s14] =	ssyncset.done $0x0  }
0xa0: {  	s25 =	sadd.s32 $0x1480, s24;
	[sflag:s14] =	ssyncadd.s32 $0xFFFFE000  }
0xa1: {  	[spmem:s19] =	stream.indirect.scatter.add.f32 [tilespmem:s8], [sflag:$0x5], $0x80, s25, s6, $0xb8;
	[tilespmem:$0x1E400] =	vst v63  }
0xa2: {  	_ =	swait.ge [sflag:s4], $0x2000  }
0xa3: {  	[sflag:s4] =	ssyncset.done $0x0  }
0xa4: {  	s25 =	sadd.s32 $0x280, s24;
	[sflag:s4] =	ssyncadd.s32 $0xFFFFE000  }
0xa5: {  	[tilespmem:s8], [sflag:$0x2] =	stream.indirect.gather [hbm4b:s22+s6], $0x80, s25, s6, $0xb8;
	[tilespmem:$0x1E400] =	vst v63  }
0xa6: {  	_ =	swait.ge [sflag:s15], $0x2000  }
0xa7: {  	[sflag:s15] =	ssyncset.done $0x0  }
0xa8: {  	s25 =	sadd.s32 $0x1500, s24;
	[sflag:s15] =	ssyncadd.s32 $0xFFFFE000  }
0xa9: {  	[spmem:s19] =	stream.indirect.scatter.add.f32 [tilespmem:s10], [sflag:$0x5], $0x80, s25, s6, $0xb8;
	[tilespmem:$0x1E400] =	vst v63  }
0xaa: {  	_ =	swait.ge [sflag:s4], $0x2000  }
0xab: {  	[sflag:s4] =	ssyncset.done $0x0  }
0xac: {  	s25 =	sadd.s32 $0x300, s24;
	[sflag:s4] =	ssyncadd.s32 $0xFFFFE000  }
0xad: {  	[tilespmem:s10], [sflag:$0x3] =	stream.indirect.gather [hbm4b:s22+s6], $0x80, s25, s6, $0xb8;
	[tilespmem:$0x1E400] =	vst v63  }
0xae: {  	_ =	swait.ge [sflag:s16], $0x2000  }
0xaf: {  	[sflag:s16] =	ssyncset.done $0x0  }
.Ltmp1:
0xb0: {  	s25 =	sadd.s32 $0x1580, s24;
	[sflag:s16] =	ssyncadd.s32 $0xFFFFE000;
	(pc) =	sbr.rel @p0 .LBB2_4-.Ltmp1, $4  }
0xb1: {  	[spmem:s19] =	stream.indirect.scatter.add.f32 [tilespmem:s12], [sflag:$0x5], $0x80, s25, s6, $0xb8;
	[tilespmem:$0x1E400] =	vst v63  }
0xb2: {  	_ =	swait.ge [sflag:s4], $0x2000  }
0xb3: {  	[sflag:s4] =	ssyncset.done $0x0  }
0xb4: {  	s24 =	sadd.s32 $0x380, s24;
	[sflag:s4] =	ssyncadd.s32 $0xFFFFE000  }
0xb5: {  	[tilespmem:s12], [sflag:$0x4] =	stream.indirect.gather [hbm4b:s22+s6], $0x80, s24, s6, $0xb8;
	[tilespmem:$0x1E400] =	vst v63  }
0xb6: {  	_ =	swait.ge [sflag:s13], $0x2000  }
0xb7: {  	[sflag:s13] =	ssyncset.done $0x0  }
0xb8: {  	[sflag:s13] =	ssyncadd.s32 $0xFFFFE000  }
0xb9: {  	[spmem:s19] =	stream.indirect.scatter.add.f32 [tilespmem:s3], [sflag:$0x5], $0x80, s17, s6, $0xb8;
	[tilespmem:$0x1E400] =	vst v63  }
0xba: {  	_ =	swait.ge [sflag:s4], $0x2000  }
0xbb: {  	[sflag:s4] =	ssyncset.done $0x0  }
0xbc: {  	[sflag:s4] =	ssyncadd.s32 $0xFFFFE000  }
0xbd: {  	_ =	swait.ge [sflag:s14], $0x2000  }
0xbe: {  	[sflag:s14] =	ssyncset.done $0x0  }
0xbf: {  	[sflag:s14] =	ssyncadd.s32 $0xFFFFE000  }
0xc0: {  	[spmem:s19] =	stream.indirect.scatter.add.f32 [tilespmem:s8], [sflag:$0x5], $0x80, s20, s6, $0xb8;
	[tilespmem:$0x1E400] =	vst v63  }
0xc1: {  	_ =	swait.ge [sflag:s4], $0x2000  }
0xc2: {  	[sflag:s4] =	ssyncset.done $0x0  }
0xc3: {  	[sflag:s4] =	ssyncadd.s32 $0xFFFFE000  }
0xc4: {  	_ =	swait.ge [sflag:s15], $0x2000  }
0xc5: {  	[sflag:s15] =	ssyncset.done $0x0  }
0xc6: {  	[sflag:s15] =	ssyncadd.s32 $0xFFFFE000  }
0xc7: {  	[spmem:s19] =	stream.indirect.scatter.add.f32 [tilespmem:s10], [sflag:$0x5], $0x80, s21, s6, $0xb8;
	[tilespmem:$0x1E400] =	vst v63  }
0xc8: {  	_ =	swait.ge [sflag:s4], $0x2000  }
0xc9: {  	[sflag:s4] =	ssyncset.done $0x0  }
0xca: {  	[sflag:s4] =	ssyncadd.s32 $0xFFFFE000  }
0xcb: {  	_ =	swait.ge [sflag:s16], $0x2000  }
0xcc: {  	[sflag:s16] =	ssyncset.done $0x0  }
0xcd: {  	[sflag:s16] =	ssyncadd.s32 $0xFFFFE000  }
0xce: {  	[spmem:s19] =	stream.indirect.scatter.add.f32 [tilespmem:s12], [sflag:$0x5], $0x80, s2, s6, $0xb8;
	[tilespmem:$0x1E400] =	vst v63  }
0xcf: {  	_ =	swait.ge [sflag:s4], $0x2000  }
0xd0: {  	[sflag:s4] =	ssyncset.done $0x0  }
0xd1: {  	s23 =	simm.s32 $0x0;
	s25 =	rddreg [dreg:$0x6];
	[sflag:s4] =	ssyncadd.s32 $0xFFFFE000  }
0xd2: {  	[tilespmem:s23], [sflag:$0x5] =	stream.linear.gather [hbm4b:s25+s23], $0x1400, $0x38;
	[tilespmem:$0x1E400] =	vst v63  }
0xd3: {  	_ =	swait.ge [sflag:s4], $0x1400  }
0xd4: {  	[sflag:s4] =	ssyncset.done $0x0  }
0xd5: {  	s25 =	rddreg [dreg:$0x7];
	[sflag:s4] =	ssyncadd.s32 $0xFFFFEC00  }
0xd6: {  	[tilespmem:s5], [sflag:$0x5] =	stream.linear.gather [hbm4b:s25+s23], $0x1400, $0x38;
	[tilespmem:$0x1E400] =	vst v63  }
0xd7: {  	_ =	swait.ge [sflag:s4], $0x1400  }
0xd8: {  	[sflag:s4] =	ssyncset.done $0x0  }
0xd9: {  	[sflag:s4] =	ssyncadd.s32 $0xFFFFEC00  }
0xda: {  	[tilespmem:s3], [sflag:$0x1] =	stream.indirect.gather [hbm4b:s22+s6], $0x80, s23, s6, $0xb8;
	[tilespmem:$0x1E400] =	vst v63  }
0xdb: {  	_ = 	snop  }
0xdc: {  	[tilespmem:s8], [sflag:$0x2] =	stream.indirect.gather [hbm4b:s22+s6], $0x80, s7, s6, $0xb8;
	[tilespmem:$0x1E400] =	vst v63  }
0xdd: {  	_ = 	snop  }
0xde: {  	[tilespmem:s10], [sflag:$0x3] =	stream.indirect.gather [hbm4b:s22+s6], $0x80, s9, s6, $0xb8;
	[tilespmem:$0x1E400] =	vst v63  }
0xdf: {  	_ = 	snop  }
0xe0: {  	[tilespmem:s12], [sflag:$0x4] =	stream.indirect.gather [hbm4b:s22+s6], $0x80, s11, s6, $0xb8;
	[tilespmem:$0x1E400] =	vst v63  }
0xe1: {  	_ =	swait.ge [sflag:s13], $0x2000  }
0xe2: {  	[sflag:s13] =	ssyncset.done $0x0  }
0xe3: {  	s25 =	simm.s32 $0x1400;
	[sflag:s13] =	ssyncadd.s32 $0xFFFFE000  }
0xe4: {  	[spmem:s19] =	stream.indirect.scatter.add.f32 [tilespmem:s3], [sflag:$0x5], $0x80, s25, s6, $0xb8;
	[tilespmem:$0x1E400] =	vst v63  }
0xe5: {  	_ =	swait.ge [sflag:s4], $0x2000  }
0xe6: {  	[sflag:s4] =	ssyncset.done $0x0  }
0xe7: {  	s24 =	simm.s32 $0x200;
	[sflag:s4] =	ssyncadd.s32 $0xFFFFE000  }
0xe8: {  	[tilespmem:s3], [sflag:$0x1] =	stream.indirect.gather [hbm4b:s22+s6], $0x80, s24, s6, $0xb8;
	[tilespmem:$0x1E400] =	vst v63  }
0xe9: {  	_ =	swait.ge [sflag:s14], $0x2000  }
0xea: {  	[sflag:s14] =	ssyncset.done $0x0  }
0xeb: {  	s25 =	simm.s32 $0x1480;
	[sflag:s14] =	ssyncadd.s32 $0xFFFFE000  }
0xec: {  	[spmem:s19] =	stream.indirect.scatter.add.f32 [tilespmem:s8], [sflag:$0x5], $0x80, s25, s6, $0xb8;
	[tilespmem:$0x1E400] =	vst v63  }
0xed: {  	_ =	swait.ge [sflag:s4], $0x2000  }
0xee: {  	[sflag:s4] =	ssyncset.done $0x0  }
0xef: {  	s24 =	simm.s32 $0x280;
	[sflag:s4] =	ssyncadd.s32 $0xFFFFE000  }
0xf0: {  	[tilespmem:s8], [sflag:$0x2] =	stream.indirect.gather [hbm4b:s22+s6], $0x80, s24, s6, $0xb8;
	[tilespmem:$0x1E400] =	vst v63  }
0xf1: {  	_ =	swait.ge [sflag:s15], $0x2000  }
0xf2: {  	[sflag:s15] =	ssyncset.done $0x0  }
0xf3: {  	s25 =	simm.s32 $0x1500;
	[sflag:s15] =	ssyncadd.s32 $0xFFFFE000  }
0xf4: {  	[spmem:s19] =	stream.indirect.scatter.add.f32 [tilespmem:s10], [sflag:$0x5], $0x80, s25, s6, $0xb8;
	[tilespmem:$0x1E400] =	vst v63  }
0xf5: {  	_ =	swait.ge [sflag:s4], $0x2000  }
0xf6: {  	[sflag:s4] =	ssyncset.done $0x0  }
0xf7: {  	s24 =	simm.s32 $0x300;
	[sflag:s4] =	ssyncadd.s32 $0xFFFFE000  }
0xf8: {  	[tilespmem:s10], [sflag:$0x3] =	stream.indirect.gather [hbm4b:s22+s6], $0x80, s24, s6, $0xb8;
	[tilespmem:$0x1E400] =	vst v63  }
0xf9: {  	_ =	swait.ge [sflag:s16], $0x2000  }
0xfa: {  	[sflag:s16] =	ssyncset.done $0x0  }
0xfb: {  	s25 =	simm.s32 $0x1580;
	[sflag:s16] =	ssyncadd.s32 $0xFFFFE000  }
0xfc: {  	[spmem:s19] =	stream.indirect.scatter.add.f32 [tilespmem:s12], [sflag:$0x5], $0x80, s25, s6, $0xb8;
	[tilespmem:$0x1E400] =	vst v63  }
0xfd: {  	_ =	swait.ge [sflag:s4], $0x2000  }
0xfe: {  	[sflag:s4] =	ssyncset.done $0x0  }
0xff: {  	s23 =	simm.s32 $0x800;
	s24 =	simm.s32 $0x380;
	[sflag:s4] =	ssyncadd.s32 $0xFFFFE000  }
.LBB2_6:
0x100: {  	[tilespmem:s12], [sflag:$0x4] =	stream.indirect.gather [hbm4b:s22+s6], $0x80, s24, s6, $0xb8;
	[tilespmem:$0x1E400] =	vst v63  }
0x101: {  	s24 =	smov.u32 s23  }
0x102: {  	p0 =	sne.s32 s23, $0x4000;
	s23 =	sadd.s32 $0x800, s23;
	_ =	swait.ge [sflag:s13], $0x2000  }
0x103: {  	s24 =	sshra.s32 s24, $0x2;
	[sflag:s13] =	ssyncset.done $0x0  }
0x104: {  	s25 =	sadd.s32 $0x1400, s24;
	[sflag:s13] =	ssyncadd.s32 $0xFFFFE000  }
0x105: {  	[spmem:s19] =	stream.indirect.scatter.add.f32 [tilespmem:s3], [sflag:$0x5], $0x80, s25, s6, $0xb8;
	[tilespmem:$0x1E400] =	vst v63  }
0x106: {  	_ =	swait.ge [sflag:s4], $0x2000  }
0x107: {  	[sflag:s4] =	ssyncset.done $0x0  }
0x108: {  	s25 =	sadd.s32 $0x200, s24;
	[sflag:s4] =	ssyncadd.s32 $0xFFFFE000  }
0x109: {  	[tilespmem:s3], [sflag:$0x1] =	stream.indirect.gather [hbm4b:s22+s6], $0x80, s25, s6, $0xb8;
	[tilespmem:$0x1E400] =	vst v63  }
0x10a: {  	_ =	swait.ge [sflag:s14], $0x2000  }
0x10b: {  	[sflag:s14] =	ssyncset.done $0x0  }
0x10c: {  	s25 =	sadd.s32 $0x1480, s24;
	[sflag:s14] =	ssyncadd.s32 $0xFFFFE000  }
0x10d: {  	[spmem:s19] =	stream.indirect.scatter.add.f32 [tilespmem:s8], [sflag:$0x5], $0x80, s25, s6, $0xb8;
	[tilespmem:$0x1E400] =	vst v63  }
0x10e: {  	_ =	swait.ge [sflag:s4], $0x2000  }
0x10f: {  	[sflag:s4] =	ssyncset.done $0x0  }
0x110: {  	s25 =	sadd.s32 $0x280, s24;
	[sflag:s4] =	ssyncadd.s32 $0xFFFFE000  }
0x111: {  	[tilespmem:s8], [sflag:$0x2] =	stream.indirect.gather [hbm4b:s22+s6], $0x80, s25, s6, $0xb8;
	[tilespmem:$0x1E400] =	vst v63  }
0x112: {  	_ =	swait.ge [sflag:s15], $0x2000  }
0x113: {  	[sflag:s15] =	ssyncset.done $0x0  }
0x114: {  	s25 =	sadd.s32 $0x1500, s24;
	[sflag:s15] =	ssyncadd.s32 $0xFFFFE000  }
0x115: {  	[spmem:s19] =	stream.indirect.scatter.add.f32 [tilespmem:s10], [sflag:$0x5], $0x80, s25, s6, $0xb8;
	[tilespmem:$0x1E400] =	vst v63  }
0x116: {  	_ =	swait.ge [sflag:s4], $0x2000  }
0x117: {  	[sflag:s4] =	ssyncset.done $0x0  }
0x118: {  	s25 =	sadd.s32 $0x300, s24;
	[sflag:s4] =	ssyncadd.s32 $0xFFFFE000  }
0x119: {  	[tilespmem:s10], [sflag:$0x3] =	stream.indirect.gather [hbm4b:s22+s6], $0x80, s25, s6, $0xb8;
	[tilespmem:$0x1E400] =	vst v63  }
0x11a: {  	_ =	swait.ge [sflag:s16], $0x2000  }
0x11b: {  	[sflag:s16] =	ssyncset.done $0x0  }
.Ltmp2:
0x11c: {  	s25 =	sadd.s32 $0x1580, s24;
	[sflag:s16] =	ssyncadd.s32 $0xFFFFE000;
	(pc) =	sbr.rel @p0 .LBB2_6-.Ltmp2, $4  }
0x11d: {  	[spmem:s19] =	stream.indirect.scatter.add.f32 [tilespmem:s12], [sflag:$0x5], $0x80, s25, s6, $0xb8;
	[tilespmem:$0x1E400] =	vst v63  }
0x11e: {  	_ =	swait.ge [sflag:s4], $0x2000  }
0x11f: {  	[sflag:s4] =	ssyncset.done $0x0  }
0x120: {  	s24 =	sadd.s32 $0x380, s24;
	[sflag:s4] =	ssyncadd.s32 $0xFFFFE000  }
0x121: {  	[tilespmem:s12], [sflag:$0x4] =	stream.indirect.gather [hbm4b:s22+s6], $0x80, s24, s6, $0xb8;
	[tilespmem:$0x1E400] =	vst v63  }
0x122: {  	_ =	swait.ge [sflag:s13], $0x2000  }
0x123: {  	[sflag:s13] =	ssyncset.done $0x0  }
0x124: {  	[sflag:s13] =	ssyncadd.s32 $0xFFFFE000  }
0x125: {  	[spmem:s19] =	stream.indirect.scatter.add.f32 [tilespmem:s3], [sflag:$0x5], $0x80, s17, s6, $0xb8;
	[tilespmem:$0x1E400] =	vst v63  }
0x126: {  	_ =	swait.ge [sflag:s4], $0x2000  }
0x127: {  	[sflag:s4] =	ssyncset.done $0x0  }
0x128: {  	[sflag:s4] =	ssyncadd.s32 $0xFFFFE000  }
0x129: {  	_ =	swait.ge [sflag:s14], $0x2000  }
0x12a: {  	[sflag:s14] =	ssyncset.done $0x0  }
0x12b: {  	[sflag:s14] =	ssyncadd.s32 $0xFFFFE000  }
0x12c: {  	[spmem:s19] =	stream.indirect.scatter.add.f32 [tilespmem:s8], [sflag:$0x5], $0x80, s20, s6, $0xb8;
	[tilespmem:$0x1E400] =	vst v63  }
0x12d: {  	_ =	swait.ge [sflag:s4], $0x2000  }
0x12e: {  	[sflag:s4] =	ssyncset.done $0x0  }
0x12f: {  	[sflag:s4] =	ssyncadd.s32 $0xFFFFE000  }
0x130: {  	_ =	swait.ge [sflag:s15], $0x2000  }
0x131: {  	[sflag:s15] =	ssyncset.done $0x0  }
0x132: {  	[sflag:s15] =	ssyncadd.s32 $0xFFFFE000  }
0x133: {  	[spmem:s19] =	stream.indirect.scatter.add.f32 [tilespmem:s10], [sflag:$0x5], $0x80, s21, s6, $0xb8;
	[tilespmem:$0x1E400] =	vst v63  }
0x134: {  	_ =	swait.ge [sflag:s4], $0x2000  }
0x135: {  	[sflag:s4] =	ssyncset.done $0x0  }
0x136: {  	[sflag:s4] =	ssyncadd.s32 $0xFFFFE000  }
0x137: {  	_ =	swait.ge [sflag:s16], $0x2000  }
0x138: {  	[sflag:s16] =	ssyncset.done $0x0  }
0x139: {  	[sflag:s16] =	ssyncadd.s32 $0xFFFFE000  }
0x13a: {  	[spmem:s19] =	stream.indirect.scatter.add.f32 [tilespmem:s12], [sflag:$0x5], $0x80, s2, s6, $0xb8;
	[tilespmem:$0x1E400] =	vst v63  }
0x13b: {  	_ =	swait.ge [sflag:s4], $0x2000  }
0x13c: {  	[sflag:s4] =	ssyncset.done $0x0  }
0x13d: {  	s23 =	simm.s32 $0x0;
	s25 =	rddreg [dreg:$0x8];
	[sflag:s4] =	ssyncadd.s32 $0xFFFFE000  }
0x13e: {  	[tilespmem:s23], [sflag:$0x5] =	stream.linear.gather [hbm4b:s25+s23], $0x1400, $0x38;
	[tilespmem:$0x1E400] =	vst v63  }
0x13f: {  	_ =	swait.ge [sflag:s4], $0x1400  }
0x140: {  	[sflag:s4] =	ssyncset.done $0x0  }
0x141: {  	s25 =	rddreg [dreg:$0x9];
	[sflag:s4] =	ssyncadd.s32 $0xFFFFEC00  }
0x142: {  	[tilespmem:s5], [sflag:$0x5] =	stream.linear.gather [hbm4b:s25+s23], $0x1400, $0x38;
	[tilespmem:$0x1E400] =	vst v63  }
0x143: {  	_ =	swait.ge [sflag:s4], $0x1400  }
0x144: {  	[sflag:s4] =	ssyncset.done $0x0  }
0x145: {  	[sflag:s4] =	ssyncadd.s32 $0xFFFFEC00  }
0x146: {  	[tilespmem:s3], [sflag:$0x1] =	stream.indirect.gather [hbm4b:s22+s6], $0x80, s23, s6, $0xb8;
	[tilespmem:$0x1E400] =	vst v63  }
0x147: {  	_ = 	snop  }
0x148: {  	[tilespmem:s8], [sflag:$0x2] =	stream.indirect.gather [hbm4b:s22+s6], $0x80, s7, s6, $0xb8;
	[tilespmem:$0x1E400] =	vst v63  }
0x149: {  	_ = 	snop  }
0x14a: {  	[tilespmem:s10], [sflag:$0x3] =	stream.indirect.gather [hbm4b:s22+s6], $0x80, s9, s6, $0xb8;
	[tilespmem:$0x1E400] =	vst v63  }
0x14b: {  	_ = 	snop  }
0x14c: {  	[tilespmem:s12], [sflag:$0x4] =	stream.indirect.gather [hbm4b:s22+s6], $0x80, s11, s6, $0xb8;
	[tilespmem:$0x1E400] =	vst v63  }
0x14d: {  	_ =	swait.ge [sflag:s13], $0x2000  }
0x14e: {  	[sflag:s13] =	ssyncset.done $0x0  }
0x14f: {  	s25 =	simm.s32 $0x1400;
	[sflag:s13] =	ssyncadd.s32 $0xFFFFE000  }
0x150: {  	[spmem:s19] =	stream.indirect.scatter.add.f32 [tilespmem:s3], [sflag:$0x5], $0x80, s25, s6, $0xb8;
	[tilespmem:$0x1E400] =	vst v63  }
0x151: {  	_ =	swait.ge [sflag:s4], $0x2000  }
0x152: {  	[sflag:s4] =	ssyncset.done $0x0  }
0x153: {  	s24 =	simm.s32 $0x200;
	[sflag:s4] =	ssyncadd.s32 $0xFFFFE000  }
0x154: {  	[tilespmem:s3], [sflag:$0x1] =	stream.indirect.gather [hbm4b:s22+s6], $0x80, s24, s6, $0xb8;
	[tilespmem:$0x1E400] =	vst v63  }
0x155: {  	_ =	swait.ge [sflag:s14], $0x2000  }
0x156: {  	[sflag:s14] =	ssyncset.done $0x0  }
0x157: {  	s25 =	simm.s32 $0x1480;
	[sflag:s14] =	ssyncadd.s32 $0xFFFFE000  }
0x158: {  	[spmem:s19] =	stream.indirect.scatter.add.f32 [tilespmem:s8], [sflag:$0x5], $0x80, s25, s6, $0xb8;
	[tilespmem:$0x1E400] =	vst v63  }
0x159: {  	_ =	swait.ge [sflag:s4], $0x2000  }
0x15a: {  	[sflag:s4] =	ssyncset.done $0x0  }
0x15b: {  	s24 =	simm.s32 $0x280;
	[sflag:s4] =	ssyncadd.s32 $0xFFFFE000  }
0x15c: {  	[tilespmem:s8], [sflag:$0x2] =	stream.indirect.gather [hbm4b:s22+s6], $0x80, s24, s6, $0xb8;
	[tilespmem:$0x1E400] =	vst v63  }
0x15d: {  	_ =	swait.ge [sflag:s15], $0x2000  }
0x15e: {  	[sflag:s15] =	ssyncset.done $0x0  }
0x15f: {  	s25 =	simm.s32 $0x1500;
	[sflag:s15] =	ssyncadd.s32 $0xFFFFE000  }
0x160: {  	[spmem:s19] =	stream.indirect.scatter.add.f32 [tilespmem:s10], [sflag:$0x5], $0x80, s25, s6, $0xb8;
	[tilespmem:$0x1E400] =	vst v63  }
0x161: {  	_ =	swait.ge [sflag:s4], $0x2000  }
0x162: {  	[sflag:s4] =	ssyncset.done $0x0  }
0x163: {  	s24 =	simm.s32 $0x300;
	[sflag:s4] =	ssyncadd.s32 $0xFFFFE000  }
0x164: {  	[tilespmem:s10], [sflag:$0x3] =	stream.indirect.gather [hbm4b:s22+s6], $0x80, s24, s6, $0xb8;
	[tilespmem:$0x1E400] =	vst v63  }
0x165: {  	_ =	swait.ge [sflag:s16], $0x2000  }
0x166: {  	[sflag:s16] =	ssyncset.done $0x0  }
0x167: {  	s25 =	simm.s32 $0x1580;
	[sflag:s16] =	ssyncadd.s32 $0xFFFFE000  }
0x168: {  	[spmem:s19] =	stream.indirect.scatter.add.f32 [tilespmem:s12], [sflag:$0x5], $0x80, s25, s6, $0xb8;
	[tilespmem:$0x1E400] =	vst v63  }
0x169: {  	_ =	swait.ge [sflag:s4], $0x2000  }
0x16a: {  	[sflag:s4] =	ssyncset.done $0x0  }
0x16b: {  	s23 =	simm.s32 $0x800;
	s24 =	simm.s32 $0x380;
	[sflag:s4] =	ssyncadd.s32 $0xFFFFE000  }
.LBB2_8:
0x16c: {  	[tilespmem:s12], [sflag:$0x4] =	stream.indirect.gather [hbm4b:s22+s6], $0x80, s24, s6, $0xb8;
	[tilespmem:$0x1E400] =	vst v63  }
0x16d: {  	s24 =	smov.u32 s23  }
0x16e: {  	p0 =	sne.s32 s23, $0x4000;
	s23 =	sadd.s32 $0x800, s23;
	_ =	swait.ge [sflag:s13], $0x2000  }
0x16f: {  	s24 =	sshra.s32 s24, $0x2;
	[sflag:s13] =	ssyncset.done $0x0  }
0x170: {  	s25 =	sadd.s32 $0x1400, s24;
	[sflag:s13] =	ssyncadd.s32 $0xFFFFE000  }
0x171: {  	[spmem:s19] =	stream.indirect.scatter.add.f32 [tilespmem:s3], [sflag:$0x5], $0x80, s25, s6, $0xb8;
	[tilespmem:$0x1E400] =	vst v63  }
0x172: {  	_ =	swait.ge [sflag:s4], $0x2000  }
0x173: {  	[sflag:s4] =	ssyncset.done $0x0  }
0x174: {  	s25 =	sadd.s32 $0x200, s24;
	[sflag:s4] =	ssyncadd.s32 $0xFFFFE000  }
0x175: {  	[tilespmem:s3], [sflag:$0x1] =	stream.indirect.gather [hbm4b:s22+s6], $0x80, s25, s6, $0xb8;
	[tilespmem:$0x1E400] =	vst v63  }
0x176: {  	_ =	swait.ge [sflag:s14], $0x2000  }
0x177: {  	[sflag:s14] =	ssyncset.done $0x0  }
0x178: {  	s25 =	sadd.s32 $0x1480, s24;
	[sflag:s14] =	ssyncadd.s32 $0xFFFFE000  }
0x179: {  	[spmem:s19] =	stream.indirect.scatter.add.f32 [tilespmem:s8], [sflag:$0x5], $0x80, s25, s6, $0xb8;
	[tilespmem:$0x1E400] =	vst v63  }
0x17a: {  	_ =	swait.ge [sflag:s4], $0x2000  }
0x17b: {  	[sflag:s4] =	ssyncset.done $0x0  }
0x17c: {  	s25 =	sadd.s32 $0x280, s24;
	[sflag:s4] =	ssyncadd.s32 $0xFFFFE000  }
0x17d: {  	[tilespmem:s8], [sflag:$0x2] =	stream.indirect.gather [hbm4b:s22+s6], $0x80, s25, s6, $0xb8;
	[tilespmem:$0x1E400] =	vst v63  }
0x17e: {  	_ =	swait.ge [sflag:s15], $0x2000  }
0x17f: {  	[sflag:s15] =	ssyncset.done $0x0  }
0x180: {  	s25 =	sadd.s32 $0x1500, s24;
	[sflag:s15] =	ssyncadd.s32 $0xFFFFE000  }
0x181: {  	[spmem:s19] =	stream.indirect.scatter.add.f32 [tilespmem:s10], [sflag:$0x5], $0x80, s25, s6, $0xb8;
	[tilespmem:$0x1E400] =	vst v63  }
0x182: {  	_ =	swait.ge [sflag:s4], $0x2000  }
0x183: {  	[sflag:s4] =	ssyncset.done $0x0  }
0x184: {  	s25 =	sadd.s32 $0x300, s24;
	[sflag:s4] =	ssyncadd.s32 $0xFFFFE000  }
0x185: {  	[tilespmem:s10], [sflag:$0x3] =	stream.indirect.gather [hbm4b:s22+s6], $0x80, s25, s6, $0xb8;
	[tilespmem:$0x1E400] =	vst v63  }
0x186: {  	_ =	swait.ge [sflag:s16], $0x2000  }
0x187: {  	[sflag:s16] =	ssyncset.done $0x0  }
.Ltmp3:
0x188: {  	s25 =	sadd.s32 $0x1580, s24;
	[sflag:s16] =	ssyncadd.s32 $0xFFFFE000;
	(pc) =	sbr.rel @p0 .LBB2_8-.Ltmp3, $4  }
0x189: {  	[spmem:s19] =	stream.indirect.scatter.add.f32 [tilespmem:s12], [sflag:$0x5], $0x80, s25, s6, $0xb8;
	[tilespmem:$0x1E400] =	vst v63  }
0x18a: {  	_ =	swait.ge [sflag:s4], $0x2000  }
0x18b: {  	[sflag:s4] =	ssyncset.done $0x0  }
0x18c: {  	s24 =	sadd.s32 $0x380, s24;
	[sflag:s4] =	ssyncadd.s32 $0xFFFFE000  }
0x18d: {  	[tilespmem:s12], [sflag:$0x4] =	stream.indirect.gather [hbm4b:s22+s6], $0x80, s24, s6, $0xb8;
	[tilespmem:$0x1E400] =	vst v63  }
0x18e: {  	_ =	swait.ge [sflag:s13], $0x2000  }
0x18f: {  	[sflag:s13] =	ssyncset.done $0x0  }
0x190: {  	[sflag:s13] =	ssyncadd.s32 $0xFFFFE000  }
0x191: {  	[spmem:s19] =	stream.indirect.scatter.add.f32 [tilespmem:s3], [sflag:$0x5], $0x80, s17, s6, $0xb8;
	[tilespmem:$0x1E400] =	vst v63  }
0x192: {  	_ =	swait.ge [sflag:s4], $0x2000  }
0x193: {  	[sflag:s4] =	ssyncset.done $0x0  }
0x194: {  	[sflag:s4] =	ssyncadd.s32 $0xFFFFE000  }
0x195: {  	_ =	swait.ge [sflag:s14], $0x2000  }
0x196: {  	[sflag:s14] =	ssyncset.done $0x0  }
0x197: {  	[sflag:s14] =	ssyncadd.s32 $0xFFFFE000  }
0x198: {  	[spmem:s19] =	stream.indirect.scatter.add.f32 [tilespmem:s8], [sflag:$0x5], $0x80, s20, s6, $0xb8;
	[tilespmem:$0x1E400] =	vst v63  }
0x199: {  	_ =	swait.ge [sflag:s4], $0x2000  }
0x19a: {  	[sflag:s4] =	ssyncset.done $0x0  }
0x19b: {  	[sflag:s4] =	ssyncadd.s32 $0xFFFFE000  }
0x19c: {  	_ =	swait.ge [sflag:s15], $0x2000  }
0x19d: {  	[sflag:s15] =	ssyncset.done $0x0  }
0x19e: {  	[sflag:s15] =	ssyncadd.s32 $0xFFFFE000  }
0x19f: {  	[spmem:s19] =	stream.indirect.scatter.add.f32 [tilespmem:s10], [sflag:$0x5], $0x80, s21, s6, $0xb8;
	[tilespmem:$0x1E400] =	vst v63  }
0x1a0: {  	_ =	swait.ge [sflag:s4], $0x2000  }
0x1a1: {  	[sflag:s4] =	ssyncset.done $0x0  }
0x1a2: {  	[sflag:s4] =	ssyncadd.s32 $0xFFFFE000  }
0x1a3: {  	_ =	swait.ge [sflag:s16], $0x2000  }
0x1a4: {  	[sflag:s16] =	ssyncset.done $0x0  }
0x1a5: {  	[sflag:s16] =	ssyncadd.s32 $0xFFFFE000  }
0x1a6: {  	[spmem:s19] =	stream.indirect.scatter.add.f32 [tilespmem:s12], [sflag:$0x5], $0x80, s2, s6, $0xb8;
	[tilespmem:$0x1E400] =	vst v63  }
0x1a7: {  	_ =	swait.ge [sflag:s4], $0x2000  }
0x1a8: {  	[sflag:s4] =	ssyncset.done $0x0  }
0x1a9: {  	s23 =	simm.s32 $0x0;
	s25 =	rddreg [dreg:$0xa];
	[sflag:s4] =	ssyncadd.s32 $0xFFFFE000  }
0x1aa: {  	[tilespmem:s23], [sflag:$0x5] =	stream.linear.gather [hbm4b:s25+s23], $0x1400, $0x38;
	[tilespmem:$0x1E400] =	vst v63  }
0x1ab: {  	_ =	swait.ge [sflag:s4], $0x1400  }
0x1ac: {  	[sflag:s4] =	ssyncset.done $0x0  }
0x1ad: {  	s25 =	rddreg [dreg:$0xb];
	[sflag:s4] =	ssyncadd.s32 $0xFFFFEC00  }
0x1ae: {  	[tilespmem:s5], [sflag:$0x5] =	stream.linear.gather [hbm4b:s25+s23], $0x1400, $0x38;
	[tilespmem:$0x1E400] =	vst v63  }
0x1af: {  	_ =	swait.ge [sflag:s4], $0x1400  }
0x1b0: {  	[sflag:s4] =	ssyncset.done $0x0  }
0x1b1: {  	[sflag:s4] =	ssyncadd.s32 $0xFFFFEC00  }
0x1b2: {  	[tilespmem:s3], [sflag:$0x1] =	stream.indirect.gather [hbm4b:s22+s6], $0x80, s23, s6, $0xb8;
	[tilespmem:$0x1E400] =	vst v63  }
0x1b3: {  	_ = 	snop  }
0x1b4: {  	[tilespmem:s8], [sflag:$0x2] =	stream.indirect.gather [hbm4b:s22+s6], $0x80, s7, s6, $0xb8;
	[tilespmem:$0x1E400] =	vst v63  }
0x1b5: {  	_ = 	snop  }
0x1b6: {  	[tilespmem:s10], [sflag:$0x3] =	stream.indirect.gather [hbm4b:s22+s6], $0x80, s9, s6, $0xb8;
	[tilespmem:$0x1E400] =	vst v63  }
0x1b7: {  	_ = 	snop  }
0x1b8: {  	[tilespmem:s12], [sflag:$0x4] =	stream.indirect.gather [hbm4b:s22+s6], $0x80, s11, s6, $0xb8;
	[tilespmem:$0x1E400] =	vst v63  }
0x1b9: {  	_ =	swait.ge [sflag:s13], $0x2000  }
0x1ba: {  	[sflag:s13] =	ssyncset.done $0x0  }
0x1bb: {  	s25 =	simm.s32 $0x1400;
	[sflag:s13] =	ssyncadd.s32 $0xFFFFE000  }
0x1bc: {  	[spmem:s19] =	stream.indirect.scatter.add.f32 [tilespmem:s3], [sflag:$0x5], $0x80, s25, s6, $0xb8;
	[tilespmem:$0x1E400] =	vst v63  }
0x1bd: {  	_ =	swait.ge [sflag:s4], $0x2000  }
0x1be: {  	[sflag:s4] =	ssyncset.done $0x0  }
0x1bf: {  	s24 =	simm.s32 $0x200;
	[sflag:s4] =	ssyncadd.s32 $0xFFFFE000  }
0x1c0: {  	[tilespmem:s3], [sflag:$0x1] =	stream.indirect.gather [hbm4b:s22+s6], $0x80, s24, s6, $0xb8;
	[tilespmem:$0x1E400] =	vst v63  }
0x1c1: {  	_ =	swait.ge [sflag:s14], $0x2000  }
0x1c2: {  	[sflag:s14] =	ssyncset.done $0x0  }
0x1c3: {  	s25 =	simm.s32 $0x1480;
	[sflag:s14] =	ssyncadd.s32 $0xFFFFE000  }
0x1c4: {  	[spmem:s19] =	stream.indirect.scatter.add.f32 [tilespmem:s8], [sflag:$0x5], $0x80, s25, s6, $0xb8;
	[tilespmem:$0x1E400] =	vst v63  }
0x1c5: {  	_ =	swait.ge [sflag:s4], $0x2000  }
0x1c6: {  	[sflag:s4] =	ssyncset.done $0x0  }
0x1c7: {  	s24 =	simm.s32 $0x280;
	[sflag:s4] =	ssyncadd.s32 $0xFFFFE000  }
0x1c8: {  	[tilespmem:s8], [sflag:$0x2] =	stream.indirect.gather [hbm4b:s22+s6], $0x80, s24, s6, $0xb8;
	[tilespmem:$0x1E400] =	vst v63  }
0x1c9: {  	_ =	swait.ge [sflag:s15], $0x2000  }
0x1ca: {  	[sflag:s15] =	ssyncset.done $0x0  }
0x1cb: {  	s25 =	simm.s32 $0x1500;
	[sflag:s15] =	ssyncadd.s32 $0xFFFFE000  }
0x1cc: {  	[spmem:s19] =	stream.indirect.scatter.add.f32 [tilespmem:s10], [sflag:$0x5], $0x80, s25, s6, $0xb8;
	[tilespmem:$0x1E400] =	vst v63  }
0x1cd: {  	_ =	swait.ge [sflag:s4], $0x2000  }
0x1ce: {  	[sflag:s4] =	ssyncset.done $0x0  }
0x1cf: {  	s24 =	simm.s32 $0x300;
	[sflag:s4] =	ssyncadd.s32 $0xFFFFE000  }
0x1d0: {  	[tilespmem:s10], [sflag:$0x3] =	stream.indirect.gather [hbm4b:s22+s6], $0x80, s24, s6, $0xb8;
	[tilespmem:$0x1E400] =	vst v63  }
0x1d1: {  	_ =	swait.ge [sflag:s16], $0x2000  }
0x1d2: {  	[sflag:s16] =	ssyncset.done $0x0  }
0x1d3: {  	s25 =	simm.s32 $0x1580;
	[sflag:s16] =	ssyncadd.s32 $0xFFFFE000  }
0x1d4: {  	[spmem:s19] =	stream.indirect.scatter.add.f32 [tilespmem:s12], [sflag:$0x5], $0x80, s25, s6, $0xb8;
	[tilespmem:$0x1E400] =	vst v63  }
0x1d5: {  	_ =	swait.ge [sflag:s4], $0x2000  }
0x1d6: {  	[sflag:s4] =	ssyncset.done $0x0  }
0x1d7: {  	s23 =	simm.s32 $0x800;
	s24 =	simm.s32 $0x380;
	[sflag:s4] =	ssyncadd.s32 $0xFFFFE000  }
.LBB2_10:
0x1d8: {  	[tilespmem:s12], [sflag:$0x4] =	stream.indirect.gather [hbm4b:s22+s6], $0x80, s24, s6, $0xb8;
	[tilespmem:$0x1E400] =	vst v63  }
0x1d9: {  	s24 =	smov.u32 s23  }
0x1da: {  	p0 =	sne.s32 s23, $0x4000;
	s23 =	sadd.s32 $0x800, s23;
	_ =	swait.ge [sflag:s13], $0x2000  }
0x1db: {  	s24 =	sshra.s32 s24, $0x2;
	[sflag:s13] =	ssyncset.done $0x0  }
0x1dc: {  	s25 =	sadd.s32 $0x1400, s24;
	[sflag:s13] =	ssyncadd.s32 $0xFFFFE000  }
0x1dd: {  	[spmem:s19] =	stream.indirect.scatter.add.f32 [tilespmem:s3], [sflag:$0x5], $0x80, s25, s6, $0xb8;
	[tilespmem:$0x1E400] =	vst v63  }
0x1de: {  	_ =	swait.ge [sflag:s4], $0x2000  }
0x1df: {  	[sflag:s4] =	ssyncset.done $0x0  }
0x1e0: {  	s25 =	sadd.s32 $0x200, s24;
	[sflag:s4] =	ssyncadd.s32 $0xFFFFE000  }
0x1e1: {  	[tilespmem:s3], [sflag:$0x1] =	stream.indirect.gather [hbm4b:s22+s6], $0x80, s25, s6, $0xb8;
	[tilespmem:$0x1E400] =	vst v63  }
0x1e2: {  	_ =	swait.ge [sflag:s14], $0x2000  }
0x1e3: {  	[sflag:s14] =	ssyncset.done $0x0  }
0x1e4: {  	s25 =	sadd.s32 $0x1480, s24;
	[sflag:s14] =	ssyncadd.s32 $0xFFFFE000  }
0x1e5: {  	[spmem:s19] =	stream.indirect.scatter.add.f32 [tilespmem:s8], [sflag:$0x5], $0x80, s25, s6, $0xb8;
	[tilespmem:$0x1E400] =	vst v63  }
0x1e6: {  	_ =	swait.ge [sflag:s4], $0x2000  }
0x1e7: {  	[sflag:s4] =	ssyncset.done $0x0  }
0x1e8: {  	s25 =	sadd.s32 $0x280, s24;
	[sflag:s4] =	ssyncadd.s32 $0xFFFFE000  }
0x1e9: {  	[tilespmem:s8], [sflag:$0x2] =	stream.indirect.gather [hbm4b:s22+s6], $0x80, s25, s6, $0xb8;
	[tilespmem:$0x1E400] =	vst v63  }
0x1ea: {  	_ =	swait.ge [sflag:s15], $0x2000  }
0x1eb: {  	[sflag:s15] =	ssyncset.done $0x0  }
0x1ec: {  	s25 =	sadd.s32 $0x1500, s24;
	[sflag:s15] =	ssyncadd.s32 $0xFFFFE000  }
0x1ed: {  	[spmem:s19] =	stream.indirect.scatter.add.f32 [tilespmem:s10], [sflag:$0x5], $0x80, s25, s6, $0xb8;
	[tilespmem:$0x1E400] =	vst v63  }
0x1ee: {  	_ =	swait.ge [sflag:s4], $0x2000  }
0x1ef: {  	[sflag:s4] =	ssyncset.done $0x0  }
0x1f0: {  	s25 =	sadd.s32 $0x300, s24;
	[sflag:s4] =	ssyncadd.s32 $0xFFFFE000  }
0x1f1: {  	[tilespmem:s10], [sflag:$0x3] =	stream.indirect.gather [hbm4b:s22+s6], $0x80, s25, s6, $0xb8;
	[tilespmem:$0x1E400] =	vst v63  }
0x1f2: {  	_ =	swait.ge [sflag:s16], $0x2000  }
0x1f3: {  	[sflag:s16] =	ssyncset.done $0x0  }
.Ltmp4:
0x1f4: {  	s25 =	sadd.s32 $0x1580, s24;
	[sflag:s16] =	ssyncadd.s32 $0xFFFFE000;
	(pc) =	sbr.rel @p0 .LBB2_10-.Ltmp4, $4  }
0x1f5: {  	[spmem:s19] =	stream.indirect.scatter.add.f32 [tilespmem:s12], [sflag:$0x5], $0x80, s25, s6, $0xb8;
	[tilespmem:$0x1E400] =	vst v63  }
0x1f6: {  	_ =	swait.ge [sflag:s4], $0x2000  }
0x1f7: {  	[sflag:s4] =	ssyncset.done $0x0  }
0x1f8: {  	s24 =	sadd.s32 $0x380, s24;
	[sflag:s4] =	ssyncadd.s32 $0xFFFFE000  }
0x1f9: {  	[tilespmem:s12], [sflag:$0x4] =	stream.indirect.gather [hbm4b:s22+s6], $0x80, s24, s6, $0xb8;
	[tilespmem:$0x1E400] =	vst v63  }
0x1fa: {  	_ =	swait.ge [sflag:s13], $0x2000  }
0x1fb: {  	[sflag:s13] =	ssyncset.done $0x0  }
0x1fc: {  	[sflag:s13] =	ssyncadd.s32 $0xFFFFE000  }
0x1fd: {  	[spmem:s19] =	stream.indirect.scatter.add.f32 [tilespmem:s3], [sflag:$0x5], $0x80, s17, s6, $0xb8;
	[tilespmem:$0x1E400] =	vst v63  }
0x1fe: {  	_ =	swait.ge [sflag:s4], $0x2000  }
0x1ff: {  	[sflag:s4] =	ssyncset.done $0x0  }
0x200: {  	[sflag:s4] =	ssyncadd.s32 $0xFFFFE000  }
0x201: {  	_ =	swait.ge [sflag:s14], $0x2000  }
0x202: {  	[sflag:s14] =	ssyncset.done $0x0  }
0x203: {  	[sflag:s14] =	ssyncadd.s32 $0xFFFFE000  }
0x204: {  	[spmem:s19] =	stream.indirect.scatter.add.f32 [tilespmem:s8], [sflag:$0x5], $0x80, s20, s6, $0xb8;
	[tilespmem:$0x1E400] =	vst v63  }
0x205: {  	_ =	swait.ge [sflag:s4], $0x2000  }
0x206: {  	[sflag:s4] =	ssyncset.done $0x0  }
0x207: {  	[sflag:s4] =	ssyncadd.s32 $0xFFFFE000  }
0x208: {  	_ =	swait.ge [sflag:s15], $0x2000  }
0x209: {  	[sflag:s15] =	ssyncset.done $0x0  }
0x20a: {  	[sflag:s15] =	ssyncadd.s32 $0xFFFFE000  }
0x20b: {  	[spmem:s19] =	stream.indirect.scatter.add.f32 [tilespmem:s10], [sflag:$0x5], $0x80, s21, s6, $0xb8;
	[tilespmem:$0x1E400] =	vst v63  }
0x20c: {  	_ =	swait.ge [sflag:s4], $0x2000  }
0x20d: {  	[sflag:s4] =	ssyncset.done $0x0  }
0x20e: {  	[sflag:s4] =	ssyncadd.s32 $0xFFFFE000  }
0x20f: {  	_ =	swait.ge [sflag:s16], $0x2000  }
0x210: {  	[sflag:s16] =	ssyncset.done $0x0  }
0x211: {  	[sflag:s16] =	ssyncadd.s32 $0xFFFFE000  }
0x212: {  	[spmem:s19] =	stream.indirect.scatter.add.f32 [tilespmem:s12], [sflag:$0x5], $0x80, s2, s6, $0xb8;
	[tilespmem:$0x1E400] =	vst v63  }
0x213: {  	_ =	swait.ge [sflag:s4], $0x2000  }
0x214: {  	[sflag:s4] =	ssyncset.done $0x0  }
0x215: {  	[sflag:s4] =	ssyncadd.s32 $0xFFFFE000  }
0x216: {  	s23 =	stileid.u32;
	[bflag:$0x0] =	sbarrier.arrive $0xFFFF  }
0x217: {  	s23 =	sshll.u32 s23, $0x6;
	s25 =	rddreg [dreg:$0x16]  }
0x218: {  	s23 =	sor.u32 $0x1C05, s23;
	s24 =	sshrl.u32 s25, $0x3;
	s25 =	rddreg [dreg:$0xc]  }
0x219: {  	[hbm:s25], [sflag:s23] =	dma.local [spmem:s24], $0x400  }
0x21a: {  	_ =	swait.ge [sflag:s4], $0x400  }
0x21b: {  	[sflag:s4] =	ssyncset.done $0x0;
	s25 =	rddreg [dreg:$0x17]  }
0x21c: {  	[sflag:s4] =	ssyncadd.s32 $0xFFFFFC00;
	s24 =	sshrl.u32 s25, $0x3;
	s25 =	rddreg [dreg:$0xd]  }
0x21d: {  	[hbm:s25], [sflag:s23] =	dma.local [spmem:s24], $0x400  }
0x21e: {  	_ =	swait.ge [sflag:s4], $0x400  }
0x21f: {  	[sflag:s4] =	ssyncset.done $0x0;
	s25 =	rddreg [dreg:$0x18]  }
0x220: {  	[sflag:s4] =	ssyncadd.s32 $0xFFFFFC00;
	s24 =	sshrl.u32 s25, $0x3;
	s25 =	rddreg [dreg:$0xe]  }
0x221: {  	[hbm:s25], [sflag:s23] =	dma.local [spmem:s24], $0x400  }
0x222: {  	_ =	swait.ge [sflag:s4], $0x400  }
0x223: {  	[sflag:s4] =	ssyncset.done $0x0  }
0x224: {  	s24 =	sshrl.u32 s26, $0x3;
	s25 =	rddreg [dreg:$0xf];
	[sflag:s4] =	ssyncadd.s32 $0xFFFFFC00  }
0x225: {  	[hbm:s25], [sflag:s23] =	dma.local [spmem:s24], $0x400  }
0x226: {  	_ =	swait.ge [sflag:s4], $0x400  }
0x227: {  	[sflag:s4] =	ssyncset.done $0x0  }
0x228: {  	s24 =	sshrl.u32 s28, $0x3;
	s25 =	rddreg [dreg:$0x10];
	[sflag:s4] =	ssyncadd.s32 $0xFFFFFC00  }
0x229: {  	[hbm:s25], [sflag:s23] =	dma.local [spmem:s24], $0x400  }
0x22a: {  	_ =	swait.ge [sflag:s4], $0x400  }
0x22b: {  	[sflag:s4] =	ssyncset.done $0x0  }
0x22c: {  	s24 =	sshrl.u32 s29, $0x3;
	s25 =	rddreg [dreg:$0x11];
	[sflag:s4] =	ssyncadd.s32 $0xFFFFFC00  }
0x22d: {  	[hbm:s25], [sflag:s23] =	dma.local [spmem:s24], $0x400  }
0x22e: {  	_ =	swait.ge [sflag:s4], $0x400  }
0x22f: {  	[sflag:s4] =	ssyncset.done $0x0  }
0x230: {  	s24 =	sshrl.u32 s30, $0x3;
	s25 =	rddreg [dreg:$0x12];
	[sflag:s4] =	ssyncadd.s32 $0xFFFFFC00  }
0x231: {  	[hbm:s25], [sflag:s23] =	dma.local [spmem:s24], $0x400  }
0x232: {  	_ =	swait.ge [sflag:s4], $0x400  }
0x233: {  	[sflag:s4] =	ssyncset.done $0x0  }
0x234: {  	s24 =	sshrl.u32 s31, $0x3;
	s25 =	rddreg [dreg:$0x13];
	[sflag:s4] =	ssyncadd.s32 $0xFFFFFC00  }
0x235: {  	[hbm:s25], [sflag:s23] =	dma.local [spmem:s24], $0x400  }
0x236: {  	_ =	swait.ge [sflag:s4], $0x400  }
0x237: {  	[sflag:s4] =	ssyncset.done $0x0  }
0x238: {  	s24 =	sshrl.u32 s18, $0x3;
	s25 =	rddreg [dreg:$0x14];
	[sflag:s4] =	ssyncadd.s32 $0xFFFFFC00  }
0x239: {  	[hbm:s25], [sflag:s23] =	dma.local [spmem:s24], $0x400  }
0x23a: {  	_ =	swait.ge [sflag:s4], $0x400  }
0x23b: {  	[sflag:s4] =	ssyncset.done $0x0  }
0x23c: {  	s24 =	sshrl.u32 s0, $0x3;
	s25 =	rddreg [dreg:$0x15];
	[sflag:s4] =	ssyncadd.s32 $0xFFFFFC00  }
0x23d: {  	[hbm:s25], [sflag:s23] =	dma.local [spmem:s24], $0x380  }
0x23e: {  	_ =	swait.ge [sflag:s4], $0x380  }
0x23f: {  	s1 =	sadd.s32 $0x1, s1;
	s25 =	rddreg [dreg:$0x19]  }
0x240: {  	p0 =	sne.s32 s1, s25  }
.Ltmp5:
0x241: {  	_ = 	snop;
	(pc) =	sbr.rel @p0 .LBB2_1-.Ltmp5, $3  }
0x242: {  	_ =	sdelay $0x1  }
0x243: {  	[sflag:s4] =	ssyncset.done $0x0  }
0x244: {  	[sflag:s4] =	ssyncadd.s32 $0xFFFFFC80  }
0x245: {  	_ =	sfence.sel $0x180000  }
0x246: {  	[bflag:$0x0] =	sbarrier.arrive $0xFFFF  }
0x247: {  	_ =	strace $0x9000004A  }
0x248: {  	s0 =	stileid.u32;
	[bflag:$0x2] =	sbarrier.arrive $0xFFFF  }
0x249: {  	p0 =	sne.s32 s0, $0x0;
	s0 =	rddreg [dreg:$0x3]  }
0x24a: {  	s0 =	sadd.s32 @!p0 $0x100000, s0  }
0x24b: {  	[sflag:s0] =	ssyncadd.tile.s32 @!p0 $0x1;
	_ =	shalt  }
.Lfunc_end2:
_tile_overlayer_lowered:
.L_overlay_start_2:
0x24c: {  	(tag) =	ssettag $0x2  }
0x24d: {  	s0 =	rddreg [dreg:$0x0];
	s2 =	stileid.u32  }
0x24e: {  	s1 =	rddreg [dreg:$0x1];
	p0 =	sne.s32 s2, $0x0  }
0x24f: {  	s3 =	rddreg [dreg:$0x2];
	[bflag:$0x3] =	sbarrier.arrive $0xFFFF;
	s2 =	simm.s32 @!p0 $0x1C05  }
0x250: {  	[timem:s3], [sflag:s2] =	dma.local @!p0 [hbm:s0], s1  }
0x251: {  	s0 =	simm.s32 @!p0 $0x5  }
0x252: {  	_ =	swait.ge @!p0 [sflag:s0], s1  }
0x253: {  	s1 =	ssub.s32 @!p0 $0x0, s1;
	[sflag:s0] =	ssyncset.done @!p0 $0x0  }
0x254: {  	[sflag:s0] =	ssyncadd.s32 @!p0 s1  }
0x255: {  	[bflag:$0x3] =	sbarrier.arrive $0xFFFF  }
0x256: {  	_ =	shalt  }

// kernel: kernel.14.cloned.1.call-start
scs
__scs_entry_jumppad:
0x0: {  	(pc) =	sbr.rel $0x88, $3  }
0x1: {  	(tag) =	ssettag $0x0;
	lr =	simm.s32 $0x1  }
0x2: {  	[smem:$0x3F9B] =	sst lr;
	_ =	strace $0xD0000000  }
0x3: {  	_ = 	snop  }
0x4: {  	_ = 	snop  }
0x5: {  	_ = 	snop  }
0x6: {  	_ = 	snop  }
0x7: {  	_ = 	snop  }
__scs_overlays_trampoline_lowered:
0x8: {  	[smem:$0x3FAA] =	sst s0  }
0x9: {  	[smem:$0x3FAB] =	sst s1  }
0xa: {  	[smem:$0x3FAC] =	sst s2  }
0xb: {  	[smem:$0x3FAD] =	sst s3  }
0xc: {  	[smem:$0x3FAE] =	sst s4  }
0xd: {  	[smem:$0x3FAF] =	sst s5  }
0xe: {  	[smem:$0x3FB0] =	sst s6  }
0xf: {  	[smem:$0x3FB1] =	sst s7  }
0x10: {  	[smem:$0x3FB2] =	sst s8  }
0x11: {  	[smem:$0x3FB3] =	sst s9;
	s0 =	simm.s32 @!p0 $0x0  }
0x12: {  	s1 =	sld [smem:$0x3F99];
	s0 =	simm.s32 @p0 $0x1  }
0x13: {  	[smem:$0x3FB4] =	sst s0;
	s0 =	simm.s32 @!p1 $0x0  }
0x14: {  	s2 =	sld [smem:$0x3F98];
	s0 =	simm.s32 @p1 $0x1  }
0x15: {  	[smem:$0x3FB5] =	sst s0;
	s0 =	simm.s32 @!p2 $0x0  }
0x16: {  	s3 =	sld [smem:$0x3FDB];
	s0 =	simm.s32 @p2 $0x1  }
0x17: {  	s4 =	simm.s32 $0x1BF5;
	[smem:$0x3FB7] =	sst s0  }
0x18: {  	s0 =	sld [smem:$0x3F9A];
	_ =	swait.ge [sflag:s4], $0x0  }
0x19: {  	s7 =	sld [smem:$0x3F9B]  }
0x1a: {  	s8 =	sadd.s32 $0xFFFFE003, lr  }
0x1b: {  	s9 =	sadd.s32 $0xFFFFFEF7, lr;
	s5 =	simm.s32 $0xFFFFFFFF;
	p2 =	slt.u32 s8, $0xFFFFF086  }
0x1c: {  	p1 =	slt.u32 s9, $0xF7A;
	s5 =	simm.s32 @!p2 $0x0  }
0x1d: {  	s5 =	simm.s32 @p1 $0x1;
	p0 =	seq.s32 s7, s2  }
0x1e: {  	s7 =	smul.u32 @!p0 $0xF7A, s2;
	p2 =	seq.s32 @!p0 s5, $0x0  }
0x1f: {  	s9 =	smul.u32 $0xF7A, s1;
	s8 =	simm.s32 @!p0 $0x1BF5;
	p2 =	por !p2, p0  }
0x20: {  	[sflag:s8] =	ssyncset.s32 @!p0 $0xFFFFF086;
	s6 =	sadd.s32 @!p0 s3, s7;
	s7 =	simm.s32 @!p0 $0x108  }
0x21: {  	s3 =	sadd.s32 s3, s9;
	s6 =	sadd.s32 @!p0 $0x88, s6;
	s7 =	simm.s32 @p2 $0x1082  }
0x22: {  	[simem:s7], [sflag:s8] =	dma.local @!p0 [hbm:s6], $0xF7A  }
0x23: {  	s9 =	sor.u32 $0xD0000000, s2;
	s6 =	simm.s32 $0x108;
	_ =	swait.ge @!p0 [sflag:s8], $0x0  }
0x24: {  	s3 =	sadd.s32 $0x88, s3;
	s6 =	simm.s32 @!p1 $0x1082;
	[sflag:s4] =	ssyncset.s32 $0xFFFFF086  }
0x25: {  	[simem:s6], [sflag:s4] =	dma.local [hbm:s3], $0xF7A  }
0x26: {  	[smem:$0x3F9B] =	sst s1;
	(tag) =	ssettag s2;
	_ =	strace s9  }
0x27: {  	s1 =	sld [smem:$0x3FAB]  }
0x28: {  	s2 =	sld [smem:$0x3FAC]  }
0x29: {  	s4 =	sld [smem:$0x3FAE]  }
0x2a: {  	p0 =	seq.s32 s5, $0x0;
	s5 =	sld [smem:$0x3FAF]  }
0x2b: {  	s6 =	sld [smem:$0x3FB0]  }
0x2c: {  	s7 =	sld [smem:$0x3FB1]  }
0x2d: {  	s3 =	simm.s32 $0x108;
	s8 =	sld [smem:$0x3FB2]  }
0x2e: {  	s3 =	simm.s32 @!p0 $0x1082;
	s9 =	sld [smem:$0x3FB3]  }
0x2f: {  	lr =	sadd.s32 s0, s3;
	s0 =	sld [smem:$0x3FAA]  }
0x30: {  	s3 =	sld [smem:$0x3FAD]  }
0x31: {  	[smem:$0x3FB6] =	sst s10  }
0x32: {  	s10 =	sld [smem:$0x3FB4];
	_ =	sdelay $0x3  }
0x33: {  	p0 =	seq.s32 s10, $0x1;
	s10 =	sld [smem:$0x3FB6];
	_ =	sdelay $0x3  }
0x34: {  	[smem:$0x3FB6] =	sst s10  }
0x35: {  	s10 =	sld [smem:$0x3FB5];
	_ =	sdelay $0x3  }
0x36: {  	p1 =	seq.s32 s10, $0x1;
	s10 =	sld [smem:$0x3FB6];
	_ =	sdelay $0x3  }
0x37: {  	[smem:$0x3FB6] =	sst s10  }
0x38: {  	s10 =	sld [smem:$0x3FB7]  }
0x39: {  	_ = 	snop;
	(pc) =	sbr.ind lr, $3  }
0x3a: {  	_ = 	snop  }
0x3b: {  	_ = 	snop  }
0x3c: {  	p2 =	seq.s32 s10, $0x1;
	s10 =	sld [smem:$0x3FB6]  }
0x3d: {  	_ =	shalt  }
0x3e: {  	_ =	shalt  }
0x3f: {  	_ =	shalt  }
0x40: {  	_ =	shalt  }
0x41: {  	_ =	shalt  }
0x42: {  	_ =	shalt  }
0x43: {  	_ =	shalt  }
0x44: {  	_ =	shalt  }
0x45: {  	_ =	shalt  }
0x46: {  	_ =	shalt  }
0x47: {  	_ =	shalt  }
0x48: {  	_ =	shalt  }
0x49: {  	_ =	shalt  }
0x4a: {  	_ =	shalt  }
0x4b: {  	_ =	shalt  }
0x4c: {  	_ =	shalt  }
0x4d: {  	_ =	shalt  }
0x4e: {  	_ =	shalt  }
0x4f: {  	_ =	shalt  }
0x50: {  	_ =	shalt  }
0x51: {  	_ =	shalt  }
0x52: {  	_ =	shalt  }
0x53: {  	_ =	shalt  }
0x54: {  	_ =	shalt  }
0x55: {  	_ =	shalt  }
0x56: {  	_ =	shalt  }
0x57: {  	_ =	shalt  }
0x58: {  	_ =	shalt  }
0x59: {  	_ =	shalt  }
0x5a: {  	_ =	shalt  }
0x5b: {  	_ =	shalt  }
0x5c: {  	_ =	shalt  }
0x5d: {  	_ =	shalt  }
0x5e: {  	_ =	shalt  }
0x5f: {  	_ =	shalt  }
0x60: {  	_ =	shalt  }
0x61: {  	_ =	shalt  }
0x62: {  	_ =	shalt  }
0x63: {  	_ =	shalt  }
0x64: {  	_ =	shalt  }
0x65: {  	_ =	shalt  }
0x66: {  	_ =	shalt  }
0x67: {  	_ =	shalt  }
0x68: {  	_ =	shalt  }
0x69: {  	_ =	shalt  }
0x6a: {  	_ =	shalt  }
0x6b: {  	_ =	shalt  }
0x6c: {  	_ =	shalt  }
0x6d: {  	_ =	shalt  }
0x6e: {  	_ =	shalt  }
0x6f: {  	_ =	shalt  }
0x70: {  	_ =	shalt  }
0x71: {  	_ =	shalt  }
0x72: {  	_ =	shalt  }
0x73: {  	_ =	shalt  }
0x74: {  	_ =	shalt  }
0x75: {  	_ =	shalt  }
0x76: {  	_ =	shalt  }
0x77: {  	_ =	shalt  }
0x78: {  	_ =	shalt  }
0x79: {  	_ =	shalt  }
0x7a: {  	_ =	shalt  }
0x7b: {  	_ =	shalt  }
0x7c: {  	_ =	shalt  }
0x7d: {  	_ =	shalt  }
0x7e: {  	_ =	shalt  }
0x7f: {  	_ =	shalt  }
0x80: {  	_ =	shalt  }
0x81: {  	_ =	shalt  }
0x82: {  	_ =	shalt  }
0x83: {  	_ =	shalt  }
0x84: {  	_ =	shalt  }
0x85: {  	_ =	shalt  }
0x86: {  	_ =	shalt  }
0x87: {  	_ =	shalt  }
.Lfunc_end0:
.L_simem_size_0:
called_computation.2_lowered:
.L_overlay_start_0:
0x88: {  	s2 =	sld [smem:$0x3FD9]  }
0x89: {  	s3 =	sld [smem:$0x3FFE];
	_ =	sdelay $0x1  }
0x8a: {  	s1 =	srdreg.scid  }
0x8b: {  	s0 =	sand.u32 $0x1, s1  }
0x8c: {  	s17 =	sshll.u32 s0, $0xA;
	s2 =	sadd.s32 s3, s2  }
0x8d: {  	s2 =	sadd.s32 s2, s17  }
0x8e: {  	[smem:$0x3FC2] =	sst s2  }
0x8f: {  	_ = 	snop  }
0x90: {  	s2 =	sld [smem:$0x3FD0];
	(tm) =	ssettm $0x1  }
0x91: {  	s18 =	sld [smem:$0x3FFB];
	_ =	sdelay $0x3  }
0x92: {  	_ =	strace s18  }
0x93: {  	s3 =	sld [smem:$0x3FFC];
	_ =	sdelay $0x3  }
0x94: {  	_ =	strace s3  }
0x95: {  	s3 =	sld [smem:$0x3FFD];
	_ =	sdelay $0x3  }
0x96: {  	_ =	strace s3  }
0x97: {  	_ =	strace $0x8FFFFFFF  }
0x98: {  	s19 =	sld [smem:$0x3FDB];
	_ =	sdelay $0x1  }
0x99: {  	s4 =	simm.s32 $_scs_section_size  }
0x9a: {  	s5 =	simm.s32 $_size__tile_overlayer_lowered;
	s6 =	simm.s32 $_tile_overlayer_lowered  }
0x9b: {  	s22 =	simm.s32 $0x1BFF;
	s21 =	sshll.u32 s6, $0x1;
	s3 =	sadd.s32 s4, s19  }
0x9c: {  	s7 =	simm.s32 $0x0;
	s20 =	sshll.u32 s5, $0x1;
	s5 =	sadd.s32 s21, s3  }
0x9d: {  	[timem:s7], [sflag:s22] =	dma.local [hbm:s5], s20  }
0x9e: {  	_ =	swait.ge [sflag:s22], s20  }
0x9f: {  	s4 =	ssub.s32 $0x0, s20;
	[sflag:s22] =	ssyncset.done $0x0  }
0xa0: {  	[sflag:s22] =	ssyncadd.s32 s4;
	_ =	sdelay $0x1  }
0xa1: {  	s23 =	simm.s32 $0x1B8B  }
0xa2: {  	_ =	swait.ge [sflag:s23], $0x1  }
0xa3: {  	[sflag:s23] =	ssyncset.done $0x0  }
0xa4: {  	s25 =	simm.s32 $0x1B8E;
	s24 =	sld [smem:$0x3FFE];
	[sflag:s23] =	ssyncadd.s32 $0xFFFFFFFF  }
0xa5: {  	s26 =	simm.s32 $execute0_lowered;
	[smem:$0x3FD2] =	sst s25  }
0xa6: {  	s5 =	sshll.u32 s26, $0x1;
	_ =	strace $0x8000004C;
	[dreg:$0x1] =	wrdreg $0xFFFFFFFF  }
0xa7: {  	s28 =	simm.s32 $_size_execute0_lowered;
	s3 =	sadd.s32 s3, s5;
	[dreg:$0x0] =	wrdreg $0x0  }
0xa8: {  	s5 =	sshll.u32 s28, $0x1;
	[dreg:$0x2] =	wrdreg s3  }
0xa9: {  	[dreg:$0x3] =	wrdreg s5  }
0xaa: {  	[dreg:$0x4] =	wrdreg $0xC0  }
0xab: {  	_ =	task [dreg:s7], $0x5FFFF  }
0xac: {  	[dreg:$0x1] =	wrdreg $0xFFFFFFFF  }
0xad: {  	[dreg:$0x0] =	wrdreg $0x60  }
0xae: {  	[dreg:$0x2] =	wrdreg s24  }
0xaf: {  	[dreg:$0x3] =	wrdreg s2  }
0xb0: {  	[dreg:$0x4] =	wrdreg $0xA8000  }
0xb1: {  	[dreg:$0x5] =	wrdreg $0x9  }
0xb2: {  	_ =	task.clear_ibuf [dreg:s7], $0x6FFFF;
	_ =	strace $0x9000004C  }
0xb3: {  	s29 =	simm.s32 $0x9;
	_ =	strace $0x8000004E  }
0xb4: {  	_ =	swait.ge [sflag:s29], $0x1  }
0xb5: {  	[sflag:s29] =	ssyncadd.s32 $0xFFFFFFFF  }
0xb6: {  	_ =	strace $0x9000004E  }
0xb7: {  	_ =	sfence  }
0xb8: {  	s30 =	sld [smem:$0x0];
	_ =	sdelay $0x2  }
0xb9: {  	s31 =	sshll.u32 s1, $0xD;
	s1 =	sshrl.u32 s1, $0x2  }
0xba: {  	s3 =	sand.u32 $0x4000, s31;
	s1 =	sadd.s32 s1, s30  }
0xbb: {  	s0 =	sor.u32 s3, s0;
	s1 =	sshll.u32 s1, $0x11  }
0xbc: {  	s0 =	sor.u32 s1, s0  }
0xbd: {  	s0 =	sadd.s32 $0x8F2B, s0  }
0xbe: {  	[sflag:s0] =	ssyncadd.remote.s32 $0x1  }
0xbf: {  	_ =	sfence.sel $0xFFFF  }
0xc0: {  	[dreg:$0x0] =	wrdreg $0xFFFFFFFF;
	(pc) =	sbr.abs _section_cstart, $3  }
0xc1: {  	[dreg:$0x1] =	wrdreg $0xFFFFFFFF  }
0xc2: {  	_ =	task.clear_ibuf [dreg:s7], $0x2FFFF;
	_ =	strace $0x9FFFFFFF  }
0xc3: {  	(tm) =	ssettm $0x7FFFFFFF  }
tec
execute0_lowered:
.L_overlay_start_1:
0x0: {  	(tag) =	ssettag $0x1  }
0x1: {  	s0 =	rddreg [dreg:$0x0];
	s2 =	srdreg.scid  }
0x2: {  	s3 =	rddreg [dreg:$0x1];
	s1 =	simm.s32 $0x0;
	s21 =	stileid.u32  }
0x3: {  	s4 =	sand.u32 $0x1, s2;
	[smem:$0x7FF] =	sst s1;
	s5 =	sadd.s32 $0xC400, s0  }
0x4: {  	s7 =	smul.u32 $0x13C00, s21;
	s8 =	sadd.s32 $0x48400, s0;
	s2 =	ssub.s32 $0x2, s4  }
0x5: {  	s20 =	sshll.u32 s4, $0x4;
	s4 =	smul.u32 $0x140000, s4;
	s6 =	sshrl.u32 s2, $0x1  }
0x6: {  	s9 =	sadd.s32 $0x2000, s7;
	s2 =	ssub.s32 s2, s6;
	s6 =	sor.u32 s21, s20  }
0x7: {  	s10 =	sadd.s32 $0x4000, s7;
	s11 =	sadd.s32 $0x6000, s7;
	s13 =	smul.u32 $0x5000, s6  }
0x8: {  	s12 =	sadd.s32 $0x8000, s7;
	s14 =	sadd.s32 $0xA000, s7;
	s6 =	smul.u32 $0xA00, s6  }
0x9: {  	s15 =	sadd.s32 $0xC000, s7;
	s16 =	sadd.s32 $0xE000, s7;
	s17 =	sadd.s32 $0x10000, s7  }
0xa: {  	s20 =	sadd.s32 $0x12000, s7;
	s13 =	sshrl.u32 s13, $0x3;
	s18 =	sadd.s32 s5, s6  }
0xb: {  	s6 =	sadd.s32 s3, s6;
	[dreg:$0x4] =	wrdreg s18;
	s22 =	sadd.s32 $0x280, s13  }
0xc: {  	s21 =	smul.u32 $0x4F000, s21;
	[dreg:$0x5] =	wrdreg s6;
	s23 =	sadd.s32 s5, s22  }
0xd: {  	s25 =	sadd.s32 $0x500, s13;
	s24 =	sadd.s32 s3, s22;
	[dreg:$0x6] =	wrdreg s23  }
0xe: {  	s2 =	smax.u32 s2, $0x1;
	s26 =	sadd.s32 s5, s25;
	[dreg:$0x7] =	wrdreg s24  }
0xf: {  	s13 =	sadd.s32 $0x780, s13;
	s6 =	sadd.s32 s3, s25;
	[dreg:$0x8] =	wrdreg s26  }
0x10: {  	s5 =	sadd.s32 s5, s13;
	s3 =	sadd.s32 s3, s13;
	[dreg:$0x9] =	wrdreg s6  }
0x11: {  	s13 =	sadd.s32 s4, s10;
	s22 =	sadd.s32 s4, s11;
	[dreg:$0xa] =	wrdreg s5  }
0x12: {  	[dreg:$0xb] =	wrdreg s3;
	s6 =	sadd.s32 s7, s4;
	s7 =	sadd.s32 s4, s9  }
0x13: {  	s19 =	sshrl.u32 s13, $0x3;
	s23 =	sadd.s32 s4, s12;
	s24 =	sadd.s32 s4, s14  }
0x14: {  	s3 =	sshrl.u32 s6, $0x3;
	s5 =	sshrl.u32 s7, $0x3;
	s26 =	sshrl.u32 s24, $0x3  }
0x15: {  	s6 =	sadd.s32 s4, s16;
	s7 =	sadd.s32 s4, s17;
	s3 =	sadd.s32 s8, s3  }
0x16: {  	s18 =	sadd.s32 s8, s5;
	s5 =	sshrl.u32 s23, $0x3;
	[dreg:$0xc] =	wrdreg s3  }
0x17: {  	s23 =	sshrl.u32 s21, $0x2;
	s21 =	simm.s32 $0x2700;
	[dreg:$0xd] =	wrdreg s18  }
0x18: {  	s3 =	sadd.s32 s8, s19;
	s25 =	sadd.s32 s8, s5;
	s5 =	sadd.s32 s4, s15  }
0x19: {  	s18 =	sshrl.u32 s7, $0x3;
	s4 =	sadd.s32 s4, s20;
	s19 =	rddreg [dreg:$0x2]  }
0x1a: {  	s7 =	simm.s32 $0x80;
	[dreg:$0xe] =	wrdreg s3;
	s3 =	sshrl.u32 s22, $0x3  }
0x1b: {  	[dreg:$0x10] =	wrdreg s25;
	s22 =	sshrl.u32 s4, $0x3;
	s24 =	sadd.s32 s23, s19  }
0x1c: {  	s25 =	sadd.s32 s9, s19;
	s28 =	sadd.s32 s12, s19;
	s29 =	sadd.s32 s14, s19  }
0x1d: {  	s30 =	sadd.s32 s15, s19;
	s31 =	sadd.s32 s16, s19;
	s4 =	simm.s32 $0x5  }
0x1e: {  	s9 =	simm.s32 $0x100;
	s12 =	simm.s32 $0x8800;
	s14 =	simm.s32 $0x2  }
0x1f: {  	s15 =	simm.s32 $0x3;
	s16 =	simm.s32 $0x4;
	s3 =	sadd.s32 s8, s3  }
0x20: {  	[dreg:$0xf] =	wrdreg s3;
	s3 =	sadd.s32 s8, s26;
	s26 =	sadd.s32 s10, s19  }
0x21: {  	s10 =	simm.s32 $0x6800;
	[dreg:$0x11] =	wrdreg s3;
	s3 =	sshrl.u32 s5, $0x3  }
0x22: {  	s5 =	sshrl.u32 s6, $0x3;
	s6 =	simm.s32 $0x40;
	s3 =	sadd.s32 s8, s3  }
0x23: {  	s13 =	sadd.s32 s8, s5;
	s5 =	simm.s32 $0x1400;
	[dreg:$0x12] =	wrdreg s3  }
0x24: {  	[dreg:$0x13] =	wrdreg s13;
	s3 =	sadd.s32 s8, s18;
	s18 =	sadd.s32 s17, s19  }
0x25: {  	s13 =	simm.s32 $0x1;
	[dreg:$0x14] =	wrdreg s3;
	s3 =	sadd.s32 s8, s22  }
0x26: {  	s17 =	simm.s32 $0x2600;
	s22 =	sadd.s32 $0x20400, s0;
	[dreg:$0x15] =	wrdreg s3  }
0x27: {  	s0 =	sadd.s32 s20, s19;
	_ =	strace $0x8000004D;
	[dreg:$0x16] =	wrdreg s24  }
0x28: {  	s8 =	simm.s32 $0x4800;
	s20 =	simm.s32 $0x2680;
	[dreg:$0x17] =	wrdreg s25  }
0x29: {  	s3 =	simm.s32 $0x2800;
	[dreg:$0x18] =	wrdreg s26;
	s26 =	sadd.s32 s11, s19  }
0x2a: {  	v0 =	vimm.f32 $0.0e+00;
	[dreg:$0x19] =	wrdreg s2;
	s11 =	simm.s32 $0x180;
	s2 =	simm.s32 $0x2780  }
.LBB2_1:
0x2b: {  	s23 =	simm.s32 $0x0;
	s24 =	simm.s32 $0x200  }
.LBB2_2:
0x2c: {  	p0 =	sne.s32 s24, $0x7E00;
	[tilespmem:s23+$0x2870] =	vst v0  }
0x2d: {  	[tilespmem:s23+$0x2800] =	vst v0  }
0x2e: {  	[tilespmem:s23+$0x2810] =	vst v0  }
.Ltmp0:
0x2f: {  	[tilespmem:s23+$0x2820] =	vst v0;
	(pc) =	sbr.rel @p0 .LBB2_2-.Ltmp0, $4  }
0x30: {  	[tilespmem:s23+$0x2830] =	vst v0  }
0x31: {  	[tilespmem:s23+$0x2840] =	vst v0  }
0x32: {  	[tilespmem:s23+$0x2850] =	vst v0  }
0x33: {  	[tilespmem:s23+$0x2860] =	vst v0;
	s23 =	sshra.s32 s24, $0x2;
	s24 =	sadd.s32 $0x200, s24  }
0x34: {  	[tilespmem:s23+$0x2870] =	vst v0  }
0x35: {  	[tilespmem:s23+$0x2800] =	vst v0  }
0x36: {  	[tilespmem:s23+$0x2810] =	vst v0  }
0x37: {  	[tilespmem:s23+$0x2820] =	vst v0  }
0x38: {  	[tilespmem:s23+$0x2830] =	vst v0  }
0x39: {  	[tilespmem:s23+$0x2840] =	vst v0  }
0x3a: {  	[tilespmem:s23+$0x2850] =	vst v0  }
0x3b: {  	[tilespmem:s23+$0x2860] =	vst v0;
	s24 =	rddreg [dreg:$0x16]  }
0x3c: {  	[spmem:s24] =	stream.linear.scatter [tilespmem:s3], [sflag:$0x5], $0x2000, $0x38;
	[tilespmem:$0x1E400] =	vst v63  }
0x3d: {  	_ =	swait.ge [sflag:s4], $0x2000  }
0x3e: {  	[sflag:s4] =	ssyncset.done $0x0  }
0x3f: {  	s25 =	rddreg [dreg:$0x17];
	[sflag:s4] =	ssyncadd.s32 $0xFFFFE000  }
0x40: {  	[spmem:s25] =	stream.linear.scatter [tilespmem:s3], [sflag:$0x5], $0x2000, $0x38;
	[tilespmem:$0x1E400] =	vst v63  }
0x41: {  	_ =	swait.ge [sflag:s4], $0x2000  }
0x42: {  	[sflag:s4] =	ssyncset.done $0x0  }
0x43: {  	s24 =	rddreg [dreg:$0x18];
	[sflag:s4] =	ssyncadd.s32 $0xFFFFE000  }
0x44: {  	[spmem:s24] =	stream.linear.scatter [tilespmem:s3], [sflag:$0x5], $0x2000, $0x38;
	[tilespmem:$0x1E400] =	vst v63  }
0x45: {  	_ =	swait.ge [sflag:s4], $0x2000  }
0x46: {  	[sflag:s4] =	ssyncset.done $0x0  }
0x47: {  	[sflag:s4] =	ssyncadd.s32 $0xFFFFE000  }
0x48: {  	[spmem:s26] =	stream.linear.scatter [tilespmem:s3], [sflag:$0x5], $0x2000, $0x38;
	[tilespmem:$0x1E400] =	vst v63  }
0x49: {  	_ =	swait.ge [sflag:s4], $0x2000  }
0x4a: {  	[sflag:s4] =	ssyncset.done $0x0  }
0x4b: {  	[sflag:s4] =	ssyncadd.s32 $0xFFFFE000  }
0x4c: {  	[spmem:s28] =	stream.linear.scatter [tilespmem:s3], [sflag:$0x5], $0x2000, $0x38;
	[tilespmem:$0x1E400] =	vst v63  }
0x4d: {  	_ =	swait.ge [sflag:s4], $0x2000  }
0x4e: {  	[sflag:s4] =	ssyncset.done $0x0  }
0x4f: {  	[sflag:s4] =	ssyncadd.s32 $0xFFFFE000  }
0x50: {  	[spmem:s29] =	stream.linear.scatter [tilespmem:s3], [sflag:$0x5], $0x2000, $0x38;
	[tilespmem:$0x1E400] =	vst v63  }
0x51: {  	_ =	swait.ge [sflag:s4], $0x2000  }
0x52: {  	[sflag:s4] =	ssyncset.done $0x0  }
0x53: {  	[sflag:s4] =	ssyncadd.s32 $0xFFFFE000  }
0x54: {  	[spmem:s30] =	stream.linear.scatter [tilespmem:s3], [sflag:$0x5], $0x2000, $0x38;
	[tilespmem:$0x1E400] =	vst v63  }
0x55: {  	_ =	swait.ge [sflag:s4], $0x2000  }
0x56: {  	[sflag:s4] =	ssyncset.done $0x0  }
0x57: {  	[sflag:s4] =	ssyncadd.s32 $0xFFFFE000  }
0x58: {  	[spmem:s31] =	stream.linear.scatter [tilespmem:s3], [sflag:$0x5], $0x2000, $0x38;
	[tilespmem:$0x1E400] =	vst v63  }
0x59: {  	_ =	swait.ge [sflag:s4], $0x2000  }
0x5a: {  	[sflag:s4] =	ssyncset.done $0x0  }
0x5b: {  	[sflag:s4] =	ssyncadd.s32 $0xFFFFE000  }
0x5c: {  	[spmem:s18] =	stream.linear.scatter [tilespmem:s3], [sflag:$0x5], $0x2000, $0x38;
	[tilespmem:$0x1E400] =	vst v63  }
0x5d: {  	_ =	swait.ge [sflag:s4], $0x2000  }
0x5e: {  	[sflag:s4] =	ssyncset.done $0x0  }
0x5f: {  	[sflag:s4] =	ssyncadd.s32 $0xFFFFE000  }
0x60: {  	[spmem:s0] =	stream.linear.scatter [tilespmem:s3], [sflag:$0x5], $0x1C00, $0x38;
	[tilespmem:$0x1E400] =	vst v63  }
0x61: {  	_ =	swait.ge [sflag:s4], $0x1C00  }
0x62: {  	[sflag:s4] =	ssyncset.done $0x0  }
0x63: {  	[sflag:s4] =	ssyncadd.s32 $0xFFFFE400  }
0x64: {  	[bflag:$0x0] =	sbarrier.arrive $0xFFFF  }
0x65: {  	s23 =	simm.s32 $0x0;
	s24 =	rddreg [dreg:$0x4]  }
0x66: {  	[tilespmem:s23], [sflag:$0x5] =	stream.linear.gather [hbm4b:s24+s23], $0x1400, $0x38;
	[tilespmem:$0x1E400] =	vst v63  }
0x67: {  	_ =	swait.ge [sflag:s4], $0x1400  }
0x68: {  	[sflag:s4] =	ssyncset.done $0x0  }
0x69: {  	s25 =	rddreg [dreg:$0x5];
	[sflag:s4] =	ssyncadd.s32 $0xFFFFEC00  }
0x6a: {  	[tilespmem:s5], [sflag:$0x5] =	stream.linear.gather [hbm4b:s25+s23], $0x1400, $0x38;
	[tilespmem:$0x1E400] =	vst v63  }
0x6b: {  	_ =	swait.ge [sflag:s4], $0x1400  }
0x6c: {  	[sflag:s4] =	ssyncset.done $0x0  }
0x6d: {  	[sflag:s4] =	ssyncadd.s32 $0xFFFFEC00  }
0x6e: {  	[tilespmem:s3], [sflag:$0x1] =	stream.indirect.gather [hbm4b:s22+s6], $0x80, s23, s6, $0xb8;
	[tilespmem:$0x1E400] =	vst v63  }
0x6f: {  	_ = 	snop  }
0x70: {  	[tilespmem:s8], [sflag:$0x2] =	stream.indirect.gather [hbm4b:s22+s6], $0x80, s7, s6, $0xb8;
	[tilespmem:$0x1E400] =	vst v63  }
0x71: {  	_ = 	snop  }
0x72: {  	[tilespmem:s10], [sflag:$0x3] =	stream.indirect.gather [hbm4b:s22+s6], $0x80, s9, s6, $0xb8;
	[tilespmem:$0x1E400] =	vst v63  }
0x73: {  	_ = 	snop  }
0x74: {  	[tilespmem:s12], [sflag:$0x4] =	stream.indirect.gather [hbm4b:s22+s6], $0x80, s11, s6, $0xb8;
	[tilespmem:$0x1E400] =	vst v63  }
0x75: {  	_ =	swait.ge [sflag:s13], $0x2000  }
0x76: {  	[sflag:s13] =	ssyncset.done $0x0  }
0x77: {  	s25 =	simm.s32 $0x1400;
	[sflag:s13] =	ssyncadd.s32 $0xFFFFE000  }
0x78: {  	[spmem:s19] =	stream.indirect.scatter.add.f32 [tilespmem:s3], [sflag:$0x5], $0x80, s25, s6, $0xb8;
	[tilespmem:$0x1E400] =	vst v63  }
0x79: {  	_ =	swait.ge [sflag:s4], $0x2000  }
0x7a: {  	[sflag:s4] =	ssyncset.done $0x0  }
0x7b: {  	s24 =	simm.s32 $0x200;
	[sflag:s4] =	ssyncadd.s32 $0xFFFFE000  }
0x7c: {  	[tilespmem:s3], [sflag:$0x1] =	stream.indirect.gather [hbm4b:s22+s6], $0x80, s24, s6, $0xb8;
	[tilespmem:$0x1E400] =	vst v63  }
0x7d: {  	_ =	swait.ge [sflag:s14], $0x2000  }
0x7e: {  	[sflag:s14] =	ssyncset.done $0x0  }
0x7f: {  	s25 =	simm.s32 $0x1480;
	[sflag:s14] =	ssyncadd.s32 $0xFFFFE000  }
0x80: {  	[spmem:s19] =	stream.indirect.scatter.add.f32 [tilespmem:s8], [sflag:$0x5], $0x80, s25, s6, $0xb8;
	[tilespmem:$0x1E400] =	vst v63  }
0x81: {  	_ =	swait.ge [sflag:s4], $0x2000  }
0x82: {  	[sflag:s4] =	ssyncset.done $0x0  }
0x83: {  	s24 =	simm.s32 $0x280;
	[sflag:s4] =	ssyncadd.s32 $0xFFFFE000  }
0x84: {  	[tilespmem:s8], [sflag:$0x2] =	stream.indirect.gather [hbm4b:s22+s6], $0x80, s24, s6, $0xb8;
	[tilespmem:$0x1E400] =	vst v63  }
0x85: {  	_ =	swait.ge [sflag:s15], $0x2000  }
0x86: {  	[sflag:s15] =	ssyncset.done $0x0  }
0x87: {  	s25 =	simm.s32 $0x1500;
	[sflag:s15] =	ssyncadd.s32 $0xFFFFE000  }
0x88: {  	[spmem:s19] =	stream.indirect.scatter.add.f32 [tilespmem:s10], [sflag:$0x5], $0x80, s25, s6, $0xb8;
	[tilespmem:$0x1E400] =	vst v63  }
0x89: {  	_ =	swait.ge [sflag:s4], $0x2000  }
0x8a: {  	[sflag:s4] =	ssyncset.done $0x0  }
0x8b: {  	s24 =	simm.s32 $0x300;
	[sflag:s4] =	ssyncadd.s32 $0xFFFFE000  }
0x8c: {  	[tilespmem:s10], [sflag:$0x3] =	stream.indirect.gather [hbm4b:s22+s6], $0x80, s24, s6, $0xb8;
	[tilespmem:$0x1E400] =	vst v63  }
0x8d: {  	_ =	swait.ge [sflag:s16], $0x2000  }
0x8e: {  	[sflag:s16] =	ssyncset.done $0x0  }
0x8f: {  	s25 =	simm.s32 $0x1580;
	[sflag:s16] =	ssyncadd.s32 $0xFFFFE000  }
0x90: {  	[spmem:s19] =	stream.indirect.scatter.add.f32 [tilespmem:s12], [sflag:$0x5], $0x80, s25, s6, $0xb8;
	[tilespmem:$0x1E400] =	vst v63  }
0x91: {  	_ =	swait.ge [sflag:s4], $0x2000  }
0x92: {  	[sflag:s4] =	ssyncset.done $0x0  }
0x93: {  	s23 =	simm.s32 $0x800;
	s24 =	simm.s32 $0x380;
	[sflag:s4] =	ssyncadd.s32 $0xFFFFE000  }
.LBB2_4:
0x94: {  	[tilespmem:s12], [sflag:$0x4] =	stream.indirect.gather [hbm4b:s22+s6], $0x80, s24, s6, $0xb8;
	[tilespmem:$0x1E400] =	vst v63  }
0x95: {  	s24 =	smov.u32 s23  }
0x96: {  	p0 =	sne.s32 s23, $0x4000;
	s23 =	sadd.s32 $0x800, s23;
	_ =	swait.ge [sflag:s13], $0x2000  }
0x97: {  	s24 =	sshra.s32 s24, $0x2;
	[sflag:s13] =	ssyncset.done $0x0  }
0x98: {  	s25 =	sadd.s32 $0x1400, s24;
	[sflag:s13] =	ssyncadd.s32 $0xFFFFE000  }
0x99: {  	[spmem:s19] =	stream.indirect.scatter.add.f32 [tilespmem:s3], [sflag:$0x5], $0x80, s25, s6, $0xb8;
	[tilespmem:$0x1E400] =	vst v63  }
0x9a: {  	_ =	swait.ge [sflag:s4], $0x2000  }
0x9b: {  	[sflag:s4] =	ssyncset.done $0x0  }
0x9c: {  	s25 =	sadd.s32 $0x200, s24;
	[sflag:s4] =	ssyncadd.s32 $0xFFFFE000  }
0x9d: {  	[tilespmem:s3], [sflag:$0x1] =	stream.indirect.gather [hbm4b:s22+s6], $0x80, s25, s6, $0xb8;
	[tilespmem:$0x1E400] =	vst v63  }
0x9e: {  	_ =	swait.ge [sflag:s14], $0x2000  }
0x9f: {  	[sflag:s14] =	ssyncset.done $0x0  }
0xa0: {  	s25 =	sadd.s32 $0x1480, s24;
	[sflag:s14] =	ssyncadd.s32 $0xFFFFE000  }
0xa1: {  	[spmem:s19] =	stream.indirect.scatter.add.f32 [tilespmem:s8], [sflag:$0x5], $0x80, s25, s6, $0xb8;
	[tilespmem:$0x1E400] =	vst v63  }
0xa2: {  	_ =	swait.ge [sflag:s4], $0x2000  }
0xa3: {  	[sflag:s4] =	ssyncset.done $0x0  }
0xa4: {  	s25 =	sadd.s32 $0x280, s24;
	[sflag:s4] =	ssyncadd.s32 $0xFFFFE000  }
0xa5: {  	[tilespmem:s8], [sflag:$0x2] =	stream.indirect.gather [hbm4b:s22+s6], $0x80, s25, s6, $0xb8;
	[tilespmem:$0x1E400] =	vst v63  }
0xa6: {  	_ =	swait.ge [sflag:s15], $0x2000  }
0xa7: {  	[sflag:s15] =	ssyncset.done $0x0  }
0xa8: {  	s25 =	sadd.s32 $0x1500, s24;
	[sflag:s15] =	ssyncadd.s32 $0xFFFFE000  }
0xa9: {  	[spmem:s19] =	stream.indirect.scatter.add.f32 [tilespmem:s10], [sflag:$0x5], $0x80, s25, s6, $0xb8;
	[tilespmem:$0x1E400] =	vst v63  }
0xaa: {  	_ =	swait.ge [sflag:s4], $0x2000  }
0xab: {  	[sflag:s4] =	ssyncset.done $0x0  }
0xac: {  	s25 =	sadd.s32 $0x300, s24;
	[sflag:s4] =	ssyncadd.s32 $0xFFFFE000  }
0xad: {  	[tilespmem:s10], [sflag:$0x3] =	stream.indirect.gather [hbm4b:s22+s6], $0x80, s25, s6, $0xb8;
	[tilespmem:$0x1E400] =	vst v63  }
0xae: {  	_ =	swait.ge [sflag:s16], $0x2000  }
0xaf: {  	[sflag:s16] =	ssyncset.done $0x0  }
.Ltmp1:
0xb0: {  	s25 =	sadd.s32 $0x1580, s24;
	[sflag:s16] =	ssyncadd.s32 $0xFFFFE000;
	(pc) =	sbr.rel @p0 .LBB2_4-.Ltmp1, $4  }
0xb1: {  	[spmem:s19] =	stream.indirect.scatter.add.f32 [tilespmem:s12], [sflag:$0x5], $0x80, s25, s6, $0xb8;
	[tilespmem:$0x1E400] =	vst v63  }
0xb2: {  	_ =	swait.ge [sflag:s4], $0x2000  }
0xb3: {  	[sflag:s4] =	ssyncset.done $0x0  }
0xb4: {  	s24 =	sadd.s32 $0x380, s24;
	[sflag:s4] =	ssyncadd.s32 $0xFFFFE000  }
0xb5: {  	[tilespmem:s12], [sflag:$0x4] =	stream.indirect.gather [hbm4b:s22+s6], $0x80, s24, s6, $0xb8;
	[tilespmem:$0x1E400] =	vst v63  }
0xb6: {  	_ =	swait.ge [sflag:s13], $0x2000  }
0xb7: {  	[sflag:s13] =	ssyncset.done $0x0  }
0xb8: {  	[sflag:s13] =	ssyncadd.s32 $0xFFFFE000  }
0xb9: {  	[spmem:s19] =	stream.indirect.scatter.add.f32 [tilespmem:s3], [sflag:$0x5], $0x80, s17, s6, $0xb8;
	[tilespmem:$0x1E400] =	vst v63  }
0xba: {  	_ =	swait.ge [sflag:s4], $0x2000  }
0xbb: {  	[sflag:s4] =	ssyncset.done $0x0  }
0xbc: {  	[sflag:s4] =	ssyncadd.s32 $0xFFFFE000  }
0xbd: {  	_ =	swait.ge [sflag:s14], $0x2000  }
0xbe: {  	[sflag:s14] =	ssyncset.done $0x0  }
0xbf: {  	[sflag:s14] =	ssyncadd.s32 $0xFFFFE000  }
0xc0: {  	[spmem:s19] =	stream.indirect.scatter.add.f32 [tilespmem:s8], [sflag:$0x5], $0x80, s20, s6, $0xb8;
	[tilespmem:$0x1E400] =	vst v63  }
0xc1: {  	_ =	swait.ge [sflag:s4], $0x2000  }
0xc2: {  	[sflag:s4] =	ssyncset.done $0x0  }
0xc3: {  	[sflag:s4] =	ssyncadd.s32 $0xFFFFE000  }
0xc4: {  	_ =	swait.ge [sflag:s15], $0x2000  }
0xc5: {  	[sflag:s15] =	ssyncset.done $0x0  }
0xc6: {  	[sflag:s15] =	ssyncadd.s32 $0xFFFFE000  }
0xc7: {  	[spmem:s19] =	stream.indirect.scatter.add.f32 [tilespmem:s10], [sflag:$0x5], $0x80, s21, s6, $0xb8;
	[tilespmem:$0x1E400] =	vst v63  }
0xc8: {  	_ =	swait.ge [sflag:s4], $0x2000  }
0xc9: {  	[sflag:s4] =	ssyncset.done $0x0  }
0xca: {  	[sflag:s4] =	ssyncadd.s32 $0xFFFFE000  }
0xcb: {  	_ =	swait.ge [sflag:s16], $0x2000  }
0xcc: {  	[sflag:s16] =	ssyncset.done $0x0  }
0xcd: {  	[sflag:s16] =	ssyncadd.s32 $0xFFFFE000  }
0xce: {  	[spmem:s19] =	stream.indirect.scatter.add.f32 [tilespmem:s12], [sflag:$0x5], $0x80, s2, s6, $0xb8;
	[tilespmem:$0x1E400] =	vst v63  }
0xcf: {  	_ =	swait.ge [sflag:s4], $0x2000  }
0xd0: {  	[sflag:s4] =	ssyncset.done $0x0  }
0xd1: {  	s23 =	simm.s32 $0x0;
	s25 =	rddreg [dreg:$0x6];
	[sflag:s4] =	ssyncadd.s32 $0xFFFFE000  }
0xd2: {  	[tilespmem:s23], [sflag:$0x5] =	stream.linear.gather [hbm4b:s25+s23], $0x1400, $0x38;
	[tilespmem:$0x1E400] =	vst v63  }
0xd3: {  	_ =	swait.ge [sflag:s4], $0x1400  }
0xd4: {  	[sflag:s4] =	ssyncset.done $0x0  }
0xd5: {  	s25 =	rddreg [dreg:$0x7];
	[sflag:s4] =	ssyncadd.s32 $0xFFFFEC00  }
0xd6: {  	[tilespmem:s5], [sflag:$0x5] =	stream.linear.gather [hbm4b:s25+s23], $0x1400, $0x38;
	[tilespmem:$0x1E400] =	vst v63  }
0xd7: {  	_ =	swait.ge [sflag:s4], $0x1400  }
0xd8: {  	[sflag:s4] =	ssyncset.done $0x0  }
0xd9: {  	[sflag:s4] =	ssyncadd.s32 $0xFFFFEC00  }
0xda: {  	[tilespmem:s3], [sflag:$0x1] =	stream.indirect.gather [hbm4b:s22+s6], $0x80, s23, s6, $0xb8;
	[tilespmem:$0x1E400] =	vst v63  }
0xdb: {  	_ = 	snop  }
0xdc: {  	[tilespmem:s8], [sflag:$0x2] =	stream.indirect.gather [hbm4b:s22+s6], $0x80, s7, s6, $0xb8;
	[tilespmem:$0x1E400] =	vst v63  }
0xdd: {  	_ = 	snop  }
0xde: {  	[tilespmem:s10], [sflag:$0x3] =	stream.indirect.gather [hbm4b:s22+s6], $0x80, s9, s6, $0xb8;
	[tilespmem:$0x1E400] =	vst v63  }
0xdf: {  	_ = 	snop  }
0xe0: {  	[tilespmem:s12], [sflag:$0x4] =	stream.indirect.gather [hbm4b:s22+s6], $0x80, s11, s6, $0xb8;
	[tilespmem:$0x1E400] =	vst v63  }
0xe1: {  	_ =	swait.ge [sflag:s13], $0x2000  }
0xe2: {  	[sflag:s13] =	ssyncset.done $0x0  }
0xe3: {  	s25 =	simm.s32 $0x1400;
	[sflag:s13] =	ssyncadd.s32 $0xFFFFE000  }
0xe4: {  	[spmem:s19] =	stream.indirect.scatter.add.f32 [tilespmem:s3], [sflag:$0x5], $0x80, s25, s6, $0xb8;
	[tilespmem:$0x1E400] =	vst v63  }
0xe5: {  	_ =	swait.ge [sflag:s4], $0x2000  }
0xe6: {  	[sflag:s4] =	ssyncset.done $0x0  }
0xe7: {  	s24 =	simm.s32 $0x200;
	[sflag:s4] =	ssyncadd.s32 $0xFFFFE000  }
0xe8: {  	[tilespmem:s3], [sflag:$0x1] =	stream.indirect.gather [hbm4b:s22+s6], $0x80, s24, s6, $0xb8;
	[tilespmem:$0x1E400] =	vst v63  }
0xe9: {  	_ =	swait.ge [sflag:s14], $0x2000  }
0xea: {  	[sflag:s14] =	ssyncset.done $0x0  }
0xeb: {  	s25 =	simm.s32 $0x1480;
	[sflag:s14] =	ssyncadd.s32 $0xFFFFE000  }
0xec: {  	[spmem:s19] =	stream.indirect.scatter.add.f32 [tilespmem:s8], [sflag:$0x5], $0x80, s25, s6, $0xb8;
	[tilespmem:$0x1E400] =	vst v63  }
0xed: {  	_ =	swait.ge [sflag:s4], $0x2000  }
0xee: {  	[sflag:s4] =	ssyncset.done $0x0  }
0xef: {  	s24 =	simm.s32 $0x280;
	[sflag:s4] =	ssyncadd.s32 $0xFFFFE000  }
0xf0: {  	[tilespmem:s8], [sflag:$0x2] =	stream.indirect.gather [hbm4b:s22+s6], $0x80, s24, s6, $0xb8;
	[tilespmem:$0x1E400] =	vst v63  }
0xf1: {  	_ =	swait.ge [sflag:s15], $0x2000  }
0xf2: {  	[sflag:s15] =	ssyncset.done $0x0  }
0xf3: {  	s25 =	simm.s32 $0x1500;
	[sflag:s15] =	ssyncadd.s32 $0xFFFFE000  }
0xf4: {  	[spmem:s19] =	stream.indirect.scatter.add.f32 [tilespmem:s10], [sflag:$0x5], $0x80, s25, s6, $0xb8;
	[tilespmem:$0x1E400] =	vst v63  }
0xf5: {  	_ =	swait.ge [sflag:s4], $0x2000  }
0xf6: {  	[sflag:s4] =	ssyncset.done $0x0  }
0xf7: {  	s24 =	simm.s32 $0x300;
	[sflag:s4] =	ssyncadd.s32 $0xFFFFE000  }
0xf8: {  	[tilespmem:s10], [sflag:$0x3] =	stream.indirect.gather [hbm4b:s22+s6], $0x80, s24, s6, $0xb8;
	[tilespmem:$0x1E400] =	vst v63  }
0xf9: {  	_ =	swait.ge [sflag:s16], $0x2000  }
0xfa: {  	[sflag:s16] =	ssyncset.done $0x0  }
0xfb: {  	s25 =	simm.s32 $0x1580;
	[sflag:s16] =	ssyncadd.s32 $0xFFFFE000  }
0xfc: {  	[spmem:s19] =	stream.indirect.scatter.add.f32 [tilespmem:s12], [sflag:$0x5], $0x80, s25, s6, $0xb8;
	[tilespmem:$0x1E400] =	vst v63  }
0xfd: {  	_ =	swait.ge [sflag:s4], $0x2000  }
0xfe: {  	[sflag:s4] =	ssyncset.done $0x0  }
0xff: {  	s23 =	simm.s32 $0x800;
	s24 =	simm.s32 $0x380;
	[sflag:s4] =	ssyncadd.s32 $0xFFFFE000  }
.LBB2_6:
0x100: {  	[tilespmem:s12], [sflag:$0x4] =	stream.indirect.gather [hbm4b:s22+s6], $0x80, s24, s6, $0xb8;
	[tilespmem:$0x1E400] =	vst v63  }
0x101: {  	s24 =	smov.u32 s23  }
0x102: {  	p0 =	sne.s32 s23, $0x4000;
	s23 =	sadd.s32 $0x800, s23;
	_ =	swait.ge [sflag:s13], $0x2000  }
0x103: {  	s24 =	sshra.s32 s24, $0x2;
	[sflag:s13] =	ssyncset.done $0x0  }
0x104: {  	s25 =	sadd.s32 $0x1400, s24;
	[sflag:s13] =	ssyncadd.s32 $0xFFFFE000  }
0x105: {  	[spmem:s19] =	stream.indirect.scatter.add.f32 [tilespmem:s3], [sflag:$0x5], $0x80, s25, s6, $0xb8;
	[tilespmem:$0x1E400] =	vst v63  }
0x106: {  	_ =	swait.ge [sflag:s4], $0x2000  }
0x107: {  	[sflag:s4] =	ssyncset.done $0x0  }
0x108: {  	s25 =	sadd.s32 $0x200, s24;
	[sflag:s4] =	ssyncadd.s32 $0xFFFFE000  }
0x109: {  	[tilespmem:s3], [sflag:$0x1] =	stream.indirect.gather [hbm4b:s22+s6], $0x80, s25, s6, $0xb8;
	[tilespmem:$0x1E400] =	vst v63  }
0x10a: {  	_ =	swait.ge [sflag:s14], $0x2000  }
0x10b: {  	[sflag:s14] =	ssyncset.done $0x0  }
0x10c: {  	s25 =	sadd.s32 $0x1480, s24;
	[sflag:s14] =	ssyncadd.s32 $0xFFFFE000  }
0x10d: {  	[spmem:s19] =	stream.indirect.scatter.add.f32 [tilespmem:s8], [sflag:$0x5], $0x80, s25, s6, $0xb8;
	[tilespmem:$0x1E400] =	vst v63  }
0x10e: {  	_ =	swait.ge [sflag:s4], $0x2000  }
0x10f: {  	[sflag:s4] =	ssyncset.done $0x0  }
0x110: {  	s25 =	sadd.s32 $0x280, s24;
	[sflag:s4] =	ssyncadd.s32 $0xFFFFE000  }
0x111: {  	[tilespmem:s8], [sflag:$0x2] =	stream.indirect.gather [hbm4b:s22+s6], $0x80, s25, s6, $0xb8;
	[tilespmem:$0x1E400] =	vst v63  }
0x112: {  	_ =	swait.ge [sflag:s15], $0x2000  }
0x113: {  	[sflag:s15] =	ssyncset.done $0x0  }
0x114: {  	s25 =	sadd.s32 $0x1500, s24;
	[sflag:s15] =	ssyncadd.s32 $0xFFFFE000  }
0x115: {  	[spmem:s19] =	stream.indirect.scatter.add.f32 [tilespmem:s10], [sflag:$0x5], $0x80, s25, s6, $0xb8;
	[tilespmem:$0x1E400] =	vst v63  }
0x116: {  	_ =	swait.ge [sflag:s4], $0x2000  }
0x117: {  	[sflag:s4] =	ssyncset.done $0x0  }
0x118: {  	s25 =	sadd.s32 $0x300, s24;
	[sflag:s4] =	ssyncadd.s32 $0xFFFFE000  }
0x119: {  	[tilespmem:s10], [sflag:$0x3] =	stream.indirect.gather [hbm4b:s22+s6], $0x80, s25, s6, $0xb8;
	[tilespmem:$0x1E400] =	vst v63  }
0x11a: {  	_ =	swait.ge [sflag:s16], $0x2000  }
0x11b: {  	[sflag:s16] =	ssyncset.done $0x0  }
.Ltmp2:
0x11c: {  	s25 =	sadd.s32 $0x1580, s24;
	[sflag:s16] =	ssyncadd.s32 $0xFFFFE000;
	(pc) =	sbr.rel @p0 .LBB2_6-.Ltmp2, $4  }
0x11d: {  	[spmem:s19] =	stream.indirect.scatter.add.f32 [tilespmem:s12], [sflag:$0x5], $0x80, s25, s6, $0xb8;
	[tilespmem:$0x1E400] =	vst v63  }
0x11e: {  	_ =	swait.ge [sflag:s4], $0x2000  }
0x11f: {  	[sflag:s4] =	ssyncset.done $0x0  }
0x120: {  	s24 =	sadd.s32 $0x380, s24;
	[sflag:s4] =	ssyncadd.s32 $0xFFFFE000  }
0x121: {  	[tilespmem:s12], [sflag:$0x4] =	stream.indirect.gather [hbm4b:s22+s6], $0x80, s24, s6, $0xb8;
	[tilespmem:$0x1E400] =	vst v63  }
0x122: {  	_ =	swait.ge [sflag:s13], $0x2000  }
0x123: {  	[sflag:s13] =	ssyncset.done $0x0  }
0x124: {  	[sflag:s13] =	ssyncadd.s32 $0xFFFFE000  }
0x125: {  	[spmem:s19] =	stream.indirect.scatter.add.f32 [tilespmem:s3], [sflag:$0x5], $0x80, s17, s6, $0xb8;
	[tilespmem:$0x1E400] =	vst v63  }
0x126: {  	_ =	swait.ge [sflag:s4], $0x2000  }
0x127: {  	[sflag:s4] =	ssyncset.done $0x0  }
0x128: {  	[sflag:s4] =	ssyncadd.s32 $0xFFFFE000  }
0x129: {  	_ =	swait.ge [sflag:s14], $0x2000  }
0x12a: {  	[sflag:s14] =	ssyncset.done $0x0  }
0x12b: {  	[sflag:s14] =	ssyncadd.s32 $0xFFFFE000  }
0x12c: {  	[spmem:s19] =	stream.indirect.scatter.add.f32 [tilespmem:s8], [sflag:$0x5], $0x80, s20, s6, $0xb8;
	[tilespmem:$0x1E400] =	vst v63  }
0x12d: {  	_ =	swait.ge [sflag:s4], $0x2000  }
0x12e: {  	[sflag:s4] =	ssyncset.done $0x0  }
0x12f: {  	[sflag:s4] =	ssyncadd.s32 $0xFFFFE000  }
0x130: {  	_ =	swait.ge [sflag:s15], $0x2000  }
0x131: {  	[sflag:s15] =	ssyncset.done $0x0  }
0x132: {  	[sflag:s15] =	ssyncadd.s32 $0xFFFFE000  }
0x133: {  	[spmem:s19] =	stream.indirect.scatter.add.f32 [tilespmem:s10], [sflag:$0x5], $0x80, s21, s6, $0xb8;
	[tilespmem:$0x1E400] =	vst v63  }
0x134: {  	_ =	swait.ge [sflag:s4], $0x2000  }
0x135: {  	[sflag:s4] =	ssyncset.done $0x0  }
0x136: {  	[sflag:s4] =	ssyncadd.s32 $0xFFFFE000  }
0x137: {  	_ =	swait.ge [sflag:s16], $0x2000  }
0x138: {  	[sflag:s16] =	ssyncset.done $0x0  }
0x139: {  	[sflag:s16] =	ssyncadd.s32 $0xFFFFE000  }
0x13a: {  	[spmem:s19] =	stream.indirect.scatter.add.f32 [tilespmem:s12], [sflag:$0x5], $0x80, s2, s6, $0xb8;
	[tilespmem:$0x1E400] =	vst v63  }
0x13b: {  	_ =	swait.ge [sflag:s4], $0x2000  }
0x13c: {  	[sflag:s4] =	ssyncset.done $0x0  }
0x13d: {  	s23 =	simm.s32 $0x0;
	s25 =	rddreg [dreg:$0x8];
	[sflag:s4] =	ssyncadd.s32 $0xFFFFE000  }
0x13e: {  	[tilespmem:s23], [sflag:$0x5] =	stream.linear.gather [hbm4b:s25+s23], $0x1400, $0x38;
	[tilespmem:$0x1E400] =	vst v63  }
0x13f: {  	_ =	swait.ge [sflag:s4], $0x1400  }
0x140: {  	[sflag:s4] =	ssyncset.done $0x0  }
0x141: {  	s25 =	rddreg [dreg:$0x9];
	[sflag:s4] =	ssyncadd.s32 $0xFFFFEC00  }
0x142: {  	[tilespmem:s5], [sflag:$0x5] =	stream.linear.gather [hbm4b:s25+s23], $0x1400, $0x38;
	[tilespmem:$0x1E400] =	vst v63  }
0x143: {  	_ =	swait.ge [sflag:s4], $0x1400  }
0x144: {  	[sflag:s4] =	ssyncset.done $0x0  }
0x145: {  	[sflag:s4] =	ssyncadd.s32 $0xFFFFEC00  }
0x146: {  	[tilespmem:s3], [sflag:$0x1] =	stream.indirect.gather [hbm4b:s22+s6], $0x80, s23, s6, $0xb8;
	[tilespmem:$0x1E400] =	vst v63  }
0x147: {  	_ = 	snop  }
0x148: {  	[tilespmem:s8], [sflag:$0x2] =	stream.indirect.gather [hbm4b:s22+s6], $0x80, s7, s6, $0xb8;
	[tilespmem:$0x1E400] =	vst v63  }
0x149: {  	_ = 	snop  }
0x14a: {  	[tilespmem:s10], [sflag:$0x3] =	stream.indirect.gather [hbm4b:s22+s6], $0x80, s9, s6, $0xb8;
	[tilespmem:$0x1E400] =	vst v63  }
0x14b: {  	_ = 	snop  }
0x14c: {  	[tilespmem:s12], [sflag:$0x4] =	stream.indirect.gather [hbm4b:s22+s6], $0x80, s11, s6, $0xb8;
	[tilespmem:$0x1E400] =	vst v63  }
0x14d: {  	_ =	swait.ge [sflag:s13], $0x2000  }
0x14e: {  	[sflag:s13] =	ssyncset.done $0x0  }
0x14f: {  	s25 =	simm.s32 $0x1400;
	[sflag:s13] =	ssyncadd.s32 $0xFFFFE000  }
0x150: {  	[spmem:s19] =	stream.indirect.scatter.add.f32 [tilespmem:s3], [sflag:$0x5], $0x80, s25, s6, $0xb8;
	[tilespmem:$0x1E400] =	vst v63  }
0x151: {  	_ =	swait.ge [sflag:s4], $0x2000  }
0x152: {  	[sflag:s4] =	ssyncset.done $0x0  }
0x153: {  	s24 =	simm.s32 $0x200;
	[sflag:s4] =	ssyncadd.s32 $0xFFFFE000  }
0x154: {  	[tilespmem:s3], [sflag:$0x1] =	stream.indirect.gather [hbm4b:s22+s6], $0x80, s24, s6, $0xb8;
	[tilespmem:$0x1E400] =	vst v63  }
0x155: {  	_ =	swait.ge [sflag:s14], $0x2000  }
0x156: {  	[sflag:s14] =	ssyncset.done $0x0  }
0x157: {  	s25 =	simm.s32 $0x1480;
	[sflag:s14] =	ssyncadd.s32 $0xFFFFE000  }
0x158: {  	[spmem:s19] =	stream.indirect.scatter.add.f32 [tilespmem:s8], [sflag:$0x5], $0x80, s25, s6, $0xb8;
	[tilespmem:$0x1E400] =	vst v63  }
0x159: {  	_ =	swait.ge [sflag:s4], $0x2000  }
0x15a: {  	[sflag:s4] =	ssyncset.done $0x0  }
0x15b: {  	s24 =	simm.s32 $0x280;
	[sflag:s4] =	ssyncadd.s32 $0xFFFFE000  }
0x15c: {  	[tilespmem:s8], [sflag:$0x2] =	stream.indirect.gather [hbm4b:s22+s6], $0x80, s24, s6, $0xb8;
	[tilespmem:$0x1E400] =	vst v63  }
0x15d: {  	_ =	swait.ge [sflag:s15], $0x2000  }
0x15e: {  	[sflag:s15] =	ssyncset.done $0x0  }
0x15f: {  	s25 =	simm.s32 $0x1500;
	[sflag:s15] =	ssyncadd.s32 $0xFFFFE000  }
0x160: {  	[spmem:s19] =	stream.indirect.scatter.add.f32 [tilespmem:s10], [sflag:$0x5], $0x80, s25, s6, $0xb8;
	[tilespmem:$0x1E400] =	vst v63  }
0x161: {  	_ =	swait.ge [sflag:s4], $0x2000  }
0x162: {  	[sflag:s4] =	ssyncset.done $0x0  }
0x163: {  	s24 =	simm.s32 $0x300;
	[sflag:s4] =	ssyncadd.s32 $0xFFFFE000  }
0x164: {  	[tilespmem:s10], [sflag:$0x3] =	stream.indirect.gather [hbm4b:s22+s6], $0x80, s24, s6, $0xb8;
	[tilespmem:$0x1E400] =	vst v63  }
0x165: {  	_ =	swait.ge [sflag:s16], $0x2000  }
0x166: {  	[sflag:s16] =	ssyncset.done $0x0  }
0x167: {  	s25 =	simm.s32 $0x1580;
	[sflag:s16] =	ssyncadd.s32 $0xFFFFE000  }
0x168: {  	[spmem:s19] =	stream.indirect.scatter.add.f32 [tilespmem:s12], [sflag:$0x5], $0x80, s25, s6, $0xb8;
	[tilespmem:$0x1E400] =	vst v63  }
0x169: {  	_ =	swait.ge [sflag:s4], $0x2000  }
0x16a: {  	[sflag:s4] =	ssyncset.done $0x0  }
0x16b: {  	s23 =	simm.s32 $0x800;
	s24 =	simm.s32 $0x380;
	[sflag:s4] =	ssyncadd.s32 $0xFFFFE000  }
.LBB2_8:
0x16c: {  	[tilespmem:s12], [sflag:$0x4] =	stream.indirect.gather [hbm4b:s22+s6], $0x80, s24, s6, $0xb8;
	[tilespmem:$0x1E400] =	vst v63  }
0x16d: {  	s24 =	smov.u32 s23  }
0x16e: {  	p0 =	sne.s32 s23, $0x4000;
	s23 =	sadd.s32 $0x800, s23;
	_ =	swait.ge [sflag:s13], $0x2000  }
0x16f: {  	s24 =	sshra.s32 s24, $0x2;
	[sflag:s13] =	ssyncset.done $0x0  }
0x170: {  	s25 =	sadd.s32 $0x1400, s24;
	[sflag:s13] =	ssyncadd.s32 $0xFFFFE000  }
0x171: {  	[spmem:s19] =	stream.indirect.scatter.add.f32 [tilespmem:s3], [sflag:$0x5], $0x80, s25, s6, $0xb8;
	[tilespmem:$0x1E400] =	vst v63  }
0x172: {  	_ =	swait.ge [sflag:s4], $0x2000  }
0x173: {  	[sflag:s4] =	ssyncset.done $0x0  }
0x174: {  	s25 =	sadd.s32 $0x200, s24;
	[sflag:s4] =	ssyncadd.s32 $0xFFFFE000  }
0x175: {  	[tilespmem:s3], [sflag:$0x1] =	stream.indirect.gather [hbm4b:s22+s6], $0x80, s25, s6, $0xb8;
	[tilespmem:$0x1E400] =	vst v63  }
0x176: {  	_ =	swait.ge [sflag:s14], $0x2000  }
0x177: {  	[sflag:s14] =	ssyncset.done $0x0  }
0x178: {  	s25 =	sadd.s32 $0x1480, s24;
	[sflag:s14] =	ssyncadd.s32 $0xFFFFE000  }
0x179: {  	[spmem:s19] =	stream.indirect.scatter.add.f32 [tilespmem:s8], [sflag:$0x5], $0x80, s25, s6, $0xb8;
	[tilespmem:$0x1E400] =	vst v63  }
0x17a: {  	_ =	swait.ge [sflag:s4], $0x2000  }
0x17b: {  	[sflag:s4] =	ssyncset.done $0x0  }
0x17c: {  	s25 =	sadd.s32 $0x280, s24;
	[sflag:s4] =	ssyncadd.s32 $0xFFFFE000  }
0x17d: {  	[tilespmem:s8], [sflag:$0x2] =	stream.indirect.gather [hbm4b:s22+s6], $0x80, s25, s6, $0xb8;
	[tilespmem:$0x1E400] =	vst v63  }
0x17e: {  	_ =	swait.ge [sflag:s15], $0x2000  }
0x17f: {  	[sflag:s15] =	ssyncset.done $0x0  }
0x180: {  	s25 =	sadd.s32 $0x1500, s24;
	[sflag:s15] =	ssyncadd.s32 $0xFFFFE000  }
0x181: {  	[spmem:s19] =	stream.indirect.scatter.add.f32 [tilespmem:s10], [sflag:$0x5], $0x80, s25, s6, $0xb8;
	[tilespmem:$0x1E400] =	vst v63  }
0x182: {  	_ =	swait.ge [sflag:s4], $0x2000  }
0x183: {  	[sflag:s4] =	ssyncset.done $0x0  }
0x184: {  	s25 =	sadd.s32 $0x300, s24;
	[sflag:s4] =	ssyncadd.s32 $0xFFFFE000  }
0x185: {  	[tilespmem:s10], [sflag:$0x3] =	stream.indirect.gather [hbm4b:s22+s6], $0x80, s25, s6, $0xb8;
	[tilespmem:$0x1E400] =	vst v63  }
0x186: {  	_ =	swait.ge [sflag:s16], $0x2000  }
0x187: {  	[sflag:s16] =	ssyncset.done $0x0  }
.Ltmp3:
0x188: {  	s25 =	sadd.s32 $0x1580, s24;
	[sflag:s16] =	ssyncadd.s32 $0xFFFFE000;
	(pc) =	sbr.rel @p0 .LBB2_8-.Ltmp3, $4  }
0x189: {  	[spmem:s19] =	stream.indirect.scatter.add.f32 [tilespmem:s12], [sflag:$0x5], $0x80, s25, s6, $0xb8;
	[tilespmem:$0x1E400] =	vst v63  }
0x18a: {  	_ =	swait.ge [sflag:s4], $0x2000  }
0x18b: {  	[sflag:s4] =	ssyncset.done $0x0  }
0x18c: {  	s24 =	sadd.s32 $0x380, s24;
	[sflag:s4] =	ssyncadd.s32 $0xFFFFE000  }
0x18d: {  	[tilespmem:s12], [sflag:$0x4] =	stream.indirect.gather [hbm4b:s22+s6], $0x80, s24, s6, $0xb8;
	[tilespmem:$0x1E400] =	vst v63  }
0x18e: {  	_ =	swait.ge [sflag:s13], $0x2000  }
0x18f: {  	[sflag:s13] =	ssyncset.done $0x0  }
0x190: {  	[sflag:s13] =	ssyncadd.s32 $0xFFFFE000  }
0x191: {  	[spmem:s19] =	stream.indirect.scatter.add.f32 [tilespmem:s3], [sflag:$0x5], $0x80, s17, s6, $0xb8;
	[tilespmem:$0x1E400] =	vst v63  }
0x192: {  	_ =	swait.ge [sflag:s4], $0x2000  }
0x193: {  	[sflag:s4] =	ssyncset.done $0x0  }
0x194: {  	[sflag:s4] =	ssyncadd.s32 $0xFFFFE000  }
0x195: {  	_ =	swait.ge [sflag:s14], $0x2000  }
0x196: {  	[sflag:s14] =	ssyncset.done $0x0  }
0x197: {  	[sflag:s14] =	ssyncadd.s32 $0xFFFFE000  }
0x198: {  	[spmem:s19] =	stream.indirect.scatter.add.f32 [tilespmem:s8], [sflag:$0x5], $0x80, s20, s6, $0xb8;
	[tilespmem:$0x1E400] =	vst v63  }
0x199: {  	_ =	swait.ge [sflag:s4], $0x2000  }
0x19a: {  	[sflag:s4] =	ssyncset.done $0x0  }
0x19b: {  	[sflag:s4] =	ssyncadd.s32 $0xFFFFE000  }
0x19c: {  	_ =	swait.ge [sflag:s15], $0x2000  }
0x19d: {  	[sflag:s15] =	ssyncset.done $0x0  }
0x19e: {  	[sflag:s15] =	ssyncadd.s32 $0xFFFFE000  }
0x19f: {  	[spmem:s19] =	stream.indirect.scatter.add.f32 [tilespmem:s10], [sflag:$0x5], $0x80, s21, s6, $0xb8;
	[tilespmem:$0x1E400] =	vst v63  }
0x1a0: {  	_ =	swait.ge [sflag:s4], $0x2000  }
0x1a1: {  	[sflag:s4] =	ssyncset.done $0x0  }
0x1a2: {  	[sflag:s4] =	ssyncadd.s32 $0xFFFFE000  }
0x1a3: {  	_ =	swait.ge [sflag:s16], $0x2000  }
0x1a4: {  	[sflag:s16] =	ssyncset.done $0x0  }
0x1a5: {  	[sflag:s16] =	ssyncadd.s32 $0xFFFFE000  }
0x1a6: {  	[spmem:s19] =	stream.indirect.scatter.add.f32 [tilespmem:s12], [sflag:$0x5], $0x80, s2, s6, $0xb8;
	[tilespmem:$0x1E400] =	vst v63  }
0x1a7: {  	_ =	swait.ge [sflag:s4], $0x2000  }
0x1a8: {  	[sflag:s4] =	ssyncset.done $0x0  }
0x1a9: {  	s23 =	simm.s32 $0x0;
	s25 =	rddreg [dreg:$0xa];
	[sflag:s4] =	ssyncadd.s32 $0xFFFFE000  }
0x1aa: {  	[tilespmem:s23], [sflag:$0x5] =	stream.linear.gather [hbm4b:s25+s23], $0x1400, $0x38;
	[tilespmem:$0x1E400] =	vst v63  }
0x1ab: {  	_ =	swait.ge [sflag:s4], $0x1400  }
0x1ac: {  	[sflag:s4] =	ssyncset.done $0x0  }
0x1ad: {  	s25 =	rddreg [dreg:$0xb];
	[sflag:s4] =	ssyncadd.s32 $0xFFFFEC00  }
0x1ae: {  	[tilespmem:s5], [sflag:$0x5] =	stream.linear.gather [hbm4b:s25+s23], $0x1400, $0x38;
	[tilespmem:$0x1E400] =	vst v63  }
0x1af: {  	_ =	swait.ge [sflag:s4], $0x1400  }
0x1b0: {  	[sflag:s4] =	ssyncset.done $0x0  }
0x1b1: {  	[sflag:s4] =	ssyncadd.s32 $0xFFFFEC00  }
0x1b2: {  	[tilespmem:s3], [sflag:$0x1] =	stream.indirect.gather [hbm4b:s22+s6], $0x80, s23, s6, $0xb8;
	[tilespmem:$0x1E400] =	vst v63  }
0x1b3: {  	_ = 	snop  }
0x1b4: {  	[tilespmem:s8], [sflag:$0x2] =	stream.indirect.gather [hbm4b:s22+s6], $0x80, s7, s6, $0xb8;
	[tilespmem:$0x1E400] =	vst v63  }
0x1b5: {  	_ = 	snop  }
0x1b6: {  	[tilespmem:s10], [sflag:$0x3] =	stream.indirect.gather [hbm4b:s22+s6], $0x80, s9, s6, $0xb8;
	[tilespmem:$0x1E400] =	vst v63  }
0x1b7: {  	_ = 	snop  }
0x1b8: {  	[tilespmem:s12], [sflag:$0x4] =	stream.indirect.gather [hbm4b:s22+s6], $0x80, s11, s6, $0xb8;
	[tilespmem:$0x1E400] =	vst v63  }
0x1b9: {  	_ =	swait.ge [sflag:s13], $0x2000  }
0x1ba: {  	[sflag:s13] =	ssyncset.done $0x0  }
0x1bb: {  	s25 =	simm.s32 $0x1400;
	[sflag:s13] =	ssyncadd.s32 $0xFFFFE000  }
0x1bc: {  	[spmem:s19] =	stream.indirect.scatter.add.f32 [tilespmem:s3], [sflag:$0x5], $0x80, s25, s6, $0xb8;
	[tilespmem:$0x1E400] =	vst v63  }
0x1bd: {  	_ =	swait.ge [sflag:s4], $0x2000  }
0x1be: {  	[sflag:s4] =	ssyncset.done $0x0  }
0x1bf: {  	s24 =	simm.s32 $0x200;
	[sflag:s4] =	ssyncadd.s32 $0xFFFFE000  }
0x1c0: {  	[tilespmem:s3], [sflag:$0x1] =	stream.indirect.gather [hbm4b:s22+s6], $0x80, s24, s6, $0xb8;
	[tilespmem:$0x1E400] =	vst v63  }
0x1c1: {  	_ =	swait.ge [sflag:s14], $0x2000  }
0x1c2: {  	[sflag:s14] =	ssyncset.done $0x0  }
0x1c3: {  	s25 =	simm.s32 $0x1480;
	[sflag:s14] =	ssyncadd.s32 $0xFFFFE000  }
0x1c4: {  	[spmem:s19] =	stream.indirect.scatter.add.f32 [tilespmem:s8], [sflag:$0x5], $0x80, s25, s6, $0xb8;
	[tilespmem:$0x1E400] =	vst v63  }
0x1c5: {  	_ =	swait.ge [sflag:s4], $0x2000  }
0x1c6: {  	[sflag:s4] =	ssyncset.done $0x0  }
0x1c7: {  	s24 =	simm.s32 $0x280;
	[sflag:s4] =	ssyncadd.s32 $0xFFFFE000  }
0x1c8: {  	[tilespmem:s8], [sflag:$0x2] =	stream.indirect.gather [hbm4b:s22+s6], $0x80, s24, s6, $0xb8;
	[tilespmem:$0x1E400] =	vst v63  }
0x1c9: {  	_ =	swait.ge [sflag:s15], $0x2000  }
0x1ca: {  	[sflag:s15] =	ssyncset.done $0x0  }
0x1cb: {  	s25 =	simm.s32 $0x1500;
	[sflag:s15] =	ssyncadd.s32 $0xFFFFE000  }
0x1cc: {  	[spmem:s19] =	stream.indirect.scatter.add.f32 [tilespmem:s10], [sflag:$0x5], $0x80, s25, s6, $0xb8;
	[tilespmem:$0x1E400] =	vst v63  }
0x1cd: {  	_ =	swait.ge [sflag:s4], $0x2000  }
0x1ce: {  	[sflag:s4] =	ssyncset.done $0x0  }
0x1cf: {  	s24 =	simm.s32 $0x300;
	[sflag:s4] =	ssyncadd.s32 $0xFFFFE000  }
0x1d0: {  	[tilespmem:s10], [sflag:$0x3] =	stream.indirect.gather [hbm4b:s22+s6], $0x80, s24, s6, $0xb8;
	[tilespmem:$0x1E400] =	vst v63  }
0x1d1: {  	_ =	swait.ge [sflag:s16], $0x2000  }
0x1d2: {  	[sflag:s16] =	ssyncset.done $0x0  }
0x1d3: {  	s25 =	simm.s32 $0x1580;
	[sflag:s16] =	ssyncadd.s32 $0xFFFFE000  }
0x1d4: {  	[spmem:s19] =	stream.indirect.scatter.add.f32 [tilespmem:s12], [sflag:$0x5], $0x80, s25, s6, $0xb8;
	[tilespmem:$0x1E400] =	vst v63  }
0x1d5: {  	_ =	swait.ge [sflag:s4], $0x2000  }
0x1d6: {  	[sflag:s4] =	ssyncset.done $0x0  }
0x1d7: {  	s23 =	simm.s32 $0x800;
	s24 =	simm.s32 $0x380;
	[sflag:s4] =	ssyncadd.s32 $0xFFFFE000  }
.LBB2_10:
0x1d8: {  	[tilespmem:s12], [sflag:$0x4] =	stream.indirect.gather [hbm4b:s22+s6], $0x80, s24, s6, $0xb8;
	[tilespmem:$0x1E400] =	vst v63  }
0x1d9: {  	s24 =	smov.u32 s23  }
0x1da: {  	p0 =	sne.s32 s23, $0x4000;
	s23 =	sadd.s32 $0x800, s23;
	_ =	swait.ge [sflag:s13], $0x2000  }
0x1db: {  	s24 =	sshra.s32 s24, $0x2;
	[sflag:s13] =	ssyncset.done $0x0  }
0x1dc: {  	s25 =	sadd.s32 $0x1400, s24;
	[sflag:s13] =	ssyncadd.s32 $0xFFFFE000  }
0x1dd: {  	[spmem:s19] =	stream.indirect.scatter.add.f32 [tilespmem:s3], [sflag:$0x5], $0x80, s25, s6, $0xb8;
	[tilespmem:$0x1E400] =	vst v63  }
0x1de: {  	_ =	swait.ge [sflag:s4], $0x2000  }
0x1df: {  	[sflag:s4] =	ssyncset.done $0x0  }
0x1e0: {  	s25 =	sadd.s32 $0x200, s24;
	[sflag:s4] =	ssyncadd.s32 $0xFFFFE000  }
0x1e1: {  	[tilespmem:s3], [sflag:$0x1] =	stream.indirect.gather [hbm4b:s22+s6], $0x80, s25, s6, $0xb8;
	[tilespmem:$0x1E400] =	vst v63  }
0x1e2: {  	_ =	swait.ge [sflag:s14], $0x2000  }
0x1e3: {  	[sflag:s14] =	ssyncset.done $0x0  }
0x1e4: {  	s25 =	sadd.s32 $0x1480, s24;
	[sflag:s14] =	ssyncadd.s32 $0xFFFFE000  }
0x1e5: {  	[spmem:s19] =	stream.indirect.scatter.add.f32 [tilespmem:s8], [sflag:$0x5], $0x80, s25, s6, $0xb8;
	[tilespmem:$0x1E400] =	vst v63  }
0x1e6: {  	_ =	swait.ge [sflag:s4], $0x2000  }
0x1e7: {  	[sflag:s4] =	ssyncset.done $0x0  }
0x1e8: {  	s25 =	sadd.s32 $0x280, s24;
	[sflag:s4] =	ssyncadd.s32 $0xFFFFE000  }
0x1e9: {  	[tilespmem:s8], [sflag:$0x2] =	stream.indirect.gather [hbm4b:s22+s6], $0x80, s25, s6, $0xb8;
	[tilespmem:$0x1E400] =	vst v63  }
0x1ea: {  	_ =	swait.ge [sflag:s15], $0x2000  }
0x1eb: {  	[sflag:s15] =	ssyncset.done $0x0  }
0x1ec: {  	s25 =	sadd.s32 $0x1500, s24;
	[sflag:s15] =	ssyncadd.s32 $0xFFFFE000  }
0x1ed: {  	[spmem:s19] =	stream.indirect.scatter.add.f32 [tilespmem:s10], [sflag:$0x5], $0x80, s25, s6, $0xb8;
	[tilespmem:$0x1E400] =	vst v63  }
0x1ee: {  	_ =	swait.ge [sflag:s4], $0x2000  }
0x1ef: {  	[sflag:s4] =	ssyncset.done $0x0  }
0x1f0: {  	s25 =	sadd.s32 $0x300, s24;
	[sflag:s4] =	ssyncadd.s32 $0xFFFFE000  }
0x1f1: {  	[tilespmem:s10], [sflag:$0x3] =	stream.indirect.gather [hbm4b:s22+s6], $0x80, s25, s6, $0xb8;
	[tilespmem:$0x1E400] =	vst v63  }
0x1f2: {  	_ =	swait.ge [sflag:s16], $0x2000  }
0x1f3: {  	[sflag:s16] =	ssyncset.done $0x0  }
.Ltmp4:
0x1f4: {  	s25 =	sadd.s32 $0x1580, s24;
	[sflag:s16] =	ssyncadd.s32 $0xFFFFE000;
	(pc) =	sbr.rel @p0 .LBB2_10-.Ltmp4, $4  }
0x1f5: {  	[spmem:s19] =	stream.indirect.scatter.add.f32 [tilespmem:s12], [sflag:$0x5], $0x80, s25, s6, $0xb8;
	[tilespmem:$0x1E400] =	vst v63  }
0x1f6: {  	_ =	swait.ge [sflag:s4], $0x2000  }
0x1f7: {  	[sflag:s4] =	ssyncset.done $0x0  }
0x1f8: {  	s24 =	sadd.s32 $0x380, s24;
	[sflag:s4] =	ssyncadd.s32 $0xFFFFE000  }
0x1f9: {  	[tilespmem:s12], [sflag:$0x4] =	stream.indirect.gather [hbm4b:s22+s6], $0x80, s24, s6, $0xb8;
	[tilespmem:$0x1E400] =	vst v63  }
0x1fa: {  	_ =	swait.ge [sflag:s13], $0x2000  }
0x1fb: {  	[sflag:s13] =	ssyncset.done $0x0  }
0x1fc: {  	[sflag:s13] =	ssyncadd.s32 $0xFFFFE000  }
0x1fd: {  	[spmem:s19] =	stream.indirect.scatter.add.f32 [tilespmem:s3], [sflag:$0x5], $0x80, s17, s6, $0xb8;
	[tilespmem:$0x1E400] =	vst v63  }
0x1fe: {  	_ =	swait.ge [sflag:s4], $0x2000  }
0x1ff: {  	[sflag:s4] =	ssyncset.done $0x0  }
0x200: {  	[sflag:s4] =	ssyncadd.s32 $0xFFFFE000  }
0x201: {  	_ =	swait.ge [sflag:s14], $0x2000  }
0x202: {  	[sflag:s14] =	ssyncset.done $0x0  }
0x203: {  	[sflag:s14] =	ssyncadd.s32 $0xFFFFE000  }
0x204: {  	[spmem:s19] =	stream.indirect.scatter.add.f32 [tilespmem:s8], [sflag:$0x5], $0x80, s20, s6, $0xb8;
	[tilespmem:$0x1E400] =	vst v63  }
0x205: {  	_ =	swait.ge [sflag:s4], $0x2000  }
0x206: {  	[sflag:s4] =	ssyncset.done $0x0  }
0x207: {  	[sflag:s4] =	ssyncadd.s32 $0xFFFFE000  }
0x208: {  	_ =	swait.ge [sflag:s15], $0x2000  }
0x209: {  	[sflag:s15] =	ssyncset.done $0x0  }
0x20a: {  	[sflag:s15] =	ssyncadd.s32 $0xFFFFE000  }
0x20b: {  	[spmem:s19] =	stream.indirect.scatter.add.f32 [tilespmem:s10], [sflag:$0x5], $0x80, s21, s6, $0xb8;
	[tilespmem:$0x1E400] =	vst v63  }
0x20c: {  	_ =	swait.ge [sflag:s4], $0x2000  }
0x20d: {  	[sflag:s4] =	ssyncset.done $0x0  }
0x20e: {  	[sflag:s4] =	ssyncadd.s32 $0xFFFFE000  }
0x20f: {  	_ =	swait.ge [sflag:s16], $0x2000  }
0x210: {  	[sflag:s16] =	ssyncset.done $0x0  }
0x211: {  	[sflag:s16] =	ssyncadd.s32 $0xFFFFE000  }
0x212: {  	[spmem:s19] =	stream.indirect.scatter.add.f32 [tilespmem:s12], [sflag:$0x5], $0x80, s2, s6, $0xb8;
	[tilespmem:$0x1E400] =	vst v63  }
0x213: {  	_ =	swait.ge [sflag:s4], $0x2000  }
0x214: {  	[sflag:s4] =	ssyncset.done $0x0  }
0x215: {  	[sflag:s4] =	ssyncadd.s32 $0xFFFFE000  }
0x216: {  	s23 =	stileid.u32;
	[bflag:$0x0] =	sbarrier.arrive $0xFFFF  }
0x217: {  	s23 =	sshll.u32 s23, $0x6;
	s25 =	rddreg [dreg:$0x16]  }
0x218: {  	s23 =	sor.u32 $0x1C05, s23;
	s24 =	sshrl.u32 s25, $0x3;
	s25 =	rddreg [dreg:$0xc]  }
0x219: {  	[hbm:s25], [sflag:s23] =	dma.local [spmem:s24], $0x400  }
0x21a: {  	_ =	swait.ge [sflag:s4], $0x400  }
0x21b: {  	[sflag:s4] =	ssyncset.done $0x0;
	s25 =	rddreg [dreg:$0x17]  }
0x21c: {  	[sflag:s4] =	ssyncadd.s32 $0xFFFFFC00;
	s24 =	sshrl.u32 s25, $0x3;
	s25 =	rddreg [dreg:$0xd]  }
0x21d: {  	[hbm:s25], [sflag:s23] =	dma.local [spmem:s24], $0x400  }
0x21e: {  	_ =	swait.ge [sflag:s4], $0x400  }
0x21f: {  	[sflag:s4] =	ssyncset.done $0x0;
	s25 =	rddreg [dreg:$0x18]  }
0x220: {  	[sflag:s4] =	ssyncadd.s32 $0xFFFFFC00;
	s24 =	sshrl.u32 s25, $0x3;
	s25 =	rddreg [dreg:$0xe]  }
0x221: {  	[hbm:s25], [sflag:s23] =	dma.local [spmem:s24], $0x400  }
0x222: {  	_ =	swait.ge [sflag:s4], $0x400  }
0x223: {  	[sflag:s4] =	ssyncset.done $0x0  }
0x224: {  	s24 =	sshrl.u32 s26, $0x3;
	s25 =	rddreg [dreg:$0xf];
	[sflag:s4] =	ssyncadd.s32 $0xFFFFFC00  }
0x225: {  	[hbm:s25], [sflag:s23] =	dma.local [spmem:s24], $0x400  }
0x226: {  	_ =	swait.ge [sflag:s4], $0x400  }
0x227: {  	[sflag:s4] =	ssyncset.done $0x0  }
0x228: {  	s24 =	sshrl.u32 s28, $0x3;
	s25 =	rddreg [dreg:$0x10];
	[sflag:s4] =	ssyncadd.s32 $0xFFFFFC00  }
0x229: {  	[hbm:s25], [sflag:s23] =	dma.local [spmem:s24], $0x400  }
0x22a: {  	_ =	swait.ge [sflag:s4], $0x400  }
0x22b: {  	[sflag:s4] =	ssyncset.done $0x0  }
0x22c: {  	s24 =	sshrl.u32 s29, $0x3;
	s25 =	rddreg [dreg:$0x11];
	[sflag:s4] =	ssyncadd.s32 $0xFFFFFC00  }
0x22d: {  	[hbm:s25], [sflag:s23] =	dma.local [spmem:s24], $0x400  }
0x22e: {  	_ =	swait.ge [sflag:s4], $0x400  }
0x22f: {  	[sflag:s4] =	ssyncset.done $0x0  }
0x230: {  	s24 =	sshrl.u32 s30, $0x3;
	s25 =	rddreg [dreg:$0x12];
	[sflag:s4] =	ssyncadd.s32 $0xFFFFFC00  }
0x231: {  	[hbm:s25], [sflag:s23] =	dma.local [spmem:s24], $0x400  }
0x232: {  	_ =	swait.ge [sflag:s4], $0x400  }
0x233: {  	[sflag:s4] =	ssyncset.done $0x0  }
0x234: {  	s24 =	sshrl.u32 s31, $0x3;
	s25 =	rddreg [dreg:$0x13];
	[sflag:s4] =	ssyncadd.s32 $0xFFFFFC00  }
0x235: {  	[hbm:s25], [sflag:s23] =	dma.local [spmem:s24], $0x400  }
0x236: {  	_ =	swait.ge [sflag:s4], $0x400  }
0x237: {  	[sflag:s4] =	ssyncset.done $0x0  }
0x238: {  	s24 =	sshrl.u32 s18, $0x3;
	s25 =	rddreg [dreg:$0x14];
	[sflag:s4] =	ssyncadd.s32 $0xFFFFFC00  }
0x239: {  	[hbm:s25], [sflag:s23] =	dma.local [spmem:s24], $0x400  }
0x23a: {  	_ =	swait.ge [sflag:s4], $0x400  }
0x23b: {  	[sflag:s4] =	ssyncset.done $0x0  }
0x23c: {  	s24 =	sshrl.u32 s0, $0x3;
	s25 =	rddreg [dreg:$0x15];
	[sflag:s4] =	ssyncadd.s32 $0xFFFFFC00  }
0x23d: {  	[hbm:s25], [sflag:s23] =	dma.local [spmem:s24], $0x380  }
0x23e: {  	_ =	swait.ge [sflag:s4], $0x380  }
0x23f: {  	s1 =	sadd.s32 $0x1, s1;
	s25 =	rddreg [dreg:$0x19]  }
0x240: {  	p0 =	sne.s32 s1, s25  }
.Ltmp5:
0x241: {  	_ = 	snop;
	(pc) =	sbr.rel @p0 .LBB2_1-.Ltmp5, $3  }
0x242: {  	_ =	sdelay $0x1  }
0x243: {  	[sflag:s4] =	ssyncset.done $0x0  }
0x244: {  	[sflag:s4] =	ssyncadd.s32 $0xFFFFFC80  }
0x245: {  	_ =	sfence.sel $0x180000  }
0x246: {  	[bflag:$0x0] =	sbarrier.arrive $0xFFFF  }
0x247: {  	_ =	strace $0x9000004D  }
0x248: {  	s0 =	stileid.u32;
	[bflag:$0x2] =	sbarrier.arrive $0xFFFF  }
0x249: {  	p0 =	sne.s32 s0, $0x0;
	s0 =	rddreg [dreg:$0x3]  }
0x24a: {  	s0 =	sadd.s32 @!p0 $0x100000, s0  }
0x24b: {  	[sflag:s0] =	ssyncadd.tile.s32 @!p0 $0x1;
	_ =	shalt  }
.Lfunc_end2:
_tile_overlayer_lowered:
.L_overlay_start_2:
0x24c: {  	(tag) =	ssettag $0x2  }
0x24d: {  	s0 =	rddreg [dreg:$0x0];
	s2 =	stileid.u32  }
0x24e: {  	s1 =	rddreg [dreg:$0x1];
	p0 =	sne.s32 s2, $0x0  }
0x24f: {  	s3 =	rddreg [dreg:$0x2];
	[bflag:$0x3] =	sbarrier.arrive $0xFFFF;
	s2 =	simm.s32 @!p0 $0x1C05  }
0x250: {  	[timem:s3], [sflag:s2] =	dma.local @!p0 [hbm:s0], s1  }
0x251: {  	s0 =	simm.s32 @!p0 $0x5  }
0x252: {  	_ =	swait.ge @!p0 [sflag:s0], s1  }
0x253: {  	s1 =	ssub.s32 @!p0 $0x0, s1;
	[sflag:s0] =	ssyncset.done @!p0 $0x0  }
0x254: {  	[sflag:s0] =	ssyncadd.s32 @!p0 s1  }
0x255: {  	[bflag:$0x3] =	sbarrier.arrive $0xFFFF  }
0x256: {  	_ =	shalt  }

// kernel: kernel.8.cloned.1.call-start
scs
__scs_entry_jumppad:
0x0: {  	(pc) =	sbr.rel $0x88, $3  }
0x1: {  	(tag) =	ssettag $0x0;
	lr =	simm.s32 $0x1  }
0x2: {  	[smem:$0x3F9B] =	sst lr;
	_ =	strace $0xD0000000  }
0x3: {  	_ = 	snop  }
0x4: {  	_ = 	snop  }
0x5: {  	_ = 	snop  }
0x6: {  	_ = 	snop  }
0x7: {  	_ = 	snop  }
__scs_overlays_trampoline_lowered:
0x8: {  	[smem:$0x3FAA] =	sst s0  }
0x9: {  	[smem:$0x3FAB] =	sst s1  }
0xa: {  	[smem:$0x3FAC] =	sst s2  }
0xb: {  	[smem:$0x3FAD] =	sst s3  }
0xc: {  	[smem:$0x3FAE] =	sst s4  }
0xd: {  	[smem:$0x3FAF] =	sst s5  }
0xe: {  	[smem:$0x3FB0] =	sst s6  }
0xf: {  	[smem:$0x3FB1] =	sst s7  }
0x10: {  	[smem:$0x3FB2] =	sst s8  }
0x11: {  	[smem:$0x3FB3] =	sst s9;
	s0 =	simm.s32 @!p0 $0x0  }
0x12: {  	s1 =	sld [smem:$0x3F99];
	s0 =	simm.s32 @p0 $0x1  }
0x13: {  	[smem:$0x3FB4] =	sst s0;
	s0 =	simm.s32 @!p1 $0x0  }
0x14: {  	s2 =	sld [smem:$0x3F98];
	s0 =	simm.s32 @p1 $0x1  }
0x15: {  	[smem:$0x3FB5] =	sst s0;
	s0 =	simm.s32 @!p2 $0x0  }
0x16: {  	s3 =	sld [smem:$0x3FDB];
	s0 =	simm.s32 @p2 $0x1  }
0x17: {  	s4 =	simm.s32 $0x1BF5;
	[smem:$0x3FB7] =	sst s0  }
0x18: {  	s0 =	sld [smem:$0x3F9A];
	_ =	swait.ge [sflag:s4], $0x0  }
0x19: {  	s7 =	sld [smem:$0x3F9B]  }
0x1a: {  	s8 =	sadd.s32 $0xFFFFE003, lr  }
0x1b: {  	s9 =	sadd.s32 $0xFFFFFEF7, lr;
	s5 =	simm.s32 $0xFFFFFFFF;
	p2 =	slt.u32 s8, $0xFFFFF086  }
0x1c: {  	p1 =	slt.u32 s9, $0xF7A;
	s5 =	simm.s32 @!p2 $0x0  }
0x1d: {  	s5 =	simm.s32 @p1 $0x1;
	p0 =	seq.s32 s7, s2  }
0x1e: {  	s7 =	smul.u32 @!p0 $0xF7A, s2;
	p2 =	seq.s32 @!p0 s5, $0x0  }
0x1f: {  	s9 =	smul.u32 $0xF7A, s1;
	s8 =	simm.s32 @!p0 $0x1BF5;
	p2 =	por !p2, p0  }
0x20: {  	[sflag:s8] =	ssyncset.s32 @!p0 $0xFFFFF086;
	s6 =	sadd.s32 @!p0 s3, s7;
	s7 =	simm.s32 @!p0 $0x108  }
0x21: {  	s3 =	sadd.s32 s3, s9;
	s6 =	sadd.s32 @!p0 $0x88, s6;
	s7 =	simm.s32 @p2 $0x1082  }
0x22: {  	[simem:s7], [sflag:s8] =	dma.local @!p0 [hbm:s6], $0xF7A  }
0x23: {  	s9 =	sor.u32 $0xD0000000, s2;
	s6 =	simm.s32 $0x108;
	_ =	swait.ge @!p0 [sflag:s8], $0x0  }
0x24: {  	s3 =	sadd.s32 $0x88, s3;
	s6 =	simm.s32 @!p1 $0x1082;
	[sflag:s4] =	ssyncset.s32 $0xFFFFF086  }
0x25: {  	[simem:s6], [sflag:s4] =	dma.local [hbm:s3], $0xF7A  }
0x26: {  	[smem:$0x3F9B] =	sst s1;
	(tag) =	ssettag s2;
	_ =	strace s9  }
0x27: {  	s1 =	sld [smem:$0x3FAB]  }
0x28: {  	s2 =	sld [smem:$0x3FAC]  }
0x29: {  	s4 =	sld [smem:$0x3FAE]  }
0x2a: {  	p0 =	seq.s32 s5, $0x0;
	s5 =	sld [smem:$0x3FAF]  }
0x2b: {  	s6 =	sld [smem:$0x3FB0]  }
0x2c: {  	s7 =	sld [smem:$0x3FB1]  }
0x2d: {  	s3 =	simm.s32 $0x108;
	s8 =	sld [smem:$0x3FB2]  }
0x2e: {  	s3 =	simm.s32 @!p0 $0x1082;
	s9 =	sld [smem:$0x3FB3]  }
0x2f: {  	lr =	sadd.s32 s0, s3;
	s0 =	sld [smem:$0x3FAA]  }
0x30: {  	s3 =	sld [smem:$0x3FAD]  }
0x31: {  	[smem:$0x3FB6] =	sst s10  }
0x32: {  	s10 =	sld [smem:$0x3FB4];
	_ =	sdelay $0x3  }
0x33: {  	p0 =	seq.s32 s10, $0x1;
	s10 =	sld [smem:$0x3FB6];
	_ =	sdelay $0x3  }
0x34: {  	[smem:$0x3FB6] =	sst s10  }
0x35: {  	s10 =	sld [smem:$0x3FB5];
	_ =	sdelay $0x3  }
0x36: {  	p1 =	seq.s32 s10, $0x1;
	s10 =	sld [smem:$0x3FB6];
	_ =	sdelay $0x3  }
0x37: {  	[smem:$0x3FB6] =	sst s10  }
0x38: {  	s10 =	sld [smem:$0x3FB7]  }
0x39: {  	_ = 	snop;
	(pc) =	sbr.ind lr, $3  }
0x3a: {  	_ = 	snop  }
0x3b: {  	_ = 	snop  }
0x3c: {  	p2 =	seq.s32 s10, $0x1;
	s10 =	sld [smem:$0x3FB6]  }
0x3d: {  	_ =	shalt  }
0x3e: {  	_ =	shalt  }
0x3f: {  	_ =	shalt  }
0x40: {  	_ =	shalt  }
0x41: {  	_ =	shalt  }
0x42: {  	_ =	shalt  }
0x43: {  	_ =	shalt  }
0x44: {  	_ =	shalt  }
0x45: {  	_ =	shalt  }
0x46: {  	_ =	shalt  }
0x47: {  	_ =	shalt  }
0x48: {  	_ =	shalt  }
0x49: {  	_ =	shalt  }
0x4a: {  	_ =	shalt  }
0x4b: {  	_ =	shalt  }
0x4c: {  	_ =	shalt  }
0x4d: {  	_ =	shalt  }
0x4e: {  	_ =	shalt  }
0x4f: {  	_ =	shalt  }
0x50: {  	_ =	shalt  }
0x51: {  	_ =	shalt  }
0x52: {  	_ =	shalt  }
0x53: {  	_ =	shalt  }
0x54: {  	_ =	shalt  }
0x55: {  	_ =	shalt  }
0x56: {  	_ =	shalt  }
0x57: {  	_ =	shalt  }
0x58: {  	_ =	shalt  }
0x59: {  	_ =	shalt  }
0x5a: {  	_ =	shalt  }
0x5b: {  	_ =	shalt  }
0x5c: {  	_ =	shalt  }
0x5d: {  	_ =	shalt  }
0x5e: {  	_ =	shalt  }
0x5f: {  	_ =	shalt  }
0x60: {  	_ =	shalt  }
0x61: {  	_ =	shalt  }
0x62: {  	_ =	shalt  }
0x63: {  	_ =	shalt  }
0x64: {  	_ =	shalt  }
0x65: {  	_ =	shalt  }
0x66: {  	_ =	shalt  }
0x67: {  	_ =	shalt  }
0x68: {  	_ =	shalt  }
0x69: {  	_ =	shalt  }
0x6a: {  	_ =	shalt  }
0x6b: {  	_ =	shalt  }
0x6c: {  	_ =	shalt  }
0x6d: {  	_ =	shalt  }
0x6e: {  	_ =	shalt  }
0x6f: {  	_ =	shalt  }
0x70: {  	_ =	shalt  }
0x71: {  	_ =	shalt  }
0x72: {  	_ =	shalt  }
0x73: {  	_ =	shalt  }
0x74: {  	_ =	shalt  }
0x75: {  	_ =	shalt  }
0x76: {  	_ =	shalt  }
0x77: {  	_ =	shalt  }
0x78: {  	_ =	shalt  }
0x79: {  	_ =	shalt  }
0x7a: {  	_ =	shalt  }
0x7b: {  	_ =	shalt  }
0x7c: {  	_ =	shalt  }
0x7d: {  	_ =	shalt  }
0x7e: {  	_ =	shalt  }
0x7f: {  	_ =	shalt  }
0x80: {  	_ =	shalt  }
0x81: {  	_ =	shalt  }
0x82: {  	_ =	shalt  }
0x83: {  	_ =	shalt  }
0x84: {  	_ =	shalt  }
0x85: {  	_ =	shalt  }
0x86: {  	_ =	shalt  }
0x87: {  	_ =	shalt  }
.Lfunc_end0:
.L_simem_size_0:
called_computation_lowered:
.L_overlay_start_0:
0x88: {  	s2 =	sld [smem:$0x3FD9]  }
0x89: {  	s3 =	sld [smem:$0x3FFE];
	_ =	sdelay $0x1  }
0x8a: {  	s1 =	srdreg.scid  }
0x8b: {  	s0 =	sand.u32 $0x1, s1  }
0x8c: {  	s17 =	sshll.u32 s0, $0xA;
	s2 =	sadd.s32 s3, s2  }
0x8d: {  	s2 =	sadd.s32 s2, s17  }
0x8e: {  	[smem:$0x3FC2] =	sst s2  }
0x8f: {  	_ = 	snop  }
0x90: {  	s2 =	sld [smem:$0x3FD0];
	(tm) =	ssettm $0x1  }
0x91: {  	s18 =	sld [smem:$0x3FFB];
	_ =	sdelay $0x3  }
0x92: {  	_ =	strace s18  }
0x93: {  	s3 =	sld [smem:$0x3FFC];
	_ =	sdelay $0x3  }
0x94: {  	_ =	strace s3  }
0x95: {  	s3 =	sld [smem:$0x3FFD];
	_ =	sdelay $0x3  }
0x96: {  	_ =	strace s3  }
0x97: {  	_ =	strace $0x8FFFFFFF  }
0x98: {  	s19 =	sld [smem:$0x3FDB];
	_ =	sdelay $0x1  }
0x99: {  	s4 =	simm.s32 $_scs_section_size  }
0x9a: {  	s5 =	simm.s32 $_size__tile_overlayer_lowered;
	s6 =	simm.s32 $_tile_overlayer_lowered  }
0x9b: {  	s22 =	simm.s32 $0x1BFF;
	s21 =	sshll.u32 s6, $0x1;
	s3 =	sadd.s32 s4, s19  }
0x9c: {  	s7 =	simm.s32 $0x0;
	s20 =	sshll.u32 s5, $0x1;
	s5 =	sadd.s32 s21, s3  }
0x9d: {  	[timem:s7], [sflag:s22] =	dma.local [hbm:s5], s20  }
0x9e: {  	_ =	swait.ge [sflag:s22], s20  }
0x9f: {  	s4 =	ssub.s32 $0x0, s20;
	[sflag:s22] =	ssyncset.done $0x0  }
0xa0: {  	[sflag:s22] =	ssyncadd.s32 s4;
	_ =	sdelay $0x1  }
0xa1: {  	s23 =	simm.s32 $0x1B8B  }
0xa2: {  	_ =	swait.ge [sflag:s23], $0x1  }
0xa3: {  	[sflag:s23] =	ssyncset.done $0x0  }
0xa4: {  	s25 =	simm.s32 $0x1B8E;
	s24 =	sld [smem:$0x3FFE];
	[sflag:s23] =	ssyncadd.s32 $0xFFFFFFFF  }
0xa5: {  	s26 =	simm.s32 $execute0_lowered;
	[smem:$0x3FD2] =	sst s25  }
0xa6: {  	s5 =	sshll.u32 s26, $0x1;
	_ =	strace $0x80000046;
	[dreg:$0x1] =	wrdreg $0xFFFFFFFF  }
0xa7: {  	s28 =	simm.s32 $_size_execute0_lowered;
	s3 =	sadd.s32 s3, s5;
	[dreg:$0x0] =	wrdreg $0x0  }
0xa8: {  	s5 =	sshll.u32 s28, $0x1;
	[dreg:$0x2] =	wrdreg s3  }
0xa9: {  	[dreg:$0x3] =	wrdreg s5  }
0xaa: {  	[dreg:$0x4] =	wrdreg $0xC0  }
0xab: {  	_ =	task [dreg:s7], $0x5FFFF  }
0xac: {  	[dreg:$0x1] =	wrdreg $0xFFFFFFFF  }
0xad: {  	[dreg:$0x0] =	wrdreg $0x60  }
0xae: {  	[dreg:$0x2] =	wrdreg s2  }
0xaf: {  	[dreg:$0x3] =	wrdreg s24  }
0xb0: {  	[dreg:$0x4] =	wrdreg $0x9  }
0xb1: {  	_ =	task.clear_ibuf [dreg:s7], $0x5FFFF;
	_ =	strace $0x90000046  }
0xb2: {  	s29 =	simm.s32 $0x9;
	_ =	strace $0x80000048  }
0xb3: {  	_ =	swait.ge [sflag:s29], $0x1  }
0xb4: {  	[sflag:s29] =	ssyncadd.s32 $0xFFFFFFFF  }
0xb5: {  	_ =	strace $0x90000048  }
0xb6: {  	_ =	sfence  }
0xb7: {  	s30 =	sld [smem:$0x0];
	_ =	sdelay $0x2  }
0xb8: {  	s31 =	sshll.u32 s1, $0xD;
	s1 =	sshrl.u32 s1, $0x2  }
0xb9: {  	s3 =	sand.u32 $0x4000, s31;
	s1 =	sadd.s32 s1, s30  }
0xba: {  	s0 =	sor.u32 s3, s0;
	s1 =	sshll.u32 s1, $0x11  }
0xbb: {  	s0 =	sor.u32 s1, s0  }
0xbc: {  	s0 =	sadd.s32 $0x8F2B, s0  }
0xbd: {  	[sflag:s0] =	ssyncadd.remote.s32 $0x1  }
0xbe: {  	_ =	sfence.sel $0xFFFF  }
0xbf: {  	[dreg:$0x0] =	wrdreg $0xFFFFFFFF;
	(pc) =	sbr.abs _section_cstart, $3  }
0xc0: {  	[dreg:$0x1] =	wrdreg $0xFFFFFFFF  }
0xc1: {  	_ =	task.clear_ibuf [dreg:s7], $0x2FFFF;
	_ =	strace $0x9FFFFFFF  }
0xc2: {  	(tm) =	ssettm $0x7FFFFFFF  }
0xc3: {  	_ =	shalt  }
tec
execute0_lowered:
.L_overlay_start_1:
0x0: {  	(tag) =	ssettag $0x1  }
0x1: {  	s0 =	srdreg.scid  }
0x2: {  	s3 =	sand.u32 $0x1, s0  }
0x3: {  	s4 =	rddreg [dreg:$0x0];
	s0 =	stileid.u32;
	s1 =	sshll.u32 s3, $0x4  }
0x4: {  	s5 =	rddreg [dreg:$0x1];
	s2 =	simm.s32 $0x0;
	s6 =	sor.u32 s0, s1  }
0x5: {  	s9 =	simm.s32 $0x400;
	[smem:$0x7FF] =	sst s2;
	s7 =	sshrl.u32 s6, $0x3  }
0x6: {  	s8 =	sshll.u32 s0, $0x7;
	s3 =	ssub.s32 $0x2, s3;
	s7 =	smul.u32 $0x14000, s7  }
0x7: {  	s1 =	rddreg [dreg:$0x2];
	s8 =	sand.u32 $0x380, s8;
	s6 =	smul.u32 $0xA00, s6  }
0x8: {  	_ =	strace $0x80000047;
	s30 =	sshrl.u32 s3, $0x1;
	s7 =	sor.u32 s8, s7  }
0x9: {  	s31 =	ssub.s32 s3, s30;
	s3 =	sadd.s32 s4, s6;
	s7 =	sshrl.u32 s7, $0x3  }
0xa: {  	s6 =	simm.s32 $0x1;
	s8 =	simm.s32 $0x80;
	s5 =	sadd.s32 s7, s5  }
0xb: {  	v0 =	vimm.f32 $0.0e+00;
	v1 =	vimm.f32 $1.000000000e+00;
	s7 =	simm.s32 $0x5000;
	s4 =	sadd.s32 $0x2400, s5;
	s5 =	smax.u32 s31, $0x1  }
.LBB2_1:
0xc: {  	s10 =	simm.s32 $0x40;
	s11 =	simm.s32 $0x0  }
.LBB2_2:
0xd: {  	p0 =	sne.s32 s10, $0x9FC0;
	[tilespmem:s11+$0x5000] =	vst v0;
	s11 =	smov.u32 s10;
	s10 =	sadd.s32 $0x40, s10  }
.Ltmp0:
0xe: {  	(pc) =	sbr.rel @p0 .LBB2_2-.Ltmp0, $2  }
0xf: {  	_ =	sdelay $0x2  }
0x10: {  	s11 =	sshra.s32 s11, $0x2  }
0x11: {  	[tilespmem:s11+$0x5000] =	vst v0;
	s10 =	simm.s32 $0x0  }
0x12: {  	[tilespmem:s10], [sflag:$0x1] =	stream.linear.gather [hbm4b:s3+s10], $0x5000, $0x38;
	[tilespmem:$0x7800] =	vst v63  }
0x13: {  	_ =	swait.ge [sflag:s6], $0x5000  }
0x14: {  	[sflag:s6] =	ssyncset.done $0x0  }
0x15: {  	[sflag:s6] =	ssyncadd.s32 $0xFFFFB000  }
.LBB2_4:
0x16: {  	s11 =	sshra.s32 s10, $0x2  }
0x17: {  	v2 =	vld [tilespmem:s11+$0x0];
	_ =	sdelay $0x7  }
0x18: {  	[tilespmem:v2+s7+$0x0] =	vst.idx.add.f32.msk $0xffff, v1  }
0x19: {  	v2 =	vld [tilespmem:s11+$0x10];
	_ =	sdelay $0x7  }
0x1a: {  	[tilespmem:v2+s7+$0x0] =	vst.idx.add.f32.msk $0xffff, v1  }
0x1b: {  	v2 =	vld [tilespmem:s11+$0x20];
	_ =	sdelay $0x7  }
0x1c: {  	[tilespmem:v2+s7+$0x0] =	vst.idx.add.f32.msk $0xffff, v1  }
0x1d: {  	v2 =	vld [tilespmem:s11+$0x30];
	_ =	sdelay $0x2  }
0x1e: {  	p0 =	sne.s32 s10, $0x13E00  }
.Ltmp1:
0x1f: {  	_ = 	snop;
	(pc) =	sbr.rel @p0 .LBB2_4-.Ltmp1, $2  }
0x20: {  	_ =	sdelay $0x2  }
0x21: {  	s10 =	sadd.s32 $0x200, s10;
	[tilespmem:v2+s7+$0x0] =	vst.idx.add.f32.msk $0xffff, v1  }
0x22: {  	s2 =	sadd.s32 $0x1, s2  }
0x23: {  	p0 =	sne.s32 s2, s5  }
.Ltmp2:
0x24: {  	_ = 	snop;
	(pc) =	sbr.rel @p0 .LBB2_1-.Ltmp2, $4  }
0x25: {  	[hbm4b:s4+s8] =	stream.strided.scatter [tilespmem:s7], [sflag:$0x1], $0x2800, s9, s8, $0x38;
	[tilespmem:$0x7800] =	vst v63  }
0x26: {  	_ =	swait.ge [sflag:s6], $0x2800  }
0x27: {  	[sflag:s6] =	ssyncset.done $0x0  }
0x28: {  	[sflag:s6] =	ssyncadd.s32 $0xFFFFD800  }
0x29: {  	_ =	sfence.sel $0x180000  }
0x2a: {  	[bflag:$0x0] =	sbarrier.arrive $0xFFFF  }
0x2b: {  	p0 =	sne.s32 s0, $0x0;
	_ =	strace $0x90000047  }
0x2c: {  	s0 =	sadd.s32 @!p0 $0x100000, s1;
	[bflag:$0x2] =	sbarrier.arrive $0xFFFF  }
0x2d: {  	[sflag:s0] =	ssyncadd.tile.s32 @!p0 $0x1;
	_ =	shalt  }
.Lfunc_end2:
_tile_overlayer_lowered:
.L_overlay_start_2:
0x2e: {  	(tag) =	ssettag $0x2  }
0x2f: {  	s0 =	rddreg [dreg:$0x0];
	s2 =	stileid.u32  }
0x30: {  	s1 =	rddreg [dreg:$0x1];
	p0 =	sne.s32 s2, $0x0  }
0x31: {  	s3 =	rddreg [dreg:$0x2];
	[bflag:$0x3] =	sbarrier.arrive $0xFFFF;
	s2 =	simm.s32 @!p0 $0x1C01  }
0x32: {  	[timem:s3], [sflag:s2] =	dma.local @!p0 [hbm:s0], s1  }
0x33: {  	s0 =	simm.s32 @!p0 $0x1  }
0x34: {  	_ =	swait.ge @!p0 [sflag:s0], s1  }
0x35: {  	s1 =	ssub.s32 @!p0 $0x0, s1;
	[sflag:s0] =	ssyncset.done @!p0 $0x0  }
0x36: {  	[sflag:s0] =	ssyncadd.s32 @!p0 s1  }
0x37: {  	[bflag:$0x3] =	sbarrier.arrive $0xFFFF  }
0x38: {  	_ =	shalt  }

</sc_bundles>
